<compile_context>
chip_gen: v7x
topology: tpu7x:2x2x1
jax: 0.10.2.dev20260603
libtpu: 0.0.44.dev20260713+nightly
codegen_flags: <defaults>
</compile_context>

<pallas_src>
import functools

import jax
import jax.numpy as jnp
from jax import lax
from jax.experimental import pallas as pl
from jax.experimental.pallas import tpu as pltpu
from jax.experimental.pallas import tpu_sc as plsc

_N = 10000
_E = 320000
_G = 256
_H = 128

_NC = 2
_NS = 16
_NW = _NC * _NS
_EPW = _E // _NW
_W = 80

_BE = 2560
_CHUNKS = (163840, 156160)
_BN = 1000


@functools.lru_cache(maxsize=None)
def _mesh():
    return plsc.VectorSubcoreMesh(core_axis_name="c", subcore_axis_name="s")


def _pre_body(nf_ref, lat9_ref, w1a_ref, w1b_ref, w1c_ref, b1_ref,
              p_ref, q_ref, rb_ref):
    x = nf_ref[...]
    p_ref[...] = jnp.dot(x, w1a_ref[...],
                         preferred_element_type=jnp.float32).astype(jnp.bfloat16)
    q_ref[...] = jnp.dot(x, w1b_ref[...],
                         preferred_element_type=jnp.float32).astype(jnp.bfloat16)

    @pl.when(pl.program_id(0) == 0)
    def _():
        lat9 = lat9_ref[...]
        cols = [lat9[:, k:k + 1] for k in range(9)]
        acc = jnp.broadcast_to(b1_ref[...], (_G, _H))
        for i in range(3):
            for j in range(3):
                ip = (cols[3 * i + 0] * cols[3 * j + 0]
                      + cols[3 * i + 1] * cols[3 * j + 1]
                      + cols[3 * i + 2] * cols[3 * j + 2])
                acc = acc + ip * w1c_ref[3 * i + j:3 * i + j + 1, :]
        rb_ref[...] = acc.astype(jnp.bfloat16)


def _pre(nf, lat9, w1a, w1b, w1c, b1r):
    grid = (_N // _BN,)
    return pl.pallas_call(
        _pre_body,
        grid=grid,
        in_specs=[
            pl.BlockSpec((_BN, _H), lambda i: (i, 0)),
            pl.BlockSpec((_G, 9), lambda i: (0, 0)),
            pl.BlockSpec((_H, _H), lambda i: (0, 0)),
            pl.BlockSpec((_H, _H), lambda i: (0, 0)),
            pl.BlockSpec((9, _H), lambda i: (0, 0)),
            pl.BlockSpec((1, _H), lambda i: (0, 0)),
        ],
        out_specs=[
            pl.BlockSpec((_BN, _H), lambda i: (i, 0)),
            pl.BlockSpec((_BN, _H), lambda i: (i, 0)),
            pl.BlockSpec((_G, _H), lambda i: (0, 0)),
        ],
        out_shape=[
            jax.ShapeDtypeStruct((_N, _H), jnp.bfloat16),
            jax.ShapeDtypeStruct((_N, _H), jnp.bfloat16),
            jax.ShapeDtypeStruct((_G, _H), jnp.bfloat16),
        ],
    )(nf, lat9, w1a, w1b, w1c, b1r)


def _gather_body(epw, nwin,
                 p_hbm, q_hbm, rb_hbm, fc_hbm, src_hbm, dst_hbm, e2g_hbm,
                 ab_hbm, cx_hbm,
                 si_v, di_v, gi_v,
                 a0_v, b0_v, c0_v, xi0_v, xj0_v,
                 a1_v, b1_v, c1_v, xi1_v, xj1_v,
                 sem0, sem1):
    wid = lax.axis_index("s") * _NC + lax.axis_index("c")
    base = wid * epw
    ab0_v = (a0_v, b0_v, c0_v, xi0_v, xj0_v)
    ab1_v = (a1_v, b1_v, c1_v, xi1_v, xj1_v)

    pltpu.sync_copy(src_hbm.at[pl.ds(base, epw)], si_v)
    pltpu.sync_copy(dst_hbm.at[pl.ds(base, epw)], di_v)
    pltpu.sync_copy(e2g_hbm.at[pl.ds(base, epw)], gi_v)

    def issue(w, bufs, sem):
        a_v, b_v, c_v, xi_v, xj_v = bufs
        sl = pl.ds(w * _W, _W)
        pltpu.async_copy(p_hbm.at[si_v.at[sl]], a_v, sem)
        pltpu.async_copy(q_hbm.at[di_v.at[sl]], b_v, sem)
        pltpu.async_copy(rb_hbm.at[gi_v.at[sl]], c_v, sem)
        pltpu.async_copy(fc_hbm.at[si_v.at[sl]], xi_v, sem)
        pltpu.async_copy(fc_hbm.at[di_v.at[sl]], xj_v, sem)

    def drain_store(w, bufs, sem):
        a_v, b_v, c_v, xi_v, xj_v = bufs
        sl = pl.ds(w * _W, _W)
        pltpu.make_async_copy(p_hbm.at[si_v.at[sl]], a_v, sem).wait()
        pltpu.make_async_copy(q_hbm.at[di_v.at[sl]], b_v, sem).wait()
        pltpu.make_async_copy(rb_hbm.at[gi_v.at[sl]], c_v, sem).wait()
        pltpu.make_async_copy(fc_hbm.at[si_v.at[sl]], xi_v, sem).wait()
        pltpu.make_async_copy(fc_hbm.at[di_v.at[sl]], xj_v, sem).wait()
        rows = pl.ds(base + w * _W, _W)
        pltpu.sync_copy(a_v, ab_hbm.at[rows, pl.ds(0, 64)])
        pltpu.sync_copy(b_v, ab_hbm.at[rows, pl.ds(64, 64)])
        pltpu.sync_copy(c_v, cx_hbm.at[rows, pl.ds(0, 64)])
        pltpu.sync_copy(xi_v, cx_hbm.at[rows, pl.ds(64, 16)])
        pltpu.sync_copy(xj_v, cx_hbm.at[rows, pl.ds(80, 16)])

    issue(0, ab0_v, sem0)

    if nwin % 2 == 1:
        @pl.loop(0, nwin - 1, step=2)
        def _(w):
            issue(w + 1, ab1_v, sem1)
            drain_store(w, ab0_v, sem0)
            issue(w + 2, ab0_v, sem0)
            drain_store(w + 1, ab1_v, sem1)

        drain_store(nwin - 1, ab0_v, sem0)
    else:
        @pl.loop(0, nwin - 2, step=2)
        def _(w):
            issue(w + 1, ab1_v, sem1)
            drain_store(w, ab0_v, sem0)
            issue(w + 2, ab0_v, sem0)
            drain_store(w + 1, ab1_v, sem1)

        issue(nwin - 1, ab1_v, sem1)
        drain_store(nwin - 2, ab0_v, sem0)
        drain_store(nwin - 1, ab1_v, sem1)


@functools.lru_cache(maxsize=None)
def _gather_kernel(n_edges):
    epw = n_edges // _NW
    nwin = epw // _W
    return pl.kernel(
        functools.partial(_gather_body, epw, nwin),
        mesh=_mesh(),
        out_type=(
            jax.ShapeDtypeStruct((n_edges, _H), jnp.int32),
            jax.ShapeDtypeStruct((n_edges, _H), jnp.int32),
        ),
        scratch_types=[
            pltpu.VMEM((epw,), jnp.int32),
            pltpu.VMEM((epw,), jnp.int32),
            pltpu.VMEM((epw,), jnp.int32),
            pltpu.VMEM((_W, 64), jnp.int32),
            pltpu.VMEM((_W, 64), jnp.int32),
            pltpu.VMEM((_W, 64), jnp.int32),
            pltpu.VMEM((_W, 16), jnp.int32),
            pltpu.VMEM((_W, 16), jnp.int32),
            pltpu.VMEM((_W, 64), jnp.int32),
            pltpu.VMEM((_W, 64), jnp.int32),
            pltpu.VMEM((_W, 64), jnp.int32),
            pltpu.VMEM((_W, 16), jnp.int32),
            pltpu.VMEM((_W, 16), jnp.int32),
            pltpu.SemaphoreType.DMA,
            pltpu.SemaphoreType.DMA,
        ],
        compiler_params=pltpu.CompilerParams(use_tc_tiling_on_sc=False),
    )


def _aux_body(src_hbm, ones_hbm, zc_hbm, cnt_hbm,
              si_v, ones_v, cacc_sh, sem):
    cid = lax.axis_index("c")
    sid = lax.axis_index("s")
    wid = sid * _NC + cid
    base = wid * _EPW

    @pl.when(sid == 0)
    def _():
        pltpu.sync_copy(zc_hbm, cacc_sh)
    pltpu.sync_copy(ones_hbm, ones_v)
    plsc.subcore_barrier()

    @pl.loop(0, _EPW, step=_W)
    def _(off):
        st = base + off
        pltpu.sync_copy(src_hbm.at[pl.ds(st, _W)], si_v)
        pltpu.sync_copy(ones_v, cacc_sh.at[si_v], add=True)

    plsc.subcore_barrier()

    @pl.when(sid == 0)
    def _():
        pltpu.sync_copy(cacc_sh, cnt_hbm.at[cid])


@functools.lru_cache(maxsize=None)
def _aux_kernel():
    return pl.kernel(
        _aux_body,
        mesh=_mesh(),
        out_type=jax.ShapeDtypeStruct((_NC, _N, 16), jnp.float32),
        scratch_types=[
            pltpu.VMEM((_W,), jnp.int32),
            pltpu.VMEM((_W, 16), jnp.float32),
            pltpu.VMEM_SHARED((_N, 16), jnp.float32),
            pltpu.SemaphoreType.DMA,
        ],
        compiler_params=pltpu.CompilerParams(use_tc_tiling_on_sc=False),
    )


def _edge_body(ab_ref, cx_ref, w1dp_ref, w2a_ref, w2b_ref, b2_ref, out_ref):
    ab = ab_ref[...]
    cx = cx_ref[...]
    mask = jnp.int32(-65536)
    lo_ab = lax.bitcast_convert_type(ab << 16, jnp.float32)
    hi_ab = lax.bitcast_convert_type(ab & mask, jnp.float32)
    lo_c = lax.bitcast_convert_type(cx << 16, jnp.float32)
    hi_c = lax.bitcast_convert_type(cx & mask, jnp.float32)
    xi = lax.bitcast_convert_type(cx[:, 64:80], jnp.float32)
    xj = lax.bitcast_convert_type(cx[:, 80:96], jnp.float32)
    d = xj - xi
    fd = jnp.where(d < 0.0, d + 1.0, d)
    fterm = jnp.dot(fd, w1dp_ref[...], preferred_element_type=jnp.float32)
    zl = (lo_ab[:, :64] + lo_ab[:, 64:] + lo_c[:, :64] + fterm[:, :64])
    zh = (hi_ab[:, :64] + hi_ab[:, 64:] + hi_c[:, :64] + fterm[:, 64:])
    ul = zl * jax.nn.sigmoid(zl)
    uh = zh * jax.nn.sigmoid(zh)
    h2 = (jnp.dot(ul.astype(jnp.bfloat16), w2a_ref[...],
                  preferred_element_type=jnp.float32)
          + jnp.dot(uh.astype(jnp.bfloat16), w2b_ref[...],
                    preferred_element_type=jnp.float32)
          + b2_ref[...])
    out_ref[...] = h2 * jax.nn.sigmoid(h2)


def _edge(ab, cx, w1dp, w2a, w2b, b2r):
    n_edges = ab.shape[0]
    grid = (n_edges // _BE,)
    return pl.pallas_call(
        _edge_body,
        grid=grid,
        in_specs=[
            pl.BlockSpec((_BE, _H), lambda i: (i, 0)),
            pl.BlockSpec((_BE, _H), lambda i: (i, 0)),
            pl.BlockSpec((16, _H), lambda i: (0, 0)),
            pl.BlockSpec((_H // 2, _H), lambda i: (0, 0)),
            pl.BlockSpec((_H // 2, _H), lambda i: (0, 0)),
            pl.BlockSpec((1, _H), lambda i: (0, 0)),
        ],
        out_specs=pl.BlockSpec((_BE, _H), lambda i: (i, 0)),
        out_shape=jax.ShapeDtypeStruct((n_edges, _H), jnp.float32),
    )(ab, cx, w1dp, w2a, w2b, b2r)


def _scatter_body(epw, ef_hbm, src_hbm, z_hbm, part_hbm, idx_v, rows_v,
                  acc_sh, sem):
    cid = lax.axis_index("c")
    sid = lax.axis_index("s")
    wid = sid * _NC + cid
    base = wid * epw

    @pl.when(sid == 0)
    def _():
        pltpu.sync_copy(z_hbm.at[cid], acc_sh)
    plsc.subcore_barrier()

    @pl.loop(0, epw, step=_W)
    def _(off):
        st = base + off
        pltpu.sync_copy(src_hbm.at[pl.ds(st, _W)], idx_v)
        pltpu.sync_copy(ef_hbm.at[pl.ds(st, _W)], rows_v)
        pltpu.sync_copy(rows_v, acc_sh.at[idx_v], add=True)

    plsc.subcore_barrier()

    @pl.when(sid == 0)
    def _():
        pltpu.sync_copy(acc_sh, part_hbm.at[cid])


@functools.lru_cache(maxsize=None)
def _scatter_kernel(n_edges):
    return pl.kernel(
        functools.partial(_scatter_body, n_edges // _NW),
        mesh=_mesh(),
        out_type=jax.ShapeDtypeStruct((_NC, _N, _H), jnp.float32),
        scratch_types=[
            pltpu.VMEM((_W,), jnp.int32),
            pltpu.VMEM((_W, _H), jnp.float32),
            pltpu.VMEM_SHARED((_N, _H), jnp.float32),
            pltpu.SemaphoreType.DMA,
        ],
    )


def _node_body(part_ref, cnt_ref, nf_ref, w3a_ref, w3b_ref, b3_ref, w4_ref,
               b4_ref, out_ref):
    s = part_ref[0] + part_ref[1]
    cnt = cnt_ref[0][:, 0:1] + cnt_ref[1][:, 0:1]
    agg = s / jnp.maximum(cnt, 1.0)
    x = nf_ref[...]
    h = (jnp.dot(x, w3a_ref[...], preferred_element_type=jnp.float32)
         + jnp.dot(agg, w3b_ref[...], preferred_element_type=jnp.float32)
         + b3_ref[...])
    u = h * jax.nn.sigmoid(h)
    h2 = jnp.dot(u, w4_ref[...], preferred_element_type=jnp.float32) + b4_ref[...]
    out_ref[...] = x + h2 * jax.nn.sigmoid(h2)


def _node(part, cnt, nf, w3a, w3b, b3r, w4, b4r):
    grid = (_N // _BN,)
    return pl.pallas_call(
        _node_body,
        grid=grid,
        in_specs=[
            pl.BlockSpec((_NC, _BN, _H), lambda i: (0, i, 0)),
            pl.BlockSpec((_NC, _BN, 16), lambda i: (0, i, 0)),
            pl.BlockSpec((_BN, _H), lambda i: (i, 0)),
            pl.BlockSpec((_H, _H), lambda i: (0, 0)),
            pl.BlockSpec((_H, _H), lambda i: (0, 0)),
            pl.BlockSpec((1, _H), lambda i: (0, 0)),
            pl.BlockSpec((_H, _H), lambda i: (0, 0)),
            pl.BlockSpec((1, _H), lambda i: (0, 0)),
        ],
        out_specs=pl.BlockSpec((_BN, _H), lambda i: (i, 0)),
        out_shape=jax.ShapeDtypeStruct((_N, _H), jnp.float32),
    )(part, cnt, nf, w3a, w3b, b3r, w4, b4r)


def kernel(node_features, frac_coords, lattices, edge_index, edge2graph,
           W1, b1, W2, b2, W3, b3, W4, b4):
    src = edge_index[0]
    dst = edge_index[1]
    lat9 = lattices.reshape(_G, 9)
    fc16 = jnp.pad(frac_coords, ((0, 0), (0, 13)))
    sigma = [v for cc in range(_H // 2) for v in (cc, _H // 2 + cc)]
    w1a = W1[:_H][:, sigma]
    w1b = W1[_H:2 * _H][:, sigma]
    w1c = W1[2 * _H:2 * _H + 9][:, sigma]
    w1dp = jnp.pad(W1[2 * _H + 9:], ((0, 13), (0, 0)))
    b1r = b1[jnp.array(sigma)].reshape(1, _H)
    b2r = b2.reshape(1, _H)
    b3r = b3.reshape(1, _H)
    b4r = b4.reshape(1, _H)

    p, q, rb = _pre(node_features, lat9, w1a, w1b, w1c, b1r)

    def _as_i32(x):
        n, h = x.shape
        return lax.bitcast_convert_type(x.reshape(n, h // 2, 2), jnp.int32)

    fci = lax.bitcast_convert_type(fc16, jnp.int32)
    p32, q32, rb32 = _as_i32(p), _as_i32(q), _as_i32(rb)
    ones16 = jnp.ones((_W, 16), jnp.float32)
    zc = jnp.zeros((_N, 16), jnp.float32)
    cnt = _aux_kernel()(src, ones16, zc)
    w2bf = W2.astype(jnp.bfloat16)
    w2a, w2b = w2bf[:_H // 2], w2bf[_H // 2:]

    part = jnp.zeros((_NC, _N, _H), jnp.float32)
    off = 0
    for n_k in _CHUNKS:
        sl = slice(off, off + n_k)
        ab, cx = _gather_kernel(n_k)(p32, q32, rb32, fci,
                                     src[sl], dst[sl], edge2graph[sl])
        ef = _edge(ab, cx, w1dp, w2a, w2b, b2r)
        part = _scatter_kernel(n_k)(ef, src[sl], part)
        off += n_k
    return _node(part, cnt, node_features, W3[:_H], W3[_H:], b3r, W4, b4r)

# --- scband reference (transcript-rebuilt; emitter-appended) ---
"""Pipeline reference for scband-diff-cspnet-45973329936680 (READ-ONLY COPY).

The authoritative reference and input builder live on the scoring server;
editing this copy changes nothing except your own understanding.
"""

import jax, jax.numpy as jnp
import numpy as np

N = 10000
E = 320000
G = 256
H = 128
EDGE_IN = 2 * H + 9 + 3  # 268
NODE_IN = 2 * H          # 256


def setup_inputs(seed: int = 0) -> dict:
    key = jax.random.key(seed)
    ks = jax.random.split(key, 13)
    node_features = jax.random.normal(ks[0], (N, H), dtype=jnp.float32)
    frac_coords = jax.random.uniform(ks[1], (N, 3), dtype=jnp.float32)
    lattices = jax.random.normal(ks[2], (G, 3, 3), dtype=jnp.float32)
    edge_index = jax.random.randint(ks[3], (2, E), 0, N, dtype=jnp.int32)
    edge2graph = jnp.sort(jax.random.randint(ks[4], (E,), 0, G, dtype=jnp.int32))
    # edge_mlp: Linear(268,128) SiLU Linear(128,128) SiLU
    W1 = jax.random.normal(ks[5], (EDGE_IN, H), dtype=jnp.float32) / np.sqrt(EDGE_IN)
    b1 = jnp.zeros((H,), dtype=jnp.float32)
    W2 = jax.random.normal(ks[6], (H, H), dtype=jnp.float32) / np.sqrt(H)
    b2 = jnp.zeros((H,), dtype=jnp.float32)
    # node_mlp: Linear(256,128) SiLU Linear(128,128) SiLU
    W3 = jax.random.normal(ks[7], (NODE_IN, H), dtype=jnp.float32) / np.sqrt(NODE_IN)
    b3 = jnp.zeros((H,), dtype=jnp.float32)
    W4 = jax.random.normal(ks[8], (H, H), dtype=jnp.float32) / np.sqrt(H)
    b4 = jnp.zeros((H,), dtype=jnp.float32)
    return {"node_features": node_features, "frac_coords": frac_coords,
            "lattices": lattices, "edge_index": edge_index, "edge2graph": edge2graph,
            "W1": W1, "b1": b1, "W2": W2, "b2": b2,
            "W3": W3, "b3": b3, "W4": W4, "b4": b4}


def reference(node_features, frac_coords, lattices, edge_index, edge2graph,
              W1, b1, W2, b2, W3, b3, W4, b4):
    silu = jax.nn.silu
    n_nodes = node_features.shape[0]
    src = edge_index[0]
    dst = edge_index[1]
    # edge model
    hi = jnp.take(node_features, src, axis=0)
    hj = jnp.take(node_features, dst, axis=0)
    xi = jnp.take(frac_coords, src, axis=0)
    xj = jnp.take(frac_coords, dst, axis=0)
    frac_diff = jnp.mod(xj - xi, 1.0)
    lattice_ips = lattices @ jnp.swapaxes(lattices, -1, -2)  # ip=True
    lattice_ips_flat = lattice_ips.reshape(-1, 9)
    lattice_ips_edges = jnp.take(lattice_ips_flat, edge2graph, axis=0)
    edges_input = jnp.concatenate([hi, hj, lattice_ips_edges, frac_diff], axis=1)
    edge_features = silu(silu(edges_input @ W1 + b1) @ W2 + b2)
    # node model: scatter mean over source nodes
    agg_sum = jax.ops.segment_sum(edge_features, src, num_segments=n_nodes)
    cnt = jax.ops.segment_sum(jnp.ones((edge_features.shape[0], 1), dtype=edge_features.dtype), src, num_segments=n_nodes)
    agg = agg_sum / jnp.clip(cnt, 1.0, None)
    node_in = jnp.concatenate([node_features, agg], axis=1)
    node_output = silu(silu(node_in @ W3 + b3) @ W4 + b4)
    return node_features + node_output

if __name__ == "__main__":
    import jax
    _d = setup_inputs()
    print(jax.jit(kernel)(*tuple(_d.values())))

</pallas_src>

<mosaic_0001>
#map = affine_map<(d0, d1) -> (0, 0)>
#map1 = affine_map<(d0, d1) -> (0)>
#map2 = affine_map<(d0, d1) -> (0, 0, 0)>
module attributes {stable_mosaic.version = 14 : i64} {
  func.func @_scatter_body(%arg0: i32, %arg1: i32, %arg2: memref<163840x128xf32, #tpu.memory_space<hbm>>, %arg3: memref<163840xi32, #tpu.memory_space<hbm>>, %arg4: memref<2x10000x128xf32, #tpu.memory_space<hbm>>, %arg5: memref<2x10000x128xf32, #tpu.memory_space<hbm>>, %arg6: memref<80xi32, #tpu.memory_space<vmem>>, %arg7: memref<80x128xf32, #tpu.memory_space<vmem>>, %arg8: memref<10000x128xf32, #tpu.memory_space<vmem_shared>>, %arg9: memref<!tpu.dma_semaphore, #tpu.memory_space<semaphore_mem>>) attributes {dimension_semantics = [#tpu.dimension_semantics<core_parallel>, #tpu.dimension_semantics<subcore_parallel>], iteration_bounds = array<i64: 2, 16>, scalar_prefetch = 0 : i64, scratch_operands = 4 : i64, tpu.core_type = #tpu.core_type<sc_vector_subcore>, window_params = [{transform_indices = #map}, {transform_indices = #map1}, {transform_indices = #map2}, {transform_indices = #map2}]} {
    %mul3A = arith.constant 2 : i32
    %mul3A_0 = arith.muli %arg1, %mul3A : i32
    %add3A = arith.addi %mul3A_0, %arg0 : i32
    %mul3A_1 = arith.constant 5120 : i32
    %mul3A_2 = arith.muli %add3A, %mul3A_1 : i32
    %eq3A = arith.constant 0 : i32
    %eq3A_3 = arith.cmpi eq, %arg1, %eq3A : i32
    %convert_element_type3A = arith.extui %eq3A_3 : i1 to i32
    %cond3A = arith.constant 0 : i32
    %cond3A_4 = arith.cmpi ne, %convert_element_type3A, %cond3A : i32
    scf.if %cond3A_4 {
      "tpu.region"() ({
        %run_scoped3A = tpu.sem_alloc : memref<!tpu.dma_semaphore, #tpu.memory_space<semaphore_mem>>
        %dma_start3A = arith.constant 0 : i32
        %dma_start3A_15 = arith.constant 0 : i32
        %dma_start3A_16 = tpu.memref_slice %arg4[%arg0, %dma_start3A, %dma_start3A_15] : memref<2x10000x128xf32, #tpu.memory_space<hbm>> -> memref<1x10000x128xf32, #tpu.memory_space<hbm>>
        %dma_start3A_17 = tpu.memref_squeeze %dma_start3A_16 : memref<1x10000x128xf32, #tpu.memory_space<hbm>> -> memref<10000x128xf32, #tpu.memory_space<hbm>>
        tpu.enqueue_dma source(%dma_start3A_17 : memref<10000x128xf32, #tpu.memory_space<hbm>>) target(%arg8 : memref<10000x128xf32, #tpu.memory_space<vmem_shared>>) target_semaphore(%run_scoped3A : memref<!tpu.dma_semaphore, #tpu.memory_space<semaphore_mem>>)
        %dma_wait3A = arith.constant 0 : i32
        %dma_wait3A_18 = arith.constant 0 : i32
        %dma_wait3A_19 = tpu.memref_slice %arg4[%arg0, %dma_wait3A, %dma_wait3A_18] : memref<2x10000x128xf32, #tpu.memory_space<hbm>> -> memref<1x10000x128xf32, #tpu.memory_space<hbm>>
        %dma_wait3A_20 = tpu.memref_squeeze %dma_wait3A_19 : memref<1x10000x128xf32, #tpu.memory_space<hbm>> -> memref<10000x128xf32, #tpu.memory_space<hbm>>
        tpu.wait_dma2 semaphore(%run_scoped3A : memref<!tpu.dma_semaphore, #tpu.memory_space<semaphore_mem>>) src(%dma_wait3A_20 : memref<10000x128xf32, #tpu.memory_space<hbm>>) dst(%arg8 : memref<10000x128xf32, #tpu.memory_space<vmem_shared>>)
        tpu.yield
      }) : () -> ()
    } else {
    }
    %barrier3A = arith.constant 0 : index
    tpu.barrier barrier_id(%barrier3A)
    %scan3A = arith.constant 0 : i32
    %scan3A_5 = arith.constant 64 : i32
    %scan3A_6 = arith.addi %scan3A, %scan3A_5 : i32
    %scan3A_7 = arith.constant 1 : i32
    scf.for %scan3A_15 = %scan3A to %scan3A_6 step %scan3A_7  : i32 {
      %mul3A_16 = arith.constant 80 : i32
      %mul3A_17 = arith.muli %scan3A_15, %mul3A_16 : i32
      %add3A_18 = arith.constant 0 : i32
      %add3A_19 = arith.addi %add3A_18, %mul3A_17 : i32
      %add3A_20 = arith.addi %mul3A_2, %add3A_19 : i32
      "tpu.region"() ({
        %run_scoped3A = tpu.sem_alloc : memref<!tpu.dma_semaphore, #tpu.memory_space<semaphore_mem>>
        %dma_start3A = tpu.memref_slice %arg3[%add3A_20] : memref<163840xi32, #tpu.memory_space<hbm>> -> memref<80xi32, #tpu.memory_space<hbm>>
        %dma_start3A_21 = tpu.memref_slice %arg3[%add3A_20] : memref<163840xi32, #tpu.memory_space<hbm>> -> memref<80xi32, #tpu.memory_space<hbm>>
        tpu.enqueue_dma source(%dma_start3A_21 : memref<80xi32, #tpu.memory_space<hbm>>) target(%arg6 : memref<80xi32, #tpu.memory_space<vmem>>) target_semaphore(%run_scoped3A : memref<!tpu.dma_semaphore, #tpu.memory_space<semaphore_mem>>)
        %dma_wait3A = tpu.memref_slice %arg3[%add3A_20] : memref<163840xi32, #tpu.memory_space<hbm>> -> memref<80xi32, #tpu.memory_space<hbm>>
        %dma_wait3A_22 = tpu.memref_slice %arg3[%add3A_20] : memref<163840xi32, #tpu.memory_space<hbm>> -> memref<80xi32, #tpu.memory_space<hbm>>
        tpu.wait_dma2 semaphore(%run_scoped3A : memref<!tpu.dma_semaphore, #tpu.memory_space<semaphore_mem>>) src(%dma_wait3A_22 : memref<80xi32, #tpu.memory_space<hbm>>) dst(%arg6 : memref<80xi32, #tpu.memory_space<vmem>>)
        tpu.yield
      }) : () -> ()
      "tpu.region"() ({
        %run_scoped3A = tpu.sem_alloc : memref<!tpu.dma_semaphore, #tpu.memory_space<semaphore_mem>>
        %dma_start3A = arith.constant 0 : i32
        %dma_start3A_21 = tpu.memref_slice %arg2[%add3A_20, %dma_start3A] : memref<163840x128xf32, #tpu.memory_space<hbm>> -> memref<80x128xf32, #tpu.memory_space<hbm>>
        %dma_start3A_22 = arith.constant 0 : i32
        %dma_start3A_23 = tpu.memref_slice %arg2[%add3A_20, %dma_start3A_22] : memref<163840x128xf32, #tpu.memory_space<hbm>> -> memref<80x128xf32, #tpu.memory_space<hbm>>
        tpu.enqueue_dma source(%dma_start3A_23 : memref<80x128xf32, #tpu.memory_space<hbm>>) target(%arg7 : memref<80x128xf32, #tpu.memory_space<vmem>>) target_semaphore(%run_scoped3A : memref<!tpu.dma_semaphore, #tpu.memory_space<semaphore_mem>>)
        %dma_wait3A = arith.constant 0 : i32
        %dma_wait3A_24 = tpu.memref_slice %arg2[%add3A_20, %dma_wait3A] : memref<163840x128xf32, #tpu.memory_space<hbm>> -> memref<80x128xf32, #tpu.memory_space<hbm>>
        %dma_wait3A_25 = arith.constant 0 : i32
        %dma_wait3A_26 = tpu.memref_slice %arg2[%add3A_20, %dma_wait3A_25] : memref<163840x128xf32, #tpu.memory_space<hbm>> -> memref<80x128xf32, #tpu.memory_space<hbm>>
        tpu.wait_dma2 semaphore(%run_scoped3A : memref<!tpu.dma_semaphore, #tpu.memory_space<semaphore_mem>>) src(%dma_wait3A_26 : memref<80x128xf32, #tpu.memory_space<hbm>>) dst(%arg7 : memref<80x128xf32, #tpu.memory_space<vmem>>)
        tpu.yield
      }) : () -> ()
      "tpu.region"() ({
        %run_scoped3A = tpu.sem_alloc : memref<!tpu.dma_semaphore, #tpu.memory_space<semaphore_mem>>
        %dma_start3A = arith.constant 0 : i32
        %dma_start3A_21 = arith.constant 0 : i32
        %dma_start3A_22 = tpu.memref_slice %arg8[%dma_start3A, %dma_start3A_21] : memref<10000x128xf32, #tpu.memory_space<vmem_shared>> -> memref<10000x128xf32, #tpu.memory_space<vmem_shared>>
        tpu.enqueue_indirect_dma source(%arg7 : memref<80x128xf32, #tpu.memory_space<vmem>>) target(%dma_start3A_22 : memref<10000x128xf32, #tpu.memory_space<vmem_shared>>) offsets(%arg6 : memref<80xi32, #tpu.memory_space<vmem>>) semaphore(%run_scoped3A : memref<!tpu.dma_semaphore, #tpu.memory_space<semaphore_mem>>) {add = true}
        %dma_wait3A = arith.constant 0 : i32
        %dma_wait3A_23 = arith.constant 0 : i32
        %dma_wait3A_24 = tpu.memref_slice %arg8[%dma_wait3A, %dma_wait3A_23] : memref<10000x128xf32, #tpu.memory_space<vmem_shared>> -> memref<10000x128xf32, #tpu.memory_space<vmem_shared>>
        tpu.wait_indirect_dma semaphore(%run_scoped3A : memref<!tpu.dma_semaphore, #tpu.memory_space<semaphore_mem>>) src(%arg7 : memref<80x128xf32, #tpu.memory_space<vmem>>) dst(%dma_wait3A_24 : memref<10000x128xf32, #tpu.memory_space<vmem_shared>>)
        tpu.yield
      }) : () -> ()
    }
    %scan3A_8 = arith.constant 64 : i32
    %barrier3A_9 = arith.constant 0 : index
    tpu.barrier barrier_id(%barrier3A_9)
    %eq3A_10 = arith.constant 0 : i32
    %eq3A_11 = arith.cmpi eq, %arg1, %eq3A_10 : i32
    %convert_element_type3A_12 = arith.extui %eq3A_11 : i1 to i32
    %cond3A_13 = arith.constant 0 : i32
    %cond3A_14 = arith.cmpi ne, %convert_element_type3A_12, %cond3A_13 : i32
    scf.if %cond3A_14 {
      "tpu.region"() ({
        %run_scoped3A = tpu.sem_alloc : memref<!tpu.dma_semaphore, #tpu.memory_space<semaphore_mem>>
        %dma_start3A = arith.constant 0 : i32
        %dma_start3A_15 = arith.constant 0 : i32
        %dma_start3A_16 = tpu.memref_slice %arg5[%arg0, %dma_start3A, %dma_start3A_15] : memref<2x10000x128xf32, #tpu.memory_space<hbm>> -> memref<1x10000x128xf32, #tpu.memory_space<hbm>>
        %dma_start3A_17 = tpu.memref_squeeze %dma_start3A_16 : memref<1x10000x128xf32, #tpu.memory_space<hbm>> -> memref<10000x128xf32, #tpu.memory_space<hbm>>
        tpu.enqueue_dma source(%arg8 : memref<10000x128xf32, #tpu.memory_space<vmem_shared>>) target(%dma_start3A_17 : memref<10000x128xf32, #tpu.memory_space<hbm>>) target_semaphore(%run_scoped3A : memref<!tpu.dma_semaphore, #tpu.memory_space<semaphore_mem>>)
        %dma_wait3A = arith.constant 0 : i32
        %dma_wait3A_18 = arith.constant 0 : i32
        %dma_wait3A_19 = tpu.memref_slice %arg5[%arg0, %dma_wait3A, %dma_wait3A_18] : memref<2x10000x128xf32, #tpu.memory_space<hbm>> -> memref<1x10000x128xf32, #tpu.memory_space<hbm>>
        %dma_wait3A_20 = tpu.memref_squeeze %dma_wait3A_19 : memref<1x10000x128xf32, #tpu.memory_space<hbm>> -> memref<10000x128xf32, #tpu.memory_space<hbm>>
        tpu.wait_dma2 semaphore(%run_scoped3A : memref<!tpu.dma_semaphore, #tpu.memory_space<semaphore_mem>>) src(%arg8 : memref<10000x128xf32, #tpu.memory_space<vmem_shared>>) dst(%dma_wait3A_20 : memref<10000x128xf32, #tpu.memory_space<hbm>>)
        tpu.yield
      }) : () -> ()
    } else {
    }
    return
  }
}

#map = affine_map<(d0, d1) -> (0, 0)>
#map1 = affine_map<(d0, d1) -> (0)>
module attributes {stable_mosaic.version = 14 : i64} {
  func.func @_gather_body(%arg0: i32, %arg1: i32, %arg2: memref<10000x64xi32, #tpu.memory_space<hbm>>, %arg3: memref<10000x64xi32, #tpu.memory_space<hbm>>, %arg4: memref<256x64xi32, #tpu.memory_space<hbm>>, %arg5: memref<10000x16xi32, #tpu.memory_space<hbm>>, %arg6: memref<163840xi32, #tpu.memory_space<hbm>>, %arg7: memref<163840xi32, #tpu.memory_space<hbm>>, %arg8: memref<163840xi32, #tpu.memory_space<hbm>>, %arg9: memref<163840x128xi32, #tpu.memory_space<hbm>>, %arg10: memref<163840x128xi32, #tpu.memory_space<hbm>>, %arg11: memref<5120xi32, #tpu.memory_space<vmem>>, %arg12: memref<5120xi32, #tpu.memory_space<vmem>>, %arg13: memref<5120xi32, #tpu.memory_space<vmem>>, %arg14: memref<80x64xi32, #tpu.memory_space<vmem>>, %arg15: memref<80x64xi32, #tpu.memory_space<vmem>>, %arg16: memref<80x64xi32, #tpu.memory_space<vmem>>, %arg17: memref<80x16xi32, #tpu.memory_space<vmem>>, %arg18: memref<80x16xi32, #tpu.memory_space<vmem>>, %arg19: memref<80x64xi32, #tpu.memory_space<vmem>>, %arg20: memref<80x64xi32, #tpu.memory_space<vmem>>, %arg21: memref<80x64xi32, #tpu.memory_space<vmem>>, %arg22: memref<80x16xi32, #tpu.memory_space<vmem>>, %arg23: memref<80x16xi32, #tpu.memory_space<vmem>>, %arg24: memref<!tpu.dma_semaphore, #tpu.memory_space<semaphore_mem>>, %arg25: memref<!tpu.dma_semaphore, #tpu.memory_space<semaphore_mem>>) attributes {dimension_semantics = [#tpu.dimension_semantics<core_parallel>, #tpu.dimension_semantics<subcore_parallel>], iteration_bounds = array<i64: 2, 16>, scalar_prefetch = 0 : i64, scratch_operands = 15 : i64, tpu.core_type = #tpu.core_type<sc_vector_subcore>, window_params = [{transform_indices = #map}, {transform_indices = #map}, {transform_indices = #map}, {transform_indices = #map}, {transform_indices = #map1}, {transform_indices = #map1}, {transform_indices = #map1}, {transform_indices = #map}, {transform_indices = #map}]} {
    %mul3A = arith.constant 2 : i32
    %mul3A_0 = arith.muli %arg1, %mul3A : i32
    %add3A = arith.addi %mul3A_0, %arg0 : i32
    %mul3A_1 = arith.constant 5120 : i32
    %mul3A_2 = arith.muli %add3A, %mul3A_1 : i32
    "tpu.region"() ({
      %run_scoped3A = tpu.sem_alloc : memref<!tpu.dma_semaphore, #tpu.memory_space<semaphore_mem>>
      %dma_start3A_109 = tpu.memref_slice %arg6[%mul3A_2] : memref<163840xi32, #tpu.memory_space<hbm>> -> memref<5120xi32, #tpu.memory_space<hbm>>
      %dma_start3A_110 = tpu.memref_slice %arg6[%mul3A_2] : memref<163840xi32, #tpu.memory_space<hbm>> -> memref<5120xi32, #tpu.memory_space<hbm>>
      tpu.enqueue_dma source(%dma_start3A_110 : memref<5120xi32, #tpu.memory_space<hbm>>) target(%arg11 : memref<5120xi32, #tpu.memory_space<vmem>>) target_semaphore(%run_scoped3A : memref<!tpu.dma_semaphore, #tpu.memory_space<semaphore_mem>>)
      %dma_wait3A_111 = tpu.memref_slice %arg6[%mul3A_2] : memref<163840xi32, #tpu.memory_space<hbm>> -> memref<5120xi32, #tpu.memory_space<hbm>>
      %dma_wait3A_112 = tpu.memref_slice %arg6[%mul3A_2] : memref<163840xi32, #tpu.memory_space<hbm>> -> memref<5120xi32, #tpu.memory_space<hbm>>
      tpu.wait_dma2 semaphore(%run_scoped3A : memref<!tpu.dma_semaphore, #tpu.memory_space<semaphore_mem>>) src(%dma_wait3A_112 : memref<5120xi32, #tpu.memory_space<hbm>>) dst(%arg11 : memref<5120xi32, #tpu.memory_space<vmem>>)
      tpu.yield
    }) : () -> ()
    "tpu.region"() ({
      %run_scoped3A = tpu.sem_alloc : memref<!tpu.dma_semaphore, #tpu.memory_space<semaphore_mem>>
      %dma_start3A_109 = tpu.memref_slice %arg7[%mul3A_2] : memref<163840xi32, #tpu.memory_space<hbm>> -> memref<5120xi32, #tpu.memory_space<hbm>>
      %dma_start3A_110 = tpu.memref_slice %arg7[%mul3A_2] : memref<163840xi32, #tpu.memory_space<hbm>> -> memref<5120xi32, #tpu.memory_space<hbm>>
      tpu.enqueue_dma source(%dma_start3A_110 : memref<5120xi32, #tpu.memory_space<hbm>>) target(%arg12 : memref<5120xi32, #tpu.memory_space<vmem>>) target_semaphore(%run_scoped3A : memref<!tpu.dma_semaphore, #tpu.memory_space<semaphore_mem>>)
      %dma_wait3A_111 = tpu.memref_slice %arg7[%mul3A_2] : memref<163840xi32, #tpu.memory_space<hbm>> -> memref<5120xi32, #tpu.memory_space<hbm>>
      %dma_wait3A_112 = tpu.memref_slice %arg7[%mul3A_2] : memref<163840xi32, #tpu.memory_space<hbm>> -> memref<5120xi32, #tpu.memory_space<hbm>>
      tpu.wait_dma2 semaphore(%run_scoped3A : memref<!tpu.dma_semaphore, #tpu.memory_space<semaphore_mem>>) src(%dma_wait3A_112 : memref<5120xi32, #tpu.memory_space<hbm>>) dst(%arg12 : memref<5120xi32, #tpu.memory_space<vmem>>)
      tpu.yield
    }) : () -> ()
    "tpu.region"() ({
      %run_scoped3A = tpu.sem_alloc : memref<!tpu.dma_semaphore, #tpu.memory_space<semaphore_mem>>
      %dma_start3A_109 = tpu.memref_slice %arg8[%mul3A_2] : memref<163840xi32, #tpu.memory_space<hbm>> -> memref<5120xi32, #tpu.memory_space<hbm>>
      %dma_start3A_110 = tpu.memref_slice %arg8[%mul3A_2] : memref<163840xi32, #tpu.memory_space<hbm>> -> memref<5120xi32, #tpu.memory_space<hbm>>
      tpu.enqueue_dma source(%dma_start3A_110 : memref<5120xi32, #tpu.memory_space<hbm>>) target(%arg13 : memref<5120xi32, #tpu.memory_space<vmem>>) target_semaphore(%run_scoped3A : memref<!tpu.dma_semaphore, #tpu.memory_space<semaphore_mem>>)
      %dma_wait3A_111 = tpu.memref_slice %arg8[%mul3A_2] : memref<163840xi32, #tpu.memory_space<hbm>> -> memref<5120xi32, #tpu.memory_space<hbm>>
      %dma_wait3A_112 = tpu.memref_slice %arg8[%mul3A_2] : memref<163840xi32, #tpu.memory_space<hbm>> -> memref<5120xi32, #tpu.memory_space<hbm>>
      tpu.wait_dma2 semaphore(%run_scoped3A : memref<!tpu.dma_semaphore, #tpu.memory_space<semaphore_mem>>) src(%dma_wait3A_112 : memref<5120xi32, #tpu.memory_space<hbm>>) dst(%arg13 : memref<5120xi32, #tpu.memory_space<vmem>>)
      tpu.yield
    }) : () -> ()
    %dma_start3A = arith.constant 0 : i32
    %dma_start3A_3 = tpu.memref_slice %arg11[%dma_start3A] : memref<5120xi32, #tpu.memory_space<vmem>> -> memref<80xi32, #tpu.memory_space<vmem>>
    %dma_start3A_4 = arith.constant 0 : i32
    %dma_start3A_5 = arith.constant 0 : i32
    %dma_start3A_6 = tpu.memref_slice %arg2[%dma_start3A_4, %dma_start3A_5] : memref<10000x64xi32, #tpu.memory_space<hbm>> -> memref<10000x64xi32, #tpu.memory_space<hbm>>
    tpu.enqueue_indirect_dma source(%dma_start3A_6 : memref<10000x64xi32, #tpu.memory_space<hbm>>) target(%arg14 : memref<80x64xi32, #tpu.memory_space<vmem>>) offsets(%dma_start3A_3 : memref<80xi32, #tpu.memory_space<vmem>>) semaphore(%arg24 : memref<!tpu.dma_semaphore, #tpu.memory_space<semaphore_mem>>)
    %dma_start3A_7 = arith.constant 0 : i32
    %dma_start3A_8 = tpu.memref_slice %arg12[%dma_start3A_7] : memref<5120xi32, #tpu.memory_space<vmem>> -> memref<80xi32, #tpu.memory_space<vmem>>
    %dma_start3A_9 = arith.constant 0 : i32
    %dma_start3A_10 = arith.constant 0 : i32
    %dma_start3A_11 = tpu.memref_slice %arg3[%dma_start3A_9, %dma_start3A_10] : memref<10000x64xi32, #tpu.memory_space<hbm>> -> memref<10000x64xi32, #tpu.memory_space<hbm>>
    tpu.enqueue_indirect_dma source(%dma_start3A_11 : memref<10000x64xi32, #tpu.memory_space<hbm>>) target(%arg15 : memref<80x64xi32, #tpu.memory_space<vmem>>) offsets(%dma_start3A_8 : memref<80xi32, #tpu.memory_space<vmem>>) semaphore(%arg24 : memref<!tpu.dma_semaphore, #tpu.memory_space<semaphore_mem>>)
    %dma_start3A_12 = arith.constant 0 : i32
    %dma_start3A_13 = tpu.memref_slice %arg13[%dma_start3A_12] : memref<5120xi32, #tpu.memory_space<vmem>> -> memref<80xi32, #tpu.memory_space<vmem>>
    %dma_start3A_14 = arith.constant 0 : i32
    %dma_start3A_15 = arith.constant 0 : i32
    %dma_start3A_16 = tpu.memref_slice %arg4[%dma_start3A_14, %dma_start3A_15] : memref<256x64xi32, #tpu.memory_space<hbm>> -> memref<256x64xi32, #tpu.memory_space<hbm>>
    tpu.enqueue_indirect_dma source(%dma_start3A_16 : memref<256x64xi32, #tpu.memory_space<hbm>>) target(%arg16 : memref<80x64xi32, #tpu.memory_space<vmem>>) offsets(%dma_start3A_13 : memref<80xi32, #tpu.memory_space<vmem>>) semaphore(%arg24 : memref<!tpu.dma_semaphore, #tpu.memory_space<semaphore_mem>>)
    %dma_start3A_17 = arith.constant 0 : i32
    %dma_start3A_18 = tpu.memref_slice %arg11[%dma_start3A_17] : memref<5120xi32, #tpu.memory_space<vmem>> -> memref<80xi32, #tpu.memory_space<vmem>>
    %dma_start3A_19 = arith.constant 0 : i32
    %dma_start3A_20 = arith.constant 0 : i32
    %dma_start3A_21 = tpu.memref_slice %arg5[%dma_start3A_19, %dma_start3A_20] : memref<10000x16xi32, #tpu.memory_space<hbm>> -> memref<10000x16xi32, #tpu.memory_space<hbm>>
    tpu.enqueue_indirect_dma source(%dma_start3A_21 : memref<10000x16xi32, #tpu.memory_space<hbm>>) target(%arg17 : memref<80x16xi32, #tpu.memory_space<vmem>>) offsets(%dma_start3A_18 : memref<80xi32, #tpu.memory_space<vmem>>) semaphore(%arg24 : memref<!tpu.dma_semaphore, #tpu.memory_space<semaphore_mem>>)
    %dma_start3A_22 = arith.constant 0 : i32
    %dma_start3A_23 = tpu.memref_slice %arg12[%dma_start3A_22] : memref<5120xi32, #tpu.memory_space<vmem>> -> memref<80xi32, #tpu.memory_space<vmem>>
    %dma_start3A_24 = arith.constant 0 : i32
    %dma_start3A_25 = arith.constant 0 : i32
    %dma_start3A_26 = tpu.memref_slice %arg5[%dma_start3A_24, %dma_start3A_25] : memref<10000x16xi32, #tpu.memory_space<hbm>> -> memref<10000x16xi32, #tpu.memory_space<hbm>>
    tpu.enqueue_indirect_dma source(%dma_start3A_26 : memref<10000x16xi32, #tpu.memory_space<hbm>>) target(%arg18 : memref<80x16xi32, #tpu.memory_space<vmem>>) offsets(%dma_start3A_23 : memref<80xi32, #tpu.memory_space<vmem>>) semaphore(%arg24 : memref<!tpu.dma_semaphore, #tpu.memory_space<semaphore_mem>>)
    %scan3A = arith.constant 0 : i32
    %scan3A_27 = arith.constant 31 : i32
    %scan3A_28 = arith.addi %scan3A, %scan3A_27 : i32
    %scan3A_29 = arith.constant 1 : i32
    scf.for %scan3A_109 = %scan3A to %scan3A_28 step %scan3A_29  : i32 {
      %mul3A_110 = arith.constant 2 : i32
      %mul3A_111 = arith.muli %scan3A_109, %mul3A_110 : i32
      %add3A_112 = arith.constant 0 : i32
      %add3A_113 = arith.addi %add3A_112, %mul3A_111 : i32
      %add3A_114 = arith.constant 1 : i32
      %add3A_115 = arith.addi %add3A_113, %add3A_114 : i32
      %mul3A_116 = arith.constant 80 : i32
      %mul3A_117 = arith.muli %add3A_115, %mul3A_116 : i32
      %dma_start3A_118 = tpu.memref_slice %arg11[%mul3A_117] : memref<5120xi32, #tpu.memory_space<vmem>> -> memref<80xi32, #tpu.memory_space<vmem>>
      %dma_start3A_119 = arith.constant 0 : i32
      %dma_start3A_120 = arith.constant 0 : i32
      %dma_start3A_121 = tpu.memref_slice %arg2[%dma_start3A_119, %dma_start3A_120] : memref<10000x64xi32, #tpu.memory_space<hbm>> -> memref<10000x64xi32, #tpu.memory_space<hbm>>
      tpu.enqueue_indirect_dma source(%dma_start3A_121 : memref<10000x64xi32, #tpu.memory_space<hbm>>) target(%arg19 : memref<80x64xi32, #tpu.memory_space<vmem>>) offsets(%dma_start3A_118 : memref<80xi32, #tpu.memory_space<vmem>>) semaphore(%arg25 : memref<!tpu.dma_semaphore, #tpu.memory_space<semaphore_mem>>)
      %dma_start3A_122 = tpu.memref_slice %arg12[%mul3A_117] : memref<5120xi32, #tpu.memory_space<vmem>> -> memref<80xi32, #tpu.memory_space<vmem>>
      %dma_start3A_123 = arith.constant 0 : i32
      %dma_start3A_124 = arith.constant 0 : i32
      %dma_start3A_125 = tpu.memref_slice %arg3[%dma_start3A_123, %dma_start3A_124] : memref<10000x64xi32, #tpu.memory_space<hbm>> -> memref<10000x64xi32, #tpu.memory_space<hbm>>
      tpu.enqueue_indirect_dma source(%dma_start3A_125 : memref<10000x64xi32, #tpu.memory_space<hbm>>) target(%arg20 : memref<80x64xi32, #tpu.memory_space<vmem>>) offsets(%dma_start3A_122 : memref<80xi32, #tpu.memory_space<vmem>>) semaphore(%arg25 : memref<!tpu.dma_semaphore, #tpu.memory_space<semaphore_mem>>)
      %dma_start3A_126 = tpu.memref_slice %arg13[%mul3A_117] : memref<5120xi32, #tpu.memory_space<vmem>> -> memref<80xi32, #tpu.memory_space<vmem>>
      %dma_start3A_127 = arith.constant 0 : i32
      %dma_start3A_128 = arith.constant 0 : i32
      %dma_start3A_129 = tpu.memref_slice %arg4[%dma_start3A_127, %dma_start3A_128] : memref<256x64xi32, #tpu.memory_space<hbm>> -> memref<256x64xi32, #tpu.memory_space<hbm>>
      tpu.enqueue_indirect_dma source(%dma_start3A_129 : memref<256x64xi32, #tpu.memory_space<hbm>>) target(%arg21 : memref<80x64xi32, #tpu.memory_space<vmem>>) offsets(%dma_start3A_126 : memref<80xi32, #tpu.memory_space<vmem>>) semaphore(%arg25 : memref<!tpu.dma_semaphore, #tpu.memory_space<semaphore_mem>>)
      %dma_start3A_130 = tpu.memref_slice %arg11[%mul3A_117] : memref<5120xi32, #tpu.memory_space<vmem>> -> memref<80xi32, #tpu.memory_space<vmem>>
      %dma_start3A_131 = arith.constant 0 : i32
      %dma_start3A_132 = arith.constant 0 : i32
      %dma_start3A_133 = tpu.memref_slice %arg5[%dma_start3A_131, %dma_start3A_132] : memref<10000x16xi32, #tpu.memory_space<hbm>> -> memref<10000x16xi32, #tpu.memory_space<hbm>>
      tpu.enqueue_indirect_dma source(%dma_start3A_133 : memref<10000x16xi32, #tpu.memory_space<hbm>>) target(%arg22 : memref<80x16xi32, #tpu.memory_space<vmem>>) offsets(%dma_start3A_130 : memref<80xi32, #tpu.memory_space<vmem>>) semaphore(%arg25 : memref<!tpu.dma_semaphore, #tpu.memory_space<semaphore_mem>>)
      %dma_start3A_134 = tpu.memref_slice %arg12[%mul3A_117] : memref<5120xi32, #tpu.memory_space<vmem>> -> memref<80xi32, #tpu.memory_space<vmem>>
      %dma_start3A_135 = arith.constant 0 : i32
      %dma_start3A_136 = arith.constant 0 : i32
      %dma_start3A_137 = tpu.memref_slice %arg5[%dma_start3A_135, %dma_start3A_136] : memref<10000x16xi32, #tpu.memory_space<hbm>> -> memref<10000x16xi32, #tpu.memory_space<hbm>>
      tpu.enqueue_indirect_dma source(%dma_start3A_137 : memref<10000x16xi32, #tpu.memory_space<hbm>>) target(%arg23 : memref<80x16xi32, #tpu.memory_space<vmem>>) offsets(%dma_start3A_134 : memref<80xi32, #tpu.memory_space<vmem>>) semaphore(%arg25 : memref<!tpu.dma_semaphore, #tpu.memory_space<semaphore_mem>>)
      %mul3A_138 = arith.constant 80 : i32
      %mul3A_139 = arith.muli %add3A_113, %mul3A_138 : i32
      %dma_wait3A_140 = tpu.memref_slice %arg11[%mul3A_139] : memref<5120xi32, #tpu.memory_space<vmem>> -> memref<80xi32, #tpu.memory_space<vmem>>
      %dma_wait3A_141 = arith.constant 0 : i32
      %dma_wait3A_142 = arith.constant 0 : i32
      %dma_wait3A_143 = tpu.memref_slice %arg2[%dma_wait3A_141, %dma_wait3A_142] : memref<10000x64xi32, #tpu.memory_space<hbm>> -> memref<10000x64xi32, #tpu.memory_space<hbm>>
      tpu.wait_indirect_dma semaphore(%arg24 : memref<!tpu.dma_semaphore, #tpu.memory_space<semaphore_mem>>) src(%dma_wait3A_143 : memref<10000x64xi32, #tpu.memory_space<hbm>>) dst(%arg14 : memref<80x64xi32, #tpu.memory_space<vmem>>)
      %dma_wait3A_144 = tpu.memref_slice %arg12[%mul3A_139] : memref<5120xi32, #tpu.memory_space<vmem>> -> memref<80xi32, #tpu.memory_space<vmem>>
      %dma_wait3A_145 = arith.constant 0 : i32
      %dma_wait3A_146 = arith.constant 0 : i32
      %dma_wait3A_147 = tpu.memref_slice %arg3[%dma_wait3A_145, %dma_wait3A_146] : memref<10000x64xi32, #tpu.memory_space<hbm>> -> memref<10000x64xi32, #tpu.memory_space<hbm>>
      tpu.wait_indirect_dma semaphore(%arg24 : memref<!tpu.dma_semaphore, #tpu.memory_space<semaphore_mem>>) src(%dma_wait3A_147 : memref<10000x64xi32, #tpu.memory_space<hbm>>) dst(%arg15 : memref<80x64xi32, #tpu.memory_space<vmem>>)
      %dma_wait3A_148 = tpu.memref_slice %arg13[%mul3A_139] : memref<5120xi32, #tpu.memory_space<vmem>> -> memref<80xi32, #tpu.memory_space<vmem>>
      %dma_wait3A_149 = arith.constant 0 : i32
      %dma_wait3A_150 = arith.constant 0 : i32
      %dma_wait3A_151 = tpu.memref_slice %arg4[%dma_wait3A_149, %dma_wait3A_150] : memref<256x64xi32, #tpu.memory_space<hbm>> -> memref<256x64xi32, #tpu.memory_space<hbm>>
      tpu.wait_indirect_dma semaphore(%arg24 : memref<!tpu.dma_semaphore, #tpu.memory_space<semaphore_mem>>) src(%dma_wait3A_151 : memref<256x64xi32, #tpu.memory_space<hbm>>) dst(%arg16 : memref<80x64xi32, #tpu.memory_space<vmem>>)
      %dma_wait3A_152 = tpu.memref_slice %arg11[%mul3A_139] : memref<5120xi32, #tpu.memory_space<vmem>> -> memref<80xi32, #tpu.memory_space<vmem>>
      %dma_wait3A_153 = arith.constant 0 : i32
      %dma_wait3A_154 = arith.constant 0 : i32
      %dma_wait3A_155 = tpu.memref_slice %arg5[%dma_wait3A_153, %dma_wait3A_154] : memref<10000x16xi32, #tpu.memory_space<hbm>> -> memref<10000x16xi32, #tpu.memory_space<hbm>>
      tpu.wait_indirect_dma semaphore(%arg24 : memref<!tpu.dma_semaphore, #tpu.memory_space<semaphore_mem>>) src(%dma_wait3A_155 : memref<10000x16xi32, #tpu.memory_space<hbm>>) dst(%arg17 : memref<80x16xi32, #tpu.memory_space<vmem>>)
      %dma_wait3A_156 = tpu.memref_slice %arg12[%mul3A_139] : memref<5120xi32, #tpu.memory_space<vmem>> -> memref<80xi32, #tpu.memory_space<vmem>>
      %dma_wait3A_157 = arith.constant 0 : i32
      %dma_wait3A_158 = arith.constant 0 : i32
      %dma_wait3A_159 = tpu.memref_slice %arg5[%dma_wait3A_157, %dma_wait3A_158] : memref<10000x16xi32, #tpu.memory_space<hbm>> -> memref<10000x16xi32, #tpu.memory_space<hbm>>
      tpu.wait_indirect_dma semaphore(%arg24 : memref<!tpu.dma_semaphore, #tpu.memory_space<semaphore_mem>>) src(%dma_wait3A_159 : memref<10000x16xi32, #tpu.memory_space<hbm>>) dst(%arg18 : memref<80x16xi32, #tpu.memory_space<vmem>>)
      %mul3A_160 = arith.constant 80 : i32
      %mul3A_161 = arith.muli %add3A_113, %mul3A_160 : i32
      %add3A_162 = arith.addi %mul3A_2, %mul3A_161 : i32
      "tpu.region"() ({
        %run_scoped3A = tpu.sem_alloc : memref<!tpu.dma_semaphore, #tpu.memory_space<semaphore_mem>>
        %dma_start3A_214 = arith.constant 0 : i32
        %dma_start3A_215 = tpu.memref_slice %arg9[%add3A_162, %dma_start3A_214] : memref<163840x128xi32, #tpu.memory_space<hbm>> -> memref<80x64xi32, #tpu.memory_space<hbm>>
        %dma_start3A_216 = arith.constant 0 : i32
        %dma_start3A_217 = tpu.memref_slice %arg9[%add3A_162, %dma_start3A_216] : memref<163840x128xi32, #tpu.memory_space<hbm>> -> memref<80x64xi32, #tpu.memory_space<hbm>>
        tpu.enqueue_dma source(%arg14 : memref<80x64xi32, #tpu.memory_space<vmem>>) target(%dma_start3A_217 : memref<80x64xi32, #tpu.memory_space<hbm>>) target_semaphore(%run_scoped3A : memref<!tpu.dma_semaphore, #tpu.memory_space<semaphore_mem>>)
        %dma_wait3A_218 = arith.constant 0 : i32
        %dma_wait3A_219 = tpu.memref_slice %arg9[%add3A_162, %dma_wait3A_218] : memref<163840x128xi32, #tpu.memory_space<hbm>> -> memref<80x64xi32, #tpu.memory_space<hbm>>
        %dma_wait3A_220 = arith.constant 0 : i32
        %dma_wait3A_221 = tpu.memref_slice %arg9[%add3A_162, %dma_wait3A_220] : memref<163840x128xi32, #tpu.memory_space<hbm>> -> memref<80x64xi32, #tpu.memory_space<hbm>>
        tpu.wait_dma2 semaphore(%run_scoped3A : memref<!tpu.dma_semaphore, #tpu.memory_space<semaphore_mem>>) src(%arg14 : memref<80x64xi32, #tpu.memory_space<vmem>>) dst(%dma_wait3A_221 : memref<80x64xi32, #tpu.memory_space<hbm>>)
        tpu.yield
      }) : () -> ()
      "tpu.region"() ({
        %run_scoped3A = tpu.sem_alloc : memref<!tpu.dma_semaphore, #tpu.memory_space<semaphore_mem>>
        %dma_start3A_214 = arith.constant 64 : i32
        %dma_start3A_215 = tpu.memref_slice %arg9[%add3A_162, %dma_start3A_214] : memref<163840x128xi32, #tpu.memory_space<hbm>> -> memref<80x64xi32, #tpu.memory_space<hbm>>
        %dma_start3A_216 = arith.constant 64 : i32
        %dma_start3A_217 = tpu.memref_slice %arg9[%add3A_162, %dma_start3A_216] : memref<163840x128xi32, #tpu.memory_space<hbm>> -> memref<80x64xi32, #tpu.memory_space<hbm>>
        tpu.enqueue_dma source(%arg15 : memref<80x64xi32, #tpu.memory_space<vmem>>) target(%dma_start3A_217 : memref<80x64xi32, #tpu.memory_space<hbm>>) target_semaphore(%run_scoped3A : memref<!tpu.dma_semaphore, #tpu.memory_space<semaphore_mem>>)
        %dma_wait3A_218 = arith.constant 64 : i32
        %dma_wait3A_219 = tpu.memref_slice %arg9[%add3A_162, %dma_wait3A_218] : memref<163840x128xi32, #tpu.memory_space<hbm>> -> memref<80x64xi32, #tpu.memory_space<hbm>>
        %dma_wait3A_220 = arith.constant 64 : i32
        %dma_wait3A_221 = tpu.memref_slice %arg9[%add3A_162, %dma_wait3A_220] : memref<163840x128xi32, #tpu.memory_space<hbm>> -> memref<80x64xi32, #tpu.memory_space<hbm>>
        tpu.wait_dma2 semaphore(%run_scoped3A : memref<!tpu.dma_semaphore, #tpu.memory_space<semaphore_mem>>) src(%arg15 : memref<80x64xi32, #tpu.memory_space<vmem>>) dst(%dma_wait3A_221 : memref<80x64xi32, #tpu.memory_space<hbm>>)
        tpu.yield
      }) : () -> ()
      "tpu.region"() ({
        %run_scoped3A = tpu.sem_alloc : memref<!tpu.dma_semaphore, #tpu.memory_space<semaphore_mem>>
        %dma_start3A_214 = arith.constant 0 : i32
        %dma_start3A_215 = tpu.memref_slice %arg10[%add3A_162, %dma_start3A_214] : memref<163840x128xi32, #tpu.memory_space<hbm>> -> memref<80x64xi32, #tpu.memory_space<hbm>>
        %dma_start3A_216 = arith.constant 0 : i32
        %dma_start3A_217 = tpu.memref_slice %arg10[%add3A_162, %dma_start3A_216] : memref<163840x128xi32, #tpu.memory_space<hbm>> -> memref<80x64xi32, #tpu.memory_space<hbm>>
        tpu.enqueue_dma source(%arg16 : memref<80x64xi32, #tpu.memory_space<vmem>>) target(%dma_start3A_217 : memref<80x64xi32, #tpu.memory_space<hbm>>) target_semaphore(%run_scoped3A : memref<!tpu.dma_semaphore, #tpu.memory_space<semaphore_mem>>)
        %dma_wait3A_218 = arith.constant 0 : i32
        %dma_wait3A_219 = tpu.memref_slice %arg10[%add3A_162, %dma_wait3A_218] : memref<163840x128xi32, #tpu.memory_space<hbm>> -> memref<80x64xi32, #tpu.memory_space<hbm>>
        %dma_wait3A_220 = arith.constant 0 : i32
        %dma_wait3A_221 = tpu.memref_slice %arg10[%add3A_162, %dma_wait3A_220] : memref<163840x128xi32, #tpu.memory_space<hbm>> -> memref<80x64xi32, #tpu.memory_space<hbm>>
        tpu.wait_dma2 semaphore(%run_scoped3A : memref<!tpu.dma_semaphore, #tpu.memory_space<semaphore_mem>>) src(%arg16 : memref<80x64xi32, #tpu.memory_space<vmem>>) dst(%dma_wait3A_221 : memref<80x64xi32, #tpu.memory_space<hbm>>)
        tpu.yield
      }) : () -> ()
      "tpu.region"() ({
        %run_scoped3A = tpu.sem_alloc : memref<!tpu.dma_semaphore, #tpu.memory_space<semaphore_mem>>
        %dma_start3A_214 = arith.constant 64 : i32
        %dma_start3A_215 = tpu.memref_slice %arg10[%add3A_162, %dma_start3A_214] : memref<163840x128xi32, #tpu.memory_space<hbm>> -> memref<80x16xi32, #tpu.memory_space<hbm>>
        %dma_start3A_216 = arith.constant 64 : i32
        %dma_start3A_217 = tpu.memref_slice %arg10[%add3A_162, %dma_start3A_216] : memref<163840x128xi32, #tpu.memory_space<hbm>> -> memref<80x16xi32, #tpu.memory_space<hbm>>
        tpu.enqueue_dma source(%arg17 : memref<80x16xi32, #tpu.memory_space<vmem>>) target(%dma_start3A_217 : memref<80x16xi32, #tpu.memory_space<hbm>>) target_semaphore(%run_scoped3A : memref<!tpu.dma_semaphore, #tpu.memory_space<semaphore_mem>>)
        %dma_wait3A_218 = arith.constant 64 : i32
        %dma_wait3A_219 = tpu.memref_slice %arg10[%add3A_162, %dma_wait3A_218] : memref<163840x128xi32, #tpu.memory_space<hbm>> -> memref<80x16xi32, #tpu.memory_space<hbm>>
        %dma_wait3A_220 = arith.constant 64 : i32
        %dma_wait3A_221 = tpu.memref_slice %arg10[%add3A_162, %dma_wait3A_220] : memref<163840x128xi32, #tpu.memory_space<hbm>> -> memref<80x16xi32, #tpu.memory_space<hbm>>
        tpu.wait_dma2 semaphore(%run_scoped3A : memref<!tpu.dma_semaphore, #tpu.memory_space<semaphore_mem>>) src(%arg17 : memref<80x16xi32, #tpu.memory_space<vmem>>) dst(%dma_wait3A_221 : memref<80x16xi32, #tpu.memory_space<hbm>>)
        tpu.yield
      }) : () -> ()
      "tpu.region"() ({
        %run_scoped3A = tpu.sem_alloc : memref<!tpu.dma_semaphore, #tpu.memory_space<semaphore_mem>>
        %dma_start3A_214 = arith.constant 80 : i32
        %dma_start3A_215 = tpu.memref_slice %arg10[%add3A_162, %dma_start3A_214] : memref<163840x128xi32, #tpu.memory_space<hbm>> -> memref<80x16xi32, #tpu.memory_space<hbm>>
        %dma_start3A_216 = arith.constant 80 : i32
        %dma_start3A_217 = tpu.memref_slice %arg10[%add3A_162, %dma_start3A_216] : memref<163840x128xi32, #tpu.memory_space<hbm>> -> memref<80x16xi32, #tpu.memory_space<hbm>>
        tpu.enqueue_dma source(%arg18 : memref<80x16xi32, #tpu.memory_space<vmem>>) target(%dma_start3A_217 : memref<80x16xi32, #tpu.memory_space<hbm>>) target_semaphore(%run_scoped3A : memref<!tpu.dma_semaphore, #tpu.memory_space<semaphore_mem>>)
        %dma_wait3A_218 = arith.constant 80 : i32
        %dma_wait3A_219 = tpu.memref_slice %arg10[%add3A_162, %dma_wait3A_218] : memref<163840x128xi32, #tpu.memory_space<hbm>> -> memref<80x16xi32, #tpu.memory_space<hbm>>
        %dma_wait3A_220 = arith.constant 80 : i32
        %dma_wait3A_221 = tpu.memref_slice %arg10[%add3A_162, %dma_wait3A_220] : memref<163840x128xi32, #tpu.memory_space<hbm>> -> memref<80x16xi32, #tpu.memory_space<hbm>>
        tpu.wait_dma2 semaphore(%run_scoped3A : memref<!tpu.dma_semaphore, #tpu.memory_space<semaphore_mem>>) src(%arg18 : memref<80x16xi32, #tpu.memory_space<vmem>>) dst(%dma_wait3A_221 : memref<80x16xi32, #tpu.memory_space<hbm>>)
        tpu.yield
      }) : () -> ()
      %add3A_163 = arith.constant 2 : i32
      %add3A_164 = arith.addi %add3A_113, %add3A_163 : i32
      %mul3A_165 = arith.constant 80 : i32
      %mul3A_166 = arith.muli %add3A_164, %mul3A_165 : i32
      %dma_start3A_167 = tpu.memref_slice %arg11[%mul3A_166] : memref<5120xi32, #tpu.memory_space<vmem>> -> memref<80xi32, #tpu.memory_space<vmem>>
      %dma_start3A_168 = arith.constant 0 : i32
      %dma_start3A_169 = arith.constant 0 : i32
      %dma_start3A_170 = tpu.memref_slice %arg2[%dma_start3A_168, %dma_start3A_169] : memref<10000x64xi32, #tpu.memory_space<hbm>> -> memref<10000x64xi32, #tpu.memory_space<hbm>>
      tpu.enqueue_indirect_dma source(%dma_start3A_170 : memref<10000x64xi32, #tpu.memory_space<hbm>>) target(%arg14 : memref<80x64xi32, #tpu.memory_space<vmem>>) offsets(%dma_start3A_167 : memref<80xi32, #tpu.memory_space<vmem>>) semaphore(%arg24 : memref<!tpu.dma_semaphore, #tpu.memory_space<semaphore_mem>>)
      %dma_start3A_171 = tpu.memref_slice %arg12[%mul3A_166] : memref<5120xi32, #tpu.memory_space<vmem>> -> memref<80xi32, #tpu.memory_space<vmem>>
      %dma_start3A_172 = arith.constant 0 : i32
      %dma_start3A_173 = arith.constant 0 : i32
      %dma_start3A_174 = tpu.memref_slice %arg3[%dma_start3A_172, %dma_start3A_173] : memref<10000x64xi32, #tpu.memory_space<hbm>> -> memref<10000x64xi32, #tpu.memory_space<hbm>>
      tpu.enqueue_indirect_dma source(%dma_start3A_174 : memref<10000x64xi32, #tpu.memory_space<hbm>>) target(%arg15 : memref<80x64xi32, #tpu.memory_space<vmem>>) offsets(%dma_start3A_171 : memref<80xi32, #tpu.memory_space<vmem>>) semaphore(%arg24 : memref<!tpu.dma_semaphore, #tpu.memory_space<semaphore_mem>>)
      %dma_start3A_175 = tpu.memref_slice %arg13[%mul3A_166] : memref<5120xi32, #tpu.memory_space<vmem>> -> memref<80xi32, #tpu.memory_space<vmem>>
      %dma_start3A_176 = arith.constant 0 : i32
      %dma_start3A_177 = arith.constant 0 : i32
      %dma_start3A_178 = tpu.memref_slice %arg4[%dma_start3A_176, %dma_start3A_177] : memref<256x64xi32, #tpu.memory_space<hbm>> -> memref<256x64xi32, #tpu.memory_space<hbm>>
      tpu.enqueue_indirect_dma source(%dma_start3A_178 : memref<256x64xi32, #tpu.memory_space<hbm>>) target(%arg16 : memref<80x64xi32, #tpu.memory_space<vmem>>) offsets(%dma_start3A_175 : memref<80xi32, #tpu.memory_space<vmem>>) semaphore(%arg24 : memref<!tpu.dma_semaphore, #tpu.memory_space<semaphore_mem>>)
      %dma_start3A_179 = tpu.memref_slice %arg11[%mul3A_166] : memref<5120xi32, #tpu.memory_space<vmem>> -> memref<80xi32, #tpu.memory_space<vmem>>
      %dma_start3A_180 = arith.constant 0 : i32
      %dma_start3A_181 = arith.constant 0 : i32
      %dma_start3A_182 = tpu.memref_slice %arg5[%dma_start3A_180, %dma_start3A_181] : memref<10000x16xi32, #tpu.memory_space<hbm>> -> memref<10000x16xi32, #tpu.memory_space<hbm>>
      tpu.enqueue_indirect_dma source(%dma_start3A_182 : memref<10000x16xi32, #tpu.memory_space<hbm>>) target(%arg17 : memref<80x16xi32, #tpu.memory_space<vmem>>) offsets(%dma_start3A_179 : memref<80xi32, #tpu.memory_space<vmem>>) semaphore(%arg24 : memref<!tpu.dma_semaphore, #tpu.memory_space<semaphore_mem>>)
      %dma_start3A_183 = tpu.memref_slice %arg12[%mul3A_166] : memref<5120xi32, #tpu.memory_space<vmem>> -> memref<80xi32, #tpu.memory_space<vmem>>
      %dma_start3A_184 = arith.constant 0 : i32
      %dma_start3A_185 = arith.constant 0 : i32
      %dma_start3A_186 = tpu.memref_slice %arg5[%dma_start3A_184, %dma_start3A_185] : memref<10000x16xi32, #tpu.memory_space<hbm>> -> memref<10000x16xi32, #tpu.memory_space<hbm>>
      tpu.enqueue_indirect_dma source(%dma_start3A_186 : memref<10000x16xi32, #tpu.memory_space<hbm>>) target(%arg18 : memref<80x16xi32, #tpu.memory_space<vmem>>) offsets(%dma_start3A_183 : memref<80xi32, #tpu.memory_space<vmem>>) semaphore(%arg24 : memref<!tpu.dma_semaphore, #tpu.memory_space<semaphore_mem>>)
      %add3A_187 = arith.constant 1 : i32
      %add3A_188 = arith.addi %add3A_113, %add3A_187 : i32
      %mul3A_189 = arith.constant 80 : i32
      %mul3A_190 = arith.muli %add3A_188, %mul3A_189 : i32
      %dma_wait3A_191 = tpu.memref_slice %arg11[%mul3A_190] : memref<5120xi32, #tpu.memory_space<vmem>> -> memref<80xi32, #tpu.memory_space<vmem>>
      %dma_wait3A_192 = arith.constant 0 : i32
      %dma_wait3A_193 = arith.constant 0 : i32
      %dma_wait3A_194 = tpu.memref_slice %arg2[%dma_wait3A_192, %dma_wait3A_193] : memref<10000x64xi32, #tpu.memory_space<hbm>> -> memref<10000x64xi32, #tpu.memory_space<hbm>>
      tpu.wait_indirect_dma semaphore(%arg25 : memref<!tpu.dma_semaphore, #tpu.memory_space<semaphore_mem>>) src(%dma_wait3A_194 : memref<10000x64xi32, #tpu.memory_space<hbm>>) dst(%arg19 : memref<80x64xi32, #tpu.memory_space<vmem>>)
      %dma_wait3A_195 = tpu.memref_slice %arg12[%mul3A_190] : memref<5120xi32, #tpu.memory_space<vmem>> -> memref<80xi32, #tpu.memory_space<vmem>>
      %dma_wait3A_196 = arith.constant 0 : i32
      %dma_wait3A_197 = arith.constant 0 : i32
      %dma_wait3A_198 = tpu.memref_slice %arg3[%dma_wait3A_196, %dma_wait3A_197] : memref<10000x64xi32, #tpu.memory_space<hbm>> -> memref<10000x64xi32, #tpu.memory_space<hbm>>
      tpu.wait_indirect_dma semaphore(%arg25 : memref<!tpu.dma_semaphore, #tpu.memory_space<semaphore_mem>>) src(%dma_wait3A_198 : memref<10000x64xi32, #tpu.memory_space<hbm>>) dst(%arg20 : memref<80x64xi32, #tpu.memory_space<vmem>>)
      %dma_wait3A_199 = tpu.memref_slice %arg13[%mul3A_190] : memref<5120xi32, #tpu.memory_space<vmem>> -> memref<80xi32, #tpu.memory_space<vmem>>
      %dma_wait3A_200 = arith.constant 0 : i32
      %dma_wait3A_201 = arith.constant 0 : i32
      %dma_wait3A_202 = tpu.memref_slice %arg4[%dma_wait3A_200, %dma_wait3A_201] : memref<256x64xi32, #tpu.memory_space<hbm>> -> memref<256x64xi32, #tpu.memory_space<hbm>>
      tpu.wait_indirect_dma semaphore(%arg25 : memref<!tpu.dma_semaphore, #tpu.memory_space<semaphore_mem>>) src(%dma_wait3A_202 : memref<256x64xi32, #tpu.memory_space<hbm>>) dst(%arg21 : memref<80x64xi32, #tpu.memory_space<vmem>>)
      %dma_wait3A_203 = tpu.memref_slice %arg11[%mul3A_190] : memref<5120xi32, #tpu.memory_space<vmem>> -> memref<80xi32, #tpu.memory_space<vmem>>
      %dma_wait3A_204 = arith.constant 0 : i32
      %dma_wait3A_205 = arith.constant 0 : i32
      %dma_wait3A_206 = tpu.memref_slice %arg5[%dma_wait3A_204, %dma_wait3A_205] : memref<10000x16xi32, #tpu.memory_space<hbm>> -> memref<10000x16xi32, #tpu.memory_space<hbm>>
      tpu.wait_indirect_dma semaphore(%arg25 : memref<!tpu.dma_semaphore, #tpu.memory_space<semaphore_mem>>) src(%dma_wait3A_206 : memref<10000x16xi32, #tpu.memory_space<hbm>>) dst(%arg22 : memref<80x16xi32, #tpu.memory_space<vmem>>)
      %dma_wait3A_207 = tpu.memref_slice %arg12[%mul3A_190] : memref<5120xi32, #tpu.memory_space<vmem>> -> memref<80xi32, #tpu.memory_space<vmem>>
      %dma_wait3A_208 = arith.constant 0 : i32
      %dma_wait3A_209 = arith.constant 0 : i32
      %dma_wait3A_210 = tpu.memref_slice %arg5[%dma_wait3A_208, %dma_wait3A_209] : memref<10000x16xi32, #tpu.memory_space<hbm>> -> memref<10000x16xi32, #tpu.memory_space<hbm>>
      tpu.wait_indirect_dma semaphore(%arg25 : memref<!tpu.dma_semaphore, #tpu.memory_space<semaphore_mem>>) src(%dma_wait3A_210 : memref<10000x16xi32, #tpu.memory_space<hbm>>) dst(%arg23 : memref<80x16xi32, #tpu.memory_space<vmem>>)
      %mul3A_211 = arith.constant 80 : i32
      %mul3A_212 = arith.muli %add3A_188, %mul3A_211 : i32
      %add3A_213 = arith.addi %mul3A_2, %mul3A_212 : i32
      "tpu.region"() ({
        %run_scoped3A = tpu.sem_alloc : memref<!tpu.dma_semaphore, #tpu.memory_space<semaphore_mem>>
        %dma_start3A_214 = arith.constant 0 : i32
        %dma_start3A_215 = tpu.memref_slice %arg9[%add3A_213, %dma_start3A_214] : memref<163840x128xi32, #tpu.memory_space<hbm>> -> memref<80x64xi32, #tpu.memory_space<hbm>>
        %dma_start3A_216 = arith.constant 0 : i32
        %dma_start3A_217 = tpu.memref_slice %arg9[%add3A_213, %dma_start3A_216] : memref<163840x128xi32, #tpu.memory_space<hbm>> -> memref<80x64xi32, #tpu.memory_space<hbm>>
        tpu.enqueue_dma source(%arg19 : memref<80x64xi32, #tpu.memory_space<vmem>>) target(%dma_start3A_217 : memref<80x64xi32, #tpu.memory_space<hbm>>) target_semaphore(%run_scoped3A : memref<!tpu.dma_semaphore, #tpu.memory_space<semaphore_mem>>)
        %dma_wait3A_218 = arith.constant 0 : i32
        %dma_wait3A_219 = tpu.memref_slice %arg9[%add3A_213, %dma_wait3A_218] : memref<163840x128xi32, #tpu.memory_space<hbm>> -> memref<80x64xi32, #tpu.memory_space<hbm>>
        %dma_wait3A_220 = arith.constant 0 : i32
        %dma_wait3A_221 = tpu.memref_slice %arg9[%add3A_213, %dma_wait3A_220] : memref<163840x128xi32, #tpu.memory_space<hbm>> -> memref<80x64xi32, #tpu.memory_space<hbm>>
        tpu.wait_dma2 semaphore(%run_scoped3A : memref<!tpu.dma_semaphore, #tpu.memory_space<semaphore_mem>>) src(%arg19 : memref<80x64xi32, #tpu.memory_space<vmem>>) dst(%dma_wait3A_221 : memref<80x64xi32, #tpu.memory_space<hbm>>)
        tpu.yield
      }) : () -> ()
      "tpu.region"() ({
        %run_scoped3A = tpu.sem_alloc : memref<!tpu.dma_semaphore, #tpu.memory_space<semaphore_mem>>
        %dma_start3A_214 = arith.constant 64 : i32
        %dma_start3A_215 = tpu.memref_slice %arg9[%add3A_213, %dma_start3A_214] : memref<163840x128xi32, #tpu.memory_space<hbm>> -> memref<80x64xi32, #tpu.memory_space<hbm>>
        %dma_start3A_216 = arith.constant 64 : i32
        %dma_start3A_217 = tpu.memref_slice %arg9[%add3A_213, %dma_start3A_216] : memref<163840x128xi32, #tpu.memory_space<hbm>> -> memref<80x64xi32, #tpu.memory_space<hbm>>
        tpu.enqueue_dma source(%arg20 : memref<80x64xi32, #tpu.memory_space<vmem>>) target(%dma_start3A_217 : memref<80x64xi32, #tpu.memory_space<hbm>>) target_semaphore(%run_scoped3A : memref<!tpu.dma_semaphore, #tpu.memory_space<semaphore_mem>>)
        %dma_wait3A_218 = arith.constant 64 : i32
        %dma_wait3A_219 = tpu.memref_slice %arg9[%add3A_213, %dma_wait3A_218] : memref<163840x128xi32, #tpu.memory_space<hbm>> -> memref<80x64xi32, #tpu.memory_space<hbm>>
        %dma_wait3A_220 = arith.constant 64 : i32
        %dma_wait3A_221 = tpu.memref_slice %arg9[%add3A_213, %dma_wait3A_220] : memref<163840x128xi32, #tpu.memory_space<hbm>> -> memref<80x64xi32, #tpu.memory_space<hbm>>
        tpu.wait_dma2 semaphore(%run_scoped3A : memref<!tpu.dma_semaphore, #tpu.memory_space<semaphore_mem>>) src(%arg20 : memref<80x64xi32, #tpu.memory_space<vmem>>) dst(%dma_wait3A_221 : memref<80x64xi32, #tpu.memory_space<hbm>>)
        tpu.yield
      }) : () -> ()
      "tpu.region"() ({
        %run_scoped3A = tpu.sem_alloc : memref<!tpu.dma_semaphore, #tpu.memory_space<semaphore_mem>>
        %dma_start3A_214 = arith.constant 0 : i32
        %dma_start3A_215 = tpu.memref_slice %arg10[%add3A_213, %dma_start3A_214] : memref<163840x128xi32, #tpu.memory_space<hbm>> -> memref<80x64xi32, #tpu.memory_space<hbm>>
        %dma_start3A_216 = arith.constant 0 : i32
        %dma_start3A_217 = tpu.memref_slice %arg10[%add3A_213, %dma_start3A_216] : memref<163840x128xi32, #tpu.memory_space<hbm>> -> memref<80x64xi32, #tpu.memory_space<hbm>>
        tpu.enqueue_dma source(%arg21 : memref<80x64xi32, #tpu.memory_space<vmem>>) target(%dma_start3A_217 : memref<80x64xi32, #tpu.memory_space<hbm>>) target_semaphore(%run_scoped3A : memref<!tpu.dma_semaphore, #tpu.memory_space<semaphore_mem>>)
        %dma_wait3A_218 = arith.constant 0 : i32
        %dma_wait3A_219 = tpu.memref_slice %arg10[%add3A_213, %dma_wait3A_218] : memref<163840x128xi32, #tpu.memory_space<hbm>> -> memref<80x64xi32, #tpu.memory_space<hbm>>
        %dma_wait3A_220 = arith.constant 0 : i32
        %dma_wait3A_221 = tpu.memref_slice %arg10[%add3A_213, %dma_wait3A_220] : memref<163840x128xi32, #tpu.memory_space<hbm>> -> memref<80x64xi32, #tpu.memory_space<hbm>>
        tpu.wait_dma2 semaphore(%run_scoped3A : memref<!tpu.dma_semaphore, #tpu.memory_space<semaphore_mem>>) src(%arg21 : memref<80x64xi32, #tpu.memory_space<vmem>>) dst(%dma_wait3A_221 : memref<80x64xi32, #tpu.memory_space<hbm>>)
        tpu.yield
      }) : () -> ()
      "tpu.region"() ({
        %run_scoped3A = tpu.sem_alloc : memref<!tpu.dma_semaphore, #tpu.memory_space<semaphore_mem>>
        %dma_start3A_214 = arith.constant 64 : i32
        %dma_start3A_215 = tpu.memref_slice %arg10[%add3A_213, %dma_start3A_214] : memref<163840x128xi32, #tpu.memory_space<hbm>> -> memref<80x16xi32, #tpu.memory_space<hbm>>
        %dma_start3A_216 = arith.constant 64 : i32
        %dma_start3A_217 = tpu.memref_slice %arg10[%add3A_213, %dma_start3A_216] : memref<163840x128xi32, #tpu.memory_space<hbm>> -> memref<80x16xi32, #tpu.memory_space<hbm>>
        tpu.enqueue_dma source(%arg22 : memref<80x16xi32, #tpu.memory_space<vmem>>) target(%dma_start3A_217 : memref<80x16xi32, #tpu.memory_space<hbm>>) target_semaphore(%run_scoped3A : memref<!tpu.dma_semaphore, #tpu.memory_space<semaphore_mem>>)
        %dma_wait3A_218 = arith.constant 64 : i32
        %dma_wait3A_219 = tpu.memref_slice %arg10[%add3A_213, %dma_wait3A_218] : memref<163840x128xi32, #tpu.memory_space<hbm>> -> memref<80x16xi32, #tpu.memory_space<hbm>>
        %dma_wait3A_220 = arith.constant 64 : i32
        %dma_wait3A_221 = tpu.memref_slice %arg10[%add3A_213, %dma_wait3A_220] : memref<163840x128xi32, #tpu.memory_space<hbm>> -> memref<80x16xi32, #tpu.memory_space<hbm>>
        tpu.wait_dma2 semaphore(%run_scoped3A : memref<!tpu.dma_semaphore, #tpu.memory_space<semaphore_mem>>) src(%arg22 : memref<80x16xi32, #tpu.memory_space<vmem>>) dst(%dma_wait3A_221 : memref<80x16xi32, #tpu.memory_space<hbm>>)
        tpu.yield
      }) : () -> ()
      "tpu.region"() ({
        %run_scoped3A = tpu.sem_alloc : memref<!tpu.dma_semaphore, #tpu.memory_space<semaphore_mem>>
        %dma_start3A_214 = arith.constant 80 : i32
        %dma_start3A_215 = tpu.memref_slice %arg10[%add3A_213, %dma_start3A_214] : memref<163840x128xi32, #tpu.memory_space<hbm>> -> memref<80x16xi32, #tpu.memory_space<hbm>>
        %dma_start3A_216 = arith.constant 80 : i32
        %dma_start3A_217 = tpu.memref_slice %arg10[%add3A_213, %dma_start3A_216] : memref<163840x128xi32, #tpu.memory_space<hbm>> -> memref<80x16xi32, #tpu.memory_space<hbm>>
        tpu.enqueue_dma source(%arg23 : memref<80x16xi32, #tpu.memory_space<vmem>>) target(%dma_start3A_217 : memref<80x16xi32, #tpu.memory_space<hbm>>) target_semaphore(%run_scoped3A : memref<!tpu.dma_semaphore, #tpu.memory_space<semaphore_mem>>)
        %dma_wait3A_218 = arith.constant 80 : i32
        %dma_wait3A_219 = tpu.memref_slice %arg10[%add3A_213, %dma_wait3A_218] : memref<163840x128xi32, #tpu.memory_space<hbm>> -> memref<80x16xi32, #tpu.memory_space<hbm>>
        %dma_wait3A_220 = arith.constant 80 : i32
        %dma_wait3A_221 = tpu.memref_slice %arg10[%add3A_213, %dma_wait3A_220] : memref<163840x128xi32, #tpu.memory_space<hbm>> -> memref<80x16xi32, #tpu.memory_space<hbm>>
        tpu.wait_dma2 semaphore(%run_scoped3A : memref<!tpu.dma_semaphore, #tpu.memory_space<semaphore_mem>>) src(%arg23 : memref<80x16xi32, #tpu.memory_space<vmem>>) dst(%dma_wait3A_221 : memref<80x16xi32, #tpu.memory_space<hbm>>)
        tpu.yield
      }) : () -> ()
    }
    %scan3A_30 = arith.constant 31 : i32
    %dma_start3A_31 = arith.constant 5040 : i32
    %dma_start3A_32 = tpu.memref_slice %arg11[%dma_start3A_31] : memref<5120xi32, #tpu.memory_space<vmem>> -> memref<80xi32, #tpu.memory_space<vmem>>
    %dma_start3A_33 = arith.constant 0 : i32
    %dma_start3A_34 = arith.constant 0 : i32
    %dma_start3A_35 = tpu.memref_slice %arg2[%dma_start3A_33, %dma_start3A_34] : memref<10000x64xi32, #tpu.memory_space<hbm>> -> memref<10000x64xi32, #tpu.memory_space<hbm>>
    tpu.enqueue_indirect_dma source(%dma_start3A_35 : memref<10000x64xi32, #tpu.memory_space<hbm>>) target(%arg19 : memref<80x64xi32, #tpu.memory_space<vmem>>) offsets(%dma_start3A_32 : memref<80xi32, #tpu.memory_space<vmem>>) semaphore(%arg25 : memref<!tpu.dma_semaphore, #tpu.memory_space<semaphore_mem>>)
    %dma_start3A_36 = arith.constant 5040 : i32
    %dma_start3A_37 = tpu.memref_slice %arg12[%dma_start3A_36] : memref<5120xi32, #tpu.memory_space<vmem>> -> memref<80xi32, #tpu.memory_space<vmem>>
    %dma_start3A_38 = arith.constant 0 : i32
    %dma_start3A_39 = arith.constant 0 : i32
    %dma_start3A_40 = tpu.memref_slice %arg3[%dma_start3A_38, %dma_start3A_39] : memref<10000x64xi32, #tpu.memory_space<hbm>> -> memref<10000x64xi32, #tpu.memory_space<hbm>>
    tpu.enqueue_indirect_dma source(%dma_start3A_40 : memref<10000x64xi32, #tpu.memory_space<hbm>>) target(%arg20 : memref<80x64xi32, #tpu.memory_space<vmem>>) offsets(%dma_start3A_37 : memref<80xi32, #tpu.memory_space<vmem>>) semaphore(%arg25 : memref<!tpu.dma_semaphore, #tpu.memory_space<semaphore_mem>>)
    %dma_start3A_41 = arith.constant 5040 : i32
    %dma_start3A_42 = tpu.memref_slice %arg13[%dma_start3A_41] : memref<5120xi32, #tpu.memory_space<vmem>> -> memref<80xi32, #tpu.memory_space<vmem>>
    %dma_start3A_43 = arith.constant 0 : i32
    %dma_start3A_44 = arith.constant 0 : i32
    %dma_start3A_45 = tpu.memref_slice %arg4[%dma_start3A_43, %dma_start3A_44] : memref<256x64xi32, #tpu.memory_space<hbm>> -> memref<256x64xi32, #tpu.memory_space<hbm>>
    tpu.enqueue_indirect_dma source(%dma_start3A_45 : memref<256x64xi32, #tpu.memory_space<hbm>>) target(%arg21 : memref<80x64xi32, #tpu.memory_space<vmem>>) offsets(%dma_start3A_42 : memref<80xi32, #tpu.memory_space<vmem>>) semaphore(%arg25 : memref<!tpu.dma_semaphore, #tpu.memory_space<semaphore_mem>>)
    %dma_start3A_46 = arith.constant 5040 : i32
    %dma_start3A_47 = tpu.memref_slice %arg11[%dma_start3A_46] : memref<5120xi32, #tpu.memory_space<vmem>> -> memref<80xi32, #tpu.memory_space<vmem>>
    %dma_start3A_48 = arith.constant 0 : i32
    %dma_start3A_49 = arith.constant 0 : i32
    %dma_start3A_50 = tpu.memref_slice %arg5[%dma_start3A_48, %dma_start3A_49] : memref<10000x16xi32, #tpu.memory_space<hbm>> -> memref<10000x16xi32, #tpu.memory_space<hbm>>
    tpu.enqueue_indirect_dma source(%dma_start3A_50 : memref<10000x16xi32, #tpu.memory_space<hbm>>) target(%arg22 : memref<80x16xi32, #tpu.memory_space<vmem>>) offsets(%dma_start3A_47 : memref<80xi32, #tpu.memory_space<vmem>>) semaphore(%arg25 : memref<!tpu.dma_semaphore, #tpu.memory_space<semaphore_mem>>)
    %dma_start3A_51 = arith.constant 5040 : i32
    %dma_start3A_52 = tpu.memref_slice %arg12[%dma_start3A_51] : memref<5120xi32, #tpu.memory_space<vmem>> -> memref<80xi32, #tpu.memory_space<vmem>>
    %dma_start3A_53 = arith.constant 0 : i32
    %dma_start3A_54 = arith.constant 0 : i32
    %dma_start3A_55 = tpu.memref_slice %arg5[%dma_start3A_53, %dma_start3A_54] : memref<10000x16xi32, #tpu.memory_space<hbm>> -> memref<10000x16xi32, #tpu.memory_space<hbm>>
    tpu.enqueue_indirect_dma source(%dma_start3A_55 : memref<10000x16xi32, #tpu.memory_space<hbm>>) target(%arg23 : memref<80x16xi32, #tpu.memory_space<vmem>>) offsets(%dma_start3A_52 : memref<80xi32, #tpu.memory_space<vmem>>) semaphore(%arg25 : memref<!tpu.dma_semaphore, #tpu.memory_space<semaphore_mem>>)
    %dma_wait3A = arith.constant 4960 : i32
    %dma_wait3A_56 = tpu.memref_slice %arg11[%dma_wait3A] : memref<5120xi32, #tpu.memory_space<vmem>> -> memref<80xi32, #tpu.memory_space<vmem>>
    %dma_wait3A_57 = arith.constant 0 : i32
    %dma_wait3A_58 = arith.constant 0 : i32
    %dma_wait3A_59 = tpu.memref_slice %arg2[%dma_wait3A_57, %dma_wait3A_58] : memref<10000x64xi32, #tpu.memory_space<hbm>> -> memref<10000x64xi32, #tpu.memory_space<hbm>>
    tpu.wait_indirect_dma semaphore(%arg24 : memref<!tpu.dma_semaphore, #tpu.memory_space<semaphore_mem>>) src(%dma_wait3A_59 : memref<10000x64xi32, #tpu.memory_space<hbm>>) dst(%arg14 : memref<80x64xi32, #tpu.memory_space<vmem>>)
    %dma_wait3A_60 = arith.constant 4960 : i32
    %dma_wait3A_61 = tpu.memref_slice %arg12[%dma_wait3A_60] : memref<5120xi32, #tpu.memory_space<vmem>> -> memref<80xi32, #tpu.memory_space<vmem>>
    %dma_wait3A_62 = arith.constant 0 : i32
    %dma_wait3A_63 = arith.constant 0 : i32
    %dma_wait3A_64 = tpu.memref_slice %arg3[%dma_wait3A_62, %dma_wait3A_63] : memref<10000x64xi32, #tpu.memory_space<hbm>> -> memref<10000x64xi32, #tpu.memory_space<hbm>>
    tpu.wait_indirect_dma semaphore(%arg24 : memref<!tpu.dma_semaphore, #tpu.memory_space<semaphore_mem>>) src(%dma_wait3A_64 : memref<10000x64xi32, #tpu.memory_space<hbm>>) dst(%arg15 : memref<80x64xi32, #tpu.memory_space<vmem>>)
    %dma_wait3A_65 = arith.constant 4960 : i32
    %dma_wait3A_66 = tpu.memref_slice %arg13[%dma_wait3A_65] : memref<5120xi32, #tpu.memory_space<vmem>> -> memref<80xi32, #tpu.memory_space<vmem>>
    %dma_wait3A_67 = arith.constant 0 : i32
    %dma_wait3A_68 = arith.constant 0 : i32
    %dma_wait3A_69 = tpu.memref_slice %arg4[%dma_wait3A_67, %dma_wait3A_68] : memref<256x64xi32, #tpu.memory_space<hbm>> -> memref<256x64xi32, #tpu.memory_space<hbm>>
    tpu.wait_indirect_dma semaphore(%arg24 : memref<!tpu.dma_semaphore, #tpu.memory_space<semaphore_mem>>) src(%dma_wait3A_69 : memref<256x64xi32, #tpu.memory_space<hbm>>) dst(%arg16 : memref<80x64xi32, #tpu.memory_space<vmem>>)
    %dma_wait3A_70 = arith.constant 4960 : i32
    %dma_wait3A_71 = tpu.memref_slice %arg11[%dma_wait3A_70] : memref<5120xi32, #tpu.memory_space<vmem>> -> memref<80xi32, #tpu.memory_space<vmem>>
    %dma_wait3A_72 = arith.constant 0 : i32
    %dma_wait3A_73 = arith.constant 0 : i32
    %dma_wait3A_74 = tpu.memref_slice %arg5[%dma_wait3A_72, %dma_wait3A_73] : memref<10000x16xi32, #tpu.memory_space<hbm>> -> memref<10000x16xi32, #tpu.memory_space<hbm>>
    tpu.wait_indirect_dma semaphore(%arg24 : memref<!tpu.dma_semaphore, #tpu.memory_space<semaphore_mem>>) src(%dma_wait3A_74 : memref<10000x16xi32, #tpu.memory_space<hbm>>) dst(%arg17 : memref<80x16xi32, #tpu.memory_space<vmem>>)
    %dma_wait3A_75 = arith.constant 4960 : i32
    %dma_wait3A_76 = tpu.memref_slice %arg12[%dma_wait3A_75] : memref<5120xi32, #tpu.memory_space<vmem>> -> memref<80xi32, #tpu.memory_space<vmem>>
    %dma_wait3A_77 = arith.constant 0 : i32
    %dma_wait3A_78 = arith.constant 0 : i32
    %dma_wait3A_79 = tpu.memref_slice %arg5[%dma_wait3A_77, %dma_wait3A_78] : memref<10000x16xi32, #tpu.memory_space<hbm>> -> memref<10000x16xi32, #tpu.memory_space<hbm>>
    tpu.wait_indirect_dma semaphore(%arg24 : memref<!tpu.dma_semaphore, #tpu.memory_space<semaphore_mem>>) src(%dma_wait3A_79 : memref<10000x16xi32, #tpu.memory_space<hbm>>) dst(%arg18 : memref<80x16xi32, #tpu.memory_space<vmem>>)
    %add3A_80 = arith.constant 4960 : i32
    %add3A_81 = arith.addi %mul3A_2, %add3A_80 : i32
    "tpu.region"() ({
      %run_scoped3A = tpu.sem_alloc : memref<!tpu.dma_semaphore, #tpu.memory_space<semaphore_mem>>
      %dma_start3A_109 = arith.constant 0 : i32
      %dma_start3A_110 = tpu.memref_slice %arg9[%add3A_81, %dma_start3A_109] : memref<163840x128xi32, #tpu.memory_space<hbm>> -> memref<80x64xi32, #tpu.memory_space<hbm>>
      %dma_start3A_111 = arith.constant 0 : i32
      %dma_start3A_112 = tpu.memref_slice %arg9[%add3A_81, %dma_start3A_111] : memref<163840x128xi32, #tpu.memory_space<hbm>> -> memref<80x64xi32, #tpu.memory_space<hbm>>
      tpu.enqueue_dma source(%arg14 : memref<80x64xi32, #tpu.memory_space<vmem>>) target(%dma_start3A_112 : memref<80x64xi32, #tpu.memory_space<hbm>>) target_semaphore(%run_scoped3A : memref<!tpu.dma_semaphore, #tpu.memory_space<semaphore_mem>>)
      %dma_wait3A_113 = arith.constant 0 : i32
      %dma_wait3A_114 = tpu.memref_slice %arg9[%add3A_81, %dma_wait3A_113] : memref<163840x128xi32, #tpu.memory_space<hbm>> -> memref<80x64xi32, #tpu.memory_space<hbm>>
      %dma_wait3A_115 = arith.constant 0 : i32
      %dma_wait3A_116 = tpu.memref_slice %arg9[%add3A_81, %dma_wait3A_115] : memref<163840x128xi32, #tpu.memory_space<hbm>> -> memref<80x64xi32, #tpu.memory_space<hbm>>
      tpu.wait_dma2 semaphore(%run_scoped3A : memref<!tpu.dma_semaphore, #tpu.memory_space<semaphore_mem>>) src(%arg14 : memref<80x64xi32, #tpu.memory_space<vmem>>) dst(%dma_wait3A_116 : memref<80x64xi32, #tpu.memory_space<hbm>>)
      tpu.yield
    }) : () -> ()
    "tpu.region"() ({
      %run_scoped3A = tpu.sem_alloc : memref<!tpu.dma_semaphore, #tpu.memory_space<semaphore_mem>>
      %dma_start3A_109 = arith.constant 64 : i32
      %dma_start3A_110 = tpu.memref_slice %arg9[%add3A_81, %dma_start3A_109] : memref<163840x128xi32, #tpu.memory_space<hbm>> -> memref<80x64xi32, #tpu.memory_space<hbm>>
      %dma_start3A_111 = arith.constant 64 : i32
      %dma_start3A_112 = tpu.memref_slice %arg9[%add3A_81, %dma_start3A_111] : memref<163840x128xi32, #tpu.memory_space<hbm>> -> memref<80x64xi32, #tpu.memory_space<hbm>>
      tpu.enqueue_dma source(%arg15 : memref<80x64xi32, #tpu.memory_space<vmem>>) target(%dma_start3A_112 : memref<80x64xi32, #tpu.memory_space<hbm>>) target_semaphore(%run_scoped3A : memref<!tpu.dma_semaphore, #tpu.memory_space<semaphore_mem>>)
      %dma_wait3A_113 = arith.constant 64 : i32
      %dma_wait3A_114 = tpu.memref_slice %arg9[%add3A_81, %dma_wait3A_113] : memref<163840x128xi32, #tpu.memory_space<hbm>> -> memref<80x64xi32, #tpu.memory_space<hbm>>
      %dma_wait3A_115 = arith.constant 64 : i32
      %dma_wait3A_116 = tpu.memref_slice %arg9[%add3A_81, %dma_wait3A_115] : memref<163840x128xi32, #tpu.memory_space<hbm>> -> memref<80x64xi32, #tpu.memory_space<hbm>>
      tpu.wait_dma2 semaphore(%run_scoped3A : memref<!tpu.dma_semaphore, #tpu.memory_space<semaphore_mem>>) src(%arg15 : memref<80x64xi32, #tpu.memory_space<vmem>>) dst(%dma_wait3A_116 : memref<80x64xi32, #tpu.memory_space<hbm>>)
      tpu.yield
    }) : () -> ()
    "tpu.region"() ({
      %run_scoped3A = tpu.sem_alloc : memref<!tpu.dma_semaphore, #tpu.memory_space<semaphore_mem>>
      %dma_start3A_109 = arith.constant 0 : i32
      %dma_start3A_110 = tpu.memref_slice %arg10[%add3A_81, %dma_start3A_109] : memref<163840x128xi32, #tpu.memory_space<hbm>> -> memref<80x64xi32, #tpu.memory_space<hbm>>
      %dma_start3A_111 = arith.constant 0 : i32
      %dma_start3A_112 = tpu.memref_slice %arg10[%add3A_81, %dma_start3A_111] : memref<163840x128xi32, #tpu.memory_space<hbm>> -> memref<80x64xi32, #tpu.memory_space<hbm>>
      tpu.enqueue_dma source(%arg16 : memref<80x64xi32, #tpu.memory_space<vmem>>) target(%dma_start3A_112 : memref<80x64xi32, #tpu.memory_space<hbm>>) target_semaphore(%run_scoped3A : memref<!tpu.dma_semaphore, #tpu.memory_space<semaphore_mem>>)
      %dma_wait3A_113 = arith.constant 0 : i32
      %dma_wait3A_114 = tpu.memref_slice %arg10[%add3A_81, %dma_wait3A_113] : memref<163840x128xi32, #tpu.memory_space<hbm>> -> memref<80x64xi32, #tpu.memory_space<hbm>>
      %dma_wait3A_115 = arith.constant 0 : i32
      %dma_wait3A_116 = tpu.memref_slice %arg10[%add3A_81, %dma_wait3A_115] : memref<163840x128xi32, #tpu.memory_space<hbm>> -> memref<80x64xi32, #tpu.memory_space<hbm>>
      tpu.wait_dma2 semaphore(%run_scoped3A : memref<!tpu.dma_semaphore, #tpu.memory_space<semaphore_mem>>) src(%arg16 : memref<80x64xi32, #tpu.memory_space<vmem>>) dst(%dma_wait3A_116 : memref<80x64xi32, #tpu.memory_space<hbm>>)
      tpu.yield
    }) : () -> ()
    "tpu.region"() ({
      %run_scoped3A = tpu.sem_alloc : memref<!tpu.dma_semaphore, #tpu.memory_space<semaphore_mem>>
      %dma_start3A_109 = arith.constant 64 : i32
      %dma_start3A_110 = tpu.memref_slice %arg10[%add3A_81, %dma_start3A_109] : memref<163840x128xi32, #tpu.memory_space<hbm>> -> memref<80x16xi32, #tpu.memory_space<hbm>>
      %dma_start3A_111 = arith.constant 64 : i32
      %dma_start3A_112 = tpu.memref_slice %arg10[%add3A_81, %dma_start3A_111] : memref<163840x128xi32, #tpu.memory_space<hbm>> -> memref<80x16xi32, #tpu.memory_space<hbm>>
      tpu.enqueue_dma source(%arg17 : memref<80x16xi32, #tpu.memory_space<vmem>>) target(%dma_start3A_112 : memref<80x16xi32, #tpu.memory_space<hbm>>) target_semaphore(%run_scoped3A : memref<!tpu.dma_semaphore, #tpu.memory_space<semaphore_mem>>)
      %dma_wait3A_113 = arith.constant 64 : i32
      %dma_wait3A_114 = tpu.memref_slice %arg10[%add3A_81, %dma_wait3A_113] : memref<163840x128xi32, #tpu.memory_space<hbm>> -> memref<80x16xi32, #tpu.memory_space<hbm>>
      %dma_wait3A_115 = arith.constant 64 : i32
      %dma_wait3A_116 = tpu.memref_slice %arg10[%add3A_81, %dma_wait3A_115] : memref<163840x128xi32, #tpu.memory_space<hbm>> -> memref<80x16xi32, #tpu.memory_space<hbm>>
      tpu.wait_dma2 semaphore(%run_scoped3A : memref<!tpu.dma_semaphore, #tpu.memory_space<semaphore_mem>>) src(%arg17 : memref<80x16xi32, #tpu.memory_space<vmem>>) dst(%dma_wait3A_116 : memref<80x16xi32, #tpu.memory_space<hbm>>)
      tpu.yield
    }) : () -> ()
    "tpu.region"() ({
      %run_scoped3A = tpu.sem_alloc : memref<!tpu.dma_semaphore, #tpu.memory_space<semaphore_mem>>
      %dma_start3A_109 = arith.constant 80 : i32
      %dma_start3A_110 = tpu.memref_slice %arg10[%add3A_81, %dma_start3A_109] : memref<163840x128xi32, #tpu.memory_space<hbm>> -> memref<80x16xi32, #tpu.memory_space<hbm>>
      %dma_start3A_111 = arith.constant 80 : i32
      %dma_start3A_112 = tpu.memref_slice %arg10[%add3A_81, %dma_start3A_111] : memref<163840x128xi32, #tpu.memory_space<hbm>> -> memref<80x16xi32, #tpu.memory_space<hbm>>
      tpu.enqueue_dma source(%arg18 : memref<80x16xi32, #tpu.memory_space<vmem>>) target(%dma_start3A_112 : memref<80x16xi32, #tpu.memory_space<hbm>>) target_semaphore(%run_scoped3A : memref<!tpu.dma_semaphore, #tpu.memory_space<semaphore_mem>>)
      %dma_wait3A_113 = arith.constant 80 : i32
      %dma_wait3A_114 = tpu.memref_slice %arg10[%add3A_81, %dma_wait3A_113] : memref<163840x128xi32, #tpu.memory_space<hbm>> -> memref<80x16xi32, #tpu.memory_space<hbm>>
      %dma_wait3A_115 = arith.constant 80 : i32
      %dma_wait3A_116 = tpu.memref_slice %arg10[%add3A_81, %dma_wait3A_115] : memref<163840x128xi32, #tpu.memory_space<hbm>> -> memref<80x16xi32, #tpu.memory_space<hbm>>
      tpu.wait_dma2 semaphore(%run_scoped3A : memref<!tpu.dma_semaphore, #tpu.memory_space<semaphore_mem>>) src(%arg18 : memref<80x16xi32, #tpu.memory_space<vmem>>) dst(%dma_wait3A_116 : memref<80x16xi32, #tpu.memory_space<hbm>>)
      tpu.yield
    }) : () -> ()
    %dma_wait3A_82 = arith.constant 5040 : i32
    %dma_wait3A_83 = tpu.memref_slice %arg11[%dma_wait3A_82] : memref<5120xi32, #tpu.memory_space<vmem>> -> memref<80xi32, #tpu.memory_space<vmem>>
    %dma_wait3A_84 = arith.constant 0 : i32
    %dma_wait3A_85 = arith.constant 0 : i32
    %dma_wait3A_86 = tpu.memref_slice %arg2[%dma_wait3A_84, %dma_wait3A_85] : memref<10000x64xi32, #tpu.memory_space<hbm>> -> memref<10000x64xi32, #tpu.memory_space<hbm>>
    tpu.wait_indirect_dma semaphore(%arg25 : memref<!tpu.dma_semaphore, #tpu.memory_space<semaphore_mem>>) src(%dma_wait3A_86 : memref<10000x64xi32, #tpu.memory_space<hbm>>) dst(%arg19 : memref<80x64xi32, #tpu.memory_space<vmem>>)
    %dma_wait3A_87 = arith.constant 5040 : i32
    %dma_wait3A_88 = tpu.memref_slice %arg12[%dma_wait3A_87] : memref<5120xi32, #tpu.memory_space<vmem>> -> memref<80xi32, #tpu.memory_space<vmem>>
    %dma_wait3A_89 = arith.constant 0 : i32
    %dma_wait3A_90 = arith.constant 0 : i32
    %dma_wait3A_91 = tpu.memref_slice %arg3[%dma_wait3A_89, %dma_wait3A_90] : memref<10000x64xi32, #tpu.memory_space<hbm>> -> memref<10000x64xi32, #tpu.memory_space<hbm>>
    tpu.wait_indirect_dma semaphore(%arg25 : memref<!tpu.dma_semaphore, #tpu.memory_space<semaphore_mem>>) src(%dma_wait3A_91 : memref<10000x64xi32, #tpu.memory_space<hbm>>) dst(%arg20 : memref<80x64xi32, #tpu.memory_space<vmem>>)
    %dma_wait3A_92 = arith.constant 5040 : i32
    %dma_wait3A_93 = tpu.memref_slice %arg13[%dma_wait3A_92] : memref<5120xi32, #tpu.memory_space<vmem>> -> memref<80xi32, #tpu.memory_space<vmem>>
    %dma_wait3A_94 = arith.constant 0 : i32
    %dma_wait3A_95 = arith.constant 0 : i32
    %dma_wait3A_96 = tpu.memref_slice %arg4[%dma_wait3A_94, %dma_wait3A_95] : memref<256x64xi32, #tpu.memory_space<hbm>> -> memref<256x64xi32, #tpu.memory_space<hbm>>
    tpu.wait_indirect_dma semaphore(%arg25 : memref<!tpu.dma_semaphore, #tpu.memory_space<semaphore_mem>>) src(%dma_wait3A_96 : memref<256x64xi32, #tpu.memory_space<hbm>>) dst(%arg21 : memref<80x64xi32, #tpu.memory_space<vmem>>)
    %dma_wait3A_97 = arith.constant 5040 : i32
    %dma_wait3A_98 = tpu.memref_slice %arg11[%dma_wait3A_97] : memref<5120xi32, #tpu.memory_space<vmem>> -> memref<80xi32, #tpu.memory_space<vmem>>
    %dma_wait3A_99 = arith.constant 0 : i32
    %dma_wait3A_100 = arith.constant 0 : i32
    %dma_wait3A_101 = tpu.memref_slice %arg5[%dma_wait3A_99, %dma_wait3A_100] : memref<10000x16xi32, #tpu.memory_space<hbm>> -> memref<10000x16xi32, #tpu.memory_space<hbm>>
    tpu.wait_indirect_dma semaphore(%arg25 : memref<!tpu.dma_semaphore, #tpu.memory_space<semaphore_mem>>) src(%dma_wait3A_101 : memref<10000x16xi32, #tpu.memory_space<hbm>>) dst(%arg22 : memref<80x16xi32, #tpu.memory_space<vmem>>)
    %dma_wait3A_102 = arith.constant 5040 : i32
    %dma_wait3A_103 = tpu.memref_slice %arg12[%dma_wait3A_102] : memref<5120xi32, #tpu.memory_space<vmem>> -> memref<80xi32, #tpu.memory_space<vmem>>
    %dma_wait3A_104 = arith.constant 0 : i32
    %dma_wait3A_105 = arith.constant 0 : i32
    %dma_wait3A_106 = tpu.memref_slice %arg5[%dma_wait3A_104, %dma_wait3A_105] : memref<10000x16xi32, #tpu.memory_space<hbm>> -> memref<10000x16xi32, #tpu.memory_space<hbm>>
    tpu.wait_indirect_dma semaphore(%arg25 : memref<!tpu.dma_semaphore, #tpu.memory_space<semaphore_mem>>) src(%dma_wait3A_106 : memref<10000x16xi32, #tpu.memory_space<hbm>>) dst(%arg23 : memref<80x16xi32, #tpu.memory_space<vmem>>)
    %add3A_107 = arith.constant 5040 : i32
    %add3A_108 = arith.addi %mul3A_2, %add3A_107 : i32
    "tpu.region"() ({
      %run_scoped3A = tpu.sem_alloc : memref<!tpu.dma_semaphore, #tpu.memory_space<semaphore_mem>>
      %dma_start3A_109 = arith.constant 0 : i32
      %dma_start3A_110 = tpu.memref_slice %arg9[%add3A_108, %dma_start3A_109] : memref<163840x128xi32, #tpu.memory_space<hbm>> -> memref<80x64xi32, #tpu.memory_space<hbm>>
      %dma_start3A_111 = arith.constant 0 : i32
      %dma_start3A_112 = tpu.memref_slice %arg9[%add3A_108, %dma_start3A_111] : memref<163840x128xi32, #tpu.memory_space<hbm>> -> memref<80x64xi32, #tpu.memory_space<hbm>>
      tpu.enqueue_dma source(%arg19 : memref<80x64xi32, #tpu.memory_space<vmem>>) target(%dma_start3A_112 : memref<80x64xi32, #tpu.memory_space<hbm>>) target_semaphore(%run_scoped3A : memref<!tpu.dma_semaphore, #tpu.memory_space<semaphore_mem>>)
      %dma_wait3A_113 = arith.constant 0 : i32
      %dma_wait3A_114 = tpu.memref_slice %arg9[%add3A_108, %dma_wait3A_113] : memref<163840x128xi32, #tpu.memory_space<hbm>> -> memref<80x64xi32, #tpu.memory_space<hbm>>
      %dma_wait3A_115 = arith.constant 0 : i32
      %dma_wait3A_116 = tpu.memref_slice %arg9[%add3A_108, %dma_wait3A_115] : memref<163840x128xi32, #tpu.memory_space<hbm>> -> memref<80x64xi32, #tpu.memory_space<hbm>>
      tpu.wait_dma2 semaphore(%run_scoped3A : memref<!tpu.dma_semaphore, #tpu.memory_space<semaphore_mem>>) src(%arg19 : memref<80x64xi32, #tpu.memory_space<vmem>>) dst(%dma_wait3A_116 : memref<80x64xi32, #tpu.memory_space<hbm>>)
      tpu.yield
    }) : () -> ()
    "tpu.region"() ({
      %run_scoped3A = tpu.sem_alloc : memref<!tpu.dma_semaphore, #tpu.memory_space<semaphore_mem>>
      %dma_start3A_109 = arith.constant 64 : i32
      %dma_start3A_110 = tpu.memref_slice %arg9[%add3A_108, %dma_start3A_109] : memref<163840x128xi32, #tpu.memory_space<hbm>> -> memref<80x64xi32, #tpu.memory_space<hbm>>
      %dma_start3A_111 = arith.constant 64 : i32
      %dma_start3A_112 = tpu.memref_slice %arg9[%add3A_108, %dma_start3A_111] : memref<163840x128xi32, #tpu.memory_space<hbm>> -> memref<80x64xi32, #tpu.memory_space<hbm>>
      tpu.enqueue_dma source(%arg20 : memref<80x64xi32, #tpu.memory_space<vmem>>) target(%dma_start3A_112 : memref<80x64xi32, #tpu.memory_space<hbm>>) target_semaphore(%run_scoped3A : memref<!tpu.dma_semaphore, #tpu.memory_space<semaphore_mem>>)
      %dma_wait3A_113 = arith.constant 64 : i32
      %dma_wait3A_114 = tpu.memref_slice %arg9[%add3A_108, %dma_wait3A_113] : memref<163840x128xi32, #tpu.memory_space<hbm>> -> memref<80x64xi32, #tpu.memory_space<hbm>>
      %dma_wait3A_115 = arith.constant 64 : i32
      %dma_wait3A_116 = tpu.memref_slice %arg9[%add3A_108, %dma_wait3A_115] : memref<163840x128xi32, #tpu.memory_space<hbm>> -> memref<80x64xi32, #tpu.memory_space<hbm>>
      tpu.wait_dma2 semaphore(%run_scoped3A : memref<!tpu.dma_semaphore, #tpu.memory_space<semaphore_mem>>) src(%arg20 : memref<80x64xi32, #tpu.memory_space<vmem>>) dst(%dma_wait3A_116 : memref<80x64xi32, #tpu.memory_space<hbm>>)
      tpu.yield
    }) : () -> ()
    "tpu.region"() ({
      %run_scoped3A = tpu.sem_alloc : memref<!tpu.dma_semaphore, #tpu.memory_space<semaphore_mem>>
      %dma_start3A_109 = arith.constant 0 : i32
      %dma_start3A_110 = tpu.memref_slice %arg10[%add3A_108, %dma_start3A_109] : memref<163840x128xi32, #tpu.memory_space<hbm>> -> memref<80x64xi32, #tpu.memory_space<hbm>>
      %dma_start3A_111 = arith.constant 0 : i32
      %dma_start3A_112 = tpu.memref_slice %arg10[%add3A_108, %dma_start3A_111] : memref<163840x128xi32, #tpu.memory_space<hbm>> -> memref<80x64xi32, #tpu.memory_space<hbm>>
      tpu.enqueue_dma source(%arg21 : memref<80x64xi32, #tpu.memory_space<vmem>>) target(%dma_start3A_112 : memref<80x64xi32, #tpu.memory_space<hbm>>) target_semaphore(%run_scoped3A : memref<!tpu.dma_semaphore, #tpu.memory_space<semaphore_mem>>)
      %dma_wait3A_113 = arith.constant 0 : i32
      %dma_wait3A_114 = tpu.memref_slice %arg10[%add3A_108, %dma_wait3A_113] : memref<163840x128xi32, #tpu.memory_space<hbm>> -> memref<80x64xi32, #tpu.memory_space<hbm>>
      %dma_wait3A_115 = arith.constant 0 : i32
      %dma_wait3A_116 = tpu.memref_slice %arg10[%add3A_108, %dma_wait3A_115] : memref<163840x128xi32, #tpu.memory_space<hbm>> -> memref<80x64xi32, #tpu.memory_space<hbm>>
      tpu.wait_dma2 semaphore(%run_scoped3A : memref<!tpu.dma_semaphore, #tpu.memory_space<semaphore_mem>>) src(%arg21 : memref<80x64xi32, #tpu.memory_space<vmem>>) dst(%dma_wait3A_116 : memref<80x64xi32, #tpu.memory_space<hbm>>)
      tpu.yield
    }) : () -> ()
    "tpu.region"() ({
      %run_scoped3A = tpu.sem_alloc : memref<!tpu.dma_semaphore, #tpu.memory_space<semaphore_mem>>
      %dma_start3A_109 = arith.constant 64 : i32
      %dma_start3A_110 = tpu.memref_slice %arg10[%add3A_108, %dma_start3A_109] : memref<163840x128xi32, #tpu.memory_space<hbm>> -> memref<80x16xi32, #tpu.memory_space<hbm>>
      %dma_start3A_111 = arith.constant 64 : i32
      %dma_start3A_112 = tpu.memref_slice %arg10[%add3A_108, %dma_start3A_111] : memref<163840x128xi32, #tpu.memory_space<hbm>> -> memref<80x16xi32, #tpu.memory_space<hbm>>
      tpu.enqueue_dma source(%arg22 : memref<80x16xi32, #tpu.memory_space<vmem>>) target(%dma_start3A_112 : memref<80x16xi32, #tpu.memory_space<hbm>>) target_semaphore(%run_scoped3A : memref<!tpu.dma_semaphore, #tpu.memory_space<semaphore_mem>>)
      %dma_wait3A_113 = arith.constant 64 : i32
      %dma_wait3A_114 = tpu.memref_slice %arg10[%add3A_108, %dma_wait3A_113] : memref<163840x128xi32, #tpu.memory_space<hbm>> -> memref<80x16xi32, #tpu.memory_space<hbm>>
      %dma_wait3A_115 = arith.constant 64 : i32
      %dma_wait3A_116 = tpu.memref_slice %arg10[%add3A_108, %dma_wait3A_115] : memref<163840x128xi32, #tpu.memory_space<hbm>> -> memref<80x16xi32, #tpu.memory_space<hbm>>
      tpu.wait_dma2 semaphore(%run_scoped3A : memref<!tpu.dma_semaphore, #tpu.memory_space<semaphore_mem>>) src(%arg22 : memref<80x16xi32, #tpu.memory_space<vmem>>) dst(%dma_wait3A_116 : memref<80x16xi32, #tpu.memory_space<hbm>>)
      tpu.yield
    }) : () -> ()
    "tpu.region"() ({
      %run_scoped3A = tpu.sem_alloc : memref<!tpu.dma_semaphore, #tpu.memory_space<semaphore_mem>>
      %dma_start3A_109 = arith.constant 80 : i32
      %dma_start3A_110 = tpu.memref_slice %arg10[%add3A_108, %dma_start3A_109] : memref<163840x128xi32, #tpu.memory_space<hbm>> -> memref<80x16xi32, #tpu.memory_space<hbm>>
      %dma_start3A_111 = arith.constant 80 : i32
      %dma_start3A_112 = tpu.memref_slice %arg10[%add3A_108, %dma_start3A_111] : memref<163840x128xi32, #tpu.memory_space<hbm>> -> memref<80x16xi32, #tpu.memory_space<hbm>>
      tpu.enqueue_dma source(%arg23 : memref<80x16xi32, #tpu.memory_space<vmem>>) target(%dma_start3A_112 : memref<80x16xi32, #tpu.memory_space<hbm>>) target_semaphore(%run_scoped3A : memref<!tpu.dma_semaphore, #tpu.memory_space<semaphore_mem>>)
      %dma_wait3A_113 = arith.constant 80 : i32
      %dma_wait3A_114 = tpu.memref_slice %arg10[%add3A_108, %dma_wait3A_113] : memref<163840x128xi32, #tpu.memory_space<hbm>> -> memref<80x16xi32, #tpu.memory_space<hbm>>
      %dma_wait3A_115 = arith.constant 80 : i32
      %dma_wait3A_116 = tpu.memref_slice %arg10[%add3A_108, %dma_wait3A_115] : memref<163840x128xi32, #tpu.memory_space<hbm>> -> memref<80x16xi32, #tpu.memory_space<hbm>>
      tpu.wait_dma2 semaphore(%run_scoped3A : memref<!tpu.dma_semaphore, #tpu.memory_space<semaphore_mem>>) src(%arg23 : memref<80x16xi32, #tpu.memory_space<vmem>>) dst(%dma_wait3A_116 : memref<80x16xi32, #tpu.memory_space<hbm>>)
      tpu.yield
    }) : () -> ()
    return
  }
}

#map = affine_map<(d0, d1) -> (0, 0)>
#map1 = affine_map<(d0, d1) -> (0)>
module attributes {stable_mosaic.version = 14 : i64} {
  func.func @_gather_body(%arg0: i32, %arg1: i32, %arg2: memref<10000x64xi32, #tpu.memory_space<hbm>>, %arg3: memref<10000x64xi32, #tpu.memory_space<hbm>>, %arg4: memref<256x64xi32, #tpu.memory_space<hbm>>, %arg5: memref<10000x16xi32, #tpu.memory_space<hbm>>, %arg6: memref<156160xi32, #tpu.memory_space<hbm>>, %arg7: memref<156160xi32, #tpu.memory_space<hbm>>, %arg8: memref<156160xi32, #tpu.memory_space<hbm>>, %arg9: memref<156160x128xi32, #tpu.memory_space<hbm>>, %arg10: memref<156160x128xi32, #tpu.memory_space<hbm>>, %arg11: memref<4880xi32, #tpu.memory_space<vmem>>, %arg12: memref<4880xi32, #tpu.memory_space<vmem>>, %arg13: memref<4880xi32, #tpu.memory_space<vmem>>, %arg14: memref<80x64xi32, #tpu.memory_space<vmem>>, %arg15: memref<80x64xi32, #tpu.memory_space<vmem>>, %arg16: memref<80x64xi32, #tpu.memory_space<vmem>>, %arg17: memref<80x16xi32, #tpu.memory_space<vmem>>, %arg18: memref<80x16xi32, #tpu.memory_space<vmem>>, %arg19: memref<80x64xi32, #tpu.memory_space<vmem>>, %arg20: memref<80x64xi32, #tpu.memory_space<vmem>>, %arg21: memref<80x64xi32, #tpu.memory_space<vmem>>, %arg22: memref<80x16xi32, #tpu.memory_space<vmem>>, %arg23: memref<80x16xi32, #tpu.memory_space<vmem>>, %arg24: memref<!tpu.dma_semaphore, #tpu.memory_space<semaphore_mem>>, %arg25: memref<!tpu.dma_semaphore, #tpu.memory_space<semaphore_mem>>) attributes {dimension_semantics = [#tpu.dimension_semantics<core_parallel>, #tpu.dimension_semantics<subcore_parallel>], iteration_bounds = array<i64: 2, 16>, scalar_prefetch = 0 : i64, scratch_operands = 15 : i64, tpu.core_type = #tpu.core_type<sc_vector_subcore>, window_params = [{transform_indices = #map}, {transform_indices = #map}, {transform_indices = #map}, {transform_indices = #map}, {transform_indices = #map1}, {transform_indices = #map1}, {transform_indices = #map1}, {transform_indices = #map}, {transform_indices = #map}]} {
    %mul3A = arith.constant 2 : i32
    %mul3A_0 = arith.muli %arg1, %mul3A : i32
    %add3A = arith.addi %mul3A_0, %arg0 : i32
    %mul3A_1 = arith.constant 4880 : i32
    %mul3A_2 = arith.muli %add3A, %mul3A_1 : i32
    "tpu.region"() ({
      %run_scoped3A = tpu.sem_alloc : memref<!tpu.dma_semaphore, #tpu.memory_space<semaphore_mem>>
      %dma_start3A_57 = tpu.memref_slice %arg6[%mul3A_2] : memref<156160xi32, #tpu.memory_space<hbm>> -> memref<4880xi32, #tpu.memory_space<hbm>>
      %dma_start3A_58 = tpu.memref_slice %arg6[%mul3A_2] : memref<156160xi32, #tpu.memory_space<hbm>> -> memref<4880xi32, #tpu.memory_space<hbm>>
      tpu.enqueue_dma source(%dma_start3A_58 : memref<4880xi32, #tpu.memory_space<hbm>>) target(%arg11 : memref<4880xi32, #tpu.memory_space<vmem>>) target_semaphore(%run_scoped3A : memref<!tpu.dma_semaphore, #tpu.memory_space<semaphore_mem>>)
      %dma_wait3A_59 = tpu.memref_slice %arg6[%mul3A_2] : memref<156160xi32, #tpu.memory_space<hbm>> -> memref<4880xi32, #tpu.memory_space<hbm>>
      %dma_wait3A_60 = tpu.memref_slice %arg6[%mul3A_2] : memref<156160xi32, #tpu.memory_space<hbm>> -> memref<4880xi32, #tpu.memory_space<hbm>>
      tpu.wait_dma2 semaphore(%run_scoped3A : memref<!tpu.dma_semaphore, #tpu.memory_space<semaphore_mem>>) src(%dma_wait3A_60 : memref<4880xi32, #tpu.memory_space<hbm>>) dst(%arg11 : memref<4880xi32, #tpu.memory_space<vmem>>)
      tpu.yield
    }) : () -> ()
    "tpu.region"() ({
      %run_scoped3A = tpu.sem_alloc : memref<!tpu.dma_semaphore, #tpu.memory_space<semaphore_mem>>
      %dma_start3A_57 = tpu.memref_slice %arg7[%mul3A_2] : memref<156160xi32, #tpu.memory_space<hbm>> -> memref<4880xi32, #tpu.memory_space<hbm>>
      %dma_start3A_58 = tpu.memref_slice %arg7[%mul3A_2] : memref<156160xi32, #tpu.memory_space<hbm>> -> memref<4880xi32, #tpu.memory_space<hbm>>
      tpu.enqueue_dma source(%dma_start3A_58 : memref<4880xi32, #tpu.memory_space<hbm>>) target(%arg12 : memref<4880xi32, #tpu.memory_space<vmem>>) target_semaphore(%run_scoped3A : memref<!tpu.dma_semaphore, #tpu.memory_space<semaphore_mem>>)
      %dma_wait3A_59 = tpu.memref_slice %arg7[%mul3A_2] : memref<156160xi32, #tpu.memory_space<hbm>> -> memref<4880xi32, #tpu.memory_space<hbm>>
      %dma_wait3A_60 = tpu.memref_slice %arg7[%mul3A_2] : memref<156160xi32, #tpu.memory_space<hbm>> -> memref<4880xi32, #tpu.memory_space<hbm>>
      tpu.wait_dma2 semaphore(%run_scoped3A : memref<!tpu.dma_semaphore, #tpu.memory_space<semaphore_mem>>) src(%dma_wait3A_60 : memref<4880xi32, #tpu.memory_space<hbm>>) dst(%arg12 : memref<4880xi32, #tpu.memory_space<vmem>>)
      tpu.yield
    }) : () -> ()
    "tpu.region"() ({
      %run_scoped3A = tpu.sem_alloc : memref<!tpu.dma_semaphore, #tpu.memory_space<semaphore_mem>>
      %dma_start3A_57 = tpu.memref_slice %arg8[%mul3A_2] : memref<156160xi32, #tpu.memory_space<hbm>> -> memref<4880xi32, #tpu.memory_space<hbm>>
      %dma_start3A_58 = tpu.memref_slice %arg8[%mul3A_2] : memref<156160xi32, #tpu.memory_space<hbm>> -> memref<4880xi32, #tpu.memory_space<hbm>>
      tpu.enqueue_dma source(%dma_start3A_58 : memref<4880xi32, #tpu.memory_space<hbm>>) target(%arg13 : memref<4880xi32, #tpu.memory_space<vmem>>) target_semaphore(%run_scoped3A : memref<!tpu.dma_semaphore, #tpu.memory_space<semaphore_mem>>)
      %dma_wait3A_59 = tpu.memref_slice %arg8[%mul3A_2] : memref<156160xi32, #tpu.memory_space<hbm>> -> memref<4880xi32, #tpu.memory_space<hbm>>
      %dma_wait3A_60 = tpu.memref_slice %arg8[%mul3A_2] : memref<156160xi32, #tpu.memory_space<hbm>> -> memref<4880xi32, #tpu.memory_space<hbm>>
      tpu.wait_dma2 semaphore(%run_scoped3A : memref<!tpu.dma_semaphore, #tpu.memory_space<semaphore_mem>>) src(%dma_wait3A_60 : memref<4880xi32, #tpu.memory_space<hbm>>) dst(%arg13 : memref<4880xi32, #tpu.memory_space<vmem>>)
      tpu.yield
    }) : () -> ()
    %dma_start3A = arith.constant 0 : i32
    %dma_start3A_3 = tpu.memref_slice %arg11[%dma_start3A] : memref<4880xi32, #tpu.memory_space<vmem>> -> memref<80xi32, #tpu.memory_space<vmem>>
    %dma_start3A_4 = arith.constant 0 : i32
    %dma_start3A_5 = arith.constant 0 : i32
    %dma_start3A_6 = tpu.memref_slice %arg2[%dma_start3A_4, %dma_start3A_5] : memref<10000x64xi32, #tpu.memory_space<hbm>> -> memref<10000x64xi32, #tpu.memory_space<hbm>>
    tpu.enqueue_indirect_dma source(%dma_start3A_6 : memref<10000x64xi32, #tpu.memory_space<hbm>>) target(%arg14 : memref<80x64xi32, #tpu.memory_space<vmem>>) offsets(%dma_start3A_3 : memref<80xi32, #tpu.memory_space<vmem>>) semaphore(%arg24 : memref<!tpu.dma_semaphore, #tpu.memory_space<semaphore_mem>>)
    %dma_start3A_7 = arith.constant 0 : i32
    %dma_start3A_8 = tpu.memref_slice %arg12[%dma_start3A_7] : memref<4880xi32, #tpu.memory_space<vmem>> -> memref<80xi32, #tpu.memory_space<vmem>>
    %dma_start3A_9 = arith.constant 0 : i32
    %dma_start3A_10 = arith.constant 0 : i32
    %dma_start3A_11 = tpu.memref_slice %arg3[%dma_start3A_9, %dma_start3A_10] : memref<10000x64xi32, #tpu.memory_space<hbm>> -> memref<10000x64xi32, #tpu.memory_space<hbm>>
    tpu.enqueue_indirect_dma source(%dma_start3A_11 : memref<10000x64xi32, #tpu.memory_space<hbm>>) target(%arg15 : memref<80x64xi32, #tpu.memory_space<vmem>>) offsets(%dma_start3A_8 : memref<80xi32, #tpu.memory_space<vmem>>) semaphore(%arg24 : memref<!tpu.dma_semaphore, #tpu.memory_space<semaphore_mem>>)
    %dma_start3A_12 = arith.constant 0 : i32
    %dma_start3A_13 = tpu.memref_slice %arg13[%dma_start3A_12] : memref<4880xi32, #tpu.memory_space<vmem>> -> memref<80xi32, #tpu.memory_space<vmem>>
    %dma_start3A_14 = arith.constant 0 : i32
    %dma_start3A_15 = arith.constant 0 : i32
    %dma_start3A_16 = tpu.memref_slice %arg4[%dma_start3A_14, %dma_start3A_15] : memref<256x64xi32, #tpu.memory_space<hbm>> -> memref<256x64xi32, #tpu.memory_space<hbm>>
    tpu.enqueue_indirect_dma source(%dma_start3A_16 : memref<256x64xi32, #tpu.memory_space<hbm>>) target(%arg16 : memref<80x64xi32, #tpu.memory_space<vmem>>) offsets(%dma_start3A_13 : memref<80xi32, #tpu.memory_space<vmem>>) semaphore(%arg24 : memref<!tpu.dma_semaphore, #tpu.memory_space<semaphore_mem>>)
    %dma_start3A_17 = arith.constant 0 : i32
    %dma_start3A_18 = tpu.memref_slice %arg11[%dma_start3A_17] : memref<4880xi32, #tpu.memory_space<vmem>> -> memref<80xi32, #tpu.memory_space<vmem>>
    %dma_start3A_19 = arith.constant 0 : i32
    %dma_start3A_20 = arith.constant 0 : i32
    %dma_start3A_21 = tpu.memref_slice %arg5[%dma_start3A_19, %dma_start3A_20] : memref<10000x16xi32, #tpu.memory_space<hbm>> -> memref<10000x16xi32, #tpu.memory_space<hbm>>
    tpu.enqueue_indirect_dma source(%dma_start3A_21 : memref<10000x16xi32, #tpu.memory_space<hbm>>) target(%arg17 : memref<80x16xi32, #tpu.memory_space<vmem>>) offsets(%dma_start3A_18 : memref<80xi32, #tpu.memory_space<vmem>>) semaphore(%arg24 : memref<!tpu.dma_semaphore, #tpu.memory_space<semaphore_mem>>)
    %dma_start3A_22 = arith.constant 0 : i32
    %dma_start3A_23 = tpu.memref_slice %arg12[%dma_start3A_22] : memref<4880xi32, #tpu.memory_space<vmem>> -> memref<80xi32, #tpu.memory_space<vmem>>
    %dma_start3A_24 = arith.constant 0 : i32
    %dma_start3A_25 = arith.constant 0 : i32
    %dma_start3A_26 = tpu.memref_slice %arg5[%dma_start3A_24, %dma_start3A_25] : memref<10000x16xi32, #tpu.memory_space<hbm>> -> memref<10000x16xi32, #tpu.memory_space<hbm>>
    tpu.enqueue_indirect_dma source(%dma_start3A_26 : memref<10000x16xi32, #tpu.memory_space<hbm>>) target(%arg18 : memref<80x16xi32, #tpu.memory_space<vmem>>) offsets(%dma_start3A_23 : memref<80xi32, #tpu.memory_space<vmem>>) semaphore(%arg24 : memref<!tpu.dma_semaphore, #tpu.memory_space<semaphore_mem>>)
    %scan3A = arith.constant 0 : i32
    %scan3A_27 = arith.constant 30 : i32
    %scan3A_28 = arith.addi %scan3A, %scan3A_27 : i32
    %scan3A_29 = arith.constant 1 : i32
    scf.for %scan3A_57 = %scan3A to %scan3A_28 step %scan3A_29  : i32 {
      %mul3A_58 = arith.constant 2 : i32
      %mul3A_59 = arith.muli %scan3A_57, %mul3A_58 : i32
      %add3A_60 = arith.constant 0 : i32
      %add3A_61 = arith.addi %add3A_60, %mul3A_59 : i32
      %add3A_62 = arith.constant 1 : i32
      %add3A_63 = arith.addi %add3A_61, %add3A_62 : i32
      %mul3A_64 = arith.constant 80 : i32
      %mul3A_65 = arith.muli %add3A_63, %mul3A_64 : i32
      %dma_start3A_66 = tpu.memref_slice %arg11[%mul3A_65] : memref<4880xi32, #tpu.memory_space<vmem>> -> memref<80xi32, #tpu.memory_space<vmem>>
      %dma_start3A_67 = arith.constant 0 : i32
      %dma_start3A_68 = arith.constant 0 : i32
      %dma_start3A_69 = tpu.memref_slice %arg2[%dma_start3A_67, %dma_start3A_68] : memref<10000x64xi32, #tpu.memory_space<hbm>> -> memref<10000x64xi32, #tpu.memory_space<hbm>>
      tpu.enqueue_indirect_dma source(%dma_start3A_69 : memref<10000x64xi32, #tpu.memory_space<hbm>>) target(%arg19 : memref<80x64xi32, #tpu.memory_space<vmem>>) offsets(%dma_start3A_66 : memref<80xi32, #tpu.memory_space<vmem>>) semaphore(%arg25 : memref<!tpu.dma_semaphore, #tpu.memory_space<semaphore_mem>>)
      %dma_start3A_70 = tpu.memref_slice %arg12[%mul3A_65] : memref<4880xi32, #tpu.memory_space<vmem>> -> memref<80xi32, #tpu.memory_space<vmem>>
      %dma_start3A_71 = arith.constant 0 : i32
      %dma_start3A_72 = arith.constant 0 : i32
      %dma_start3A_73 = tpu.memref_slice %arg3[%dma_start3A_71, %dma_start3A_72] : memref<10000x64xi32, #tpu.memory_space<hbm>> -> memref<10000x64xi32, #tpu.memory_space<hbm>>
      tpu.enqueue_indirect_dma source(%dma_start3A_73 : memref<10000x64xi32, #tpu.memory_space<hbm>>) target(%arg20 : memref<80x64xi32, #tpu.memory_space<vmem>>) offsets(%dma_start3A_70 : memref<80xi32, #tpu.memory_space<vmem>>) semaphore(%arg25 : memref<!tpu.dma_semaphore, #tpu.memory_space<semaphore_mem>>)
      %dma_start3A_74 = tpu.memref_slice %arg13[%mul3A_65] : memref<4880xi32, #tpu.memory_space<vmem>> -> memref<80xi32, #tpu.memory_space<vmem>>
      %dma_start3A_75 = arith.constant 0 : i32
      %dma_start3A_76 = arith.constant 0 : i32
      %dma_start3A_77 = tpu.memref_slice %arg4[%dma_start3A_75, %dma_start3A_76] : memref<256x64xi32, #tpu.memory_space<hbm>> -> memref<256x64xi32, #tpu.memory_space<hbm>>
      tpu.enqueue_indirect_dma source(%dma_start3A_77 : memref<256x64xi32, #tpu.memory_space<hbm>>) target(%arg21 : memref<80x64xi32, #tpu.memory_space<vmem>>) offsets(%dma_start3A_74 : memref<80xi32, #tpu.memory_space<vmem>>) semaphore(%arg25 : memref<!tpu.dma_semaphore, #tpu.memory_space<semaphore_mem>>)
      %dma_start3A_78 = tpu.memref_slice %arg11[%mul3A_65] : memref<4880xi32, #tpu.memory_space<vmem>> -> memref<80xi32, #tpu.memory_space<vmem>>
      %dma_start3A_79 = arith.constant 0 : i32
      %dma_start3A_80 = arith.constant 0 : i32
      %dma_start3A_81 = tpu.memref_slice %arg5[%dma_start3A_79, %dma_start3A_80] : memref<10000x16xi32, #tpu.memory_space<hbm>> -> memref<10000x16xi32, #tpu.memory_space<hbm>>
      tpu.enqueue_indirect_dma source(%dma_start3A_81 : memref<10000x16xi32, #tpu.memory_space<hbm>>) target(%arg22 : memref<80x16xi32, #tpu.memory_space<vmem>>) offsets(%dma_start3A_78 : memref<80xi32, #tpu.memory_space<vmem>>) semaphore(%arg25 : memref<!tpu.dma_semaphore, #tpu.memory_space<semaphore_mem>>)
      %dma_start3A_82 = tpu.memref_slice %arg12[%mul3A_65] : memref<4880xi32, #tpu.memory_space<vmem>> -> memref<80xi32, #tpu.memory_space<vmem>>
      %dma_start3A_83 = arith.constant 0 : i32
      %dma_start3A_84 = arith.constant 0 : i32
      %dma_start3A_85 = tpu.memref_slice %arg5[%dma_start3A_83, %dma_start3A_84] : memref<10000x16xi32, #tpu.memory_space<hbm>> -> memref<10000x16xi32, #tpu.memory_space<hbm>>
      tpu.enqueue_indirect_dma source(%dma_start3A_85 : memref<10000x16xi32, #tpu.memory_space<hbm>>) target(%arg23 : memref<80x16xi32, #tpu.memory_space<vmem>>) offsets(%dma_start3A_82 : memref<80xi32, #tpu.memory_space<vmem>>) semaphore(%arg25 : memref<!tpu.dma_semaphore, #tpu.memory_space<semaphore_mem>>)
      %mul3A_86 = arith.constant 80 : i32
      %mul3A_87 = arith.muli %add3A_61, %mul3A_86 : i32
      %dma_wait3A_88 = tpu.memref_slice %arg11[%mul3A_87] : memref<4880xi32, #tpu.memory_space<vmem>> -> memref<80xi32, #tpu.memory_space<vmem>>
      %dma_wait3A_89 = arith.constant 0 : i32
      %dma_wait3A_90 = arith.constant 0 : i32
      %dma_wait3A_91 = tpu.memref_slice %arg2[%dma_wait3A_89, %dma_wait3A_90] : memref<10000x64xi32, #tpu.memory_space<hbm>> -> memref<10000x64xi32, #tpu.memory_space<hbm>>
      tpu.wait_indirect_dma semaphore(%arg24 : memref<!tpu.dma_semaphore, #tpu.memory_space<semaphore_mem>>) src(%dma_wait3A_91 : memref<10000x64xi32, #tpu.memory_space<hbm>>) dst(%arg14 : memref<80x64xi32, #tpu.memory_space<vmem>>)
      %dma_wait3A_92 = tpu.memref_slice %arg12[%mul3A_87] : memref<4880xi32, #tpu.memory_space<vmem>> -> memref<80xi32, #tpu.memory_space<vmem>>
      %dma_wait3A_93 = arith.constant 0 : i32
      %dma_wait3A_94 = arith.constant 0 : i32
      %dma_wait3A_95 = tpu.memref_slice %arg3[%dma_wait3A_93, %dma_wait3A_94] : memref<10000x64xi32, #tpu.memory_space<hbm>> -> memref<10000x64xi32, #tpu.memory_space<hbm>>
      tpu.wait_indirect_dma semaphore(%arg24 : memref<!tpu.dma_semaphore, #tpu.memory_space<semaphore_mem>>) src(%dma_wait3A_95 : memref<10000x64xi32, #tpu.memory_space<hbm>>) dst(%arg15 : memref<80x64xi32, #tpu.memory_space<vmem>>)
      %dma_wait3A_96 = tpu.memref_slice %arg13[%mul3A_87] : memref<4880xi32, #tpu.memory_space<vmem>> -> memref<80xi32, #tpu.memory_space<vmem>>
      %dma_wait3A_97 = arith.constant 0 : i32
      %dma_wait3A_98 = arith.constant 0 : i32
      %dma_wait3A_99 = tpu.memref_slice %arg4[%dma_wait3A_97, %dma_wait3A_98] : memref<256x64xi32, #tpu.memory_space<hbm>> -> memref<256x64xi32, #tpu.memory_space<hbm>>
      tpu.wait_indirect_dma semaphore(%arg24 : memref<!tpu.dma_semaphore, #tpu.memory_space<semaphore_mem>>) src(%dma_wait3A_99 : memref<256x64xi32, #tpu.memory_space<hbm>>) dst(%arg16 : memref<80x64xi32, #tpu.memory_space<vmem>>)
      %dma_wait3A_100 = tpu.memref_slice %arg11[%mul3A_87] : memref<4880xi32, #tpu.memory_space<vmem>> -> memref<80xi32, #tpu.memory_space<vmem>>
      %dma_wait3A_101 = arith.constant 0 : i32
      %dma_wait3A_102 = arith.constant 0 : i32
      %dma_wait3A_103 = tpu.memref_slice %arg5[%dma_wait3A_101, %dma_wait3A_102] : memref<10000x16xi32, #tpu.memory_space<hbm>> -> memref<10000x16xi32, #tpu.memory_space<hbm>>
      tpu.wait_indirect_dma semaphore(%arg24 : memref<!tpu.dma_semaphore, #tpu.memory_space<semaphore_mem>>) src(%dma_wait3A_103 : memref<10000x16xi32, #tpu.memory_space<hbm>>) dst(%arg17 : memref<80x16xi32, #tpu.memory_space<vmem>>)
      %dma_wait3A_104 = tpu.memref_slice %arg12[%mul3A_87] : memref<4880xi32, #tpu.memory_space<vmem>> -> memref<80xi32, #tpu.memory_space<vmem>>
      %dma_wait3A_105 = arith.constant 0 : i32
      %dma_wait3A_106 = arith.constant 0 : i32
      %dma_wait3A_107 = tpu.memref_slice %arg5[%dma_wait3A_105, %dma_wait3A_106] : memref<10000x16xi32, #tpu.memory_space<hbm>> -> memref<10000x16xi32, #tpu.memory_space<hbm>>
      tpu.wait_indirect_dma semaphore(%arg24 : memref<!tpu.dma_semaphore, #tpu.memory_space<semaphore_mem>>) src(%dma_wait3A_107 : memref<10000x16xi32, #tpu.memory_space<hbm>>) dst(%arg18 : memref<80x16xi32, #tpu.memory_space<vmem>>)
      %mul3A_108 = arith.constant 80 : i32
      %mul3A_109 = arith.muli %add3A_61, %mul3A_108 : i32
      %add3A_110 = arith.addi %mul3A_2, %mul3A_109 : i32
      "tpu.region"() ({
        %run_scoped3A = tpu.sem_alloc : memref<!tpu.dma_semaphore, #tpu.memory_space<semaphore_mem>>
        %dma_start3A_162 = arith.constant 0 : i32
        %dma_start3A_163 = tpu.memref_slice %arg9[%add3A_110, %dma_start3A_162] : memref<156160x128xi32, #tpu.memory_space<hbm>> -> memref<80x64xi32, #tpu.memory_space<hbm>>
        %dma_start3A_164 = arith.constant 0 : i32
        %dma_start3A_165 = tpu.memref_slice %arg9[%add3A_110, %dma_start3A_164] : memref<156160x128xi32, #tpu.memory_space<hbm>> -> memref<80x64xi32, #tpu.memory_space<hbm>>
        tpu.enqueue_dma source(%arg14 : memref<80x64xi32, #tpu.memory_space<vmem>>) target(%dma_start3A_165 : memref<80x64xi32, #tpu.memory_space<hbm>>) target_semaphore(%run_scoped3A : memref<!tpu.dma_semaphore, #tpu.memory_space<semaphore_mem>>)
        %dma_wait3A_166 = arith.constant 0 : i32
        %dma_wait3A_167 = tpu.memref_slice %arg9[%add3A_110, %dma_wait3A_166] : memref<156160x128xi32, #tpu.memory_space<hbm>> -> memref<80x64xi32, #tpu.memory_space<hbm>>
        %dma_wait3A_168 = arith.constant 0 : i32
        %dma_wait3A_169 = tpu.memref_slice %arg9[%add3A_110, %dma_wait3A_168] : memref<156160x128xi32, #tpu.memory_space<hbm>> -> memref<80x64xi32, #tpu.memory_space<hbm>>
        tpu.wait_dma2 semaphore(%run_scoped3A : memref<!tpu.dma_semaphore, #tpu.memory_space<semaphore_mem>>) src(%arg14 : memref<80x64xi32, #tpu.memory_space<vmem>>) dst(%dma_wait3A_169 : memref<80x64xi32, #tpu.memory_space<hbm>>)
        tpu.yield
      }) : () -> ()
      "tpu.region"() ({
        %run_scoped3A = tpu.sem_alloc : memref<!tpu.dma_semaphore, #tpu.memory_space<semaphore_mem>>
        %dma_start3A_162 = arith.constant 64 : i32
        %dma_start3A_163 = tpu.memref_slice %arg9[%add3A_110, %dma_start3A_162] : memref<156160x128xi32, #tpu.memory_space<hbm>> -> memref<80x64xi32, #tpu.memory_space<hbm>>
        %dma_start3A_164 = arith.constant 64 : i32
        %dma_start3A_165 = tpu.memref_slice %arg9[%add3A_110, %dma_start3A_164] : memref<156160x128xi32, #tpu.memory_space<hbm>> -> memref<80x64xi32, #tpu.memory_space<hbm>>
        tpu.enqueue_dma source(%arg15 : memref<80x64xi32, #tpu.memory_space<vmem>>) target(%dma_start3A_165 : memref<80x64xi32, #tpu.memory_space<hbm>>) target_semaphore(%run_scoped3A : memref<!tpu.dma_semaphore, #tpu.memory_space<semaphore_mem>>)
        %dma_wait3A_166 = arith.constant 64 : i32
        %dma_wait3A_167 = tpu.memref_slice %arg9[%add3A_110, %dma_wait3A_166] : memref<156160x128xi32, #tpu.memory_space<hbm>> -> memref<80x64xi32, #tpu.memory_space<hbm>>
        %dma_wait3A_168 = arith.constant 64 : i32
        %dma_wait3A_169 = tpu.memref_slice %arg9[%add3A_110, %dma_wait3A_168] : memref<156160x128xi32, #tpu.memory_space<hbm>> -> memref<80x64xi32, #tpu.memory_space<hbm>>
        tpu.wait_dma2 semaphore(%run_scoped3A : memref<!tpu.dma_semaphore, #tpu.memory_space<semaphore_mem>>) src(%arg15 : memref<80x64xi32, #tpu.memory_space<vmem>>) dst(%dma_wait3A_169 : memref<80x64xi32, #tpu.memory_space<hbm>>)
        tpu.yield
      }) : () -> ()
      "tpu.region"() ({
        %run_scoped3A = tpu.sem_alloc : memref<!tpu.dma_semaphore, #tpu.memory_space<semaphore_mem>>
        %dma_start3A_162 = arith.constant 0 : i32
        %dma_start3A_163 = tpu.memref_slice %arg10[%add3A_110, %dma_start3A_162] : memref<156160x128xi32, #tpu.memory_space<hbm>> -> memref<80x64xi32, #tpu.memory_space<hbm>>
        %dma_start3A_164 = arith.constant 0 : i32
        %dma_start3A_165 = tpu.memref_slice %arg10[%add3A_110, %dma_start3A_164] : memref<156160x128xi32, #tpu.memory_space<hbm>> -> memref<80x64xi32, #tpu.memory_space<hbm>>
        tpu.enqueue_dma source(%arg16 : memref<80x64xi32, #tpu.memory_space<vmem>>) target(%dma_start3A_165 : memref<80x64xi32, #tpu.memory_space<hbm>>) target_semaphore(%run_scoped3A : memref<!tpu.dma_semaphore, #tpu.memory_space<semaphore_mem>>)
        %dma_wait3A_166 = arith.constant 0 : i32
        %dma_wait3A_167 = tpu.memref_slice %arg10[%add3A_110, %dma_wait3A_166] : memref<156160x128xi32, #tpu.memory_space<hbm>> -> memref<80x64xi32, #tpu.memory_space<hbm>>
        %dma_wait3A_168 = arith.constant 0 : i32
        %dma_wait3A_169 = tpu.memref_slice %arg10[%add3A_110, %dma_wait3A_168] : memref<156160x128xi32, #tpu.memory_space<hbm>> -> memref<80x64xi32, #tpu.memory_space<hbm>>
        tpu.wait_dma2 semaphore(%run_scoped3A : memref<!tpu.dma_semaphore, #tpu.memory_space<semaphore_mem>>) src(%arg16 : memref<80x64xi32, #tpu.memory_space<vmem>>) dst(%dma_wait3A_169 : memref<80x64xi32, #tpu.memory_space<hbm>>)
        tpu.yield
      }) : () -> ()
      "tpu.region"() ({
        %run_scoped3A = tpu.sem_alloc : memref<!tpu.dma_semaphore, #tpu.memory_space<semaphore_mem>>
        %dma_start3A_162 = arith.constant 64 : i32
        %dma_start3A_163 = tpu.memref_slice %arg10[%add3A_110, %dma_start3A_162] : memref<156160x128xi32, #tpu.memory_space<hbm>> -> memref<80x16xi32, #tpu.memory_space<hbm>>
        %dma_start3A_164 = arith.constant 64 : i32
        %dma_start3A_165 = tpu.memref_slice %arg10[%add3A_110, %dma_start3A_164] : memref<156160x128xi32, #tpu.memory_space<hbm>> -> memref<80x16xi32, #tpu.memory_space<hbm>>
        tpu.enqueue_dma source(%arg17 : memref<80x16xi32, #tpu.memory_space<vmem>>) target(%dma_start3A_165 : memref<80x16xi32, #tpu.memory_space<hbm>>) target_semaphore(%run_scoped3A : memref<!tpu.dma_semaphore, #tpu.memory_space<semaphore_mem>>)
        %dma_wait3A_166 = arith.constant 64 : i32
        %dma_wait3A_167 = tpu.memref_slice %arg10[%add3A_110, %dma_wait3A_166] : memref<156160x128xi32, #tpu.memory_space<hbm>> -> memref<80x16xi32, #tpu.memory_space<hbm>>
        %dma_wait3A_168 = arith.constant 64 : i32
        %dma_wait3A_169 = tpu.memref_slice %arg10[%add3A_110, %dma_wait3A_168] : memref<156160x128xi32, #tpu.memory_space<hbm>> -> memref<80x16xi32, #tpu.memory_space<hbm>>
        tpu.wait_dma2 semaphore(%run_scoped3A : memref<!tpu.dma_semaphore, #tpu.memory_space<semaphore_mem>>) src(%arg17 : memref<80x16xi32, #tpu.memory_space<vmem>>) dst(%dma_wait3A_169 : memref<80x16xi32, #tpu.memory_space<hbm>>)
        tpu.yield
      }) : () -> ()
      "tpu.region"() ({
        %run_scoped3A = tpu.sem_alloc : memref<!tpu.dma_semaphore, #tpu.memory_space<semaphore_mem>>
        %dma_start3A_162 = arith.constant 80 : i32
        %dma_start3A_163 = tpu.memref_slice %arg10[%add3A_110, %dma_start3A_162] : memref<156160x128xi32, #tpu.memory_space<hbm>> -> memref<80x16xi32, #tpu.memory_space<hbm>>
        %dma_start3A_164 = arith.constant 80 : i32
        %dma_start3A_165 = tpu.memref_slice %arg10[%add3A_110, %dma_start3A_164] : memref<156160x128xi32, #tpu.memory_space<hbm>> -> memref<80x16xi32, #tpu.memory_space<hbm>>
        tpu.enqueue_dma source(%arg18 : memref<80x16xi32, #tpu.memory_space<vmem>>) target(%dma_start3A_165 : memref<80x16xi32, #tpu.memory_space<hbm>>) target_semaphore(%run_scoped3A : memref<!tpu.dma_semaphore, #tpu.memory_space<semaphore_mem>>)
        %dma_wait3A_166 = arith.constant 80 : i32
        %dma_wait3A_167 = tpu.memref_slice %arg10[%add3A_110, %dma_wait3A_166] : memref<156160x128xi32, #tpu.memory_space<hbm>> -> memref<80x16xi32, #tpu.memory_space<hbm>>
        %dma_wait3A_168 = arith.constant 80 : i32
        %dma_wait3A_169 = tpu.memref_slice %arg10[%add3A_110, %dma_wait3A_168] : memref<156160x128xi32, #tpu.memory_space<hbm>> -> memref<80x16xi32, #tpu.memory_space<hbm>>
        tpu.wait_dma2 semaphore(%run_scoped3A : memref<!tpu.dma_semaphore, #tpu.memory_space<semaphore_mem>>) src(%arg18 : memref<80x16xi32, #tpu.memory_space<vmem>>) dst(%dma_wait3A_169 : memref<80x16xi32, #tpu.memory_space<hbm>>)
        tpu.yield
      }) : () -> ()
      %add3A_111 = arith.constant 2 : i32
      %add3A_112 = arith.addi %add3A_61, %add3A_111 : i32
      %mul3A_113 = arith.constant 80 : i32
      %mul3A_114 = arith.muli %add3A_112, %mul3A_113 : i32
      %dma_start3A_115 = tpu.memref_slice %arg11[%mul3A_114] : memref<4880xi32, #tpu.memory_space<vmem>> -> memref<80xi32, #tpu.memory_space<vmem>>
      %dma_start3A_116 = arith.constant 0 : i32
      %dma_start3A_117 = arith.constant 0 : i32
      %dma_start3A_118 = tpu.memref_slice %arg2[%dma_start3A_116, %dma_start3A_117] : memref<10000x64xi32, #tpu.memory_space<hbm>> -> memref<10000x64xi32, #tpu.memory_space<hbm>>
      tpu.enqueue_indirect_dma source(%dma_start3A_118 : memref<10000x64xi32, #tpu.memory_space<hbm>>) target(%arg14 : memref<80x64xi32, #tpu.memory_space<vmem>>) offsets(%dma_start3A_115 : memref<80xi32, #tpu.memory_space<vmem>>) semaphore(%arg24 : memref<!tpu.dma_semaphore, #tpu.memory_space<semaphore_mem>>)
      %dma_start3A_119 = tpu.memref_slice %arg12[%mul3A_114] : memref<4880xi32, #tpu.memory_space<vmem>> -> memref<80xi32, #tpu.memory_space<vmem>>
      %dma_start3A_120 = arith.constant 0 : i32
      %dma_start3A_121 = arith.constant 0 : i32
      %dma_start3A_122 = tpu.memref_slice %arg3[%dma_start3A_120, %dma_start3A_121] : memref<10000x64xi32, #tpu.memory_space<hbm>> -> memref<10000x64xi32, #tpu.memory_space<hbm>>
      tpu.enqueue_indirect_dma source(%dma_start3A_122 : memref<10000x64xi32, #tpu.memory_space<hbm>>) target(%arg15 : memref<80x64xi32, #tpu.memory_space<vmem>>) offsets(%dma_start3A_119 : memref<80xi32, #tpu.memory_space<vmem>>) semaphore(%arg24 : memref<!tpu.dma_semaphore, #tpu.memory_space<semaphore_mem>>)
      %dma_start3A_123 = tpu.memref_slice %arg13[%mul3A_114] : memref<4880xi32, #tpu.memory_space<vmem>> -> memref<80xi32, #tpu.memory_space<vmem>>
      %dma_start3A_124 = arith.constant 0 : i32
      %dma_start3A_125 = arith.constant 0 : i32
      %dma_start3A_126 = tpu.memref_slice %arg4[%dma_start3A_124, %dma_start3A_125] : memref<256x64xi32, #tpu.memory_space<hbm>> -> memref<256x64xi32, #tpu.memory_space<hbm>>
      tpu.enqueue_indirect_dma source(%dma_start3A_126 : memref<256x64xi32, #tpu.memory_space<hbm>>) target(%arg16 : memref<80x64xi32, #tpu.memory_space<vmem>>) offsets(%dma_start3A_123 : memref<80xi32, #tpu.memory_space<vmem>>) semaphore(%arg24 : memref<!tpu.dma_semaphore, #tpu.memory_space<semaphore_mem>>)
      %dma_start3A_127 = tpu.memref_slice %arg11[%mul3A_114] : memref<4880xi32, #tpu.memory_space<vmem>> -> memref<80xi32, #tpu.memory_space<vmem>>
      %dma_start3A_128 = arith.constant 0 : i32
      %dma_start3A_129 = arith.constant 0 : i32
      %dma_start3A_130 = tpu.memref_slice %arg5[%dma_start3A_128, %dma_start3A_129] : memref<10000x16xi32, #tpu.memory_space<hbm>> -> memref<10000x16xi32, #tpu.memory_space<hbm>>
      tpu.enqueue_indirect_dma source(%dma_start3A_130 : memref<10000x16xi32, #tpu.memory_space<hbm>>) target(%arg17 : memref<80x16xi32, #tpu.memory_space<vmem>>) offsets(%dma_start3A_127 : memref<80xi32, #tpu.memory_space<vmem>>) semaphore(%arg24 : memref<!tpu.dma_semaphore, #tpu.memory_space<semaphore_mem>>)
      %dma_start3A_131 = tpu.memref_slice %arg12[%mul3A_114] : memref<4880xi32, #tpu.memory_space<vmem>> -> memref<80xi32, #tpu.memory_space<vmem>>
      %dma_start3A_132 = arith.constant 0 : i32
      %dma_start3A_133 = arith.constant 0 : i32
      %dma_start3A_134 = tpu.memref_slice %arg5[%dma_start3A_132, %dma_start3A_133] : memref<10000x16xi32, #tpu.memory_space<hbm>> -> memref<10000x16xi32, #tpu.memory_space<hbm>>
      tpu.enqueue_indirect_dma source(%dma_start3A_134 : memref<10000x16xi32, #tpu.memory_space<hbm>>) target(%arg18 : memref<80x16xi32, #tpu.memory_space<vmem>>) offsets(%dma_start3A_131 : memref<80xi32, #tpu.memory_space<vmem>>) semaphore(%arg24 : memref<!tpu.dma_semaphore, #tpu.memory_space<semaphore_mem>>)
      %add3A_135 = arith.constant 1 : i32
      %add3A_136 = arith.addi %add3A_61, %add3A_135 : i32
      %mul3A_137 = arith.constant 80 : i32
      %mul3A_138 = arith.muli %add3A_136, %mul3A_137 : i32
      %dma_wait3A_139 = tpu.memref_slice %arg11[%mul3A_138] : memref<4880xi32, #tpu.memory_space<vmem>> -> memref<80xi32, #tpu.memory_space<vmem>>
      %dma_wait3A_140 = arith.constant 0 : i32
      %dma_wait3A_141 = arith.constant 0 : i32
      %dma_wait3A_142 = tpu.memref_slice %arg2[%dma_wait3A_140, %dma_wait3A_141] : memref<10000x64xi32, #tpu.memory_space<hbm>> -> memref<10000x64xi32, #tpu.memory_space<hbm>>
      tpu.wait_indirect_dma semaphore(%arg25 : memref<!tpu.dma_semaphore, #tpu.memory_space<semaphore_mem>>) src(%dma_wait3A_142 : memref<10000x64xi32, #tpu.memory_space<hbm>>) dst(%arg19 : memref<80x64xi32, #tpu.memory_space<vmem>>)
      %dma_wait3A_143 = tpu.memref_slice %arg12[%mul3A_138] : memref<4880xi32, #tpu.memory_space<vmem>> -> memref<80xi32, #tpu.memory_space<vmem>>
      %dma_wait3A_144 = arith.constant 0 : i32
      %dma_wait3A_145 = arith.constant 0 : i32
      %dma_wait3A_146 = tpu.memref_slice %arg3[%dma_wait3A_144, %dma_wait3A_145] : memref<10000x64xi32, #tpu.memory_space<hbm>> -> memref<10000x64xi32, #tpu.memory_space<hbm>>
      tpu.wait_indirect_dma semaphore(%arg25 : memref<!tpu.dma_semaphore, #tpu.memory_space<semaphore_mem>>) src(%dma_wait3A_146 : memref<10000x64xi32, #tpu.memory_space<hbm>>) dst(%arg20 : memref<80x64xi32, #tpu.memory_space<vmem>>)
      %dma_wait3A_147 = tpu.memref_slice %arg13[%mul3A_138] : memref<4880xi32, #tpu.memory_space<vmem>> -> memref<80xi32, #tpu.memory_space<vmem>>
      %dma_wait3A_148 = arith.constant 0 : i32
      %dma_wait3A_149 = arith.constant 0 : i32
      %dma_wait3A_150 = tpu.memref_slice %arg4[%dma_wait3A_148, %dma_wait3A_149] : memref<256x64xi32, #tpu.memory_space<hbm>> -> memref<256x64xi32, #tpu.memory_space<hbm>>
      tpu.wait_indirect_dma semaphore(%arg25 : memref<!tpu.dma_semaphore, #tpu.memory_space<semaphore_mem>>) src(%dma_wait3A_150 : memref<256x64xi32, #tpu.memory_space<hbm>>) dst(%arg21 : memref<80x64xi32, #tpu.memory_space<vmem>>)
      %dma_wait3A_151 = tpu.memref_slice %arg11[%mul3A_138] : memref<4880xi32, #tpu.memory_space<vmem>> -> memref<80xi32, #tpu.memory_space<vmem>>
      %dma_wait3A_152 = arith.constant 0 : i32
      %dma_wait3A_153 = arith.constant 0 : i32
      %dma_wait3A_154 = tpu.memref_slice %arg5[%dma_wait3A_152, %dma_wait3A_153] : memref<10000x16xi32, #tpu.memory_space<hbm>> -> memref<10000x16xi32, #tpu.memory_space<hbm>>
      tpu.wait_indirect_dma semaphore(%arg25 : memref<!tpu.dma_semaphore, #tpu.memory_space<semaphore_mem>>) src(%dma_wait3A_154 : memref<10000x16xi32, #tpu.memory_space<hbm>>) dst(%arg22 : memref<80x16xi32, #tpu.memory_space<vmem>>)
      %dma_wait3A_155 = tpu.memref_slice %arg12[%mul3A_138] : memref<4880xi32, #tpu.memory_space<vmem>> -> memref<80xi32, #tpu.memory_space<vmem>>
      %dma_wait3A_156 = arith.constant 0 : i32
      %dma_wait3A_157 = arith.constant 0 : i32
      %dma_wait3A_158 = tpu.memref_slice %arg5[%dma_wait3A_156, %dma_wait3A_157] : memref<10000x16xi32, #tpu.memory_space<hbm>> -> memref<10000x16xi32, #tpu.memory_space<hbm>>
      tpu.wait_indirect_dma semaphore(%arg25 : memref<!tpu.dma_semaphore, #tpu.memory_space<semaphore_mem>>) src(%dma_wait3A_158 : memref<10000x16xi32, #tpu.memory_space<hbm>>) dst(%arg23 : memref<80x16xi32, #tpu.memory_space<vmem>>)
      %mul3A_159 = arith.constant 80 : i32
      %mul3A_160 = arith.muli %add3A_136, %mul3A_159 : i32
      %add3A_161 = arith.addi %mul3A_2, %mul3A_160 : i32
      "tpu.region"() ({
        %run_scoped3A = tpu.sem_alloc : memref<!tpu.dma_semaphore, #tpu.memory_space<semaphore_mem>>
        %dma_start3A_162 = arith.constant 0 : i32
        %dma_start3A_163 = tpu.memref_slice %arg9[%add3A_161, %dma_start3A_162] : memref<156160x128xi32, #tpu.memory_space<hbm>> -> memref<80x64xi32, #tpu.memory_space<hbm>>
        %dma_start3A_164 = arith.constant 0 : i32
        %dma_start3A_165 = tpu.memref_slice %arg9[%add3A_161, %dma_start3A_164] : memref<156160x128xi32, #tpu.memory_space<hbm>> -> memref<80x64xi32, #tpu.memory_space<hbm>>
        tpu.enqueue_dma source(%arg19 : memref<80x64xi32, #tpu.memory_space<vmem>>) target(%dma_start3A_165 : memref<80x64xi32, #tpu.memory_space<hbm>>) target_semaphore(%run_scoped3A : memref<!tpu.dma_semaphore, #tpu.memory_space<semaphore_mem>>)
        %dma_wait3A_166 = arith.constant 0 : i32
        %dma_wait3A_167 = tpu.memref_slice %arg9[%add3A_161, %dma_wait3A_166] : memref<156160x128xi32, #tpu.memory_space<hbm>> -> memref<80x64xi32, #tpu.memory_space<hbm>>
        %dma_wait3A_168 = arith.constant 0 : i32
        %dma_wait3A_169 = tpu.memref_slice %arg9[%add3A_161, %dma_wait3A_168] : memref<156160x128xi32, #tpu.memory_space<hbm>> -> memref<80x64xi32, #tpu.memory_space<hbm>>
        tpu.wait_dma2 semaphore(%run_scoped3A : memref<!tpu.dma_semaphore, #tpu.memory_space<semaphore_mem>>) src(%arg19 : memref<80x64xi32, #tpu.memory_space<vmem>>) dst(%dma_wait3A_169 : memref<80x64xi32, #tpu.memory_space<hbm>>)
        tpu.yield
      }) : () -> ()
      "tpu.region"() ({
        %run_scoped3A = tpu.sem_alloc : memref<!tpu.dma_semaphore, #tpu.memory_space<semaphore_mem>>
        %dma_start3A_162 = arith.constant 64 : i32
        %dma_start3A_163 = tpu.memref_slice %arg9[%add3A_161, %dma_start3A_162] : memref<156160x128xi32, #tpu.memory_space<hbm>> -> memref<80x64xi32, #tpu.memory_space<hbm>>
        %dma_start3A_164 = arith.constant 64 : i32
        %dma_start3A_165 = tpu.memref_slice %arg9[%add3A_161, %dma_start3A_164] : memref<156160x128xi32, #tpu.memory_space<hbm>> -> memref<80x64xi32, #tpu.memory_space<hbm>>
        tpu.enqueue_dma source(%arg20 : memref<80x64xi32, #tpu.memory_space<vmem>>) target(%dma_start3A_165 : memref<80x64xi32, #tpu.memory_space<hbm>>) target_semaphore(%run_scoped3A : memref<!tpu.dma_semaphore, #tpu.memory_space<semaphore_mem>>)
        %dma_wait3A_166 = arith.constant 64 : i32
        %dma_wait3A_167 = tpu.memref_slice %arg9[%add3A_161, %dma_wait3A_166] : memref<156160x128xi32, #tpu.memory_space<hbm>> -> memref<80x64xi32, #tpu.memory_space<hbm>>
        %dma_wait3A_168 = arith.constant 64 : i32
        %dma_wait3A_169 = tpu.memref_slice %arg9[%add3A_161, %dma_wait3A_168] : memref<156160x128xi32, #tpu.memory_space<hbm>> -> memref<80x64xi32, #tpu.memory_space<hbm>>
        tpu.wait_dma2 semaphore(%run_scoped3A : memref<!tpu.dma_semaphore, #tpu.memory_space<semaphore_mem>>) src(%arg20 : memref<80x64xi32, #tpu.memory_space<vmem>>) dst(%dma_wait3A_169 : memref<80x64xi32, #tpu.memory_space<hbm>>)
        tpu.yield
      }) : () -> ()
      "tpu.region"() ({
        %run_scoped3A = tpu.sem_alloc : memref<!tpu.dma_semaphore, #tpu.memory_space<semaphore_mem>>
        %dma_start3A_162 = arith.constant 0 : i32
        %dma_start3A_163 = tpu.memref_slice %arg10[%add3A_161, %dma_start3A_162] : memref<156160x128xi32, #tpu.memory_space<hbm>> -> memref<80x64xi32, #tpu.memory_space<hbm>>
        %dma_start3A_164 = arith.constant 0 : i32
        %dma_start3A_165 = tpu.memref_slice %arg10[%add3A_161, %dma_start3A_164] : memref<156160x128xi32, #tpu.memory_space<hbm>> -> memref<80x64xi32, #tpu.memory_space<hbm>>
        tpu.enqueue_dma source(%arg21 : memref<80x64xi32, #tpu.memory_space<vmem>>) target(%dma_start3A_165 : memref<80x64xi32, #tpu.memory_space<hbm>>) target_semaphore(%run_scoped3A : memref<!tpu.dma_semaphore, #tpu.memory_space<semaphore_mem>>)
        %dma_wait3A_166 = arith.constant 0 : i32
        %dma_wait3A_167 = tpu.memref_slice %arg10[%add3A_161, %dma_wait3A_166] : memref<156160x128xi32, #tpu.memory_space<hbm>> -> memref<80x64xi32, #tpu.memory_space<hbm>>
        %dma_wait3A_168 = arith.constant 0 : i32
        %dma_wait3A_169 = tpu.memref_slice %arg10[%add3A_161, %dma_wait3A_168] : memref<156160x128xi32, #tpu.memory_space<hbm>> -> memref<80x64xi32, #tpu.memory_space<hbm>>
        tpu.wait_dma2 semaphore(%run_scoped3A : memref<!tpu.dma_semaphore, #tpu.memory_space<semaphore_mem>>) src(%arg21 : memref<80x64xi32, #tpu.memory_space<vmem>>) dst(%dma_wait3A_169 : memref<80x64xi32, #tpu.memory_space<hbm>>)
        tpu.yield
      }) : () -> ()
      "tpu.region"() ({
        %run_scoped3A = tpu.sem_alloc : memref<!tpu.dma_semaphore, #tpu.memory_space<semaphore_mem>>
        %dma_start3A_162 = arith.constant 64 : i32
        %dma_start3A_163 = tpu.memref_slice %arg10[%add3A_161, %dma_start3A_162] : memref<156160x128xi32, #tpu.memory_space<hbm>> -> memref<80x16xi32, #tpu.memory_space<hbm>>
        %dma_start3A_164 = arith.constant 64 : i32
        %dma_start3A_165 = tpu.memref_slice %arg10[%add3A_161, %dma_start3A_164] : memref<156160x128xi32, #tpu.memory_space<hbm>> -> memref<80x16xi32, #tpu.memory_space<hbm>>
        tpu.enqueue_dma source(%arg22 : memref<80x16xi32, #tpu.memory_space<vmem>>) target(%dma_start3A_165 : memref<80x16xi32, #tpu.memory_space<hbm>>) target_semaphore(%run_scoped3A : memref<!tpu.dma_semaphore, #tpu.memory_space<semaphore_mem>>)
        %dma_wait3A_166 = arith.constant 64 : i32
        %dma_wait3A_167 = tpu.memref_slice %arg10[%add3A_161, %dma_wait3A_166] : memref<156160x128xi32, #tpu.memory_space<hbm>> -> memref<80x16xi32, #tpu.memory_space<hbm>>
        %dma_wait3A_168 = arith.constant 64 : i32
        %dma_wait3A_169 = tpu.memref_slice %arg10[%add3A_161, %dma_wait3A_168] : memref<156160x128xi32, #tpu.memory_space<hbm>> -> memref<80x16xi32, #tpu.memory_space<hbm>>
        tpu.wait_dma2 semaphore(%run_scoped3A : memref<!tpu.dma_semaphore, #tpu.memory_space<semaphore_mem>>) src(%arg22 : memref<80x16xi32, #tpu.memory_space<vmem>>) dst(%dma_wait3A_169 : memref<80x16xi32, #tpu.memory_space<hbm>>)
        tpu.yield
      }) : () -> ()
      "tpu.region"() ({
        %run_scoped3A = tpu.sem_alloc : memref<!tpu.dma_semaphore, #tpu.memory_space<semaphore_mem>>
        %dma_start3A_162 = arith.constant 80 : i32
        %dma_start3A_163 = tpu.memref_slice %arg10[%add3A_161, %dma_start3A_162] : memref<156160x128xi32, #tpu.memory_space<hbm>> -> memref<80x16xi32, #tpu.memory_space<hbm>>
        %dma_start3A_164 = arith.constant 80 : i32
        %dma_start3A_165 = tpu.memref_slice %arg10[%add3A_161, %dma_start3A_164] : memref<156160x128xi32, #tpu.memory_space<hbm>> -> memref<80x16xi32, #tpu.memory_space<hbm>>
        tpu.enqueue_dma source(%arg23 : memref<80x16xi32, #tpu.memory_space<vmem>>) target(%dma_start3A_165 : memref<80x16xi32, #tpu.memory_space<hbm>>) target_semaphore(%run_scoped3A : memref<!tpu.dma_semaphore, #tpu.memory_space<semaphore_mem>>)
        %dma_wait3A_166 = arith.constant 80 : i32
        %dma_wait3A_167 = tpu.memref_slice %arg10[%add3A_161, %dma_wait3A_166] : memref<156160x128xi32, #tpu.memory_space<hbm>> -> memref<80x16xi32, #tpu.memory_space<hbm>>
        %dma_wait3A_168 = arith.constant 80 : i32
        %dma_wait3A_169 = tpu.memref_slice %arg10[%add3A_161, %dma_wait3A_168] : memref<156160x128xi32, #tpu.memory_space<hbm>> -> memref<80x16xi32, #tpu.memory_space<hbm>>
        tpu.wait_dma2 semaphore(%run_scoped3A : memref<!tpu.dma_semaphore, #tpu.memory_space<semaphore_mem>>) src(%arg23 : memref<80x16xi32, #tpu.memory_space<vmem>>) dst(%dma_wait3A_169 : memref<80x16xi32, #tpu.memory_space<hbm>>)
        tpu.yield
      }) : () -> ()
    }
    %scan3A_30 = arith.constant 30 : i32
    %dma_wait3A = arith.constant 4800 : i32
    %dma_wait3A_31 = tpu.memref_slice %arg11[%dma_wait3A] : memref<4880xi32, #tpu.memory_space<vmem>> -> memref<80xi32, #tpu.memory_space<vmem>>
    %dma_wait3A_32 = arith.constant 0 : i32
    %dma_wait3A_33 = arith.constant 0 : i32
    %dma_wait3A_34 = tpu.memref_slice %arg2[%dma_wait3A_32, %dma_wait3A_33] : memref<10000x64xi32, #tpu.memory_space<hbm>> -> memref<10000x64xi32, #tpu.memory_space<hbm>>
    tpu.wait_indirect_dma semaphore(%arg24 : memref<!tpu.dma_semaphore, #tpu.memory_space<semaphore_mem>>) src(%dma_wait3A_34 : memref<10000x64xi32, #tpu.memory_space<hbm>>) dst(%arg14 : memref<80x64xi32, #tpu.memory_space<vmem>>)
    %dma_wait3A_35 = arith.constant 4800 : i32
    %dma_wait3A_36 = tpu.memref_slice %arg12[%dma_wait3A_35] : memref<4880xi32, #tpu.memory_space<vmem>> -> memref<80xi32, #tpu.memory_space<vmem>>
    %dma_wait3A_37 = arith.constant 0 : i32
    %dma_wait3A_38 = arith.constant 0 : i32
    %dma_wait3A_39 = tpu.memref_slice %arg3[%dma_wait3A_37, %dma_wait3A_38] : memref<10000x64xi32, #tpu.memory_space<hbm>> -> memref<10000x64xi32, #tpu.memory_space<hbm>>
    tpu.wait_indirect_dma semaphore(%arg24 : memref<!tpu.dma_semaphore, #tpu.memory_space<semaphore_mem>>) src(%dma_wait3A_39 : memref<10000x64xi32, #tpu.memory_space<hbm>>) dst(%arg15 : memref<80x64xi32, #tpu.memory_space<vmem>>)
    %dma_wait3A_40 = arith.constant 4800 : i32
    %dma_wait3A_41 = tpu.memref_slice %arg13[%dma_wait3A_40] : memref<4880xi32, #tpu.memory_space<vmem>> -> memref<80xi32, #tpu.memory_space<vmem>>
    %dma_wait3A_42 = arith.constant 0 : i32
    %dma_wait3A_43 = arith.constant 0 : i32
    %dma_wait3A_44 = tpu.memref_slice %arg4[%dma_wait3A_42, %dma_wait3A_43] : memref<256x64xi32, #tpu.memory_space<hbm>> -> memref<256x64xi32, #tpu.memory_space<hbm>>
    tpu.wait_indirect_dma semaphore(%arg24 : memref<!tpu.dma_semaphore, #tpu.memory_space<semaphore_mem>>) src(%dma_wait3A_44 : memref<256x64xi32, #tpu.memory_space<hbm>>) dst(%arg16 : memref<80x64xi32, #tpu.memory_space<vmem>>)
    %dma_wait3A_45 = arith.constant 4800 : i32
    %dma_wait3A_46 = tpu.memref_slice %arg11[%dma_wait3A_45] : memref<4880xi32, #tpu.memory_space<vmem>> -> memref<80xi32, #tpu.memory_space<vmem>>
    %dma_wait3A_47 = arith.constant 0 : i32
    %dma_wait3A_48 = arith.constant 0 : i32
    %dma_wait3A_49 = tpu.memref_slice %arg5[%dma_wait3A_47, %dma_wait3A_48] : memref<10000x16xi32, #tpu.memory_space<hbm>> -> memref<10000x16xi32, #tpu.memory_space<hbm>>
    tpu.wait_indirect_dma semaphore(%arg24 : memref<!tpu.dma_semaphore, #tpu.memory_space<semaphore_mem>>) src(%dma_wait3A_49 : memref<10000x16xi32, #tpu.memory_space<hbm>>) dst(%arg17 : memref<80x16xi32, #tpu.memory_space<vmem>>)
    %dma_wait3A_50 = arith.constant 4800 : i32
    %dma_wait3A_51 = tpu.memref_slice %arg12[%dma_wait3A_50] : memref<4880xi32, #tpu.memory_space<vmem>> -> memref<80xi32, #tpu.memory_space<vmem>>
    %dma_wait3A_52 = arith.constant 0 : i32
    %dma_wait3A_53 = arith.constant 0 : i32
    %dma_wait3A_54 = tpu.memref_slice %arg5[%dma_wait3A_52, %dma_wait3A_53] : memref<10000x16xi32, #tpu.memory_space<hbm>> -> memref<10000x16xi32, #tpu.memory_space<hbm>>
    tpu.wait_indirect_dma semaphore(%arg24 : memref<!tpu.dma_semaphore, #tpu.memory_space<semaphore_mem>>) src(%dma_wait3A_54 : memref<10000x16xi32, #tpu.memory_space<hbm>>) dst(%arg18 : memref<80x16xi32, #tpu.memory_space<vmem>>)
    %add3A_55 = arith.constant 4800 : i32
    %add3A_56 = arith.addi %mul3A_2, %add3A_55 : i32
    "tpu.region"() ({
      %run_scoped3A = tpu.sem_alloc : memref<!tpu.dma_semaphore, #tpu.memory_space<semaphore_mem>>
      %dma_start3A_57 = arith.constant 0 : i32
      %dma_start3A_58 = tpu.memref_slice %arg9[%add3A_56, %dma_start3A_57] : memref<156160x128xi32, #tpu.memory_space<hbm>> -> memref<80x64xi32, #tpu.memory_space<hbm>>
      %dma_start3A_59 = arith.constant 0 : i32
      %dma_start3A_60 = tpu.memref_slice %arg9[%add3A_56, %dma_start3A_59] : memref<156160x128xi32, #tpu.memory_space<hbm>> -> memref<80x64xi32, #tpu.memory_space<hbm>>
      tpu.enqueue_dma source(%arg14 : memref<80x64xi32, #tpu.memory_space<vmem>>) target(%dma_start3A_60 : memref<80x64xi32, #tpu.memory_space<hbm>>) target_semaphore(%run_scoped3A : memref<!tpu.dma_semaphore, #tpu.memory_space<semaphore_mem>>)
      %dma_wait3A_61 = arith.constant 0 : i32
      %dma_wait3A_62 = tpu.memref_slice %arg9[%add3A_56, %dma_wait3A_61] : memref<156160x128xi32, #tpu.memory_space<hbm>> -> memref<80x64xi32, #tpu.memory_space<hbm>>
      %dma_wait3A_63 = arith.constant 0 : i32
      %dma_wait3A_64 = tpu.memref_slice %arg9[%add3A_56, %dma_wait3A_63] : memref<156160x128xi32, #tpu.memory_space<hbm>> -> memref<80x64xi32, #tpu.memory_space<hbm>>
      tpu.wait_dma2 semaphore(%run_scoped3A : memref<!tpu.dma_semaphore, #tpu.memory_space<semaphore_mem>>) src(%arg14 : memref<80x64xi32, #tpu.memory_space<vmem>>) dst(%dma_wait3A_64 : memref<80x64xi32, #tpu.memory_space<hbm>>)
      tpu.yield
    }) : () -> ()
    "tpu.region"() ({
      %run_scoped3A = tpu.sem_alloc : memref<!tpu.dma_semaphore, #tpu.memory_space<semaphore_mem>>
      %dma_start3A_57 = arith.constant 64 : i32
      %dma_start3A_58 = tpu.memref_slice %arg9[%add3A_56, %dma_start3A_57] : memref<156160x128xi32, #tpu.memory_space<hbm>> -> memref<80x64xi32, #tpu.memory_space<hbm>>
      %dma_start3A_59 = arith.constant 64 : i32
      %dma_start3A_60 = tpu.memref_slice %arg9[%add3A_56, %dma_start3A_59] : memref<156160x128xi32, #tpu.memory_space<hbm>> -> memref<80x64xi32, #tpu.memory_space<hbm>>
      tpu.enqueue_dma source(%arg15 : memref<80x64xi32, #tpu.memory_space<vmem>>) target(%dma_start3A_60 : memref<80x64xi32, #tpu.memory_space<hbm>>) target_semaphore(%run_scoped3A : memref<!tpu.dma_semaphore, #tpu.memory_space<semaphore_mem>>)
      %dma_wait3A_61 = arith.constant 64 : i32
      %dma_wait3A_62 = tpu.memref_slice %arg9[%add3A_56, %dma_wait3A_61] : memref<156160x128xi32, #tpu.memory_space<hbm>> -> memref<80x64xi32, #tpu.memory_space<hbm>>
      %dma_wait3A_63 = arith.constant 64 : i32
      %dma_wait3A_64 = tpu.memref_slice %arg9[%add3A_56, %dma_wait3A_63] : memref<156160x128xi32, #tpu.memory_space<hbm>> -> memref<80x64xi32, #tpu.memory_space<hbm>>
      tpu.wait_dma2 semaphore(%run_scoped3A : memref<!tpu.dma_semaphore, #tpu.memory_space<semaphore_mem>>) src(%arg15 : memref<80x64xi32, #tpu.memory_space<vmem>>) dst(%dma_wait3A_64 : memref<80x64xi32, #tpu.memory_space<hbm>>)
      tpu.yield
    }) : () -> ()
    "tpu.region"() ({
      %run_scoped3A = tpu.sem_alloc : memref<!tpu.dma_semaphore, #tpu.memory_space<semaphore_mem>>
      %dma_start3A_57 = arith.constant 0 : i32
      %dma_start3A_58 = tpu.memref_slice %arg10[%add3A_56, %dma_start3A_57] : memref<156160x128xi32, #tpu.memory_space<hbm>> -> memref<80x64xi32, #tpu.memory_space<hbm>>
      %dma_start3A_59 = arith.constant 0 : i32
      %dma_start3A_60 = tpu.memref_slice %arg10[%add3A_56, %dma_start3A_59] : memref<156160x128xi32, #tpu.memory_space<hbm>> -> memref<80x64xi32, #tpu.memory_space<hbm>>
      tpu.enqueue_dma source(%arg16 : memref<80x64xi32, #tpu.memory_space<vmem>>) target(%dma_start3A_60 : memref<80x64xi32, #tpu.memory_space<hbm>>) target_semaphore(%run_scoped3A : memref<!tpu.dma_semaphore, #tpu.memory_space<semaphore_mem>>)
      %dma_wait3A_61 = arith.constant 0 : i32
      %dma_wait3A_62 = tpu.memref_slice %arg10[%add3A_56, %dma_wait3A_61] : memref<156160x128xi32, #tpu.memory_space<hbm>> -> memref<80x64xi32, #tpu.memory_space<hbm>>
      %dma_wait3A_63 = arith.constant 0 : i32
      %dma_wait3A_64 = tpu.memref_slice %arg10[%add3A_56, %dma_wait3A_63] : memref<156160x128xi32, #tpu.memory_space<hbm>> -> memref<80x64xi32, #tpu.memory_space<hbm>>
      tpu.wait_dma2 semaphore(%run_scoped3A : memref<!tpu.dma_semaphore, #tpu.memory_space<semaphore_mem>>) src(%arg16 : memref<80x64xi32, #tpu.memory_space<vmem>>) dst(%dma_wait3A_64 : memref<80x64xi32, #tpu.memory_space<hbm>>)
      tpu.yield
    }) : () -> ()
    "tpu.region"() ({
      %run_scoped3A = tpu.sem_alloc : memref<!tpu.dma_semaphore, #tpu.memory_space<semaphore_mem>>
      %dma_start3A_57 = arith.constant 64 : i32
      %dma_start3A_58 = tpu.memref_slice %arg10[%add3A_56, %dma_start3A_57] : memref<156160x128xi32, #tpu.memory_space<hbm>> -> memref<80x16xi32, #tpu.memory_space<hbm>>
      %dma_start3A_59 = arith.constant 64 : i32
      %dma_start3A_60 = tpu.memref_slice %arg10[%add3A_56, %dma_start3A_59] : memref<156160x128xi32, #tpu.memory_space<hbm>> -> memref<80x16xi32, #tpu.memory_space<hbm>>
      tpu.enqueue_dma source(%arg17 : memref<80x16xi32, #tpu.memory_space<vmem>>) target(%dma_start3A_60 : memref<80x16xi32, #tpu.memory_space<hbm>>) target_semaphore(%run_scoped3A : memref<!tpu.dma_semaphore, #tpu.memory_space<semaphore_mem>>)
      %dma_wait3A_61 = arith.constant 64 : i32
      %dma_wait3A_62 = tpu.memref_slice %arg10[%add3A_56, %dma_wait3A_61] : memref<156160x128xi32, #tpu.memory_space<hbm>> -> memref<80x16xi32, #tpu.memory_space<hbm>>
      %dma_wait3A_63 = arith.constant 64 : i32
      %dma_wait3A_64 = tpu.memref_slice %arg10[%add3A_56, %dma_wait3A_63] : memref<156160x128xi32, #tpu.memory_space<hbm>> -> memref<80x16xi32, #tpu.memory_space<hbm>>
      tpu.wait_dma2 semaphore(%run_scoped3A : memref<!tpu.dma_semaphore, #tpu.memory_space<semaphore_mem>>) src(%arg17 : memref<80x16xi32, #tpu.memory_space<vmem>>) dst(%dma_wait3A_64 : memref<80x16xi32, #tpu.memory_space<hbm>>)
      tpu.yield
    }) : () -> ()
    "tpu.region"() ({
      %run_scoped3A = tpu.sem_alloc : memref<!tpu.dma_semaphore, #tpu.memory_space<semaphore_mem>>
      %dma_start3A_57 = arith.constant 80 : i32
      %dma_start3A_58 = tpu.memref_slice %arg10[%add3A_56, %dma_start3A_57] : memref<156160x128xi32, #tpu.memory_space<hbm>> -> memref<80x16xi32, #tpu.memory_space<hbm>>
      %dma_start3A_59 = arith.constant 80 : i32
      %dma_start3A_60 = tpu.memref_slice %arg10[%add3A_56, %dma_start3A_59] : memref<156160x128xi32, #tpu.memory_space<hbm>> -> memref<80x16xi32, #tpu.memory_space<hbm>>
      tpu.enqueue_dma source(%arg18 : memref<80x16xi32, #tpu.memory_space<vmem>>) target(%dma_start3A_60 : memref<80x16xi32, #tpu.memory_space<hbm>>) target_semaphore(%run_scoped3A : memref<!tpu.dma_semaphore, #tpu.memory_space<semaphore_mem>>)
      %dma_wait3A_61 = arith.constant 80 : i32
      %dma_wait3A_62 = tpu.memref_slice %arg10[%add3A_56, %dma_wait3A_61] : memref<156160x128xi32, #tpu.memory_space<hbm>> -> memref<80x16xi32, #tpu.memory_space<hbm>>
      %dma_wait3A_63 = arith.constant 80 : i32
      %dma_wait3A_64 = tpu.memref_slice %arg10[%add3A_56, %dma_wait3A_63] : memref<156160x128xi32, #tpu.memory_space<hbm>> -> memref<80x16xi32, #tpu.memory_space<hbm>>
      tpu.wait_dma2 semaphore(%run_scoped3A : memref<!tpu.dma_semaphore, #tpu.memory_space<semaphore_mem>>) src(%arg18 : memref<80x16xi32, #tpu.memory_space<vmem>>) dst(%dma_wait3A_64 : memref<80x16xi32, #tpu.memory_space<hbm>>)
      tpu.yield
    }) : () -> ()
    return
  }
}

#map = affine_map<(d0, d1) -> (0)>
#map1 = affine_map<(d0, d1) -> (0, 0)>
#map2 = affine_map<(d0, d1) -> (0, 0, 0)>
module attributes {stable_mosaic.version = 14 : i64} {
  func.func @_aux_body(%arg0: i32, %arg1: i32, %arg2: memref<320000xi32, #tpu.memory_space<hbm>>, %arg3: memref<80x16xf32, #tpu.memory_space<hbm>>, %arg4: memref<10000x16xf32, #tpu.memory_space<hbm>>, %arg5: memref<2x10000x16xf32, #tpu.memory_space<hbm>>, %arg6: memref<80xi32, #tpu.memory_space<vmem>>, %arg7: memref<80x16xf32, #tpu.memory_space<vmem>>, %arg8: memref<10000x16xf32, #tpu.memory_space<vmem_shared>>, %arg9: memref<!tpu.dma_semaphore, #tpu.memory_space<semaphore_mem>>) attributes {dimension_semantics = [#tpu.dimension_semantics<core_parallel>, #tpu.dimension_semantics<subcore_parallel>], iteration_bounds = array<i64: 2, 16>, scalar_prefetch = 0 : i64, scratch_operands = 4 : i64, tpu.core_type = #tpu.core_type<sc_vector_subcore>, window_params = [{transform_indices = #map}, {transform_indices = #map1}, {transform_indices = #map1}, {transform_indices = #map2}]} {
    %mul3A = arith.constant 2 : i32
    %mul3A_0 = arith.muli %arg1, %mul3A : i32
    %add3A = arith.addi %mul3A_0, %arg0 : i32
    %mul3A_1 = arith.constant 10000 : i32
    %mul3A_2 = arith.muli %add3A, %mul3A_1 : i32
    %eq3A = arith.constant 0 : i32
    %eq3A_3 = arith.cmpi eq, %arg1, %eq3A : i32
    %convert_element_type3A = arith.extui %eq3A_3 : i1 to i32
    %cond3A = arith.constant 0 : i32
    %cond3A_4 = arith.cmpi ne, %convert_element_type3A, %cond3A : i32
    scf.if %cond3A_4 {
      "tpu.region"() ({
        %run_scoped3A = tpu.sem_alloc : memref<!tpu.dma_semaphore, #tpu.memory_space<semaphore_mem>>
        tpu.enqueue_dma source(%arg4 : memref<10000x16xf32, #tpu.memory_space<hbm>>) target(%arg8 : memref<10000x16xf32, #tpu.memory_space<vmem_shared>>) target_semaphore(%run_scoped3A : memref<!tpu.dma_semaphore, #tpu.memory_space<semaphore_mem>>)
        tpu.wait_dma2 semaphore(%run_scoped3A : memref<!tpu.dma_semaphore, #tpu.memory_space<semaphore_mem>>) src(%arg4 : memref<10000x16xf32, #tpu.memory_space<hbm>>) dst(%arg8 : memref<10000x16xf32, #tpu.memory_space<vmem_shared>>)
        tpu.yield
      }) : () -> ()
    } else {
    }
    "tpu.region"() ({
      %run_scoped3A = tpu.sem_alloc : memref<!tpu.dma_semaphore, #tpu.memory_space<semaphore_mem>>
      tpu.enqueue_dma source(%arg3 : memref<80x16xf32, #tpu.memory_space<hbm>>) target(%arg7 : memref<80x16xf32, #tpu.memory_space<vmem>>) target_semaphore(%run_scoped3A : memref<!tpu.dma_semaphore, #tpu.memory_space<semaphore_mem>>)
      tpu.wait_dma2 semaphore(%run_scoped3A : memref<!tpu.dma_semaphore, #tpu.memory_space<semaphore_mem>>) src(%arg3 : memref<80x16xf32, #tpu.memory_space<hbm>>) dst(%arg7 : memref<80x16xf32, #tpu.memory_space<vmem>>)
      tpu.yield
    }) : () -> ()
    %barrier3A = arith.constant 0 : index
    tpu.barrier barrier_id(%barrier3A)
    %scan3A = arith.constant 0 : i32
    %scan3A_5 = arith.constant 125 : i32
    %scan3A_6 = arith.addi %scan3A, %scan3A_5 : i32
    %scan3A_7 = arith.constant 1 : i32
    scf.for %scan3A_15 = %scan3A to %scan3A_6 step %scan3A_7  : i32 {
      %mul3A_16 = arith.constant 80 : i32
      %mul3A_17 = arith.muli %scan3A_15, %mul3A_16 : i32
      %add3A_18 = arith.constant 0 : i32
      %add3A_19 = arith.addi %add3A_18, %mul3A_17 : i32
      %add3A_20 = arith.addi %mul3A_2, %add3A_19 : i32
      "tpu.region"() ({
        %run_scoped3A = tpu.sem_alloc : memref<!tpu.dma_semaphore, #tpu.memory_space<semaphore_mem>>
        %dma_start3A = tpu.memref_slice %arg2[%add3A_20] : memref<320000xi32, #tpu.memory_space<hbm>> -> memref<80xi32, #tpu.memory_space<hbm>>
        %dma_start3A_21 = tpu.memref_slice %arg2[%add3A_20] : memref<320000xi32, #tpu.memory_space<hbm>> -> memref<80xi32, #tpu.memory_space<hbm>>
        tpu.enqueue_dma source(%dma_start3A_21 : memref<80xi32, #tpu.memory_space<hbm>>) target(%arg6 : memref<80xi32, #tpu.memory_space<vmem>>) target_semaphore(%run_scoped3A : memref<!tpu.dma_semaphore, #tpu.memory_space<semaphore_mem>>)
        %dma_wait3A = tpu.memref_slice %arg2[%add3A_20] : memref<320000xi32, #tpu.memory_space<hbm>> -> memref<80xi32, #tpu.memory_space<hbm>>
        %dma_wait3A_22 = tpu.memref_slice %arg2[%add3A_20] : memref<320000xi32, #tpu.memory_space<hbm>> -> memref<80xi32, #tpu.memory_space<hbm>>
        tpu.wait_dma2 semaphore(%run_scoped3A : memref<!tpu.dma_semaphore, #tpu.memory_space<semaphore_mem>>) src(%dma_wait3A_22 : memref<80xi32, #tpu.memory_space<hbm>>) dst(%arg6 : memref<80xi32, #tpu.memory_space<vmem>>)
        tpu.yield
      }) : () -> ()
      "tpu.region"() ({
        %run_scoped3A = tpu.sem_alloc : memref<!tpu.dma_semaphore, #tpu.memory_space<semaphore_mem>>
        %dma_start3A = arith.constant 0 : i32
        %dma_start3A_21 = arith.constant 0 : i32
        %dma_start3A_22 = tpu.memref_slice %arg8[%dma_start3A, %dma_start3A_21] : memref<10000x16xf32, #tpu.memory_space<vmem_shared>> -> memref<10000x16xf32, #tpu.memory_space<vmem_shared>>
        tpu.enqueue_indirect_dma source(%arg7 : memref<80x16xf32, #tpu.memory_space<vmem>>) target(%dma_start3A_22 : memref<10000x16xf32, #tpu.memory_space<vmem_shared>>) offsets(%arg6 : memref<80xi32, #tpu.memory_space<vmem>>) semaphore(%run_scoped3A : memref<!tpu.dma_semaphore, #tpu.memory_space<semaphore_mem>>) {add = true}
        %dma_wait3A = arith.constant 0 : i32
        %dma_wait3A_23 = arith.constant 0 : i32
        %dma_wait3A_24 = tpu.memref_slice %arg8[%dma_wait3A, %dma_wait3A_23] : memref<10000x16xf32, #tpu.memory_space<vmem_shared>> -> memref<10000x16xf32, #tpu.memory_space<vmem_shared>>
        tpu.wait_indirect_dma semaphore(%run_scoped3A : memref<!tpu.dma_semaphore, #tpu.memory_space<semaphore_mem>>) src(%arg7 : memref<80x16xf32, #tpu.memory_space<vmem>>) dst(%dma_wait3A_24 : memref<10000x16xf32, #tpu.memory_space<vmem_shared>>)
        tpu.yield
      }) : () -> ()
    }
    %scan3A_8 = arith.constant 125 : i32
    %barrier3A_9 = arith.constant 0 : index
    tpu.barrier barrier_id(%barrier3A_9)
    %eq3A_10 = arith.constant 0 : i32
    %eq3A_11 = arith.cmpi eq, %arg1, %eq3A_10 : i32
    %convert_element_type3A_12 = arith.extui %eq3A_11 : i1 to i32
    %cond3A_13 = arith.constant 0 : i32
    %cond3A_14 = arith.cmpi ne, %convert_element_type3A_12, %cond3A_13 : i32
    scf.if %cond3A_14 {
      "tpu.region"() ({
        %run_scoped3A = tpu.sem_alloc : memref<!tpu.dma_semaphore, #tpu.memory_space<semaphore_mem>>
        %dma_start3A = arith.constant 0 : i32
        %dma_start3A_15 = arith.constant 0 : i32
        %dma_start3A_16 = tpu.memref_slice %arg5[%arg0, %dma_start3A, %dma_start3A_15] : memref<2x10000x16xf32, #tpu.memory_space<hbm>> -> memref<1x10000x16xf32, #tpu.memory_space<hbm>>
        %dma_start3A_17 = tpu.memref_squeeze %dma_start3A_16 : memref<1x10000x16xf32, #tpu.memory_space<hbm>> -> memref<10000x16xf32, #tpu.memory_space<hbm>>
        tpu.enqueue_dma source(%arg8 : memref<10000x16xf32, #tpu.memory_space<vmem_shared>>) target(%dma_start3A_17 : memref<10000x16xf32, #tpu.memory_space<hbm>>) target_semaphore(%run_scoped3A : memref<!tpu.dma_semaphore, #tpu.memory_space<semaphore_mem>>)
        %dma_wait3A = arith.constant 0 : i32
        %dma_wait3A_18 = arith.constant 0 : i32
        %dma_wait3A_19 = tpu.memref_slice %arg5[%arg0, %dma_wait3A, %dma_wait3A_18] : memref<2x10000x16xf32, #tpu.memory_space<hbm>> -> memref<1x10000x16xf32, #tpu.memory_space<hbm>>
        %dma_wait3A_20 = tpu.memref_squeeze %dma_wait3A_19 : memref<1x10000x16xf32, #tpu.memory_space<hbm>> -> memref<10000x16xf32, #tpu.memory_space<hbm>>
        tpu.wait_dma2 semaphore(%run_scoped3A : memref<!tpu.dma_semaphore, #tpu.memory_space<semaphore_mem>>) src(%arg8 : memref<10000x16xf32, #tpu.memory_space<vmem_shared>>) dst(%dma_wait3A_20 : memref<10000x16xf32, #tpu.memory_space<hbm>>)
        tpu.yield
      }) : () -> ()
    } else {
    }
    return
  }
}

#map = affine_map<(d0, d1) -> (0, 0)>
#map1 = affine_map<(d0, d1) -> (0)>
#map2 = affine_map<(d0, d1) -> (0, 0, 0)>
module attributes {stable_mosaic.version = 14 : i64} {
  func.func @_scatter_body(%arg0: i32, %arg1: i32, %arg2: memref<156160x128xf32, #tpu.memory_space<hbm>>, %arg3: memref<156160xi32, #tpu.memory_space<hbm>>, %arg4: memref<2x10000x128xf32, #tpu.memory_space<hbm>>, %arg5: memref<2x10000x128xf32, #tpu.memory_space<hbm>>, %arg6: memref<80xi32, #tpu.memory_space<vmem>>, %arg7: memref<80x128xf32, #tpu.memory_space<vmem>>, %arg8: memref<10000x128xf32, #tpu.memory_space<vmem_shared>>, %arg9: memref<!tpu.dma_semaphore, #tpu.memory_space<semaphore_mem>>) attributes {dimension_semantics = [#tpu.dimension_semantics<core_parallel>, #tpu.dimension_semantics<subcore_parallel>], iteration_bounds = array<i64: 2, 16>, scalar_prefetch = 0 : i64, scratch_operands = 4 : i64, tpu.core_type = #tpu.core_type<sc_vector_subcore>, window_params = [{transform_indices = #map}, {transform_indices = #map1}, {transform_indices = #map2}, {transform_indices = #map2}]} {
    %mul3A = arith.constant 2 : i32
    %mul3A_0 = arith.muli %arg1, %mul3A : i32
    %add3A = arith.addi %mul3A_0, %arg0 : i32
    %mul3A_1 = arith.constant 4880 : i32
    %mul3A_2 = arith.muli %add3A, %mul3A_1 : i32
    %eq3A = arith.constant 0 : i32
    %eq3A_3 = arith.cmpi eq, %arg1, %eq3A : i32
    %convert_element_type3A = arith.extui %eq3A_3 : i1 to i32
    %cond3A = arith.constant 0 : i32
    %cond3A_4 = arith.cmpi ne, %convert_element_type3A, %cond3A : i32
    scf.if %cond3A_4 {
      "tpu.region"() ({
        %run_scoped3A = tpu.sem_alloc : memref<!tpu.dma_semaphore, #tpu.memory_space<semaphore_mem>>
        %dma_start3A = arith.constant 0 : i32
        %dma_start3A_15 = arith.constant 0 : i32
        %dma_start3A_16 = tpu.memref_slice %arg4[%arg0, %dma_start3A, %dma_start3A_15] : memref<2x10000x128xf32, #tpu.memory_space<hbm>> -> memref<1x10000x128xf32, #tpu.memory_space<hbm>>
        %dma_start3A_17 = tpu.memref_squeeze %dma_start3A_16 : memref<1x10000x128xf32, #tpu.memory_space<hbm>> -> memref<10000x128xf32, #tpu.memory_space<hbm>>
        tpu.enqueue_dma source(%dma_start3A_17 : memref<10000x128xf32, #tpu.memory_space<hbm>>) target(%arg8 : memref<10000x128xf32, #tpu.memory_space<vmem_shared>>) target_semaphore(%run_scoped3A : memref<!tpu.dma_semaphore, #tpu.memory_space<semaphore_mem>>)
        %dma_wait3A = arith.constant 0 : i32
        %dma_wait3A_18 = arith.constant 0 : i32
        %dma_wait3A_19 = tpu.memref_slice %arg4[%arg0, %dma_wait3A, %dma_wait3A_18] : memref<2x10000x128xf32, #tpu.memory_space<hbm>> -> memref<1x10000x128xf32, #tpu.memory_space<hbm>>
        %dma_wait3A_20 = tpu.memref_squeeze %dma_wait3A_19 : memref<1x10000x128xf32, #tpu.memory_space<hbm>> -> memref<10000x128xf32, #tpu.memory_space<hbm>>
        tpu.wait_dma2 semaphore(%run_scoped3A : memref<!tpu.dma_semaphore, #tpu.memory_space<semaphore_mem>>) src(%dma_wait3A_20 : memref<10000x128xf32, #tpu.memory_space<hbm>>) dst(%arg8 : memref<10000x128xf32, #tpu.memory_space<vmem_shared>>)
        tpu.yield
      }) : () -> ()
    } else {
    }
    %barrier3A = arith.constant 0 : index
    tpu.barrier barrier_id(%barrier3A)
    %scan3A = arith.constant 0 : i32
    %scan3A_5 = arith.constant 61 : i32
    %scan3A_6 = arith.addi %scan3A, %scan3A_5 : i32
    %scan3A_7 = arith.constant 1 : i32
    scf.for %scan3A_15 = %scan3A to %scan3A_6 step %scan3A_7  : i32 {
      %mul3A_16 = arith.constant 80 : i32
      %mul3A_17 = arith.muli %scan3A_15, %mul3A_16 : i32
      %add3A_18 = arith.constant 0 : i32
      %add3A_19 = arith.addi %add3A_18, %mul3A_17 : i32
      %add3A_20 = arith.addi %mul3A_2, %add3A_19 : i32
      "tpu.region"() ({
        %run_scoped3A = tpu.sem_alloc : memref<!tpu.dma_semaphore, #tpu.memory_space<semaphore_mem>>
        %dma_start3A = tpu.memref_slice %arg3[%add3A_20] : memref<156160xi32, #tpu.memory_space<hbm>> -> memref<80xi32, #tpu.memory_space<hbm>>
        %dma_start3A_21 = tpu.memref_slice %arg3[%add3A_20] : memref<156160xi32, #tpu.memory_space<hbm>> -> memref<80xi32, #tpu.memory_space<hbm>>
        tpu.enqueue_dma source(%dma_start3A_21 : memref<80xi32, #tpu.memory_space<hbm>>) target(%arg6 : memref<80xi32, #tpu.memory_space<vmem>>) target_semaphore(%run_scoped3A : memref<!tpu.dma_semaphore, #tpu.memory_space<semaphore_mem>>)
        %dma_wait3A = tpu.memref_slice %arg3[%add3A_20] : memref<156160xi32, #tpu.memory_space<hbm>> -> memref<80xi32, #tpu.memory_space<hbm>>
        %dma_wait3A_22 = tpu.memref_slice %arg3[%add3A_20] : memref<156160xi32, #tpu.memory_space<hbm>> -> memref<80xi32, #tpu.memory_space<hbm>>
        tpu.wait_dma2 semaphore(%run_scoped3A : memref<!tpu.dma_semaphore, #tpu.memory_space<semaphore_mem>>) src(%dma_wait3A_22 : memref<80xi32, #tpu.memory_space<hbm>>) dst(%arg6 : memref<80xi32, #tpu.memory_space<vmem>>)
        tpu.yield
      }) : () -> ()
      "tpu.region"() ({
        %run_scoped3A = tpu.sem_alloc : memref<!tpu.dma_semaphore, #tpu.memory_space<semaphore_mem>>
        %dma_start3A = arith.constant 0 : i32
        %dma_start3A_21 = tpu.memref_slice %arg2[%add3A_20, %dma_start3A] : memref<156160x128xf32, #tpu.memory_space<hbm>> -> memref<80x128xf32, #tpu.memory_space<hbm>>
        %dma_start3A_22 = arith.constant 0 : i32
        %dma_start3A_23 = tpu.memref_slice %arg2[%add3A_20, %dma_start3A_22] : memref<156160x128xf32, #tpu.memory_space<hbm>> -> memref<80x128xf32, #tpu.memory_space<hbm>>
        tpu.enqueue_dma source(%dma_start3A_23 : memref<80x128xf32, #tpu.memory_space<hbm>>) target(%arg7 : memref<80x128xf32, #tpu.memory_space<vmem>>) target_semaphore(%run_scoped3A : memref<!tpu.dma_semaphore, #tpu.memory_space<semaphore_mem>>)
        %dma_wait3A = arith.constant 0 : i32
        %dma_wait3A_24 = tpu.memref_slice %arg2[%add3A_20, %dma_wait3A] : memref<156160x128xf32, #tpu.memory_space<hbm>> -> memref<80x128xf32, #tpu.memory_space<hbm>>
        %dma_wait3A_25 = arith.constant 0 : i32
        %dma_wait3A_26 = tpu.memref_slice %arg2[%add3A_20, %dma_wait3A_25] : memref<156160x128xf32, #tpu.memory_space<hbm>> -> memref<80x128xf32, #tpu.memory_space<hbm>>
        tpu.wait_dma2 semaphore(%run_scoped3A : memref<!tpu.dma_semaphore, #tpu.memory_space<semaphore_mem>>) src(%dma_wait3A_26 : memref<80x128xf32, #tpu.memory_space<hbm>>) dst(%arg7 : memref<80x128xf32, #tpu.memory_space<vmem>>)
        tpu.yield
      }) : () -> ()
      "tpu.region"() ({
        %run_scoped3A = tpu.sem_alloc : memref<!tpu.dma_semaphore, #tpu.memory_space<semaphore_mem>>
        %dma_start3A = arith.constant 0 : i32
        %dma_start3A_21 = arith.constant 0 : i32
        %dma_start3A_22 = tpu.memref_slice %arg8[%dma_start3A, %dma_start3A_21] : memref<10000x128xf32, #tpu.memory_space<vmem_shared>> -> memref<10000x128xf32, #tpu.memory_space<vmem_shared>>
        tpu.enqueue_indirect_dma source(%arg7 : memref<80x128xf32, #tpu.memory_space<vmem>>) target(%dma_start3A_22 : memref<10000x128xf32, #tpu.memory_space<vmem_shared>>) offsets(%arg6 : memref<80xi32, #tpu.memory_space<vmem>>) semaphore(%run_scoped3A : memref<!tpu.dma_semaphore, #tpu.memory_space<semaphore_mem>>) {add = true}
        %dma_wait3A = arith.constant 0 : i32
        %dma_wait3A_23 = arith.constant 0 : i32
        %dma_wait3A_24 = tpu.memref_slice %arg8[%dma_wait3A, %dma_wait3A_23] : memref<10000x128xf32, #tpu.memory_space<vmem_shared>> -> memref<10000x128xf32, #tpu.memory_space<vmem_shared>>
        tpu.wait_indirect_dma semaphore(%run_scoped3A : memref<!tpu.dma_semaphore, #tpu.memory_space<semaphore_mem>>) src(%arg7 : memref<80x128xf32, #tpu.memory_space<vmem>>) dst(%dma_wait3A_24 : memref<10000x128xf32, #tpu.memory_space<vmem_shared>>)
        tpu.yield
      }) : () -> ()
    }
    %scan3A_8 = arith.constant 61 : i32
    %barrier3A_9 = arith.constant 0 : index
    tpu.barrier barrier_id(%barrier3A_9)
    %eq3A_10 = arith.constant 0 : i32
    %eq3A_11 = arith.cmpi eq, %arg1, %eq3A_10 : i32
    %convert_element_type3A_12 = arith.extui %eq3A_11 : i1 to i32
    %cond3A_13 = arith.constant 0 : i32
    %cond3A_14 = arith.cmpi ne, %convert_element_type3A_12, %cond3A_13 : i32
    scf.if %cond3A_14 {
      "tpu.region"() ({
        %run_scoped3A = tpu.sem_alloc : memref<!tpu.dma_semaphore, #tpu.memory_space<semaphore_mem>>
        %dma_start3A = arith.constant 0 : i32
        %dma_start3A_15 = arith.constant 0 : i32
        %dma_start3A_16 = tpu.memref_slice %arg5[%arg0, %dma_start3A, %dma_start3A_15] : memref<2x10000x128xf32, #tpu.memory_space<hbm>> -> memref<1x10000x128xf32, #tpu.memory_space<hbm>>
        %dma_start3A_17 = tpu.memref_squeeze %dma_start3A_16 : memref<1x10000x128xf32, #tpu.memory_space<hbm>> -> memref<10000x128xf32, #tpu.memory_space<hbm>>
        tpu.enqueue_dma source(%arg8 : memref<10000x128xf32, #tpu.memory_space<vmem_shared>>) target(%dma_start3A_17 : memref<10000x128xf32, #tpu.memory_space<hbm>>) target_semaphore(%run_scoped3A : memref<!tpu.dma_semaphore, #tpu.memory_space<semaphore_mem>>)
        %dma_wait3A = arith.constant 0 : i32
        %dma_wait3A_18 = arith.constant 0 : i32
        %dma_wait3A_19 = tpu.memref_slice %arg5[%arg0, %dma_wait3A, %dma_wait3A_18] : memref<2x10000x128xf32, #tpu.memory_space<hbm>> -> memref<1x10000x128xf32, #tpu.memory_space<hbm>>
        %dma_wait3A_20 = tpu.memref_squeeze %dma_wait3A_19 : memref<1x10000x128xf32, #tpu.memory_space<hbm>> -> memref<10000x128xf32, #tpu.memory_space<hbm>>
        tpu.wait_dma2 semaphore(%run_scoped3A : memref<!tpu.dma_semaphore, #tpu.memory_space<semaphore_mem>>) src(%arg8 : memref<10000x128xf32, #tpu.memory_space<vmem_shared>>) dst(%dma_wait3A_20 : memref<10000x128xf32, #tpu.memory_space<hbm>>)
        tpu.yield
      }) : () -> ()
    } else {
    }
    return
  }
}

module attributes {stable_mosaic.version = 14 : i64} {
  func.func @_pre_body(%arg0: i32, %arg1: memref<1000x128xf32, #tpu.memory_space<vmem>>, %arg2: memref<256x9xf32, #tpu.memory_space<vmem>>, %arg3: memref<128x128xf32, #tpu.memory_space<vmem>>, %arg4: memref<128x128xf32, #tpu.memory_space<vmem>>, %arg5: memref<9x128xf32, #tpu.memory_space<vmem>>, %arg6: memref<1x128xf32, #tpu.memory_space<vmem>>, %arg7: memref<1000x128xbf16, #tpu.memory_space<vmem>>, %arg8: memref<1000x128xbf16, #tpu.memory_space<vmem>>, %arg9: memref<256x128xbf16, #tpu.memory_space<vmem>>) attributes {dimension_semantics = [#tpu.dimension_semantics<arbitrary>], iteration_bounds = array<i64: 10>, scalar_prefetch = 0 : i64, scratch_operands = 0 : i64, tpu.core_type = #tpu.core_type<tc>, window_params = [{transform_indices = @transform_0, window_bounds = array<i64: 1000, 128>}, {pipeline_mode = #tpu.pipeline_mode<synchronous>, transform_indices = @transform_1, window_bounds = array<i64: 256, 9>}, {pipeline_mode = #tpu.pipeline_mode<synchronous>, transform_indices = @transform_2, window_bounds = array<i64: 128, 128>}, {pipeline_mode = #tpu.pipeline_mode<synchronous>, transform_indices = @transform_3, window_bounds = array<i64: 128, 128>}, {pipeline_mode = #tpu.pipeline_mode<synchronous>, transform_indices = @transform_4, window_bounds = array<i64: 9, 128>}, {pipeline_mode = #tpu.pipeline_mode<synchronous>, transform_indices = @transform_5, window_bounds = array<i64: 1, 128>}, {transform_indices = @transform_6, window_bounds = array<i64: 1000, 128>}, {transform_indices = @transform_7, window_bounds = array<i64: 1000, 128>}, {pipeline_mode = #tpu.pipeline_mode<synchronous>, transform_indices = @transform_8, window_bounds = array<i64: 256, 128>}]} {
    %get3A = arith.constant 0 : index
    %get3A_0 = arith.constant 0 : index
    %get3A_1 = vector.load %arg1[%get3A, %get3A_0] : memref<1000x128xf32, #tpu.memory_space<vmem>>, vector<1000x128xf32>
    %get3A_2 = arith.constant 0 : index
    %get3A_3 = arith.constant 0 : index
    %get3A_4 = vector.load %arg3[%get3A_2, %get3A_3] : memref<128x128xf32, #tpu.memory_space<vmem>>, vector<128x128xf32>
    %dot_general3A = arith.constant dense<0.000000e+00> : vector<1000x128xf32>
    %dot_general3A_5 = tpu.matmul %get3A_1, %get3A_4, %dot_general3A {dimension_numbers = #tpu.dot_dimension_numbers<[1], [0], [0], [1], [0, 0, 1, 1], [], []>, transpose_lhs_hint = false} : vector<1000x128xf32>, vector<128x128xf32>, vector<1000x128xf32> -> vector<1000x128xf32>
    %convert_element_type3A = arith.truncf %dot_general3A_5 : vector<1000x128xf32> to vector<1000x128xbf16>
    %swap3A = arith.constant 0 : index
    %swap3A_6 = arith.constant 0 : index
    %swap3A_7 = vector.load %arg7[%swap3A, %swap3A_6] : memref<1000x128xbf16, #tpu.memory_space<vmem>>, vector<1000x128xbf16>
    tpu.vector_store %arg7[%swap3A, %swap3A_6], %convert_element_type3A {strides = array<i32>} : memref<1000x128xbf16, #tpu.memory_space<vmem>>, vector<1000x128xbf16>,
    %get3A_8 = arith.constant 0 : index
    %get3A_9 = arith.constant 0 : index
    %get3A_10 = vector.load %arg4[%get3A_8, %get3A_9] : memref<128x128xf32, #tpu.memory_space<vmem>>, vector<128x128xf32>
    %dot_general3A_11 = arith.constant dense<0.000000e+00> : vector<1000x128xf32>
    %dot_general3A_12 = tpu.matmul %get3A_1, %get3A_10, %dot_general3A_11 {dimension_numbers = #tpu.dot_dimension_numbers<[1], [0], [0], [1], [0, 0, 1, 1], [], []>, transpose_lhs_hint = false} : vector<1000x128xf32>, vector<128x128xf32>, vector<1000x128xf32> -> vector<1000x128xf32>
    %convert_element_type3A_13 = arith.truncf %dot_general3A_12 : vector<1000x128xf32> to vector<1000x128xbf16>
    %swap3A_14 = arith.constant 0 : index
    %swap3A_15 = arith.constant 0 : index
    %swap3A_16 = vector.load %arg8[%swap3A_14, %swap3A_15] : memref<1000x128xbf16, #tpu.memory_space<vmem>>, vector<1000x128xbf16>
    tpu.vector_store %arg8[%swap3A_14, %swap3A_15], %convert_element_type3A_13 {strides = array<i32>} : memref<1000x128xbf16, #tpu.memory_space<vmem>>, vector<1000x128xbf16>,
    %eq3A = arith.constant 0 : i32
    %eq3A_17 = arith.cmpi eq, %arg0, %eq3A : i32
    %convert_element_type3A_18 = arith.extui %eq3A_17 : i1 to i32
    %cond3A = arith.constant 0 : i32
    %cond3A_19 = arith.cmpi ne, %convert_element_type3A_18, %cond3A : i32
    scf.if %cond3A_19 {
      %get3A_20 = arith.constant 0 : index
      %get3A_21 = arith.constant 0 : index
      %get3A_22 = vector.load %arg2[%get3A_20, %get3A_21] : memref<256x9xf32, #tpu.memory_space<vmem>>, vector<256x9xf32>
      %slice3A = vector.extract_strided_slice %get3A_22 {offsets = [0, 0], sizes = [256, 1], strides = [1, 1]} : vector<256x9xf32> to vector<256x1xf32>
      %slice3A_23 = vector.extract_strided_slice %get3A_22 {offsets = [0, 1], sizes = [256, 1], strides = [1, 1]} : vector<256x9xf32> to vector<256x1xf32>
      %slice3A_24 = vector.extract_strided_slice %get3A_22 {offsets = [0, 2], sizes = [256, 1], strides = [1, 1]} : vector<256x9xf32> to vector<256x1xf32>
      %slice3A_25 = vector.extract_strided_slice %get3A_22 {offsets = [0, 3], sizes = [256, 1], strides = [1, 1]} : vector<256x9xf32> to vector<256x1xf32>
      %slice3A_26 = vector.extract_strided_slice %get3A_22 {offsets = [0, 4], sizes = [256, 1], strides = [1, 1]} : vector<256x9xf32> to vector<256x1xf32>
      %slice3A_27 = vector.extract_strided_slice %get3A_22 {offsets = [0, 5], sizes = [256, 1], strides = [1, 1]} : vector<256x9xf32> to vector<256x1xf32>
      %slice3A_28 = vector.extract_strided_slice %get3A_22 {offsets = [0, 6], sizes = [256, 1], strides = [1, 1]} : vector<256x9xf32> to vector<256x1xf32>
      %slice3A_29 = vector.extract_strided_slice %get3A_22 {offsets = [0, 7], sizes = [256, 1], strides = [1, 1]} : vector<256x9xf32> to vector<256x1xf32>
      %slice3A_30 = vector.extract_strided_slice %get3A_22 {offsets = [0, 8], sizes = [256, 1], strides = [1, 1]} : vector<256x9xf32> to vector<256x1xf32>
      %get3A_31 = arith.constant 0 : index
      %get3A_32 = arith.constant 0 : index
      %get3A_33 = vector.load %arg6[%get3A_31, %get3A_32] : memref<1x128xf32, #tpu.memory_space<vmem>>, vector<1x128xf32>
      %broadcast_in_dim3A = vector.shape_cast %get3A_33 : vector<1x128xf32> to vector<1x128xf32>
      %broadcast_in_dim3A_34 = vector.broadcast %broadcast_in_dim3A : vector<1x128xf32> to vector<256x128xf32>
      %mul3A = arith.mulf %slice3A, %slice3A : vector<256x1xf32>
      %mul3A_35 = arith.mulf %slice3A_23, %slice3A_23 : vector<256x1xf32>
      %add3A = arith.addf %mul3A, %mul3A_35 : vector<256x1xf32>
      %mul3A_36 = arith.mulf %slice3A_24, %slice3A_24 : vector<256x1xf32>
      %add3A_37 = arith.addf %add3A, %mul3A_36 : vector<256x1xf32>
      %get3A_38 = arith.constant 0 : index
      %get3A_39 = arith.constant 0 : index
      %get3A_40 = vector.load %arg5[%get3A_38, %get3A_39] : memref<9x128xf32, #tpu.memory_space<vmem>>, vector<1x128xf32>
      %mul3A_41 = vector.broadcast %add3A_37 : vector<256x1xf32> to vector<256x128xf32>
      %mul3A_42 = vector.broadcast %get3A_40 : vector<1x128xf32> to vector<256x128xf32>
      %mul3A_43 = arith.mulf %mul3A_41, %mul3A_42 : vector<256x128xf32>
      %add3A_44 = arith.addf %broadcast_in_dim3A_34, %mul3A_43 : vector<256x128xf32>
      %mul3A_45 = arith.mulf %slice3A, %slice3A_25 : vector<256x1xf32>
      %mul3A_46 = arith.mulf %slice3A_23, %slice3A_26 : vector<256x1xf32>
      %add3A_47 = arith.addf %mul3A_45, %mul3A_46 : vector<256x1xf32>
      %mul3A_48 = arith.mulf %slice3A_24, %slice3A_27 : vector<256x1xf32>
      %add3A_49 = arith.addf %add3A_47, %mul3A_48 : vector<256x1xf32>
      %get3A_50 = arith.constant 1 : index
      %get3A_51 = arith.constant 0 : index
      %get3A_52 = vector.load %arg5[%get3A_50, %get3A_51] : memref<9x128xf32, #tpu.memory_space<vmem>>, vector<1x128xf32>
      %mul3A_53 = vector.broadcast %add3A_49 : vector<256x1xf32> to vector<256x128xf32>
      %mul3A_54 = vector.broadcast %get3A_52 : vector<1x128xf32> to vector<256x128xf32>
      %mul3A_55 = arith.mulf %mul3A_53, %mul3A_54 : vector<256x128xf32>
      %add3A_56 = arith.addf %add3A_44, %mul3A_55 : vector<256x128xf32>
      %mul3A_57 = arith.mulf %slice3A, %slice3A_28 : vector<256x1xf32>
      %mul3A_58 = arith.mulf %slice3A_23, %slice3A_29 : vector<256x1xf32>
      %add3A_59 = arith.addf %mul3A_57, %mul3A_58 : vector<256x1xf32>
      %mul3A_60 = arith.mulf %slice3A_24, %slice3A_30 : vector<256x1xf32>
      %add3A_61 = arith.addf %add3A_59, %mul3A_60 : vector<256x1xf32>
      %get3A_62 = arith.constant 2 : index
      %get3A_63 = arith.constant 0 : index
      %get3A_64 = vector.load %arg5[%get3A_62, %get3A_63] : memref<9x128xf32, #tpu.memory_space<vmem>>, vector<1x128xf32>
      %mul3A_65 = vector.broadcast %add3A_61 : vector<256x1xf32> to vector<256x128xf32>
      %mul3A_66 = vector.broadcast %get3A_64 : vector<1x128xf32> to vector<256x128xf32>
      %mul3A_67 = arith.mulf %mul3A_65, %mul3A_66 : vector<256x128xf32>
      %add3A_68 = arith.addf %add3A_56, %mul3A_67 : vector<256x128xf32>
      %mul3A_69 = arith.mulf %slice3A_25, %slice3A : vector<256x1xf32>
      %mul3A_70 = arith.mulf %slice3A_26, %slice3A_23 : vector<256x1xf32>
      %add3A_71 = arith.addf %mul3A_69, %mul3A_70 : vector<256x1xf32>
      %mul3A_72 = arith.mulf %slice3A_27, %slice3A_24 : vector<256x1xf32>
      %add3A_73 = arith.addf %add3A_71, %mul3A_72 : vector<256x1xf32>
      %get3A_74 = arith.constant 3 : index
      %get3A_75 = arith.constant 0 : index
      %get3A_76 = vector.load %arg5[%get3A_74, %get3A_75] : memref<9x128xf32, #tpu.memory_space<vmem>>, vector<1x128xf32>
      %mul3A_77 = vector.broadcast %add3A_73 : vector<256x1xf32> to vector<256x128xf32>
      %mul3A_78 = vector.broadcast %get3A_76 : vector<1x128xf32> to vector<256x128xf32>
      %mul3A_79 = arith.mulf %mul3A_77, %mul3A_78 : vector<256x128xf32>
      %add3A_80 = arith.addf %add3A_68, %mul3A_79 : vector<256x128xf32>
      %mul3A_81 = arith.mulf %slice3A_25, %slice3A_25 : vector<256x1xf32>
      %mul3A_82 = arith.mulf %slice3A_26, %slice3A_26 : vector<256x1xf32>
      %add3A_83 = arith.addf %mul3A_81, %mul3A_82 : vector<256x1xf32>
      %mul3A_84 = arith.mulf %slice3A_27, %slice3A_27 : vector<256x1xf32>
      %add3A_85 = arith.addf %add3A_83, %mul3A_84 : vector<256x1xf32>
      %get3A_86 = arith.constant 4 : index
      %get3A_87 = arith.constant 0 : index
      %get3A_88 = vector.load %arg5[%get3A_86, %get3A_87] : memref<9x128xf32, #tpu.memory_space<vmem>>, vector<1x128xf32>
      %mul3A_89 = vector.broadcast %add3A_85 : vector<256x1xf32> to vector<256x128xf32>
      %mul3A_90 = vector.broadcast %get3A_88 : vector<1x128xf32> to vector<256x128xf32>
      %mul3A_91 = arith.mulf %mul3A_89, %mul3A_90 : vector<256x128xf32>
      %add3A_92 = arith.addf %add3A_80, %mul3A_91 : vector<256x128xf32>
      %mul3A_93 = arith.mulf %slice3A_25, %slice3A_28 : vector<256x1xf32>
      %mul3A_94 = arith.mulf %slice3A_26, %slice3A_29 : vector<256x1xf32>
      %add3A_95 = arith.addf %mul3A_93, %mul3A_94 : vector<256x1xf32>
      %mul3A_96 = arith.mulf %slice3A_27, %slice3A_30 : vector<256x1xf32>
      %add3A_97 = arith.addf %add3A_95, %mul3A_96 : vector<256x1xf32>
      %get3A_98 = arith.constant 5 : index
      %get3A_99 = arith.constant 0 : index
      %get3A_100 = vector.load %arg5[%get3A_98, %get3A_99] : memref<9x128xf32, #tpu.memory_space<vmem>>, vector<1x128xf32>
      %mul3A_101 = vector.broadcast %add3A_97 : vector<256x1xf32> to vector<256x128xf32>
      %mul3A_102 = vector.broadcast %get3A_100 : vector<1x128xf32> to vector<256x128xf32>
      %mul3A_103 = arith.mulf %mul3A_101, %mul3A_102 : vector<256x128xf32>
      %add3A_104 = arith.addf %add3A_92, %mul3A_103 : vector<256x128xf32>
      %mul3A_105 = arith.mulf %slice3A_28, %slice3A : vector<256x1xf32>
      %mul3A_106 = arith.mulf %slice3A_29, %slice3A_23 : vector<256x1xf32>
      %add3A_107 = arith.addf %mul3A_105, %mul3A_106 : vector<256x1xf32>
      %mul3A_108 = arith.mulf %slice3A_30, %slice3A_24 : vector<256x1xf32>
      %add3A_109 = arith.addf %add3A_107, %mul3A_108 : vector<256x1xf32>
      %get3A_110 = arith.constant 6 : index
      %get3A_111 = arith.constant 0 : index
      %get3A_112 = vector.load %arg5[%get3A_110, %get3A_111] : memref<9x128xf32, #tpu.memory_space<vmem>>, vector<1x128xf32>
      %mul3A_113 = vector.broadcast %add3A_109 : vector<256x1xf32> to vector<256x128xf32>
      %mul3A_114 = vector.broadcast %get3A_112 : vector<1x128xf32> to vector<256x128xf32>
      %mul3A_115 = arith.mulf %mul3A_113, %mul3A_114 : vector<256x128xf32>
      %add3A_116 = arith.addf %add3A_104, %mul3A_115 : vector<256x128xf32>
      %mul3A_117 = arith.mulf %slice3A_28, %slice3A_25 : vector<256x1xf32>
      %mul3A_118 = arith.mulf %slice3A_29, %slice3A_26 : vector<256x1xf32>
      %add3A_119 = arith.addf %mul3A_117, %mul3A_118 : vector<256x1xf32>
      %mul3A_120 = arith.mulf %slice3A_30, %slice3A_27 : vector<256x1xf32>
      %add3A_121 = arith.addf %add3A_119, %mul3A_120 : vector<256x1xf32>
      %get3A_122 = arith.constant 7 : index
      %get3A_123 = arith.constant 0 : index
      %get3A_124 = vector.load %arg5[%get3A_122, %get3A_123] : memref<9x128xf32, #tpu.memory_space<vmem>>, vector<1x128xf32>
      %mul3A_125 = vector.broadcast %add3A_121 : vector<256x1xf32> to vector<256x128xf32>
      %mul3A_126 = vector.broadcast %get3A_124 : vector<1x128xf32> to vector<256x128xf32>
      %mul3A_127 = arith.mulf %mul3A_125, %mul3A_126 : vector<256x128xf32>
      %add3A_128 = arith.addf %add3A_116, %mul3A_127 : vector<256x128xf32>
      %mul3A_129 = arith.mulf %slice3A_28, %slice3A_28 : vector<256x1xf32>
      %mul3A_130 = arith.mulf %slice3A_29, %slice3A_29 : vector<256x1xf32>
      %add3A_131 = arith.addf %mul3A_129, %mul3A_130 : vector<256x1xf32>
      %mul3A_132 = arith.mulf %slice3A_30, %slice3A_30 : vector<256x1xf32>
      %add3A_133 = arith.addf %add3A_131, %mul3A_132 : vector<256x1xf32>
      %get3A_134 = arith.constant 8 : index
      %get3A_135 = arith.constant 0 : index
      %get3A_136 = vector.load %arg5[%get3A_134, %get3A_135] : memref<9x128xf32, #tpu.memory_space<vmem>>, vector<1x128xf32>
      %mul3A_137 = vector.broadcast %add3A_133 : vector<256x1xf32> to vector<256x128xf32>
      %mul3A_138 = vector.broadcast %get3A_136 : vector<1x128xf32> to vector<256x128xf32>
      %mul3A_139 = arith.mulf %mul3A_137, %mul3A_138 : vector<256x128xf32>
      %add3A_140 = arith.addf %add3A_128, %mul3A_139 : vector<256x128xf32>
      %convert_element_type3A_141 = arith.truncf %add3A_140 : vector<256x128xf32> to vector<256x128xbf16>
      %swap3A_142 = arith.constant 0 : index
      %swap3A_143 = arith.constant 0 : index
      %swap3A_144 = vector.load %arg9[%swap3A_142, %swap3A_143] : memref<256x128xbf16, #tpu.memory_space<vmem>>, vector<256x128xbf16>
      tpu.vector_store %arg9[%swap3A_142, %swap3A_143], %convert_element_type3A_141 {strides = array<i32>} : memref<256x128xbf16, #tpu.memory_space<vmem>>, vector<256x128xbf16>,
    } else {
    }
    return
  }
  func.func @transform_0(%arg0: i32) -> (i32, i32) {
    %c0_i32 = arith.constant 0 : i32
    %c0_i32_0 = arith.constant 0 : i32
    return %arg0, %c0_i32 : i32, i32
  }
  func.func @transform_1(%arg0: i32) -> (i32, i32) {
    %c0_i32 = arith.constant 0 : i32
    %c0_i32_0 = arith.constant 0 : i32
    %c0_i32_1 = arith.constant 0 : i32
    return %c0_i32, %c0_i32_0 : i32, i32
  }
  func.func @transform_2(%arg0: i32) -> (i32, i32) {
    %c0_i32 = arith.constant 0 : i32
    %c0_i32_0 = arith.constant 0 : i32
    %c0_i32_1 = arith.constant 0 : i32
    return %c0_i32, %c0_i32_0 : i32, i32
  }
  func.func @transform_3(%arg0: i32) -> (i32, i32) {
    %c0_i32 = arith.constant 0 : i32
    %c0_i32_0 = arith.constant 0 : i32
    %c0_i32_1 = arith.constant 0 : i32
    return %c0_i32, %c0_i32_0 : i32, i32
  }
  func.func @transform_4(%arg0: i32) -> (i32, i32) {
    %c0_i32 = arith.constant 0 : i32
    %c0_i32_0 = arith.constant 0 : i32
    %c0_i32_1 = arith.constant 0 : i32
    return %c0_i32, %c0_i32_0 : i32, i32
  }
  func.func @transform_5(%arg0: i32) -> (i32, i32) {
    %c0_i32 = arith.constant 0 : i32
    %c0_i32_0 = arith.constant 0 : i32
    %c0_i32_1 = arith.constant 0 : i32
    return %c0_i32, %c0_i32_0 : i32, i32
  }
  func.func @transform_6(%arg0: i32) -> (i32, i32) {
    %c0_i32 = arith.constant 0 : i32
    %c0_i32_0 = arith.constant 0 : i32
    return %arg0, %c0_i32 : i32, i32
  }
  func.func @transform_7(%arg0: i32) -> (i32, i32) {
    %c0_i32 = arith.constant 0 : i32
    %c0_i32_0 = arith.constant 0 : i32
    return %arg0, %c0_i32 : i32, i32
  }
  func.func @transform_8(%arg0: i32) -> (i32, i32) {
    %c0_i32 = arith.constant 0 : i32
    %c0_i32_0 = arith.constant 0 : i32
    %c0_i32_1 = arith.constant 0 : i32
    return %c0_i32, %c0_i32_0 : i32, i32
  }
}

module attributes {stable_mosaic.version = 14 : i64} {
  func.func @_edge_body(%arg0: i32, %arg1: memref<2560x128xi32, #tpu.memory_space<vmem>>, %arg2: memref<2560x128xi32, #tpu.memory_space<vmem>>, %arg3: memref<16x128xf32, #tpu.memory_space<vmem>>, %arg4: memref<64x128xbf16, #tpu.memory_space<vmem>>, %arg5: memref<64x128xbf16, #tpu.memory_space<vmem>>, %arg6: memref<1x128xf32, #tpu.memory_space<vmem>>, %arg7: memref<2560x128xf32, #tpu.memory_space<vmem>>) attributes {dimension_semantics = [#tpu.dimension_semantics<arbitrary>], iteration_bounds = array<i64: 64>, scalar_prefetch = 0 : i64, scratch_operands = 0 : i64, tpu.core_type = #tpu.core_type<tc>, window_params = [{transform_indices = @transform_0, window_bounds = array<i64: 2560, 128>}, {transform_indices = @transform_1, window_bounds = array<i64: 2560, 128>}, {pipeline_mode = #tpu.pipeline_mode<synchronous>, transform_indices = @transform_2, window_bounds = array<i64: 16, 128>}, {pipeline_mode = #tpu.pipeline_mode<synchronous>, transform_indices = @transform_3, window_bounds = array<i64: 64, 128>}, {pipeline_mode = #tpu.pipeline_mode<synchronous>, transform_indices = @transform_4, window_bounds = array<i64: 64, 128>}, {pipeline_mode = #tpu.pipeline_mode<synchronous>, transform_indices = @transform_5, window_bounds = array<i64: 1, 128>}, {transform_indices = @transform_6, window_bounds = array<i64: 2560, 128>}]} {
    %get3A = arith.constant 0 : index
    %get3A_0 = arith.constant 0 : index
    %get3A_1 = vector.load %arg1[%get3A, %get3A_0] : memref<2560x128xi32, #tpu.memory_space<vmem>>, vector<2560x128xi32>
    %get3A_2 = arith.constant 0 : index
    %get3A_3 = arith.constant 0 : index
    %get3A_4 = vector.load %arg2[%get3A_2, %get3A_3] : memref<2560x128xi32, #tpu.memory_space<vmem>>, vector<2560x128xi32>
    %shift_left3A = arith.constant 16 : i32
    %shift_left3A_5 = vector.broadcast %shift_left3A : i32 to vector<2560x128xi32>
    %shift_left3A_6 = arith.shli %get3A_1, %shift_left3A_5 : vector<2560x128xi32>
    %bitcast_convert_type3A = tpu.bitcast %shift_left3A_6 : vector<2560x128xi32> -> vector<2560x128xf32>
    %and3A = arith.constant -65536 : i32
    %and3A_7 = vector.broadcast %and3A : i32 to vector<2560x128xi32>
    %and3A_8 = arith.andi %get3A_1, %and3A_7 : vector<2560x128xi32>
    %bitcast_convert_type3A_9 = tpu.bitcast %and3A_8 : vector<2560x128xi32> -> vector<2560x128xf32>
    %shift_left3A_10 = arith.constant 16 : i32
    %shift_left3A_11 = vector.broadcast %shift_left3A_10 : i32 to vector<2560x128xi32>
    %shift_left3A_12 = arith.shli %get3A_4, %shift_left3A_11 : vector<2560x128xi32>
    %bitcast_convert_type3A_13 = tpu.bitcast %shift_left3A_12 : vector<2560x128xi32> -> vector<2560x128xf32>
    %and3A_14 = arith.constant -65536 : i32
    %and3A_15 = vector.broadcast %and3A_14 : i32 to vector<2560x128xi32>
    %and3A_16 = arith.andi %get3A_4, %and3A_15 : vector<2560x128xi32>
    %bitcast_convert_type3A_17 = tpu.bitcast %and3A_16 : vector<2560x128xi32> -> vector<2560x128xf32>
    %slice3A = vector.extract_strided_slice %get3A_4 {offsets = [0, 64], sizes = [2560, 16], strides = [1, 1]} : vector<2560x128xi32> to vector<2560x16xi32>
    %bitcast_convert_type3A_18 = tpu.bitcast %slice3A : vector<2560x16xi32> -> vector<2560x16xf32>
    %slice3A_19 = vector.extract_strided_slice %get3A_4 {offsets = [0, 80], sizes = [2560, 16], strides = [1, 1]} : vector<2560x128xi32> to vector<2560x16xi32>
    %bitcast_convert_type3A_20 = tpu.bitcast %slice3A_19 : vector<2560x16xi32> -> vector<2560x16xf32>
    %sub3A = arith.subf %bitcast_convert_type3A_20, %bitcast_convert_type3A_18 : vector<2560x16xf32>
    %lt3A = arith.constant 0.000000e+00 : f32
    %lt3A_21 = vector.broadcast %lt3A : f32 to vector<2560x16xf32>
    %lt3A_22 = arith.cmpf olt, %sub3A, %lt3A_21 : vector<2560x16xf32>
    %add3A = arith.constant 1.000000e+00 : f32
    %add3A_23 = vector.broadcast %add3A : f32 to vector<2560x16xf32>
    %add3A_24 = arith.addf %sub3A, %add3A_23 : vector<2560x16xf32>
    %select_n3A = arith.select %lt3A_22, %add3A_24, %sub3A : vector<2560x16xi1>, vector<2560x16xf32>
    %get3A_25 = arith.constant 0 : index
    %get3A_26 = arith.constant 0 : index
    %get3A_27 = vector.load %arg3[%get3A_25, %get3A_26] : memref<16x128xf32, #tpu.memory_space<vmem>>, vector<16x128xf32>
    %dot_general3A = arith.constant dense<0.000000e+00> : vector<2560x128xf32>
    %dot_general3A_28 = tpu.matmul %select_n3A, %get3A_27, %dot_general3A {dimension_numbers = #tpu.dot_dimension_numbers<[1], [0], [0], [1], [0, 0, 1, 1], [], []>, transpose_lhs_hint = false} : vector<2560x16xf32>, vector<16x128xf32>, vector<2560x128xf32> -> vector<2560x128xf32>
    %slice3A_29 = vector.extract_strided_slice %bitcast_convert_type3A {offsets = [0, 0], sizes = [2560, 64], strides = [1, 1]} : vector<2560x128xf32> to vector<2560x64xf32>
    %slice3A_30 = vector.extract_strided_slice %bitcast_convert_type3A {offsets = [0, 64], sizes = [2560, 64], strides = [1, 1]} : vector<2560x128xf32> to vector<2560x64xf32>
    %add3A_31 = arith.addf %slice3A_29, %slice3A_30 : vector<2560x64xf32>
    %slice3A_32 = vector.extract_strided_slice %bitcast_convert_type3A_13 {offsets = [0, 0], sizes = [2560, 64], strides = [1, 1]} : vector<2560x128xf32> to vector<2560x64xf32>
    %add3A_33 = arith.addf %add3A_31, %slice3A_32 : vector<2560x64xf32>
    %slice3A_34 = vector.extract_strided_slice %dot_general3A_28 {offsets = [0, 0], sizes = [2560, 64], strides = [1, 1]} : vector<2560x128xf32> to vector<2560x64xf32>
    %add3A_35 = arith.addf %add3A_33, %slice3A_34 : vector<2560x64xf32>
    %slice3A_36 = vector.extract_strided_slice %bitcast_convert_type3A_9 {offsets = [0, 0], sizes = [2560, 64], strides = [1, 1]} : vector<2560x128xf32> to vector<2560x64xf32>
    %slice3A_37 = vector.extract_strided_slice %bitcast_convert_type3A_9 {offsets = [0, 64], sizes = [2560, 64], strides = [1, 1]} : vector<2560x128xf32> to vector<2560x64xf32>
    %add3A_38 = arith.addf %slice3A_36, %slice3A_37 : vector<2560x64xf32>
    %slice3A_39 = vector.extract_strided_slice %bitcast_convert_type3A_17 {offsets = [0, 0], sizes = [2560, 64], strides = [1, 1]} : vector<2560x128xf32> to vector<2560x64xf32>
    %add3A_40 = arith.addf %add3A_38, %slice3A_39 : vector<2560x64xf32>
    %slice3A_41 = vector.extract_strided_slice %dot_general3A_28 {offsets = [0, 64], sizes = [2560, 64], strides = [1, 1]} : vector<2560x128xf32> to vector<2560x64xf32>
    %add3A_42 = arith.addf %add3A_40, %slice3A_41 : vector<2560x64xf32>
    %logistic3A = arith.negf %add3A_35 : vector<2560x64xf32>
    %logistic3A_43 = math.exp %logistic3A : vector<2560x64xf32>
    %logistic3A_44 = arith.constant 1.000000e+00 : f32
    %logistic3A_45 = vector.broadcast %logistic3A_44 : f32 to vector<2560x64xf32>
    %logistic3A_46 = arith.addf %logistic3A_45, %logistic3A_43 : vector<2560x64xf32>
    %logistic3A_47 = arith.divf %logistic3A_45, %logistic3A_46 : vector<2560x64xf32>
    %mul3A = arith.mulf %add3A_35, %logistic3A_47 : vector<2560x64xf32>
    %logistic3A_48 = arith.negf %add3A_42 : vector<2560x64xf32>
    %logistic3A_49 = math.exp %logistic3A_48 : vector<2560x64xf32>
    %logistic3A_50 = arith.constant 1.000000e+00 : f32
    %logistic3A_51 = vector.broadcast %logistic3A_50 : f32 to vector<2560x64xf32>
    %logistic3A_52 = arith.addf %logistic3A_51, %logistic3A_49 : vector<2560x64xf32>
    %logistic3A_53 = arith.divf %logistic3A_51, %logistic3A_52 : vector<2560x64xf32>
    %mul3A_54 = arith.mulf %add3A_42, %logistic3A_53 : vector<2560x64xf32>
    %convert_element_type3A = arith.truncf %mul3A : vector<2560x64xf32> to vector<2560x64xbf16>
    %get3A_55 = arith.constant 0 : index
    %get3A_56 = arith.constant 0 : index
    %get3A_57 = vector.load %arg4[%get3A_55, %get3A_56] : memref<64x128xbf16, #tpu.memory_space<vmem>>, vector<64x128xbf16>
    %dot_general3A_58 = arith.constant dense<0.000000e+00> : vector<2560x128xf32>
    %dot_general3A_59 = tpu.matmul %convert_element_type3A, %get3A_57, %dot_general3A_58 {dimension_numbers = #tpu.dot_dimension_numbers<[1], [0], [0], [1], [0, 0, 1, 1], [], []>, transpose_lhs_hint = false} : vector<2560x64xbf16>, vector<64x128xbf16>, vector<2560x128xf32> -> vector<2560x128xf32>
    %convert_element_type3A_60 = arith.truncf %mul3A_54 : vector<2560x64xf32> to vector<2560x64xbf16>
    %get3A_61 = arith.constant 0 : index
    %get3A_62 = arith.constant 0 : index
    %get3A_63 = vector.load %arg5[%get3A_61, %get3A_62] : memref<64x128xbf16, #tpu.memory_space<vmem>>, vector<64x128xbf16>
    %dot_general3A_64 = arith.constant dense<0.000000e+00> : vector<2560x128xf32>
    %dot_general3A_65 = tpu.matmul %convert_element_type3A_60, %get3A_63, %dot_general3A_64 {dimension_numbers = #tpu.dot_dimension_numbers<[1], [0], [0], [1], [0, 0, 1, 1], [], []>, transpose_lhs_hint = false} : vector<2560x64xbf16>, vector<64x128xbf16>, vector<2560x128xf32> -> vector<2560x128xf32>
    %add3A_66 = arith.addf %dot_general3A_59, %dot_general3A_65 : vector<2560x128xf32>
    %get3A_67 = arith.constant 0 : index
    %get3A_68 = arith.constant 0 : index
    %get3A_69 = vector.load %arg6[%get3A_67, %get3A_68] : memref<1x128xf32, #tpu.memory_space<vmem>>, vector<1x128xf32>
    %add3A_70 = vector.broadcast %get3A_69 : vector<1x128xf32> to vector<2560x128xf32>
    %add3A_71 = arith.addf %add3A_66, %add3A_70 : vector<2560x128xf32>
    %logistic3A_72 = arith.negf %add3A_71 : vector<2560x128xf32>
    %logistic3A_73 = math.exp %logistic3A_72 : vector<2560x128xf32>
    %logistic3A_74 = arith.constant 1.000000e+00 : f32
    %logistic3A_75 = vector.broadcast %logistic3A_74 : f32 to vector<2560x128xf32>
    %logistic3A_76 = arith.addf %logistic3A_75, %logistic3A_73 : vector<2560x128xf32>
    %logistic3A_77 = arith.divf %logistic3A_75, %logistic3A_76 : vector<2560x128xf32>
    %mul3A_78 = arith.mulf %add3A_71, %logistic3A_77 : vector<2560x128xf32>
    %swap3A = arith.constant 0 : index
    %swap3A_79 = arith.constant 0 : index
    %swap3A_80 = vector.load %arg7[%swap3A, %swap3A_79] : memref<2560x128xf32, #tpu.memory_space<vmem>>, vector<2560x128xf32>
    tpu.vector_store %arg7[%swap3A, %swap3A_79], %mul3A_78 {strides = array<i32>} : memref<2560x128xf32, #tpu.memory_space<vmem>>, vector<2560x128xf32>,
    return
  }
  func.func @transform_0(%arg0: i32) -> (i32, i32) {
    %c0_i32 = arith.constant 0 : i32
    %c0_i32_0 = arith.constant 0 : i32
    return %arg0, %c0_i32 : i32, i32
  }
  func.func @transform_1(%arg0: i32) -> (i32, i32) {
    %c0_i32 = arith.constant 0 : i32
    %c0_i32_0 = arith.constant 0 : i32
    return %arg0, %c0_i32 : i32, i32
  }
  func.func @transform_2(%arg0: i32) -> (i32, i32) {
    %c0_i32 = arith.constant 0 : i32
    %c0_i32_0 = arith.constant 0 : i32
    %c0_i32_1 = arith.constant 0 : i32
    return %c0_i32, %c0_i32_0 : i32, i32
  }
  func.func @transform_3(%arg0: i32) -> (i32, i32) {
    %c0_i32 = arith.constant 0 : i32
    %c0_i32_0 = arith.constant 0 : i32
    %c0_i32_1 = arith.constant 0 : i32
    return %c0_i32, %c0_i32_0 : i32, i32
  }
  func.func @transform_4(%arg0: i32) -> (i32, i32) {
    %c0_i32 = arith.constant 0 : i32
    %c0_i32_0 = arith.constant 0 : i32
    %c0_i32_1 = arith.constant 0 : i32
    return %c0_i32, %c0_i32_0 : i32, i32
  }
  func.func @transform_5(%arg0: i32) -> (i32, i32) {
    %c0_i32 = arith.constant 0 : i32
    %c0_i32_0 = arith.constant 0 : i32
    %c0_i32_1 = arith.constant 0 : i32
    return %c0_i32, %c0_i32_0 : i32, i32
  }
  func.func @transform_6(%arg0: i32) -> (i32, i32) {
    %c0_i32 = arith.constant 0 : i32
    %c0_i32_0 = arith.constant 0 : i32
    return %arg0, %c0_i32 : i32, i32
  }
}

module attributes {stable_mosaic.version = 14 : i64} {
  func.func @_edge_body(%arg0: i32, %arg1: memref<2560x128xi32, #tpu.memory_space<vmem>>, %arg2: memref<2560x128xi32, #tpu.memory_space<vmem>>, %arg3: memref<16x128xf32, #tpu.memory_space<vmem>>, %arg4: memref<64x128xbf16, #tpu.memory_space<vmem>>, %arg5: memref<64x128xbf16, #tpu.memory_space<vmem>>, %arg6: memref<1x128xf32, #tpu.memory_space<vmem>>, %arg7: memref<2560x128xf32, #tpu.memory_space<vmem>>) attributes {dimension_semantics = [#tpu.dimension_semantics<arbitrary>], iteration_bounds = array<i64: 61>, scalar_prefetch = 0 : i64, scratch_operands = 0 : i64, tpu.core_type = #tpu.core_type<tc>, window_params = [{transform_indices = @transform_0, window_bounds = array<i64: 2560, 128>}, {transform_indices = @transform_1, window_bounds = array<i64: 2560, 128>}, {pipeline_mode = #tpu.pipeline_mode<synchronous>, transform_indices = @transform_2, window_bounds = array<i64: 16, 128>}, {pipeline_mode = #tpu.pipeline_mode<synchronous>, transform_indices = @transform_3, window_bounds = array<i64: 64, 128>}, {pipeline_mode = #tpu.pipeline_mode<synchronous>, transform_indices = @transform_4, window_bounds = array<i64: 64, 128>}, {pipeline_mode = #tpu.pipeline_mode<synchronous>, transform_indices = @transform_5, window_bounds = array<i64: 1, 128>}, {transform_indices = @transform_6, window_bounds = array<i64: 2560, 128>}]} {
    %get3A = arith.constant 0 : index
    %get3A_0 = arith.constant 0 : index
    %get3A_1 = vector.load %arg1[%get3A, %get3A_0] : memref<2560x128xi32, #tpu.memory_space<vmem>>, vector<2560x128xi32>
    %get3A_2 = arith.constant 0 : index
    %get3A_3 = arith.constant 0 : index
    %get3A_4 = vector.load %arg2[%get3A_2, %get3A_3] : memref<2560x128xi32, #tpu.memory_space<vmem>>, vector<2560x128xi32>
    %shift_left3A = arith.constant 16 : i32
    %shift_left3A_5 = vector.broadcast %shift_left3A : i32 to vector<2560x128xi32>
    %shift_left3A_6 = arith.shli %get3A_1, %shift_left3A_5 : vector<2560x128xi32>
    %bitcast_convert_type3A = tpu.bitcast %shift_left3A_6 : vector<2560x128xi32> -> vector<2560x128xf32>
    %and3A = arith.constant -65536 : i32
    %and3A_7 = vector.broadcast %and3A : i32 to vector<2560x128xi32>
    %and3A_8 = arith.andi %get3A_1, %and3A_7 : vector<2560x128xi32>
    %bitcast_convert_type3A_9 = tpu.bitcast %and3A_8 : vector<2560x128xi32> -> vector<2560x128xf32>
    %shift_left3A_10 = arith.constant 16 : i32
    %shift_left3A_11 = vector.broadcast %shift_left3A_10 : i32 to vector<2560x128xi32>
    %shift_left3A_12 = arith.shli %get3A_4, %shift_left3A_11 : vector<2560x128xi32>
    %bitcast_convert_type3A_13 = tpu.bitcast %shift_left3A_12 : vector<2560x128xi32> -> vector<2560x128xf32>
    %and3A_14 = arith.constant -65536 : i32
    %and3A_15 = vector.broadcast %and3A_14 : i32 to vector<2560x128xi32>
    %and3A_16 = arith.andi %get3A_4, %and3A_15 : vector<2560x128xi32>
    %bitcast_convert_type3A_17 = tpu.bitcast %and3A_16 : vector<2560x128xi32> -> vector<2560x128xf32>
    %slice3A = vector.extract_strided_slice %get3A_4 {offsets = [0, 64], sizes = [2560, 16], strides = [1, 1]} : vector<2560x128xi32> to vector<2560x16xi32>
    %bitcast_convert_type3A_18 = tpu.bitcast %slice3A : vector<2560x16xi32> -> vector<2560x16xf32>
    %slice3A_19 = vector.extract_strided_slice %get3A_4 {offsets = [0, 80], sizes = [2560, 16], strides = [1, 1]} : vector<2560x128xi32> to vector<2560x16xi32>
    %bitcast_convert_type3A_20 = tpu.bitcast %slice3A_19 : vector<2560x16xi32> -> vector<2560x16xf32>
    %sub3A = arith.subf %bitcast_convert_type3A_20, %bitcast_convert_type3A_18 : vector<2560x16xf32>
    %lt3A = arith.constant 0.000000e+00 : f32
    %lt3A_21 = vector.broadcast %lt3A : f32 to vector<2560x16xf32>
    %lt3A_22 = arith.cmpf olt, %sub3A, %lt3A_21 : vector<2560x16xf32>
    %add3A = arith.constant 1.000000e+00 : f32
    %add3A_23 = vector.broadcast %add3A : f32 to vector<2560x16xf32>
    %add3A_24 = arith.addf %sub3A, %add3A_23 : vector<2560x16xf32>
    %select_n3A = arith.select %lt3A_22, %add3A_24, %sub3A : vector<2560x16xi1>, vector<2560x16xf32>
    %get3A_25 = arith.constant 0 : index
    %get3A_26 = arith.constant 0 : index
    %get3A_27 = vector.load %arg3[%get3A_25, %get3A_26] : memref<16x128xf32, #tpu.memory_space<vmem>>, vector<16x128xf32>
    %dot_general3A = arith.constant dense<0.000000e+00> : vector<2560x128xf32>
    %dot_general3A_28 = tpu.matmul %select_n3A, %get3A_27, %dot_general3A {dimension_numbers = #tpu.dot_dimension_numbers<[1], [0], [0], [1], [0, 0, 1, 1], [], []>, transpose_lhs_hint = false} : vector<2560x16xf32>, vector<16x128xf32>, vector<2560x128xf32> -> vector<2560x128xf32>
    %slice3A_29 = vector.extract_strided_slice %bitcast_convert_type3A {offsets = [0, 0], sizes = [2560, 64], strides = [1, 1]} : vector<2560x128xf32> to vector<2560x64xf32>
    %slice3A_30 = vector.extract_strided_slice %bitcast_convert_type3A {offsets = [0, 64], sizes = [2560, 64], strides = [1, 1]} : vector<2560x128xf32> to vector<2560x64xf32>
    %add3A_31 = arith.addf %slice3A_29, %slice3A_30 : vector<2560x64xf32>
    %slice3A_32 = vector.extract_strided_slice %bitcast_convert_type3A_13 {offsets = [0, 0], sizes = [2560, 64], strides = [1, 1]} : vector<2560x128xf32> to vector<2560x64xf32>
    %add3A_33 = arith.addf %add3A_31, %slice3A_32 : vector<2560x64xf32>
    %slice3A_34 = vector.extract_strided_slice %dot_general3A_28 {offsets = [0, 0], sizes = [2560, 64], strides = [1, 1]} : vector<2560x128xf32> to vector<2560x64xf32>
    %add3A_35 = arith.addf %add3A_33, %slice3A_34 : vector<2560x64xf32>
    %slice3A_36 = vector.extract_strided_slice %bitcast_convert_type3A_9 {offsets = [0, 0], sizes = [2560, 64], strides = [1, 1]} : vector<2560x128xf32> to vector<2560x64xf32>
    %slice3A_37 = vector.extract_strided_slice %bitcast_convert_type3A_9 {offsets = [0, 64], sizes = [2560, 64], strides = [1, 1]} : vector<2560x128xf32> to vector<2560x64xf32>
    %add3A_38 = arith.addf %slice3A_36, %slice3A_37 : vector<2560x64xf32>
    %slice3A_39 = vector.extract_strided_slice %bitcast_convert_type3A_17 {offsets = [0, 0], sizes = [2560, 64], strides = [1, 1]} : vector<2560x128xf32> to vector<2560x64xf32>
    %add3A_40 = arith.addf %add3A_38, %slice3A_39 : vector<2560x64xf32>
    %slice3A_41 = vector.extract_strided_slice %dot_general3A_28 {offsets = [0, 64], sizes = [2560, 64], strides = [1, 1]} : vector<2560x128xf32> to vector<2560x64xf32>
    %add3A_42 = arith.addf %add3A_40, %slice3A_41 : vector<2560x64xf32>
    %logistic3A = arith.negf %add3A_35 : vector<2560x64xf32>
    %logistic3A_43 = math.exp %logistic3A : vector<2560x64xf32>
    %logistic3A_44 = arith.constant 1.000000e+00 : f32
    %logistic3A_45 = vector.broadcast %logistic3A_44 : f32 to vector<2560x64xf32>
    %logistic3A_46 = arith.addf %logistic3A_45, %logistic3A_43 : vector<2560x64xf32>
    %logistic3A_47 = arith.divf %logistic3A_45, %logistic3A_46 : vector<2560x64xf32>
    %mul3A = arith.mulf %add3A_35, %logistic3A_47 : vector<2560x64xf32>
    %logistic3A_48 = arith.negf %add3A_42 : vector<2560x64xf32>
    %logistic3A_49 = math.exp %logistic3A_48 : vector<2560x64xf32>
    %logistic3A_50 = arith.constant 1.000000e+00 : f32
    %logistic3A_51 = vector.broadcast %logistic3A_50 : f32 to vector<2560x64xf32>
    %logistic3A_52 = arith.addf %logistic3A_51, %logistic3A_49 : vector<2560x64xf32>
    %logistic3A_53 = arith.divf %logistic3A_51, %logistic3A_52 : vector<2560x64xf32>
    %mul3A_54 = arith.mulf %add3A_42, %logistic3A_53 : vector<2560x64xf32>
    %convert_element_type3A = arith.truncf %mul3A : vector<2560x64xf32> to vector<2560x64xbf16>
    %get3A_55 = arith.constant 0 : index
    %get3A_56 = arith.constant 0 : index
    %get3A_57 = vector.load %arg4[%get3A_55, %get3A_56] : memref<64x128xbf16, #tpu.memory_space<vmem>>, vector<64x128xbf16>
    %dot_general3A_58 = arith.constant dense<0.000000e+00> : vector<2560x128xf32>
    %dot_general3A_59 = tpu.matmul %convert_element_type3A, %get3A_57, %dot_general3A_58 {dimension_numbers = #tpu.dot_dimension_numbers<[1], [0], [0], [1], [0, 0, 1, 1], [], []>, transpose_lhs_hint = false} : vector<2560x64xbf16>, vector<64x128xbf16>, vector<2560x128xf32> -> vector<2560x128xf32>
    %convert_element_type3A_60 = arith.truncf %mul3A_54 : vector<2560x64xf32> to vector<2560x64xbf16>
    %get3A_61 = arith.constant 0 : index
    %get3A_62 = arith.constant 0 : index
    %get3A_63 = vector.load %arg5[%get3A_61, %get3A_62] : memref<64x128xbf16, #tpu.memory_space<vmem>>, vector<64x128xbf16>
    %dot_general3A_64 = arith.constant dense<0.000000e+00> : vector<2560x128xf32>
    %dot_general3A_65 = tpu.matmul %convert_element_type3A_60, %get3A_63, %dot_general3A_64 {dimension_numbers = #tpu.dot_dimension_numbers<[1], [0], [0], [1], [0, 0, 1, 1], [], []>, transpose_lhs_hint = false} : vector<2560x64xbf16>, vector<64x128xbf16>, vector<2560x128xf32> -> vector<2560x128xf32>
    %add3A_66 = arith.addf %dot_general3A_59, %dot_general3A_65 : vector<2560x128xf32>
    %get3A_67 = arith.constant 0 : index
    %get3A_68 = arith.constant 0 : index
    %get3A_69 = vector.load %arg6[%get3A_67, %get3A_68] : memref<1x128xf32, #tpu.memory_space<vmem>>, vector<1x128xf32>
    %add3A_70 = vector.broadcast %get3A_69 : vector<1x128xf32> to vector<2560x128xf32>
    %add3A_71 = arith.addf %add3A_66, %add3A_70 : vector<2560x128xf32>
    %logistic3A_72 = arith.negf %add3A_71 : vector<2560x128xf32>
    %logistic3A_73 = math.exp %logistic3A_72 : vector<2560x128xf32>
    %logistic3A_74 = arith.constant 1.000000e+00 : f32
    %logistic3A_75 = vector.broadcast %logistic3A_74 : f32 to vector<2560x128xf32>
    %logistic3A_76 = arith.addf %logistic3A_75, %logistic3A_73 : vector<2560x128xf32>
    %logistic3A_77 = arith.divf %logistic3A_75, %logistic3A_76 : vector<2560x128xf32>
    %mul3A_78 = arith.mulf %add3A_71, %logistic3A_77 : vector<2560x128xf32>
    %swap3A = arith.constant 0 : index
    %swap3A_79 = arith.constant 0 : index
    %swap3A_80 = vector.load %arg7[%swap3A, %swap3A_79] : memref<2560x128xf32, #tpu.memory_space<vmem>>, vector<2560x128xf32>
    tpu.vector_store %arg7[%swap3A, %swap3A_79], %mul3A_78 {strides = array<i32>} : memref<2560x128xf32, #tpu.memory_space<vmem>>, vector<2560x128xf32>,
    return
  }
  func.func @transform_0(%arg0: i32) -> (i32, i32) {
    %c0_i32 = arith.constant 0 : i32
    %c0_i32_0 = arith.constant 0 : i32
    return %arg0, %c0_i32 : i32, i32
  }
  func.func @transform_1(%arg0: i32) -> (i32, i32) {
    %c0_i32 = arith.constant 0 : i32
    %c0_i32_0 = arith.constant 0 : i32
    return %arg0, %c0_i32 : i32, i32
  }
  func.func @transform_2(%arg0: i32) -> (i32, i32) {
    %c0_i32 = arith.constant 0 : i32
    %c0_i32_0 = arith.constant 0 : i32
    %c0_i32_1 = arith.constant 0 : i32
    return %c0_i32, %c0_i32_0 : i32, i32
  }
  func.func @transform_3(%arg0: i32) -> (i32, i32) {
    %c0_i32 = arith.constant 0 : i32
    %c0_i32_0 = arith.constant 0 : i32
    %c0_i32_1 = arith.constant 0 : i32
    return %c0_i32, %c0_i32_0 : i32, i32
  }
  func.func @transform_4(%arg0: i32) -> (i32, i32) {
    %c0_i32 = arith.constant 0 : i32
    %c0_i32_0 = arith.constant 0 : i32
    %c0_i32_1 = arith.constant 0 : i32
    return %c0_i32, %c0_i32_0 : i32, i32
  }
  func.func @transform_5(%arg0: i32) -> (i32, i32) {
    %c0_i32 = arith.constant 0 : i32
    %c0_i32_0 = arith.constant 0 : i32
    %c0_i32_1 = arith.constant 0 : i32
    return %c0_i32, %c0_i32_0 : i32, i32
  }
  func.func @transform_6(%arg0: i32) -> (i32, i32) {
    %c0_i32 = arith.constant 0 : i32
    %c0_i32_0 = arith.constant 0 : i32
    return %arg0, %c0_i32 : i32, i32
  }
}

module attributes {stable_mosaic.version = 14 : i64} {
  func.func @_node_body(%arg0: i32, %arg1: memref<2x1000x128xf32, #tpu.memory_space<vmem>>, %arg2: memref<2x1000x16xf32, #tpu.memory_space<vmem>>, %arg3: memref<1000x128xf32, #tpu.memory_space<vmem>>, %arg4: memref<128x128xf32, #tpu.memory_space<vmem>>, %arg5: memref<128x128xf32, #tpu.memory_space<vmem>>, %arg6: memref<1x128xf32, #tpu.memory_space<vmem>>, %arg7: memref<128x128xf32, #tpu.memory_space<vmem>>, %arg8: memref<1x128xf32, #tpu.memory_space<vmem>>, %arg9: memref<1000x128xf32, #tpu.memory_space<vmem>>) attributes {dimension_semantics = [#tpu.dimension_semantics<arbitrary>], iteration_bounds = array<i64: 10>, scalar_prefetch = 0 : i64, scratch_operands = 0 : i64, tpu.core_type = #tpu.core_type<tc>, window_params = [{transform_indices = @transform_0, window_bounds = array<i64: 2, 1000, 128>}, {transform_indices = @transform_1, window_bounds = array<i64: 2, 1000, 16>}, {transform_indices = @transform_2, window_bounds = array<i64: 1000, 128>}, {pipeline_mode = #tpu.pipeline_mode<synchronous>, transform_indices = @transform_3, window_bounds = array<i64: 128, 128>}, {pipeline_mode = #tpu.pipeline_mode<synchronous>, transform_indices = @transform_4, window_bounds = array<i64: 128, 128>}, {pipeline_mode = #tpu.pipeline_mode<synchronous>, transform_indices = @transform_5, window_bounds = array<i64: 1, 128>}, {pipeline_mode = #tpu.pipeline_mode<synchronous>, transform_indices = @transform_6, window_bounds = array<i64: 128, 128>}, {pipeline_mode = #tpu.pipeline_mode<synchronous>, transform_indices = @transform_7, window_bounds = array<i64: 1, 128>}, {transform_indices = @transform_8, window_bounds = array<i64: 1000, 128>}]} {
    %get3A = arith.constant 0 : index
    %get3A_0 = arith.constant 0 : index
    %get3A_1 = arith.constant 0 : index
    %get3A_2 = vector.load %arg1[%get3A, %get3A_0, %get3A_1] : memref<2x1000x128xf32, #tpu.memory_space<vmem>>, vector<1x1000x128xf32>
    %get3A_3 = vector.shape_cast %get3A_2 : vector<1x1000x128xf32> to vector<1000x128xf32>
    %get3A_4 = arith.constant 1 : index
    %get3A_5 = arith.constant 0 : index
    %get3A_6 = arith.constant 0 : index
    %get3A_7 = vector.load %arg1[%get3A_4, %get3A_5, %get3A_6] : memref<2x1000x128xf32, #tpu.memory_space<vmem>>, vector<1x1000x128xf32>
    %get3A_8 = vector.shape_cast %get3A_7 : vector<1x1000x128xf32> to vector<1000x128xf32>
    %add3A = arith.addf %get3A_3, %get3A_8 : vector<1000x128xf32>
    %get3A_9 = arith.constant 0 : index
    %get3A_10 = arith.constant 0 : index
    %get3A_11 = arith.constant 0 : index
    %get3A_12 = vector.load %arg2[%get3A_9, %get3A_10, %get3A_11] : memref<2x1000x16xf32, #tpu.memory_space<vmem>>, vector<1x1000x16xf32>
    %get3A_13 = vector.shape_cast %get3A_12 : vector<1x1000x16xf32> to vector<1000x16xf32>
    %slice3A = vector.extract_strided_slice %get3A_13 {offsets = [0, 0], sizes = [1000, 1], strides = [1, 1]} : vector<1000x16xf32> to vector<1000x1xf32>
    %get3A_14 = arith.constant 1 : index
    %get3A_15 = arith.constant 0 : index
    %get3A_16 = arith.constant 0 : index
    %get3A_17 = vector.load %arg2[%get3A_14, %get3A_15, %get3A_16] : memref<2x1000x16xf32, #tpu.memory_space<vmem>>, vector<1x1000x16xf32>
    %get3A_18 = vector.shape_cast %get3A_17 : vector<1x1000x16xf32> to vector<1000x16xf32>
    %slice3A_19 = vector.extract_strided_slice %get3A_18 {offsets = [0, 0], sizes = [1000, 1], strides = [1, 1]} : vector<1000x16xf32> to vector<1000x1xf32>
    %add3A_20 = arith.addf %slice3A, %slice3A_19 : vector<1000x1xf32>
    %max3A = arith.constant 1.000000e+00 : f32
    %max3A_21 = vector.broadcast %max3A : f32 to vector<1000x1xf32>
    %max3A_22 = arith.maximumf %add3A_20, %max3A_21 : vector<1000x1xf32>
    %div3A = vector.broadcast %max3A_22 : vector<1000x1xf32> to vector<1000x128xf32>
    %div3A_23 = arith.divf %add3A, %div3A : vector<1000x128xf32>
    %get3A_24 = arith.constant 0 : index
    %get3A_25 = arith.constant 0 : index
    %get3A_26 = vector.load %arg3[%get3A_24, %get3A_25] : memref<1000x128xf32, #tpu.memory_space<vmem>>, vector<1000x128xf32>
    %get3A_27 = arith.constant 0 : index
    %get3A_28 = arith.constant 0 : index
    %get3A_29 = vector.load %arg4[%get3A_27, %get3A_28] : memref<128x128xf32, #tpu.memory_space<vmem>>, vector<128x128xf32>
    %dot_general3A = arith.constant dense<0.000000e+00> : vector<1000x128xf32>
    %dot_general3A_30 = tpu.matmul %get3A_26, %get3A_29, %dot_general3A {dimension_numbers = #tpu.dot_dimension_numbers<[1], [0], [0], [1], [0, 0, 1, 1], [], []>, transpose_lhs_hint = false} : vector<1000x128xf32>, vector<128x128xf32>, vector<1000x128xf32> -> vector<1000x128xf32>
    %get3A_31 = arith.constant 0 : index
    %get3A_32 = arith.constant 0 : index
    %get3A_33 = vector.load %arg5[%get3A_31, %get3A_32] : memref<128x128xf32, #tpu.memory_space<vmem>>, vector<128x128xf32>
    %dot_general3A_34 = arith.constant dense<0.000000e+00> : vector<1000x128xf32>
    %dot_general3A_35 = tpu.matmul %div3A_23, %get3A_33, %dot_general3A_34 {dimension_numbers = #tpu.dot_dimension_numbers<[1], [0], [0], [1], [0, 0, 1, 1], [], []>, transpose_lhs_hint = false} : vector<1000x128xf32>, vector<128x128xf32>, vector<1000x128xf32> -> vector<1000x128xf32>
    %add3A_36 = arith.addf %dot_general3A_30, %dot_general3A_35 : vector<1000x128xf32>
    %get3A_37 = arith.constant 0 : index
    %get3A_38 = arith.constant 0 : index
    %get3A_39 = vector.load %arg6[%get3A_37, %get3A_38] : memref<1x128xf32, #tpu.memory_space<vmem>>, vector<1x128xf32>
    %add3A_40 = vector.broadcast %get3A_39 : vector<1x128xf32> to vector<1000x128xf32>
    %add3A_41 = arith.addf %add3A_36, %add3A_40 : vector<1000x128xf32>
    %logistic3A = arith.negf %add3A_41 : vector<1000x128xf32>
    %logistic3A_42 = math.exp %logistic3A : vector<1000x128xf32>
    %logistic3A_43 = arith.constant 1.000000e+00 : f32
    %logistic3A_44 = vector.broadcast %logistic3A_43 : f32 to vector<1000x128xf32>
    %logistic3A_45 = arith.addf %logistic3A_44, %logistic3A_42 : vector<1000x128xf32>
    %logistic3A_46 = arith.divf %logistic3A_44, %logistic3A_45 : vector<1000x128xf32>
    %mul3A = arith.mulf %add3A_41, %logistic3A_46 : vector<1000x128xf32>
    %get3A_47 = arith.constant 0 : index
    %get3A_48 = arith.constant 0 : index
    %get3A_49 = vector.load %arg7[%get3A_47, %get3A_48] : memref<128x128xf32, #tpu.memory_space<vmem>>, vector<128x128xf32>
    %dot_general3A_50 = arith.constant dense<0.000000e+00> : vector<1000x128xf32>
    %dot_general3A_51 = tpu.matmul %mul3A, %get3A_49, %dot_general3A_50 {dimension_numbers = #tpu.dot_dimension_numbers<[1], [0], [0], [1], [0, 0, 1, 1], [], []>, transpose_lhs_hint = false} : vector<1000x128xf32>, vector<128x128xf32>, vector<1000x128xf32> -> vector<1000x128xf32>
    %get3A_52 = arith.constant 0 : index
    %get3A_53 = arith.constant 0 : index
    %get3A_54 = vector.load %arg8[%get3A_52, %get3A_53] : memref<1x128xf32, #tpu.memory_space<vmem>>, vector<1x128xf32>
    %add3A_55 = vector.broadcast %get3A_54 : vector<1x128xf32> to vector<1000x128xf32>
    %add3A_56 = arith.addf %dot_general3A_51, %add3A_55 : vector<1000x128xf32>
    %logistic3A_57 = arith.negf %add3A_56 : vector<1000x128xf32>
    %logistic3A_58 = math.exp %logistic3A_57 : vector<1000x128xf32>
    %logistic3A_59 = arith.constant 1.000000e+00 : f32
    %logistic3A_60 = vector.broadcast %logistic3A_59 : f32 to vector<1000x128xf32>
    %logistic3A_61 = arith.addf %logistic3A_60, %logistic3A_58 : vector<1000x128xf32>
    %logistic3A_62 = arith.divf %logistic3A_60, %logistic3A_61 : vector<1000x128xf32>
    %mul3A_63 = arith.mulf %add3A_56, %logistic3A_62 : vector<1000x128xf32>
    %add3A_64 = arith.addf %get3A_26, %mul3A_63 : vector<1000x128xf32>
    %swap3A = arith.constant 0 : index
    %swap3A_65 = arith.constant 0 : index
    %swap3A_66 = vector.load %arg9[%swap3A, %swap3A_65] : memref<1000x128xf32, #tpu.memory_space<vmem>>, vector<1000x128xf32>
    tpu.vector_store %arg9[%swap3A, %swap3A_65], %add3A_64 {strides = array<i32>} : memref<1000x128xf32, #tpu.memory_space<vmem>>, vector<1000x128xf32>,
    return
  }
  func.func @transform_0(%arg0: i32) -> (i32, i32, i32) {
    %c0_i32 = arith.constant 0 : i32
    %c0_i32_0 = arith.constant 0 : i32
    %c0_i32_1 = arith.constant 0 : i32
    return %c0_i32, %arg0, %c0_i32_0 : i32, i32, i32
  }
  func.func @transform_1(%arg0: i32) -> (i32, i32, i32) {
    %c0_i32 = arith.constant 0 : i32
    %c0_i32_0 = arith.constant 0 : i32
    %c0_i32_1 = arith.constant 0 : i32
    return %c0_i32, %arg0, %c0_i32_0 : i32, i32, i32
  }
  func.func @transform_2(%arg0: i32) -> (i32, i32) {
    %c0_i32 = arith.constant 0 : i32
    %c0_i32_0 = arith.constant 0 : i32
    return %arg0, %c0_i32 : i32, i32
  }
  func.func @transform_3(%arg0: i32) -> (i32, i32) {
    %c0_i32 = arith.constant 0 : i32
    %c0_i32_0 = arith.constant 0 : i32
    %c0_i32_1 = arith.constant 0 : i32
    return %c0_i32, %c0_i32_0 : i32, i32
  }
  func.func @transform_4(%arg0: i32) -> (i32, i32) {
    %c0_i32 = arith.constant 0 : i32
    %c0_i32_0 = arith.constant 0 : i32
    %c0_i32_1 = arith.constant 0 : i32
    return %c0_i32, %c0_i32_0 : i32, i32
  }
  func.func @transform_5(%arg0: i32) -> (i32, i32) {
    %c0_i32 = arith.constant 0 : i32
    %c0_i32_0 = arith.constant 0 : i32
    %c0_i32_1 = arith.constant 0 : i32
    return %c0_i32, %c0_i32_0 : i32, i32
  }
  func.func @transform_6(%arg0: i32) -> (i32, i32) {
    %c0_i32 = arith.constant 0 : i32
    %c0_i32_0 = arith.constant 0 : i32
    %c0_i32_1 = arith.constant 0 : i32
    return %c0_i32, %c0_i32_0 : i32, i32
  }
  func.func @transform_7(%arg0: i32) -> (i32, i32) {
    %c0_i32 = arith.constant 0 : i32
    %c0_i32_0 = arith.constant 0 : i32
    %c0_i32_1 = arith.constant 0 : i32
    return %c0_i32, %c0_i32_0 : i32, i32
  }
  func.func @transform_8(%arg0: i32) -> (i32, i32) {
    %c0_i32 = arith.constant 0 : i32
    %c0_i32_0 = arith.constant 0 : i32
    return %arg0, %c0_i32 : i32, i32
  }
}

</mosaic_0001>

<sc_bundles>
// kernel: kernel.11.cloned.1.call-start
scs
__scs_entry_jumppad:
0x0: {  	(pc) =	sbr.rel $0x88, $3  }
0x1: {  	(tag) =	ssettag $0x0;
	lr =	simm.s32 $0x1  }
0x2: {  	[smem:$0x3F94] =	sst lr;
	_ =	strace $0xD0000000  }
0x3: {  	_ = 	snop  }
0x4: {  	_ = 	snop  }
0x5: {  	_ = 	snop  }
0x6: {  	_ = 	snop  }
0x7: {  	_ = 	snop  }
__scs_overlays_trampoline_lowered:
0x8: {  	[smem:$0x3FA3] =	sst s0  }
0x9: {  	[smem:$0x3FA4] =	sst s1  }
0xa: {  	[smem:$0x3FA5] =	sst s2  }
0xb: {  	[smem:$0x3FA6] =	sst s3  }
0xc: {  	[smem:$0x3FA7] =	sst s4  }
0xd: {  	[smem:$0x3FA8] =	sst s5  }
0xe: {  	[smem:$0x3FA9] =	sst s6  }
0xf: {  	[smem:$0x3FAA] =	sst s7  }
0x10: {  	[smem:$0x3FAB] =	sst s8  }
0x11: {  	[smem:$0x3FAC] =	sst s9;
	s0 =	simm.s32 @!p0 $0x0  }
0x12: {  	s1 =	sld [smem:$0x3F92];
	s0 =	simm.s32 @p0 $0x1  }
0x13: {  	[smem:$0x3FAD] =	sst s0;
	s0 =	simm.s32 @!p1 $0x0  }
0x14: {  	s2 =	sld [smem:$0x3F91];
	s0 =	simm.s32 @p1 $0x1  }
0x15: {  	[smem:$0x3FAE] =	sst s0;
	s0 =	simm.s32 @!p2 $0x0  }
0x16: {  	s3 =	sld [smem:$0x3FDB];
	s0 =	simm.s32 @p2 $0x1  }
0x17: {  	s4 =	simm.s32 $0x1BF5;
	[smem:$0x3FB0] =	sst s0  }
0x18: {  	s0 =	sld [smem:$0x3F93];
	_ =	swait.ge [sflag:s4], $0x0  }
0x19: {  	s7 =	sld [smem:$0x3F94]  }
0x1a: {  	s8 =	sadd.s32 $0xFFFFE003, lr  }
0x1b: {  	s9 =	sadd.s32 $0xFFFFFEF7, lr;
	s5 =	simm.s32 $0xFFFFFFFF;
	p2 =	slt.u32 s8, $0xFFFFF086  }
0x1c: {  	p1 =	slt.u32 s9, $0xF7A;
	s5 =	simm.s32 @!p2 $0x0  }
0x1d: {  	s5 =	simm.s32 @p1 $0x1;
	p0 =	seq.s32 s7, s2  }
0x1e: {  	s7 =	smul.u32 @!p0 $0xF7A, s2;
	p2 =	seq.s32 @!p0 s5, $0x0  }
0x1f: {  	s9 =	smul.u32 $0xF7A, s1;
	s8 =	simm.s32 @!p0 $0x1BF5;
	p2 =	por !p2, p0  }
0x20: {  	[sflag:s8] =	ssyncset.s32 @!p0 $0xFFFFF086;
	s6 =	sadd.s32 @!p0 s3, s7;
	s7 =	simm.s32 @!p0 $0x108  }
0x21: {  	s3 =	sadd.s32 s3, s9;
	s6 =	sadd.s32 @!p0 $0x88, s6;
	s7 =	simm.s32 @p2 $0x1082  }
0x22: {  	[simem:s7], [sflag:s8] =	dma.local @!p0 [hbm:s6], $0xF7A  }
0x23: {  	s9 =	sor.u32 $0xD0000000, s2;
	s6 =	simm.s32 $0x108;
	_ =	swait.ge @!p0 [sflag:s8], $0x0  }
0x24: {  	s3 =	sadd.s32 $0x88, s3;
	s6 =	simm.s32 @!p1 $0x1082;
	[sflag:s4] =	ssyncset.s32 $0xFFFFF086  }
0x25: {  	[simem:s6], [sflag:s4] =	dma.local [hbm:s3], $0xF7A  }
0x26: {  	[smem:$0x3F94] =	sst s1;
	(tag) =	ssettag s2;
	_ =	strace s9  }
0x27: {  	s1 =	sld [smem:$0x3FA4]  }
0x28: {  	s2 =	sld [smem:$0x3FA5]  }
0x29: {  	s4 =	sld [smem:$0x3FA7]  }
0x2a: {  	p0 =	seq.s32 s5, $0x0;
	s5 =	sld [smem:$0x3FA8]  }
0x2b: {  	s6 =	sld [smem:$0x3FA9]  }
0x2c: {  	s7 =	sld [smem:$0x3FAA]  }
0x2d: {  	s3 =	simm.s32 $0x108;
	s8 =	sld [smem:$0x3FAB]  }
0x2e: {  	s3 =	simm.s32 @!p0 $0x1082;
	s9 =	sld [smem:$0x3FAC]  }
0x2f: {  	lr =	sadd.s32 s0, s3;
	s0 =	sld [smem:$0x3FA3]  }
0x30: {  	s3 =	sld [smem:$0x3FA6]  }
0x31: {  	[smem:$0x3FAF] =	sst s10  }
0x32: {  	s10 =	sld [smem:$0x3FAD];
	_ =	sdelay $0x3  }
0x33: {  	p0 =	seq.s32 s10, $0x1;
	s10 =	sld [smem:$0x3FAF];
	_ =	sdelay $0x3  }
0x34: {  	[smem:$0x3FAF] =	sst s10  }
0x35: {  	s10 =	sld [smem:$0x3FAE];
	_ =	sdelay $0x3  }
0x36: {  	p1 =	seq.s32 s10, $0x1;
	s10 =	sld [smem:$0x3FAF];
	_ =	sdelay $0x3  }
0x37: {  	[smem:$0x3FAF] =	sst s10  }
0x38: {  	s10 =	sld [smem:$0x3FB0]  }
0x39: {  	_ = 	snop;
	(pc) =	sbr.ind lr, $3  }
0x3a: {  	_ = 	snop  }
0x3b: {  	_ = 	snop  }
0x3c: {  	p2 =	seq.s32 s10, $0x1;
	s10 =	sld [smem:$0x3FAF]  }
0x3d: {  	_ =	shalt  }
0x3e: {  	_ =	shalt  }
0x3f: {  	_ =	shalt  }
0x40: {  	_ =	shalt  }
0x41: {  	_ =	shalt  }
0x42: {  	_ =	shalt  }
0x43: {  	_ =	shalt  }
0x44: {  	_ =	shalt  }
0x45: {  	_ =	shalt  }
0x46: {  	_ =	shalt  }
0x47: {  	_ =	shalt  }
0x48: {  	_ =	shalt  }
0x49: {  	_ =	shalt  }
0x4a: {  	_ =	shalt  }
0x4b: {  	_ =	shalt  }
0x4c: {  	_ =	shalt  }
0x4d: {  	_ =	shalt  }
0x4e: {  	_ =	shalt  }
0x4f: {  	_ =	shalt  }
0x50: {  	_ =	shalt  }
0x51: {  	_ =	shalt  }
0x52: {  	_ =	shalt  }
0x53: {  	_ =	shalt  }
0x54: {  	_ =	shalt  }
0x55: {  	_ =	shalt  }
0x56: {  	_ =	shalt  }
0x57: {  	_ =	shalt  }
0x58: {  	_ =	shalt  }
0x59: {  	_ =	shalt  }
0x5a: {  	_ =	shalt  }
0x5b: {  	_ =	shalt  }
0x5c: {  	_ =	shalt  }
0x5d: {  	_ =	shalt  }
0x5e: {  	_ =	shalt  }
0x5f: {  	_ =	shalt  }
0x60: {  	_ =	shalt  }
0x61: {  	_ =	shalt  }
0x62: {  	_ =	shalt  }
0x63: {  	_ =	shalt  }
0x64: {  	_ =	shalt  }
0x65: {  	_ =	shalt  }
0x66: {  	_ =	shalt  }
0x67: {  	_ =	shalt  }
0x68: {  	_ =	shalt  }
0x69: {  	_ =	shalt  }
0x6a: {  	_ =	shalt  }
0x6b: {  	_ =	shalt  }
0x6c: {  	_ =	shalt  }
0x6d: {  	_ =	shalt  }
0x6e: {  	_ =	shalt  }
0x6f: {  	_ =	shalt  }
0x70: {  	_ =	shalt  }
0x71: {  	_ =	shalt  }
0x72: {  	_ =	shalt  }
0x73: {  	_ =	shalt  }
0x74: {  	_ =	shalt  }
0x75: {  	_ =	shalt  }
0x76: {  	_ =	shalt  }
0x77: {  	_ =	shalt  }
0x78: {  	_ =	shalt  }
0x79: {  	_ =	shalt  }
0x7a: {  	_ =	shalt  }
0x7b: {  	_ =	shalt  }
0x7c: {  	_ =	shalt  }
0x7d: {  	_ =	shalt  }
0x7e: {  	_ =	shalt  }
0x7f: {  	_ =	shalt  }
0x80: {  	_ =	shalt  }
0x81: {  	_ =	shalt  }
0x82: {  	_ =	shalt  }
0x83: {  	_ =	shalt  }
0x84: {  	_ =	shalt  }
0x85: {  	_ =	shalt  }
0x86: {  	_ =	shalt  }
0x87: {  	_ =	shalt  }
.Lfunc_end0:
.L_simem_size_0:
called_computation_lowered:
.L_overlay_start_0:
0x88: {  	s2 =	sld [smem:$0x3FD9]  }
0x89: {  	s3 =	sld [smem:$0x3FFE];
	_ =	sdelay $0x1  }
0x8a: {  	s1 =	srdreg.scid  }
0x8b: {  	s0 =	sand.u32 $0x1, s1  }
0x8c: {  	s17 =	sshll.u32 s0, $0xA;
	s2 =	sadd.s32 s3, s2  }
0x8d: {  	s2 =	sadd.s32 s2, s17  }
0x8e: {  	[smem:$0x3FBB] =	sst s2  }
0x8f: {  	_ = 	snop  }
0x90: {  	(tm) =	ssettm $0x1  }
0x91: {  	s18 =	sld [smem:$0x3FFB];
	_ =	sdelay $0x3  }
0x92: {  	_ =	strace s18  }
0x93: {  	s2 =	sld [smem:$0x3FFC];
	_ =	sdelay $0x3  }
0x94: {  	_ =	strace s2  }
0x95: {  	s2 =	sld [smem:$0x3FFD];
	_ =	sdelay $0x3  }
0x96: {  	_ =	strace s2  }
0x97: {  	_ =	strace $0x8FFFFFFF  }
0x98: {  	s19 =	sld [smem:$0x3FDB];
	_ =	sdelay $0x1  }
0x99: {  	s20 =	simm.s32 $_scs_section_size  }
0x9a: {  	s4 =	simm.s32 $_size__tile_overlayer_lowered;
	s5 =	simm.s32 $_tile_overlayer_lowered  }
0x9b: {  	s6 =	simm.s32 $0x1BFF;
	s21 =	sshll.u32 s5, $0x1;
	s3 =	sadd.s32 s20, s19  }
0x9c: {  	s22 =	simm.s32 $0x0;
	s4 =	sshll.u32 s4, $0x1;
	s5 =	sadd.s32 s21, s3  }
0x9d: {  	[timem:s22], [sflag:s6] =	dma.local [hbm:s5], s4  }
0x9e: {  	_ =	swait.ge [sflag:s6], s4  }
0x9f: {  	s4 =	ssub.s32 $0x0, s4;
	[sflag:s6] =	ssyncset.done $0x0  }
0xa0: {  	[sflag:s6] =	ssyncadd.s32 s4;
	_ =	sdelay $0x1  }
0xa1: {  	s23 =	simm.s32 $0x1B8B  }
0xa2: {  	_ =	swait.ge [sflag:s23], $0x1  }
0xa3: {  	[sflag:s23] =	ssyncset.done $0x0  }
0xa4: {  	[sflag:s23] =	ssyncadd.s32 $0xFFFFFFFF  }
0xa5: {  	s4 =	sld [smem:$0x0]  }
0xa6: {  	s5 =	sand.u32 $0xFFFFFFFE, s1  }
0xa7: {  	p0 =	sne.s32 s1, s5  }
0xa8: {  	s5 =	sshll.u32 @p0 s5, $0xE  }
0xa9: {  	s5 =	sadd.s32 @p0 $0x11B8D, s5;
	s6 =	sshll.u32 @p0 s4, $0x11  }
0xaa: {  	s5 =	sor.u32 @p0 s6, s5  }
0xab: {  	[sflag:s5] =	ssyncadd.remote.s32 @p0 $0x1;
	_ =	sdelay $0x1  }
0xac: {  	s5 =	simm.s32 @p0 $0x1B8D  }
0xad: {  	_ =	swait.eq @p0 [sflag:s5], $0x1  }
0xae: {  	[sflag:s5] =	ssyncadd.s32 @p0 $0xFFFFFFFF  }
0xaf: {  	s6 =	sshll.u32 @!p0 s1, $0xE  }
0xb0: {  	s6 =	sor.u32 @!p0 $0x4000, s6;
	s5 =	simm.s32 @!p0 $0x1B8D  }
0xb1: {  	s4 =	sshll.u32 @!p0 s4, $0x11;
	s6 =	sadd.s32 @!p0 $0x11B8D, s6;
	_ =	swait.eq @!p0 [sflag:s5], $0x1  }
0xb2: {  	s4 =	sor.u32 @!p0 s4, s6;
	[sflag:s5] =	ssyncadd.s32 @!p0 $0xFFFFFFFF  }
0xb3: {  	s25 =	simm.s32 $0x1B8E;
	s24 =	sld [smem:$0x3FFE];
	[sflag:s4] =	ssyncadd.remote.s32 @!p0 $0x1  }
0xb4: {  	s26 =	simm.s32 $execute0_lowered;
	[smem:$0x3FD2] =	sst s25  }
0xb5: {  	s5 =	sshll.u32 s26, $0x1;
	_ =	strace $0x8000004F;
	[dreg:$0x1] =	wrdreg $0xFFFFFFFF  }
0xb6: {  	s28 =	simm.s32 $_size_execute0_lowered;
	s3 =	sadd.s32 s3, s5;
	[dreg:$0x0] =	wrdreg $0x0  }
0xb7: {  	s5 =	sshll.u32 s28, $0x1;
	[dreg:$0x2] =	wrdreg s3  }
0xb8: {  	[dreg:$0x3] =	wrdreg s5  }
0xb9: {  	[dreg:$0x4] =	wrdreg $0xC0  }
0xba: {  	_ =	task [dreg:s22], $0x5FFFF  }
0xbb: {  	[dreg:$0x1] =	wrdreg $0xFFFFFFFF  }
0xbc: {  	[dreg:$0x0] =	wrdreg $0x60  }
0xbd: {  	[dreg:$0x2] =	wrdreg s24  }
0xbe: {  	[dreg:$0x3] =	wrdreg $0x5500  }
0xbf: {  	[dreg:$0x4] =	wrdreg $0x9  }
0xc0: {  	_ =	task.clear_ibuf [dreg:s22], $0x5FFFF;
	_ =	strace $0x9000004F  }
0xc1: {  	s29 =	simm.s32 $0x9;
	_ =	strace $0x80000051  }
0xc2: {  	_ =	swait.ge [sflag:s29], $0x1  }
0xc3: {  	[sflag:s29] =	ssyncadd.s32 $0xFFFFFFFF  }
0xc4: {  	_ =	strace $0x90000051  }
0xc5: {  	_ =	sfence  }
0xc6: {  	s30 =	sld [smem:$0x0];
	_ =	sdelay $0x2  }
0xc7: {  	s31 =	sshll.u32 s1, $0xD;
	s1 =	sshrl.u32 s1, $0x2  }
0xc8: {  	s4 =	sand.u32 $0x4000, s31;
	s1 =	sadd.s32 s1, s30  }
0xc9: {  	s0 =	sor.u32 s4, s0;
	s1 =	sshll.u32 s1, $0x11  }
0xca: {  	s0 =	sor.u32 s1, s0  }
0xcb: {  	s0 =	sadd.s32 $0x8F2B, s0  }
0xcc: {  	[sflag:s0] =	ssyncadd.remote.s32 $0x1  }
0xcd: {  	_ =	sfence.sel $0xFFFF  }
0xce: {  	[dreg:$0x0] =	wrdreg $0xFFFFFFFF;
	(pc) =	sbr.abs _section_cstart, $3  }
0xcf: {  	[dreg:$0x1] =	wrdreg $0xFFFFFFFF  }
0xd0: {  	_ =	task.clear_ibuf [dreg:s22], $0x2FFFF;
	_ =	strace $0x9FFFFFFF  }
0xd1: {  	(tm) =	ssettm $0x7FFFFFFF  }
tec
execute0_lowered:
.L_overlay_start_1:
0x0: {  	(tag) =	ssettag $0x1  }
0x1: {  	s0 =	srdreg.scid;
	s5 =	rddreg [dreg:$0x0]  }
0x2: {  	s6 =	stileid.u32;
	s1 =	rddreg [dreg:$0x1];
	s2 =	simm.s32 $0x0  }
0x3: {  	s10 =	simm.s32 $0x1;
	s4 =	sand.u32 $0x1, s0;
	s0 =	rddreg [dreg:$0x2]  }
0x4: {  	s11 =	simm.s32 $0x0;
	s3 =	smul.u32 $0x4E20, s6;
	[smem:$0x7FF] =	sst s2  }
0x5: {  	p0 =	sne.s32 s6, $0x0;
	s7 =	smul.u32 $0x2710, s4;
	s9 =	ssub.s32 $0x2, s4  }
0x6: {  	_ =	strace $0x80000050;
	s30 =	smul.u32 $0x4E20, s4;
	s31 =	sshrl.u32 s9, $0x1  }
0x7: {  	s4 =	sadd.s32 $0x16E00, s5;
	s3 =	sadd.s32 s7, s3;
	s7 =	ssub.s32 s9, s31  }
0x8: {  	s9 =	simm.s32 $0x50;
	s3 =	sshrl.u32 s3, $0x3;
	s6 =	smax.u32 s7, $0x1  }
0x9: {  	s8 =	sadd.s32 s3, s5;
	s3 =	sadd.s32 $0xC2200, s5;
	s5 =	sadd.s32 s30, s5  }
0xa: {  	s5 =	sadd.s32 $0xC2400, s5;
	s7 =	sadd.s32 $0x52FC00, s8;
	s8 =	sshrl.u32 @!p0 s1, $0x3  }
.LBB2_1:
0xb: {  	s12 =	simm.s32 @!p0 $0x1C01  }
0xc: {  	[spmem:s8], [sflag:s12] =	dma.local @!p0 [hbm:s4], $0x4E20  }
0xd: {  	s12 =	simm.s32 @!p0 $0x1  }
0xe: {  	_ =	swait.ge @!p0 [sflag:s12], $0x4E20  }
0xf: {  	[sflag:s12] =	ssyncset.done @!p0 $0x0  }
0x10: {  	[sflag:s12] =	ssyncadd.s32 @!p0 $0xFFFFB1E0  }
0x11: {  	[tilespmem:s9], [sflag:$0x1] =	stream.linear.gather [hbm4b:s3+s2], $0x500, $0x38;
	[tilespmem:$0x2C60] =	vst v63  }
0x12: {  	_ =	swait.ge [sflag:s10], $0x500  }
0x13: {  	[sflag:s10] =	ssyncset.done $0x0  }
0x14: {  	[sflag:s10] =	ssyncadd.s32 $0xFFFFFB00  }
0x15: {  	s31 =	sadd.s32 $0x0, s7;
	[bflag:$0x0] =	sbarrier.arrive $0xFFFF  }
0x16: {  	[tilespmem:s2], [sflag:$0x1] =	stream.linear.gather [hbm4b:s31+s2], $0x50, $0x38;
	[tilespmem:$0x2C60] =	vst v63  }
0x17: {  	_ =	swait.ge [sflag:s10], $0x50  }
0x18: {  	[sflag:s10] =	ssyncset.done $0x0  }
0x19: {  	[sflag:s10] =	ssyncadd.s32 $0xFFFFFFB0  }
0x1a: {  	[spmem:s1] =	stream.indirect.scatter.add.f32 [tilespmem:s9], [sflag:$0x1], $0x10, s2, s9, $0xb8;
	[tilespmem:$0x2C60] =	vst v63  }
0x1b: {  	_ =	swait.ge [sflag:s10], $0x500  }
0x1c: {  	s13 =	simm.s32 $0x14;
	s12 =	simm.s32 $0xA;
	[sflag:s10] =	ssyncset.done $0x0  }
.LBB2_2:
0x1d: {  	s14 =	sadd.s32 s12, s7  }
0x1e: {  	[sflag:s10] =	ssyncadd.s32 $0xFFFFFB00;
	s12 =	smov.u32 s13;
	s15 =	sadd.s32 $0xA, s13  }
0x1f: {  	[tilespmem:s2], [sflag:$0x1] =	stream.linear.gather [hbm4b:s14+s2], $0x50, $0x38;
	[tilespmem:$0x2C60] =	vst v63  }
0x20: {  	p1 =	sne.s32 s13, $0x4D8;
	_ =	swait.ge [sflag:s10], $0x50  }
.Ltmp0:
0x21: {  	[sflag:s10] =	ssyncset.done $0x0;
	(pc) =	sbr.rel @p1 .LBB2_2-.Ltmp0, $4  }
0x22: {  	[sflag:s10] =	ssyncadd.s32 $0xFFFFFFB0  }
0x23: {  	[spmem:s1] =	stream.indirect.scatter.add.f32 [tilespmem:s9], [sflag:$0x1], $0x10, s2, s9, $0xb8;
	[tilespmem:$0x2C60] =	vst v63  }
0x24: {  	_ =	swait.ge [sflag:s10], $0x500  }
0x25: {  	s13 =	smov.u32 s15;
	[sflag:s10] =	ssyncset.done $0x0  }
0x26: {  	s12 =	sadd.s32 s12, s7;
	[sflag:s10] =	ssyncadd.s32 $0xFFFFFB00  }
0x27: {  	[tilespmem:s2], [sflag:$0x1] =	stream.linear.gather [hbm4b:s12+s2], $0x50, $0x38;
	[tilespmem:$0x2C60] =	vst v63  }
0x28: {  	_ =	swait.ge [sflag:s10], $0x50  }
0x29: {  	[sflag:s10] =	ssyncset.done $0x0  }
0x2a: {  	[sflag:s10] =	ssyncadd.s32 $0xFFFFFFB0  }
0x2b: {  	[spmem:s1] =	stream.indirect.scatter.add.f32 [tilespmem:s9], [sflag:$0x1], $0x10, s2, s9, $0xb8;
	[tilespmem:$0x2C60] =	vst v63  }
0x2c: {  	_ =	swait.ge [sflag:s10], $0x500  }
0x2d: {  	[sflag:s10] =	ssyncset.done $0x0  }
0x2e: {  	s11 =	sadd.s32 $0x1, s11;
	[sflag:s10] =	ssyncadd.s32 $0xFFFFFB00  }
0x2f: {  	s12 =	simm.s32 @!p0 $0x1C01;
	p1 =	sne.s32 s11, s6;
	[bflag:$0x0] =	sbarrier.arrive $0xFFFF  }
0x30: {  	[hbm:s5], [sflag:s12] =	dma.local @!p0 [spmem:s8], $0x4E20  }
.Ltmp1:
0x31: {  	_ = 	snop;
	(pc) =	sbr.rel @p1 .LBB2_1-.Ltmp1, $4  }
0x32: {  	s12 =	simm.s32 @!p0 $0x1  }
0x33: {  	_ =	swait.ge @!p0 [sflag:s12], $0x4E20  }
0x34: {  	[sflag:s12] =	ssyncset.done @!p0 $0x0  }
0x35: {  	[sflag:s12] =	ssyncadd.s32 @!p0 $0xFFFFB1E0  }
0x36: {  	_ =	sfence.sel $0x180000  }
0x37: {  	[bflag:$0x0] =	sbarrier.arrive $0xFFFF  }
0x38: {  	_ =	strace $0x90000050  }
0x39: {  	s0 =	sadd.s32 @!p0 $0x100000, s0;
	[bflag:$0x2] =	sbarrier.arrive $0xFFFF  }
0x3a: {  	[sflag:s0] =	ssyncadd.tile.s32 @!p0 $0x1;
	_ =	shalt  }
.Lfunc_end2:
_tile_overlayer_lowered:
.L_overlay_start_2:
0x3b: {  	(tag) =	ssettag $0x2  }
0x3c: {  	s0 =	rddreg [dreg:$0x0];
	s2 =	stileid.u32  }
0x3d: {  	s1 =	rddreg [dreg:$0x1];
	p0 =	sne.s32 s2, $0x0  }
0x3e: {  	s3 =	rddreg [dreg:$0x2];
	[bflag:$0x3] =	sbarrier.arrive $0xFFFF;
	s2 =	simm.s32 @!p0 $0x1C01  }
0x3f: {  	[timem:s3], [sflag:s2] =	dma.local @!p0 [hbm:s0], s1  }
0x40: {  	s0 =	simm.s32 @!p0 $0x1  }
0x41: {  	_ =	swait.ge @!p0 [sflag:s0], s1  }
0x42: {  	s1 =	ssub.s32 @!p0 $0x0, s1;
	[sflag:s0] =	ssyncset.done @!p0 $0x0  }
0x43: {  	[sflag:s0] =	ssyncadd.s32 @!p0 s1  }
0x44: {  	[bflag:$0x3] =	sbarrier.arrive $0xFFFF  }
0x45: {  	_ =	shalt  }

// kernel: kernel.14.cloned.1.call-start
scs
__scs_entry_jumppad:
0x0: {  	(pc) =	sbr.rel $0x88, $3  }
0x1: {  	(tag) =	ssettag $0x0;
	lr =	simm.s32 $0x1  }
0x2: {  	[smem:$0x3F94] =	sst lr;
	_ =	strace $0xD0000000  }
0x3: {  	_ = 	snop  }
0x4: {  	_ = 	snop  }
0x5: {  	_ = 	snop  }
0x6: {  	_ = 	snop  }
0x7: {  	_ = 	snop  }
__scs_overlays_trampoline_lowered:
0x8: {  	[smem:$0x3FA3] =	sst s0  }
0x9: {  	[smem:$0x3FA4] =	sst s1  }
0xa: {  	[smem:$0x3FA5] =	sst s2  }
0xb: {  	[smem:$0x3FA6] =	sst s3  }
0xc: {  	[smem:$0x3FA7] =	sst s4  }
0xd: {  	[smem:$0x3FA8] =	sst s5  }
0xe: {  	[smem:$0x3FA9] =	sst s6  }
0xf: {  	[smem:$0x3FAA] =	sst s7  }
0x10: {  	[smem:$0x3FAB] =	sst s8  }
0x11: {  	[smem:$0x3FAC] =	sst s9;
	s0 =	simm.s32 @!p0 $0x0  }
0x12: {  	s1 =	sld [smem:$0x3F92];
	s0 =	simm.s32 @p0 $0x1  }
0x13: {  	[smem:$0x3FAD] =	sst s0;
	s0 =	simm.s32 @!p1 $0x0  }
0x14: {  	s2 =	sld [smem:$0x3F91];
	s0 =	simm.s32 @p1 $0x1  }
0x15: {  	[smem:$0x3FAE] =	sst s0;
	s0 =	simm.s32 @!p2 $0x0  }
0x16: {  	s3 =	sld [smem:$0x3FDB];
	s0 =	simm.s32 @p2 $0x1  }
0x17: {  	s4 =	simm.s32 $0x1BF5;
	[smem:$0x3FB0] =	sst s0  }
0x18: {  	s0 =	sld [smem:$0x3F93];
	_ =	swait.ge [sflag:s4], $0x0  }
0x19: {  	s7 =	sld [smem:$0x3F94]  }
0x1a: {  	s8 =	sadd.s32 $0xFFFFE003, lr  }
0x1b: {  	s9 =	sadd.s32 $0xFFFFFEF7, lr;
	s5 =	simm.s32 $0xFFFFFFFF;
	p2 =	slt.u32 s8, $0xFFFFF086  }
0x1c: {  	p1 =	slt.u32 s9, $0xF7A;
	s5 =	simm.s32 @!p2 $0x0  }
0x1d: {  	s5 =	simm.s32 @p1 $0x1;
	p0 =	seq.s32 s7, s2  }
0x1e: {  	s7 =	smul.u32 @!p0 $0xF7A, s2;
	p2 =	seq.s32 @!p0 s5, $0x0  }
0x1f: {  	s9 =	smul.u32 $0xF7A, s1;
	s8 =	simm.s32 @!p0 $0x1BF5;
	p2 =	por !p2, p0  }
0x20: {  	[sflag:s8] =	ssyncset.s32 @!p0 $0xFFFFF086;
	s6 =	sadd.s32 @!p0 s3, s7;
	s7 =	simm.s32 @!p0 $0x108  }
0x21: {  	s3 =	sadd.s32 s3, s9;
	s6 =	sadd.s32 @!p0 $0x88, s6;
	s7 =	simm.s32 @p2 $0x1082  }
0x22: {  	[simem:s7], [sflag:s8] =	dma.local @!p0 [hbm:s6], $0xF7A  }
0x23: {  	s9 =	sor.u32 $0xD0000000, s2;
	s6 =	simm.s32 $0x108;
	_ =	swait.ge @!p0 [sflag:s8], $0x0  }
0x24: {  	s3 =	sadd.s32 $0x88, s3;
	s6 =	simm.s32 @!p1 $0x1082;
	[sflag:s4] =	ssyncset.s32 $0xFFFFF086  }
0x25: {  	[simem:s6], [sflag:s4] =	dma.local [hbm:s3], $0xF7A  }
0x26: {  	[smem:$0x3F94] =	sst s1;
	(tag) =	ssettag s2;
	_ =	strace s9  }
0x27: {  	s1 =	sld [smem:$0x3FA4]  }
0x28: {  	s2 =	sld [smem:$0x3FA5]  }
0x29: {  	s4 =	sld [smem:$0x3FA7]  }
0x2a: {  	p0 =	seq.s32 s5, $0x0;
	s5 =	sld [smem:$0x3FA8]  }
0x2b: {  	s6 =	sld [smem:$0x3FA9]  }
0x2c: {  	s7 =	sld [smem:$0x3FAA]  }
0x2d: {  	s3 =	simm.s32 $0x108;
	s8 =	sld [smem:$0x3FAB]  }
0x2e: {  	s3 =	simm.s32 @!p0 $0x1082;
	s9 =	sld [smem:$0x3FAC]  }
0x2f: {  	lr =	sadd.s32 s0, s3;
	s0 =	sld [smem:$0x3FA3]  }
0x30: {  	s3 =	sld [smem:$0x3FA6]  }
0x31: {  	[smem:$0x3FAF] =	sst s10  }
0x32: {  	s10 =	sld [smem:$0x3FAD];
	_ =	sdelay $0x3  }
0x33: {  	p0 =	seq.s32 s10, $0x1;
	s10 =	sld [smem:$0x3FAF];
	_ =	sdelay $0x3  }
0x34: {  	[smem:$0x3FAF] =	sst s10  }
0x35: {  	s10 =	sld [smem:$0x3FAE];
	_ =	sdelay $0x3  }
0x36: {  	p1 =	seq.s32 s10, $0x1;
	s10 =	sld [smem:$0x3FAF];
	_ =	sdelay $0x3  }
0x37: {  	[smem:$0x3FAF] =	sst s10  }
0x38: {  	s10 =	sld [smem:$0x3FB0]  }
0x39: {  	_ = 	snop;
	(pc) =	sbr.ind lr, $3  }
0x3a: {  	_ = 	snop  }
0x3b: {  	_ = 	snop  }
0x3c: {  	p2 =	seq.s32 s10, $0x1;
	s10 =	sld [smem:$0x3FAF]  }
0x3d: {  	_ =	shalt  }
0x3e: {  	_ =	shalt  }
0x3f: {  	_ =	shalt  }
0x40: {  	_ =	shalt  }
0x41: {  	_ =	shalt  }
0x42: {  	_ =	shalt  }
0x43: {  	_ =	shalt  }
0x44: {  	_ =	shalt  }
0x45: {  	_ =	shalt  }
0x46: {  	_ =	shalt  }
0x47: {  	_ =	shalt  }
0x48: {  	_ =	shalt  }
0x49: {  	_ =	shalt  }
0x4a: {  	_ =	shalt  }
0x4b: {  	_ =	shalt  }
0x4c: {  	_ =	shalt  }
0x4d: {  	_ =	shalt  }
0x4e: {  	_ =	shalt  }
0x4f: {  	_ =	shalt  }
0x50: {  	_ =	shalt  }
0x51: {  	_ =	shalt  }
0x52: {  	_ =	shalt  }
0x53: {  	_ =	shalt  }
0x54: {  	_ =	shalt  }
0x55: {  	_ =	shalt  }
0x56: {  	_ =	shalt  }
0x57: {  	_ =	shalt  }
0x58: {  	_ =	shalt  }
0x59: {  	_ =	shalt  }
0x5a: {  	_ =	shalt  }
0x5b: {  	_ =	shalt  }
0x5c: {  	_ =	shalt  }
0x5d: {  	_ =	shalt  }
0x5e: {  	_ =	shalt  }
0x5f: {  	_ =	shalt  }
0x60: {  	_ =	shalt  }
0x61: {  	_ =	shalt  }
0x62: {  	_ =	shalt  }
0x63: {  	_ =	shalt  }
0x64: {  	_ =	shalt  }
0x65: {  	_ =	shalt  }
0x66: {  	_ =	shalt  }
0x67: {  	_ =	shalt  }
0x68: {  	_ =	shalt  }
0x69: {  	_ =	shalt  }
0x6a: {  	_ =	shalt  }
0x6b: {  	_ =	shalt  }
0x6c: {  	_ =	shalt  }
0x6d: {  	_ =	shalt  }
0x6e: {  	_ =	shalt  }
0x6f: {  	_ =	shalt  }
0x70: {  	_ =	shalt  }
0x71: {  	_ =	shalt  }
0x72: {  	_ =	shalt  }
0x73: {  	_ =	shalt  }
0x74: {  	_ =	shalt  }
0x75: {  	_ =	shalt  }
0x76: {  	_ =	shalt  }
0x77: {  	_ =	shalt  }
0x78: {  	_ =	shalt  }
0x79: {  	_ =	shalt  }
0x7a: {  	_ =	shalt  }
0x7b: {  	_ =	shalt  }
0x7c: {  	_ =	shalt  }
0x7d: {  	_ =	shalt  }
0x7e: {  	_ =	shalt  }
0x7f: {  	_ =	shalt  }
0x80: {  	_ =	shalt  }
0x81: {  	_ =	shalt  }
0x82: {  	_ =	shalt  }
0x83: {  	_ =	shalt  }
0x84: {  	_ =	shalt  }
0x85: {  	_ =	shalt  }
0x86: {  	_ =	shalt  }
0x87: {  	_ =	shalt  }
.Lfunc_end0:
.L_simem_size_0:
called_computation.1_lowered:
.L_overlay_start_0:
0x88: {  	s2 =	sld [smem:$0x3FD9]  }
0x89: {  	s3 =	sld [smem:$0x3FFE];
	_ =	sdelay $0x1  }
0x8a: {  	s1 =	srdreg.scid  }
0x8b: {  	s0 =	sand.u32 $0x1, s1  }
0x8c: {  	s17 =	sshll.u32 s0, $0xA;
	s2 =	sadd.s32 s3, s2  }
0x8d: {  	s2 =	sadd.s32 s2, s17  }
0x8e: {  	[smem:$0x3FBB] =	sst s2  }
0x8f: {  	_ = 	snop  }
0x90: {  	s2 =	sld [smem:$0x3FD0];
	(tm) =	ssettm $0x1  }
0x91: {  	s18 =	sld [smem:$0x3FFB];
	_ =	sdelay $0x3  }
0x92: {  	_ =	strace s18  }
0x93: {  	s3 =	sld [smem:$0x3FFC];
	_ =	sdelay $0x3  }
0x94: {  	_ =	strace s3  }
0x95: {  	s3 =	sld [smem:$0x3FFD];
	_ =	sdelay $0x3  }
0x96: {  	_ =	strace s3  }
0x97: {  	_ =	strace $0x8FFFFFFF  }
0x98: {  	s19 =	sld [smem:$0x3FDB];
	_ =	sdelay $0x1  }
0x99: {  	s4 =	simm.s32 $_scs_section_size  }
0x9a: {  	s5 =	simm.s32 $_size__tile_overlayer_lowered;
	s6 =	simm.s32 $_tile_overlayer_lowered  }
0x9b: {  	s22 =	simm.s32 $0x1BFF;
	s21 =	sshll.u32 s6, $0x1;
	s3 =	sadd.s32 s4, s19  }
0x9c: {  	s7 =	simm.s32 $0x0;
	s20 =	sshll.u32 s5, $0x1;
	s5 =	sadd.s32 s21, s3  }
0x9d: {  	[timem:s7], [sflag:s22] =	dma.local [hbm:s5], s20  }
0x9e: {  	_ =	swait.ge [sflag:s22], s20  }
0x9f: {  	s4 =	ssub.s32 $0x0, s20;
	[sflag:s22] =	ssyncset.done $0x0  }
0xa0: {  	[sflag:s22] =	ssyncadd.s32 s4;
	_ =	sdelay $0x1  }
0xa1: {  	s23 =	simm.s32 $0x1B8B  }
0xa2: {  	_ =	swait.ge [sflag:s23], $0x1  }
0xa3: {  	[sflag:s23] =	ssyncset.done $0x0  }
0xa4: {  	s25 =	simm.s32 $0x1B8E;
	s24 =	sld [smem:$0x3FFE];
	[sflag:s23] =	ssyncadd.s32 $0xFFFFFFFF  }
0xa5: {  	s26 =	simm.s32 $execute0_lowered;
	[smem:$0x3FD2] =	sst s25  }
0xa6: {  	s5 =	sshll.u32 s26, $0x1;
	_ =	strace $0x80000046;
	[dreg:$0x1] =	wrdreg $0xFFFFFFFF  }
0xa7: {  	s28 =	simm.s32 $_size_execute0_lowered;
	s3 =	sadd.s32 s3, s5;
	[dreg:$0x0] =	wrdreg $0x0  }
0xa8: {  	s5 =	sshll.u32 s28, $0x1;
	[dreg:$0x2] =	wrdreg s3  }
0xa9: {  	[dreg:$0x3] =	wrdreg s5  }
0xaa: {  	[dreg:$0x4] =	wrdreg $0xC0  }
0xab: {  	_ =	task [dreg:s7], $0x5FFFF  }
0xac: {  	[dreg:$0x1] =	wrdreg $0xFFFFFFFF  }
0xad: {  	[dreg:$0x0] =	wrdreg $0x60  }
0xae: {  	[dreg:$0x2] =	wrdreg s2  }
0xaf: {  	[dreg:$0x3] =	wrdreg s24  }
0xb0: {  	[dreg:$0x4] =	wrdreg $0x9  }
0xb1: {  	_ =	task.clear_ibuf [dreg:s7], $0x5FFFF;
	_ =	strace $0x90000046  }
0xb2: {  	s29 =	simm.s32 $0x9;
	_ =	strace $0x80000048  }
0xb3: {  	_ =	swait.ge [sflag:s29], $0x1  }
0xb4: {  	[sflag:s29] =	ssyncadd.s32 $0xFFFFFFFF  }
0xb5: {  	_ =	strace $0x90000048  }
0xb6: {  	_ =	sfence  }
0xb7: {  	s30 =	sld [smem:$0x0];
	_ =	sdelay $0x2  }
0xb8: {  	s31 =	sshll.u32 s1, $0xD;
	s1 =	sshrl.u32 s1, $0x2  }
0xb9: {  	s3 =	sand.u32 $0x4000, s31;
	s1 =	sadd.s32 s1, s30  }
0xba: {  	s0 =	sor.u32 s3, s0;
	s1 =	sshll.u32 s1, $0x11  }
0xbb: {  	s0 =	sor.u32 s1, s0  }
0xbc: {  	s0 =	sadd.s32 $0x8F2B, s0  }
0xbd: {  	[sflag:s0] =	ssyncadd.remote.s32 $0x1  }
0xbe: {  	_ =	sfence.sel $0xFFFF  }
0xbf: {  	[dreg:$0x0] =	wrdreg $0xFFFFFFFF;
	(pc) =	sbr.abs _section_cstart, $3  }
0xc0: {  	[dreg:$0x1] =	wrdreg $0xFFFFFFFF  }
0xc1: {  	_ =	task.clear_ibuf [dreg:s7], $0x2FFFF;
	_ =	strace $0x9FFFFFFF  }
0xc2: {  	(tm) =	ssettm $0x7FFFFFFF  }
0xc3: {  	_ =	shalt  }
tec
execute0_lowered:
.L_overlay_start_1:
0x0: {  	(tag) =	ssettag $0x1  }
0x1: {  	s2 =	rddreg [dreg:$0x0];
	s0 =	srdreg.scid  }
0x2: {  	s3 =	stileid.u32;
	s1 =	rddreg [dreg:$0x1]  }
0x3: {  	s5 =	simm.s32 $0x0;
	s28 =	simm.s32 $0x6400;
	s29 =	simm.s32 $0x7800  }
0x4: {  	s30 =	simm.s32 $0x7D00;
	s31 =	simm.s32 $0x8200;
	s0 =	sand.u32 $0x1, s0  }
0x5: {  	s4 =	sshll.u32 s3, $0x1;
	[smem:$0x7FF] =	sst s5;
	s5 =	sadd.s32 $0x16600, s1  }
0x6: {  	s6 =	sadd.s32 $0x20E00, s1;
	s19 =	smul.u32 $0x28000, s3;
	s7 =	sor.u32 s0, s4  }
0x7: {  	s11 =	sadd.s32 $0x2AE00, s1;
	_ =	strace $0x80000047;
	s8 =	smul.u32 $0x1400, s7  }
0x8: {  	s4 =	sadd.s32 $0x2C00, s1;
	s9 =	ssub.s32 $0x2, s0;
	s7 =	smul.u32 $0xA0000, s7  }
0x9: {  	s0 =	smul.u32 $0x14000, s0;
	s10 =	sshrl.u32 s9, $0x1;
	s8 =	sshrl.u32 s8, $0x3  }
0xa: {  	s9 =	ssub.s32 s9, s10;
	s7 =	sshrl.u32 s7, $0x3;
	s8 =	sadd.s32 s8, s1  }
0xb: {  	s1 =	sadd.s32 $0x2AAE00, s1;
	s10 =	sadd.s32 $0x13600, s7;
	s25 =	sadd.s32 $0x1BE00, s8  }
0xc: {  	s13 =	sadd.s32 $0x13608, s7;
	s26 =	sadd.s32 $0x16E00, s8;
	[dreg:$0x5] =	wrdreg s25  }
0xd: {  	s18 =	sadd.s32 $0x13B00, s7;
	s8 =	sadd.s32 $0x25E00, s8;
	[dreg:$0x6] =	wrdreg s26  }
0xe: {  	s12 =	sadd.s32 s11, s10;
	s14 =	sadd.s32 s11, s13;
	[dreg:$0x7] =	wrdreg s8  }
0xf: {  	s15 =	sadd.s32 s1, s7;
	s16 =	sadd.s32 s1, s13;
	[dreg:$0x8] =	wrdreg s12  }
0x10: {  	s7 =	sadd.s32 $0x13B08, s7;
	s20 =	sadd.s32 s11, s18;
	[dreg:$0x9] =	wrdreg s14  }
0x11: {  	s22 =	sadd.s32 s1, s18;
	s13 =	simm.s32 $0x2;
	[dreg:$0xb] =	wrdreg s16  }
0x12: {  	s8 =	sadd.s32 s1, s10;
	s17 =	sadd.s32 $0x1360A, s15;
	[dreg:$0xd] =	wrdreg s20  }
0x13: {  	s21 =	sadd.s32 s11, s7;
	[dreg:$0xf] =	wrdreg s22;
	s23 =	sadd.s32 s1, s7  }
0x14: {  	s1 =	sadd.s32 s19, s1;
	s24 =	sadd.s32 $0x13B0A, s15;
	[dreg:$0xa] =	wrdreg s8  }
0x15: {  	s25 =	sadd.s32 s19, s11;
	s26 =	smax.u32 s9, $0x1;
	[dreg:$0xc] =	wrdreg s17  }
0x16: {  	s7 =	simm.s32 $0xBE00;
	s9 =	simm.s32 $0x1;
	[dreg:$0xe] =	wrdreg s21  }
0x17: {  	s10 =	simm.s32 $0x40;
	s11 =	simm.s32 $0x80;
	[dreg:$0x10] =	wrdreg s23  }
0x18: {  	s12 =	simm.s32 $0x10;
	s16 =	simm.s32 $0x0;
	[dreg:$0x11] =	wrdreg s24  }
0x19: {  	s1 =	sadd.s32 s0, s1;
	[dreg:$0x12] =	wrdreg s26;
	s0 =	sadd.s32 s0, s25  }
0x1a: {  	s21 =	simm.s32 $0x3;
	s24 =	simm.s32 $0x50;
	s25 =	simm.s32 $0x3C00  }
0x1b: {  	s26 =	simm.s32 $0x5000;
	s8 =	simm.s32 $0xC300;
	[dreg:$0x3] =	wrdreg s1  }
0x1c: {  	[dreg:$0x4] =	wrdreg s0;
	s1 =	simm.s32 $0x9600;
	s0 =	simm.s32 $0xAA00  }
.LBB2_1:
0x1d: {  	s3 =	simm.s32 $0x0;
	s14 =	rddreg [dreg:$0x5]  }
0x1e: {  	[tilespmem:s3], [sflag:$0x3] =	stream.linear.gather [hbm4b:s14+s3], $0x1400, $0x38;
	[tilespmem:$0xC800] =	vst v63  }
0x1f: {  	_ =	swait.ge [sflag:s21], $0x1400  }
0x20: {  	[sflag:s21] =	ssyncset.done $0x0  }
0x21: {  	s15 =	simm.s32 $0x1400;
	s19 =	rddreg [dreg:$0x6];
	[sflag:s21] =	ssyncadd.s32 $0xFFFFEC00  }
0x22: {  	[tilespmem:s15], [sflag:$0x3] =	stream.linear.gather [hbm4b:s19+s3], $0x1400, $0x38;
	[tilespmem:$0xC800] =	vst v63  }
0x23: {  	_ =	swait.ge [sflag:s21], $0x1400  }
0x24: {  	[sflag:s21] =	ssyncset.done $0x0  }
0x25: {  	s17 =	simm.s32 $0x2800;
	s20 =	rddreg [dreg:$0x7];
	[sflag:s21] =	ssyncadd.s32 $0xFFFFEC00  }
0x26: {  	[tilespmem:s17], [sflag:$0x3] =	stream.linear.gather [hbm4b:s20+s3], $0x1400, $0x38;
	[tilespmem:$0xC800] =	vst v63  }
0x27: {  	_ =	swait.ge [sflag:s21], $0x1400  }
0x28: {  	[sflag:s21] =	ssyncset.done $0x0  }
0x29: {  	[sflag:s21] =	ssyncadd.s32 $0xFFFFEC00  }
0x2a: {  	[tilespmem:s25], [sflag:$0x1] =	stream.indirect.gather [hbm4b:s2+s24], $0x40, s3, s24, $0xb8;
	[tilespmem:$0xC800] =	vst v63  }
0x2b: {  	_ = 	snop  }
0x2c: {  	[tilespmem:s26], [sflag:$0x1] =	stream.indirect.gather [hbm4b:s4+s24], $0x40, s15, s24, $0xb8;
	[tilespmem:$0xC800] =	vst v63  }
0x2d: {  	_ = 	snop  }
0x2e: {  	[tilespmem:s28], [sflag:$0x1] =	stream.indirect.gather [hbm4b:s5+s24], $0x40, s17, s24, $0xb8;
	[tilespmem:$0xC800] =	vst v63  }
0x2f: {  	_ = 	snop  }
0x30: {  	[tilespmem:s29], [sflag:$0x1] =	stream.indirect.gather [hbm4b:s6+s24], $0x10, s3, s24, $0xb8;
	[tilespmem:$0xC800] =	vst v63  }
0x31: {  	_ = 	snop  }
0x32: {  	[tilespmem:s30], [sflag:$0x1] =	stream.indirect.gather [hbm4b:s6+s24], $0x10, s15, s24, $0xb8;
	[tilespmem:$0xC800] =	vst v63  }
0x33: {  	s22 =	simm.s32 $0x50  }
0x34: {  	[tilespmem:s31], [sflag:$0x2] =	stream.indirect.gather [hbm4b:s2+s24], $0x40, s22, s24, $0xb8;
	[tilespmem:$0xC800] =	vst v63  }
0x35: {  	s23 =	simm.s32 $0x1450  }
0x36: {  	[tilespmem:s1], [sflag:$0x2] =	stream.indirect.gather [hbm4b:s4+s24], $0x40, s23, s24, $0xb8;
	[tilespmem:$0xC800] =	vst v63  }
0x37: {  	s3 =	simm.s32 $0x2850  }
0x38: {  	[tilespmem:s0], [sflag:$0x2] =	stream.indirect.gather [hbm4b:s5+s24], $0x40, s3, s24, $0xb8;
	[tilespmem:$0xC800] =	vst v63  }
0x39: {  	_ = 	snop  }
0x3a: {  	[tilespmem:s7], [sflag:$0x2] =	stream.indirect.gather [hbm4b:s6+s24], $0x10, s22, s24, $0xb8;
	[tilespmem:$0xC800] =	vst v63  }
0x3b: {  	_ = 	snop  }
0x3c: {  	[tilespmem:s8], [sflag:$0x2] =	stream.indirect.gather [hbm4b:s6+s24], $0x10, s23, s24, $0xb8;
	[tilespmem:$0xC800] =	vst v63  }
0x3d: {  	_ =	swait.ge [sflag:s9], $0x1400  }
0x3e: {  	[sflag:s9] =	ssyncset.done $0x0  }
0x3f: {  	[sflag:s9] =	ssyncadd.s32 $0xFFFFEC00  }
0x40: {  	_ =	swait.ge [sflag:s9], $0x1400  }
0x41: {  	[sflag:s9] =	ssyncset.done $0x0  }
0x42: {  	[sflag:s9] =	ssyncadd.s32 $0xFFFFEC00  }
0x43: {  	_ =	swait.ge [sflag:s9], $0x1400  }
0x44: {  	[sflag:s9] =	ssyncset.done $0x0  }
0x45: {  	[sflag:s9] =	ssyncadd.s32 $0xFFFFEC00  }
0x46: {  	_ =	swait.ge [sflag:s9], $0x500  }
0x47: {  	[sflag:s9] =	ssyncset.done $0x0  }
0x48: {  	[sflag:s9] =	ssyncadd.s32 $0xFFFFFB00  }
0x49: {  	_ =	swait.ge [sflag:s9], $0x500  }
0x4a: {  	s18 =	rddreg [dreg:$0x4];
	[sflag:s9] =	ssyncset.done $0x0  }
0x4b: {  	[sflag:s9] =	ssyncadd.s32 $0xFFFFFB00;
	s14 =	sadd.s32 $0x0, s18  }
0x4c: {  	[hbm4b:s14+s10] =	stream.strided.scatter [tilespmem:s25], [sflag:$0x3], $0x1400, s11, s10, $0x38;
	[tilespmem:$0xC800] =	vst v63  }
0x4d: {  	_ =	swait.ge [sflag:s21], $0x1400  }
0x4e: {  	[sflag:s21] =	ssyncset.done $0x0  }
0x4f: {  	s19 =	sadd.s32 $0x8, s14;
	[sflag:s21] =	ssyncadd.s32 $0xFFFFEC00  }
0x50: {  	[hbm4b:s19+s10] =	stream.strided.scatter [tilespmem:s26], [sflag:$0x3], $0x1400, s11, s10, $0x38;
	[tilespmem:$0xC800] =	vst v63  }
0x51: {  	_ =	swait.ge [sflag:s21], $0x1400  }
0x52: {  	s20 =	rddreg [dreg:$0x3];
	[sflag:s21] =	ssyncset.done $0x0  }
0x53: {  	[sflag:s21] =	ssyncadd.s32 $0xFFFFEC00;
	s15 =	sadd.s32 $0x0, s20  }
0x54: {  	[hbm4b:s15+s10] =	stream.strided.scatter [tilespmem:s28], [sflag:$0x3], $0x1400, s11, s10, $0x38;
	[tilespmem:$0xC800] =	vst v63  }
0x55: {  	_ =	swait.ge [sflag:s21], $0x1400  }
0x56: {  	[sflag:s21] =	ssyncset.done $0x0  }
0x57: {  	s22 =	sadd.s32 $0x8, s15;
	[sflag:s21] =	ssyncadd.s32 $0xFFFFEC00  }
0x58: {  	[hbm4b:s22+s12] =	stream.strided.scatter [tilespmem:s29], [sflag:$0x3], $0x500, s11, s12, $0x38;
	[tilespmem:$0xC800] =	vst v63  }
0x59: {  	_ =	swait.ge [sflag:s21], $0x500  }
0x5a: {  	[sflag:s21] =	ssyncset.done $0x0  }
0x5b: {  	s23 =	sadd.s32 $0xA, s15;
	[sflag:s21] =	ssyncadd.s32 $0xFFFFFB00  }
0x5c: {  	[hbm4b:s23+s12] =	stream.strided.scatter [tilespmem:s30], [sflag:$0x3], $0x500, s11, s12, $0x38;
	[tilespmem:$0xC800] =	vst v63  }
0x5d: {  	_ =	swait.ge [sflag:s21], $0x500  }
0x5e: {  	[sflag:s21] =	ssyncset.done $0x0  }
0x5f: {  	s3 =	simm.s32 $0xA0;
	[sflag:s21] =	ssyncadd.s32 $0xFFFFFB00  }
0x60: {  	[tilespmem:s25], [sflag:$0x1] =	stream.indirect.gather [hbm4b:s2+s24], $0x40, s3, s24, $0xb8;
	[tilespmem:$0xC800] =	vst v63  }
0x61: {  	s19 =	simm.s32 $0x14A0  }
0x62: {  	[tilespmem:s26], [sflag:$0x1] =	stream.indirect.gather [hbm4b:s4+s24], $0x40, s19, s24, $0xb8;
	[tilespmem:$0xC800] =	vst v63  }
0x63: {  	s18 =	simm.s32 $0x28A0  }
0x64: {  	[tilespmem:s28], [sflag:$0x1] =	stream.indirect.gather [hbm4b:s5+s24], $0x40, s18, s24, $0xb8;
	[tilespmem:$0xC800] =	vst v63  }
0x65: {  	_ = 	snop  }
0x66: {  	[tilespmem:s29], [sflag:$0x1] =	stream.indirect.gather [hbm4b:s6+s24], $0x10, s3, s24, $0xb8;
	[tilespmem:$0xC800] =	vst v63  }
0x67: {  	_ = 	snop  }
0x68: {  	[tilespmem:s30], [sflag:$0x1] =	stream.indirect.gather [hbm4b:s6+s24], $0x10, s19, s24, $0xb8;
	[tilespmem:$0xC800] =	vst v63  }
0x69: {  	_ =	swait.ge [sflag:s13], $0x1400  }
0x6a: {  	[sflag:s13] =	ssyncset.done $0x0  }
0x6b: {  	[sflag:s13] =	ssyncadd.s32 $0xFFFFEC00  }
0x6c: {  	_ =	swait.ge [sflag:s13], $0x1400  }
0x6d: {  	[sflag:s13] =	ssyncset.done $0x0  }
0x6e: {  	[sflag:s13] =	ssyncadd.s32 $0xFFFFEC00  }
0x6f: {  	_ =	swait.ge [sflag:s13], $0x1400  }
0x70: {  	[sflag:s13] =	ssyncset.done $0x0  }
0x71: {  	[sflag:s13] =	ssyncadd.s32 $0xFFFFEC00  }
0x72: {  	_ =	swait.ge [sflag:s13], $0x500  }
0x73: {  	[sflag:s13] =	ssyncset.done $0x0  }
0x74: {  	[sflag:s13] =	ssyncadd.s32 $0xFFFFFB00  }
0x75: {  	_ =	swait.ge [sflag:s13], $0x500  }
0x76: {  	[sflag:s13] =	ssyncset.done $0x0  }
0x77: {  	s18 =	sadd.s32 $0x500, s14;
	[sflag:s13] =	ssyncadd.s32 $0xFFFFFB00  }
0x78: {  	[hbm4b:s18+s10] =	stream.strided.scatter [tilespmem:s31], [sflag:$0x3], $0x1400, s11, s10, $0x38;
	[tilespmem:$0xC800] =	vst v63  }
0x79: {  	_ =	swait.ge [sflag:s21], $0x1400  }
0x7a: {  	[sflag:s21] =	ssyncset.done $0x0  }
0x7b: {  	s14 =	sadd.s32 $0x508, s14;
	[sflag:s21] =	ssyncadd.s32 $0xFFFFEC00  }
0x7c: {  	[hbm4b:s14+s10] =	stream.strided.scatter [tilespmem:s1], [sflag:$0x3], $0x1400, s11, s10, $0x38;
	[tilespmem:$0xC800] =	vst v63  }
0x7d: {  	_ =	swait.ge [sflag:s21], $0x1400  }
0x7e: {  	[sflag:s21] =	ssyncset.done $0x0  }
0x7f: {  	s20 =	sadd.s32 $0x500, s15;
	[sflag:s21] =	ssyncadd.s32 $0xFFFFEC00  }
0x80: {  	[hbm4b:s20+s10] =	stream.strided.scatter [tilespmem:s0], [sflag:$0x3], $0x1400, s11, s10, $0x38;
	[tilespmem:$0xC800] =	vst v63  }
0x81: {  	_ =	swait.ge [sflag:s21], $0x1400  }
0x82: {  	[sflag:s21] =	ssyncset.done $0x0  }
0x83: {  	s22 =	sadd.s32 $0x508, s15;
	[sflag:s21] =	ssyncadd.s32 $0xFFFFEC00  }
0x84: {  	[hbm4b:s22+s12] =	stream.strided.scatter [tilespmem:s7], [sflag:$0x3], $0x500, s11, s12, $0x38;
	[tilespmem:$0xC800] =	vst v63  }
0x85: {  	_ =	swait.ge [sflag:s21], $0x500  }
0x86: {  	[sflag:s21] =	ssyncset.done $0x0  }
0x87: {  	s23 =	sadd.s32 $0x50A, s15;
	[sflag:s21] =	ssyncadd.s32 $0xFFFFFB00  }
0x88: {  	[hbm4b:s23+s12] =	stream.strided.scatter [tilespmem:s8], [sflag:$0x3], $0x500, s11, s12, $0x38;
	[tilespmem:$0xC800] =	vst v63  }
0x89: {  	s17 =	simm.s32 $0x140;
	s18 =	simm.s32 $0x2940;
	_ =	swait.ge [sflag:s21], $0x500  }
0x8a: {  	s20 =	simm.s32 $0x1400;
	s23 =	simm.s32 $0xA00;
	[sflag:s21] =	ssyncset.done $0x0  }
.LBB2_2:
0x8b: {  	s14 =	sadd.s32 $0xFFFFFFB0, s17;
	[sflag:s21] =	ssyncadd.s32 $0xFFFFFB00;
	s19 =	sadd.s32 $0xA0, s19  }
0x8c: {  	[tilespmem:s31], [sflag:$0x2] =	stream.indirect.gather [hbm4b:s2+s24], $0x40, s14, s24, $0xb8;
	[tilespmem:$0xC800] =	vst v63  }
0x8d: {  	s15 =	sadd.s32 $0xFFFFFFB0, s19  }
0x8e: {  	[tilespmem:s1], [sflag:$0x2] =	stream.indirect.gather [hbm4b:s4+s24], $0x40, s15, s24, $0xb8;
	[tilespmem:$0xC800] =	vst v63  }
0x8f: {  	s3 =	sadd.s32 $0xFFFFFFB0, s18  }
0x90: {  	[tilespmem:s0], [sflag:$0x2] =	stream.indirect.gather [hbm4b:s5+s24], $0x40, s3, s24, $0xb8;
	[tilespmem:$0xC800] =	vst v63  }
0x91: {  	_ = 	snop  }
0x92: {  	[tilespmem:s7], [sflag:$0x2] =	stream.indirect.gather [hbm4b:s6+s24], $0x10, s14, s24, $0xb8;
	[tilespmem:$0xC800] =	vst v63  }
0x93: {  	_ = 	snop  }
0x94: {  	[tilespmem:s8], [sflag:$0x2] =	stream.indirect.gather [hbm4b:s6+s24], $0x10, s15, s24, $0xb8;
	[tilespmem:$0xC800] =	vst v63  }
0x95: {  	_ =	swait.ge [sflag:s9], $0x1400  }
0x96: {  	[sflag:s9] =	ssyncset.done $0x0  }
0x97: {  	[sflag:s9] =	ssyncadd.s32 $0xFFFFEC00  }
0x98: {  	_ =	swait.ge [sflag:s9], $0x1400  }
0x99: {  	[sflag:s9] =	ssyncset.done $0x0  }
0x9a: {  	[sflag:s9] =	ssyncadd.s32 $0xFFFFEC00  }
0x9b: {  	_ =	swait.ge [sflag:s9], $0x1400  }
0x9c: {  	[sflag:s9] =	ssyncset.done $0x0  }
0x9d: {  	[sflag:s9] =	ssyncadd.s32 $0xFFFFEC00  }
0x9e: {  	_ =	swait.ge [sflag:s9], $0x500  }
0x9f: {  	[sflag:s9] =	ssyncset.done $0x0  }
0xa0: {  	[sflag:s9] =	ssyncadd.s32 $0xFFFFFB00  }
0xa1: {  	_ =	swait.ge [sflag:s9], $0x500  }
0xa2: {  	s15 =	rddreg [dreg:$0x4];
	[sflag:s9] =	ssyncset.done $0x0  }
0xa3: {  	[sflag:s9] =	ssyncadd.s32 $0xFFFFFB00;
	s15 =	sadd.s32 s23, s15  }
0xa4: {  	[hbm4b:s15+s10] =	stream.strided.scatter [tilespmem:s25], [sflag:$0x3], $0x1400, s11, s10, $0x38;
	[tilespmem:$0xC800] =	vst v63  }
0xa5: {  	_ =	swait.ge [sflag:s21], $0x1400  }
0xa6: {  	[sflag:s21] =	ssyncset.done $0x0  }
0xa7: {  	s3 =	sadd.s32 $0x8, s15;
	[sflag:s21] =	ssyncadd.s32 $0xFFFFEC00  }
0xa8: {  	[hbm4b:s3+s10] =	stream.strided.scatter [tilespmem:s26], [sflag:$0x3], $0x1400, s11, s10, $0x38;
	[tilespmem:$0xC800] =	vst v63  }
0xa9: {  	_ =	swait.ge [sflag:s21], $0x1400  }
0xaa: {  	s14 =	rddreg [dreg:$0x3];
	[sflag:s21] =	ssyncset.done $0x0  }
0xab: {  	[sflag:s21] =	ssyncadd.s32 $0xFFFFEC00;
	s14 =	sadd.s32 s23, s14  }
0xac: {  	[hbm4b:s14+s10] =	stream.strided.scatter [tilespmem:s28], [sflag:$0x3], $0x1400, s11, s10, $0x38;
	[tilespmem:$0xC800] =	vst v63  }
0xad: {  	_ =	swait.ge [sflag:s21], $0x1400  }
0xae: {  	[sflag:s21] =	ssyncset.done $0x0  }
0xaf: {  	s3 =	sadd.s32 $0x8, s14;
	[sflag:s21] =	ssyncadd.s32 $0xFFFFEC00  }
0xb0: {  	[hbm4b:s3+s12] =	stream.strided.scatter [tilespmem:s29], [sflag:$0x3], $0x500, s11, s12, $0x38;
	[tilespmem:$0xC800] =	vst v63  }
0xb1: {  	_ =	swait.ge [sflag:s21], $0x500  }
0xb2: {  	s22 =	smov.u32 s20;
	[sflag:s21] =	ssyncset.done $0x0  }
0xb3: {  	s23 =	smov.u32 s22;
	s22 =	sadd.s32 $0xA, s14;
	[sflag:s21] =	ssyncadd.s32 $0xFFFFFB00  }
0xb4: {  	[hbm4b:s22+s12] =	stream.strided.scatter [tilespmem:s30], [sflag:$0x3], $0x500, s11, s12, $0x38;
	[tilespmem:$0xC800] =	vst v63  }
0xb5: {  	_ =	swait.ge [sflag:s21], $0x500  }
0xb6: {  	[sflag:s21] =	ssyncset.done $0x0  }
0xb7: {  	[sflag:s21] =	ssyncadd.s32 $0xFFFFFB00  }
0xb8: {  	[tilespmem:s25], [sflag:$0x1] =	stream.indirect.gather [hbm4b:s2+s24], $0x40, s17, s24, $0xb8;
	[tilespmem:$0xC800] =	vst v63  }
0xb9: {  	_ = 	snop  }
0xba: {  	[tilespmem:s26], [sflag:$0x1] =	stream.indirect.gather [hbm4b:s4+s24], $0x40, s19, s24, $0xb8;
	[tilespmem:$0xC800] =	vst v63  }
0xbb: {  	_ = 	snop  }
0xbc: {  	[tilespmem:s28], [sflag:$0x1] =	stream.indirect.gather [hbm4b:s5+s24], $0x40, s18, s24, $0xb8;
	[tilespmem:$0xC800] =	vst v63  }
0xbd: {  	_ = 	snop  }
0xbe: {  	[tilespmem:s29], [sflag:$0x1] =	stream.indirect.gather [hbm4b:s6+s24], $0x10, s17, s24, $0xb8;
	[tilespmem:$0xC800] =	vst v63  }
0xbf: {  	_ = 	snop  }
0xc0: {  	[tilespmem:s30], [sflag:$0x1] =	stream.indirect.gather [hbm4b:s6+s24], $0x10, s19, s24, $0xb8;
	[tilespmem:$0xC800] =	vst v63  }
0xc1: {  	_ =	swait.ge [sflag:s13], $0x1400  }
0xc2: {  	[sflag:s13] =	ssyncset.done $0x0  }
0xc3: {  	[sflag:s13] =	ssyncadd.s32 $0xFFFFEC00  }
0xc4: {  	_ =	swait.ge [sflag:s13], $0x1400  }
0xc5: {  	[sflag:s13] =	ssyncset.done $0x0  }
0xc6: {  	[sflag:s13] =	ssyncadd.s32 $0xFFFFEC00  }
0xc7: {  	_ =	swait.ge [sflag:s13], $0x1400  }
0xc8: {  	[sflag:s13] =	ssyncset.done $0x0  }
0xc9: {  	[sflag:s13] =	ssyncadd.s32 $0xFFFFEC00  }
0xca: {  	_ =	swait.ge [sflag:s13], $0x500  }
0xcb: {  	[sflag:s13] =	ssyncset.done $0x0  }
0xcc: {  	[sflag:s13] =	ssyncadd.s32 $0xFFFFFB00  }
0xcd: {  	_ =	swait.ge [sflag:s13], $0x500  }
0xce: {  	[sflag:s13] =	ssyncset.done $0x0  }
0xcf: {  	s22 =	sadd.s32 $0x500, s15;
	[sflag:s13] =	ssyncadd.s32 $0xFFFFFB00  }
0xd0: {  	[hbm4b:s22+s10] =	stream.strided.scatter [tilespmem:s31], [sflag:$0x3], $0x1400, s11, s10, $0x38;
	[tilespmem:$0xC800] =	vst v63  }
0xd1: {  	_ =	swait.ge [sflag:s21], $0x1400  }
0xd2: {  	[sflag:s21] =	ssyncset.done $0x0  }
0xd3: {  	s15 =	sadd.s32 $0x508, s15;
	[sflag:s21] =	ssyncadd.s32 $0xFFFFEC00  }
0xd4: {  	[hbm4b:s15+s10] =	stream.strided.scatter [tilespmem:s1], [sflag:$0x3], $0x1400, s11, s10, $0x38;
	[tilespmem:$0xC800] =	vst v63  }
0xd5: {  	_ =	swait.ge [sflag:s21], $0x1400  }
0xd6: {  	[sflag:s21] =	ssyncset.done $0x0  }
0xd7: {  	s22 =	sadd.s32 $0x500, s14;
	[sflag:s21] =	ssyncadd.s32 $0xFFFFEC00  }
0xd8: {  	[hbm4b:s22+s10] =	stream.strided.scatter [tilespmem:s0], [sflag:$0x3], $0x1400, s11, s10, $0x38;
	[tilespmem:$0xC800] =	vst v63  }
0xd9: {  	_ =	swait.ge [sflag:s21], $0x1400  }
0xda: {  	[sflag:s21] =	ssyncset.done $0x0  }
0xdb: {  	s15 =	sadd.s32 $0x508, s14;
	[sflag:s21] =	ssyncadd.s32 $0xFFFFEC00  }
0xdc: {  	[hbm4b:s15+s12] =	stream.strided.scatter [tilespmem:s7], [sflag:$0x3], $0x500, s11, s12, $0x38;
	[tilespmem:$0xC800] =	vst v63  }
0xdd: {  	p0 =	sne.s32 s20, $0x12C00;
	_ =	swait.ge [sflag:s21], $0x500  }
.Ltmp0:
0xde: {  	[sflag:s21] =	ssyncset.done $0x0;
	(pc) =	sbr.rel @p0 .LBB2_2-.Ltmp0, $4  }
0xdf: {  	s22 =	sadd.s32 $0x50A, s14;
	[sflag:s21] =	ssyncadd.s32 $0xFFFFFB00  }
0xe0: {  	[hbm4b:s22+s12] =	stream.strided.scatter [tilespmem:s8], [sflag:$0x3], $0x500, s11, s12, $0x38;
	[tilespmem:$0xC800] =	vst v63  }
0xe1: {  	s20 =	sadd.s32 $0xA00, s20;
	_ =	swait.ge [sflag:s21], $0x500  }
0xe2: {  	s18 =	sadd.s32 $0xA0, s18;
	s17 =	sadd.s32 $0xA0, s17;
	[sflag:s21] =	ssyncset.done $0x0  }
0xe3: {  	s3 =	sadd.s32 $0xFFFFFFB0, s17;
	[sflag:s21] =	ssyncadd.s32 $0xFFFFFB00;
	s14 =	sadd.s32 $0xA0, s19  }
0xe4: {  	[tilespmem:s31], [sflag:$0x2] =	stream.indirect.gather [hbm4b:s2+s24], $0x40, s3, s24, $0xb8;
	[tilespmem:$0xC800] =	vst v63  }
0xe5: {  	s15 =	sadd.s32 $0xFFFFFFB0, s14  }
0xe6: {  	[tilespmem:s1], [sflag:$0x2] =	stream.indirect.gather [hbm4b:s4+s24], $0x40, s15, s24, $0xb8;
	[tilespmem:$0xC800] =	vst v63  }
0xe7: {  	s22 =	sadd.s32 $0xFFFFFFB0, s18  }
0xe8: {  	[tilespmem:s0], [sflag:$0x2] =	stream.indirect.gather [hbm4b:s5+s24], $0x40, s22, s24, $0xb8;
	[tilespmem:$0xC800] =	vst v63  }
0xe9: {  	_ = 	snop  }
0xea: {  	[tilespmem:s7], [sflag:$0x2] =	stream.indirect.gather [hbm4b:s6+s24], $0x10, s3, s24, $0xb8;
	[tilespmem:$0xC800] =	vst v63  }
0xeb: {  	_ = 	snop  }
0xec: {  	[tilespmem:s8], [sflag:$0x2] =	stream.indirect.gather [hbm4b:s6+s24], $0x10, s15, s24, $0xb8;
	[tilespmem:$0xC800] =	vst v63  }
0xed: {  	_ =	swait.ge [sflag:s9], $0x1400  }
0xee: {  	[sflag:s9] =	ssyncset.done $0x0  }
0xef: {  	[sflag:s9] =	ssyncadd.s32 $0xFFFFEC00  }
0xf0: {  	_ =	swait.ge [sflag:s9], $0x1400  }
0xf1: {  	[sflag:s9] =	ssyncset.done $0x0  }
0xf2: {  	[sflag:s9] =	ssyncadd.s32 $0xFFFFEC00  }
0xf3: {  	_ =	swait.ge [sflag:s9], $0x1400  }
0xf4: {  	[sflag:s9] =	ssyncset.done $0x0  }
0xf5: {  	[sflag:s9] =	ssyncadd.s32 $0xFFFFEC00  }
0xf6: {  	_ =	swait.ge [sflag:s9], $0x500  }
0xf7: {  	[sflag:s9] =	ssyncset.done $0x0  }
0xf8: {  	[sflag:s9] =	ssyncadd.s32 $0xFFFFFB00  }
0xf9: {  	_ =	swait.ge [sflag:s9], $0x500  }
0xfa: {  	s19 =	rddreg [dreg:$0x4];
	[sflag:s9] =	ssyncset.done $0x0  }
0xfb: {  	[sflag:s9] =	ssyncadd.s32 $0xFFFFFB00;
	s3 =	sadd.s32 s23, s19  }
0xfc: {  	[hbm4b:s3+s10] =	stream.strided.scatter [tilespmem:s25], [sflag:$0x3], $0x1400, s11, s10, $0x38;
	[tilespmem:$0xC800] =	vst v63  }
0xfd: {  	_ =	swait.ge [sflag:s21], $0x1400  }
0xfe: {  	[sflag:s21] =	ssyncset.done $0x0  }
0xff: {  	s20 =	sadd.s32 $0x8, s3;
	[sflag:s21] =	ssyncadd.s32 $0xFFFFEC00  }
0x100: {  	[hbm4b:s20+s10] =	stream.strided.scatter [tilespmem:s26], [sflag:$0x3], $0x1400, s11, s10, $0x38;
	[tilespmem:$0xC800] =	vst v63  }
0x101: {  	_ =	swait.ge [sflag:s21], $0x1400  }
0x102: {  	s22 =	rddreg [dreg:$0x3];
	[sflag:s21] =	ssyncset.done $0x0  }
0x103: {  	[sflag:s21] =	ssyncadd.s32 $0xFFFFEC00;
	s15 =	sadd.s32 s23, s22  }
0x104: {  	[hbm4b:s15+s10] =	stream.strided.scatter [tilespmem:s28], [sflag:$0x3], $0x1400, s11, s10, $0x38;
	[tilespmem:$0xC800] =	vst v63  }
0x105: {  	_ =	swait.ge [sflag:s21], $0x1400  }
0x106: {  	[sflag:s21] =	ssyncset.done $0x0  }
0x107: {  	s23 =	sadd.s32 $0x8, s15;
	[sflag:s21] =	ssyncadd.s32 $0xFFFFEC00  }
0x108: {  	[hbm4b:s23+s12] =	stream.strided.scatter [tilespmem:s29], [sflag:$0x3], $0x500, s11, s12, $0x38;
	[tilespmem:$0xC800] =	vst v63  }
0x109: {  	_ =	swait.ge [sflag:s21], $0x500  }
0x10a: {  	[sflag:s21] =	ssyncset.done $0x0  }
0x10b: {  	s20 =	sadd.s32 $0xA, s15;
	[sflag:s21] =	ssyncadd.s32 $0xFFFFFB00  }
0x10c: {  	[hbm4b:s20+s12] =	stream.strided.scatter [tilespmem:s30], [sflag:$0x3], $0x500, s11, s12, $0x38;
	[tilespmem:$0xC800] =	vst v63  }
0x10d: {  	_ =	swait.ge [sflag:s21], $0x500  }
0x10e: {  	[sflag:s21] =	ssyncset.done $0x0  }
0x10f: {  	[sflag:s21] =	ssyncadd.s32 $0xFFFFFB00  }
0x110: {  	[tilespmem:s25], [sflag:$0x1] =	stream.indirect.gather [hbm4b:s2+s24], $0x40, s17, s24, $0xb8;
	[tilespmem:$0xC800] =	vst v63  }
0x111: {  	_ = 	snop  }
0x112: {  	[tilespmem:s26], [sflag:$0x1] =	stream.indirect.gather [hbm4b:s4+s24], $0x40, s14, s24, $0xb8;
	[tilespmem:$0xC800] =	vst v63  }
0x113: {  	_ = 	snop  }
0x114: {  	[tilespmem:s28], [sflag:$0x1] =	stream.indirect.gather [hbm4b:s5+s24], $0x40, s18, s24, $0xb8;
	[tilespmem:$0xC800] =	vst v63  }
0x115: {  	_ = 	snop  }
0x116: {  	[tilespmem:s29], [sflag:$0x1] =	stream.indirect.gather [hbm4b:s6+s24], $0x10, s17, s24, $0xb8;
	[tilespmem:$0xC800] =	vst v63  }
0x117: {  	_ = 	snop  }
0x118: {  	[tilespmem:s30], [sflag:$0x1] =	stream.indirect.gather [hbm4b:s6+s24], $0x10, s14, s24, $0xb8;
	[tilespmem:$0xC800] =	vst v63  }
0x119: {  	_ =	swait.ge [sflag:s13], $0x1400  }
0x11a: {  	[sflag:s13] =	ssyncset.done $0x0  }
0x11b: {  	[sflag:s13] =	ssyncadd.s32 $0xFFFFEC00  }
0x11c: {  	_ =	swait.ge [sflag:s13], $0x1400  }
0x11d: {  	[sflag:s13] =	ssyncset.done $0x0  }
0x11e: {  	[sflag:s13] =	ssyncadd.s32 $0xFFFFEC00  }
0x11f: {  	_ =	swait.ge [sflag:s13], $0x1400  }
0x120: {  	[sflag:s13] =	ssyncset.done $0x0  }
0x121: {  	[sflag:s13] =	ssyncadd.s32 $0xFFFFEC00  }
0x122: {  	_ =	swait.ge [sflag:s13], $0x500  }
0x123: {  	[sflag:s13] =	ssyncset.done $0x0  }
0x124: {  	[sflag:s13] =	ssyncadd.s32 $0xFFFFFB00  }
0x125: {  	_ =	swait.ge [sflag:s13], $0x500  }
0x126: {  	[sflag:s13] =	ssyncset.done $0x0  }
0x127: {  	s22 =	sadd.s32 $0x500, s3;
	[sflag:s13] =	ssyncadd.s32 $0xFFFFFB00  }
0x128: {  	[hbm4b:s22+s10] =	stream.strided.scatter [tilespmem:s31], [sflag:$0x3], $0x1400, s11, s10, $0x38;
	[tilespmem:$0xC800] =	vst v63  }
0x129: {  	_ =	swait.ge [sflag:s21], $0x1400  }
0x12a: {  	[sflag:s21] =	ssyncset.done $0x0  }
0x12b: {  	s3 =	sadd.s32 $0x508, s3;
	[sflag:s21] =	ssyncadd.s32 $0xFFFFEC00  }
0x12c: {  	[hbm4b:s3+s10] =	stream.strided.scatter [tilespmem:s1], [sflag:$0x3], $0x1400, s11, s10, $0x38;
	[tilespmem:$0xC800] =	vst v63  }
0x12d: {  	_ =	swait.ge [sflag:s21], $0x1400  }
0x12e: {  	[sflag:s21] =	ssyncset.done $0x0  }
0x12f: {  	s23 =	sadd.s32 $0x500, s15;
	[sflag:s21] =	ssyncadd.s32 $0xFFFFEC00  }
0x130: {  	[hbm4b:s23+s10] =	stream.strided.scatter [tilespmem:s0], [sflag:$0x3], $0x1400, s11, s10, $0x38;
	[tilespmem:$0xC800] =	vst v63  }
0x131: {  	_ =	swait.ge [sflag:s21], $0x1400  }
0x132: {  	[sflag:s21] =	ssyncset.done $0x0  }
0x133: {  	s14 =	sadd.s32 $0x508, s15;
	[sflag:s21] =	ssyncadd.s32 $0xFFFFEC00  }
0x134: {  	[hbm4b:s14+s12] =	stream.strided.scatter [tilespmem:s7], [sflag:$0x3], $0x500, s11, s12, $0x38;
	[tilespmem:$0xC800] =	vst v63  }
0x135: {  	_ =	swait.ge [sflag:s21], $0x500  }
0x136: {  	[sflag:s21] =	ssyncset.done $0x0  }
0x137: {  	s15 =	sadd.s32 $0x50A, s15;
	[sflag:s21] =	ssyncadd.s32 $0xFFFFFB00  }
0x138: {  	[hbm4b:s15+s12] =	stream.strided.scatter [tilespmem:s8], [sflag:$0x3], $0x500, s11, s12, $0x38;
	[tilespmem:$0xC800] =	vst v63  }
0x139: {  	_ =	swait.ge [sflag:s21], $0x500  }
0x13a: {  	[sflag:s21] =	ssyncset.done $0x0  }
0x13b: {  	s17 =	simm.s32 $0x13B0;
	[sflag:s21] =	ssyncadd.s32 $0xFFFFFB00  }
0x13c: {  	[tilespmem:s31], [sflag:$0x2] =	stream.indirect.gather [hbm4b:s2+s24], $0x40, s17, s24, $0xb8;
	[tilespmem:$0xC800] =	vst v63  }
0x13d: {  	s18 =	simm.s32 $0x27B0  }
0x13e: {  	[tilespmem:s1], [sflag:$0x2] =	stream.indirect.gather [hbm4b:s4+s24], $0x40, s18, s24, $0xb8;
	[tilespmem:$0xC800] =	vst v63  }
0x13f: {  	s19 =	simm.s32 $0x3BB0  }
0x140: {  	[tilespmem:s0], [sflag:$0x2] =	stream.indirect.gather [hbm4b:s5+s24], $0x40, s19, s24, $0xb8;
	[tilespmem:$0xC800] =	vst v63  }
0x141: {  	_ = 	snop  }
0x142: {  	[tilespmem:s7], [sflag:$0x2] =	stream.indirect.gather [hbm4b:s6+s24], $0x10, s17, s24, $0xb8;
	[tilespmem:$0xC800] =	vst v63  }
0x143: {  	_ = 	snop  }
0x144: {  	[tilespmem:s8], [sflag:$0x2] =	stream.indirect.gather [hbm4b:s6+s24], $0x10, s18, s24, $0xb8;
	[tilespmem:$0xC800] =	vst v63  }
0x145: {  	_ =	swait.ge [sflag:s9], $0x1400  }
0x146: {  	[sflag:s9] =	ssyncset.done $0x0  }
0x147: {  	[sflag:s9] =	ssyncadd.s32 $0xFFFFEC00  }
0x148: {  	_ =	swait.ge [sflag:s9], $0x1400  }
0x149: {  	[sflag:s9] =	ssyncset.done $0x0  }
0x14a: {  	[sflag:s9] =	ssyncadd.s32 $0xFFFFEC00  }
0x14b: {  	_ =	swait.ge [sflag:s9], $0x1400  }
0x14c: {  	[sflag:s9] =	ssyncset.done $0x0  }
0x14d: {  	[sflag:s9] =	ssyncadd.s32 $0xFFFFEC00  }
0x14e: {  	_ =	swait.ge [sflag:s9], $0x500  }
0x14f: {  	[sflag:s9] =	ssyncset.done $0x0  }
0x150: {  	[sflag:s9] =	ssyncadd.s32 $0xFFFFFB00  }
0x151: {  	_ =	swait.ge [sflag:s9], $0x500  }
0x152: {  	[sflag:s9] =	ssyncset.done $0x0  }
0x153: {  	s20 =	rddreg [dreg:$0x8];
	[sflag:s9] =	ssyncadd.s32 $0xFFFFFB00  }
0x154: {  	[hbm4b:s20+s10] =	stream.strided.scatter [tilespmem:s25], [sflag:$0x3], $0x1400, s11, s10, $0x38;
	[tilespmem:$0xC800] =	vst v63  }
0x155: {  	_ =	swait.ge [sflag:s21], $0x1400  }
0x156: {  	[sflag:s21] =	ssyncset.done $0x0  }
0x157: {  	s22 =	rddreg [dreg:$0x9];
	[sflag:s21] =	ssyncadd.s32 $0xFFFFEC00  }
0x158: {  	[hbm4b:s22+s10] =	stream.strided.scatter [tilespmem:s26], [sflag:$0x3], $0x1400, s11, s10, $0x38;
	[tilespmem:$0xC800] =	vst v63  }
0x159: {  	_ =	swait.ge [sflag:s21], $0x1400  }
0x15a: {  	[sflag:s21] =	ssyncset.done $0x0  }
0x15b: {  	s23 =	rddreg [dreg:$0xa];
	[sflag:s21] =	ssyncadd.s32 $0xFFFFEC00  }
0x15c: {  	[hbm4b:s23+s10] =	stream.strided.scatter [tilespmem:s28], [sflag:$0x3], $0x1400, s11, s10, $0x38;
	[tilespmem:$0xC800] =	vst v63  }
0x15d: {  	_ =	swait.ge [sflag:s21], $0x1400  }
0x15e: {  	[sflag:s21] =	ssyncset.done $0x0  }
0x15f: {  	s14 =	rddreg [dreg:$0xb];
	[sflag:s21] =	ssyncadd.s32 $0xFFFFEC00  }
0x160: {  	[hbm4b:s14+s12] =	stream.strided.scatter [tilespmem:s29], [sflag:$0x3], $0x500, s11, s12, $0x38;
	[tilespmem:$0xC800] =	vst v63  }
0x161: {  	_ =	swait.ge [sflag:s21], $0x500  }
0x162: {  	[sflag:s21] =	ssyncset.done $0x0  }
0x163: {  	s15 =	rddreg [dreg:$0xc];
	[sflag:s21] =	ssyncadd.s32 $0xFFFFFB00  }
0x164: {  	[hbm4b:s15+s12] =	stream.strided.scatter [tilespmem:s30], [sflag:$0x3], $0x500, s11, s12, $0x38;
	[tilespmem:$0xC800] =	vst v63  }
0x165: {  	_ =	swait.ge [sflag:s21], $0x500  }
0x166: {  	[sflag:s21] =	ssyncset.done $0x0  }
0x167: {  	[sflag:s21] =	ssyncadd.s32 $0xFFFFFB00  }
0x168: {  	_ =	swait.ge [sflag:s13], $0x1400  }
0x169: {  	[sflag:s13] =	ssyncset.done $0x0  }
0x16a: {  	[sflag:s13] =	ssyncadd.s32 $0xFFFFEC00  }
0x16b: {  	_ =	swait.ge [sflag:s13], $0x1400  }
0x16c: {  	[sflag:s13] =	ssyncset.done $0x0  }
0x16d: {  	[sflag:s13] =	ssyncadd.s32 $0xFFFFEC00  }
0x16e: {  	_ =	swait.ge [sflag:s13], $0x1400  }
0x16f: {  	[sflag:s13] =	ssyncset.done $0x0  }
0x170: {  	[sflag:s13] =	ssyncadd.s32 $0xFFFFEC00  }
0x171: {  	_ =	swait.ge [sflag:s13], $0x500  }
0x172: {  	[sflag:s13] =	ssyncset.done $0x0  }
0x173: {  	[sflag:s13] =	ssyncadd.s32 $0xFFFFFB00  }
0x174: {  	_ =	swait.ge [sflag:s13], $0x500  }
0x175: {  	[sflag:s13] =	ssyncset.done $0x0  }
0x176: {  	s17 =	rddreg [dreg:$0xd];
	[sflag:s13] =	ssyncadd.s32 $0xFFFFFB00  }
0x177: {  	[hbm4b:s17+s10] =	stream.strided.scatter [tilespmem:s31], [sflag:$0x3], $0x1400, s11, s10, $0x38;
	[tilespmem:$0xC800] =	vst v63  }
0x178: {  	_ =	swait.ge [sflag:s21], $0x1400  }
0x179: {  	[sflag:s21] =	ssyncset.done $0x0  }
0x17a: {  	s18 =	rddreg [dreg:$0xe];
	[sflag:s21] =	ssyncadd.s32 $0xFFFFEC00  }
0x17b: {  	[hbm4b:s18+s10] =	stream.strided.scatter [tilespmem:s1], [sflag:$0x3], $0x1400, s11, s10, $0x38;
	[tilespmem:$0xC800] =	vst v63  }
0x17c: {  	_ =	swait.ge [sflag:s21], $0x1400  }
0x17d: {  	[sflag:s21] =	ssyncset.done $0x0  }
0x17e: {  	s19 =	rddreg [dreg:$0xf];
	[sflag:s21] =	ssyncadd.s32 $0xFFFFEC00  }
0x17f: {  	[hbm4b:s19+s10] =	stream.strided.scatter [tilespmem:s0], [sflag:$0x3], $0x1400, s11, s10, $0x38;
	[tilespmem:$0xC800] =	vst v63  }
0x180: {  	_ =	swait.ge [sflag:s21], $0x1400  }
0x181: {  	[sflag:s21] =	ssyncset.done $0x0  }
0x182: {  	s20 =	rddreg [dreg:$0x10];
	[sflag:s21] =	ssyncadd.s32 $0xFFFFEC00  }
0x183: {  	[hbm4b:s20+s12] =	stream.strided.scatter [tilespmem:s7], [sflag:$0x3], $0x500, s11, s12, $0x38;
	[tilespmem:$0xC800] =	vst v63  }
0x184: {  	_ =	swait.ge [sflag:s21], $0x500  }
0x185: {  	[sflag:s21] =	ssyncset.done $0x0  }
0x186: {  	s22 =	rddreg [dreg:$0x11];
	[sflag:s21] =	ssyncadd.s32 $0xFFFFFB00  }
0x187: {  	[hbm4b:s22+s12] =	stream.strided.scatter [tilespmem:s8], [sflag:$0x3], $0x500, s11, s12, $0x38;
	[tilespmem:$0xC800] =	vst v63  }
0x188: {  	_ =	swait.ge [sflag:s21], $0x500  }
0x189: {  	s16 =	sadd.s32 $0x1, s16;
	s23 =	rddreg [dreg:$0x12]  }
0x18a: {  	p0 =	sne.s32 s16, s23  }
.Ltmp1:
0x18b: {  	_ = 	snop;
	(pc) =	sbr.rel @p0 .LBB2_1-.Ltmp1, $3  }
0x18c: {  	_ =	sdelay $0x1  }
0x18d: {  	[sflag:s21] =	ssyncset.done $0x0  }
0x18e: {  	[sflag:s21] =	ssyncadd.s32 $0xFFFFFB00  }
0x18f: {  	_ =	sfence.sel $0x180000  }
0x190: {  	[bflag:$0x0] =	sbarrier.arrive $0xFFFF  }
0x191: {  	_ =	strace $0x90000047  }
0x192: {  	s0 =	stileid.u32;
	[bflag:$0x2] =	sbarrier.arrive $0xFFFF  }
0x193: {  	p0 =	sne.s32 s0, $0x0;
	s0 =	rddreg [dreg:$0x2]  }
0x194: {  	s0 =	sadd.s32 @!p0 $0x100000, s0  }
0x195: {  	[sflag:s0] =	ssyncadd.tile.s32 @!p0 $0x1;
	_ =	shalt  }
.Lfunc_end2:
_tile_overlayer_lowered:
.L_overlay_start_2:
0x196: {  	(tag) =	ssettag $0x2  }
0x197: {  	s0 =	rddreg [dreg:$0x0];
	s2 =	stileid.u32  }
0x198: {  	s1 =	rddreg [dreg:$0x1];
	p0 =	sne.s32 s2, $0x0  }
0x199: {  	s3 =	rddreg [dreg:$0x2];
	[bflag:$0x3] =	sbarrier.arrive $0xFFFF;
	s2 =	simm.s32 @!p0 $0x1C03  }
0x19a: {  	[timem:s3], [sflag:s2] =	dma.local @!p0 [hbm:s0], s1  }
0x19b: {  	s0 =	simm.s32 @!p0 $0x3  }
0x19c: {  	_ =	swait.ge @!p0 [sflag:s0], s1  }
0x19d: {  	s1 =	ssub.s32 @!p0 $0x0, s1;
	[sflag:s0] =	ssyncset.done @!p0 $0x0  }
0x19e: {  	[sflag:s0] =	ssyncadd.s32 @!p0 s1  }
0x19f: {  	[bflag:$0x3] =	sbarrier.arrive $0xFFFF  }
0x1a0: {  	_ =	shalt  }

// kernel: kernel.17.cloned.1.call-start
scs
__scs_entry_jumppad:
0x0: {  	(pc) =	sbr.rel $0x88, $3  }
0x1: {  	(tag) =	ssettag $0x0;
	lr =	simm.s32 $0x1  }
0x2: {  	[smem:$0x3F94] =	sst lr;
	_ =	strace $0xD0000000  }
0x3: {  	_ = 	snop  }
0x4: {  	_ = 	snop  }
0x5: {  	_ = 	snop  }
0x6: {  	_ = 	snop  }
0x7: {  	_ = 	snop  }
__scs_overlays_trampoline_lowered:
0x8: {  	[smem:$0x3FA3] =	sst s0  }
0x9: {  	[smem:$0x3FA4] =	sst s1  }
0xa: {  	[smem:$0x3FA5] =	sst s2  }
0xb: {  	[smem:$0x3FA6] =	sst s3  }
0xc: {  	[smem:$0x3FA7] =	sst s4  }
0xd: {  	[smem:$0x3FA8] =	sst s5  }
0xe: {  	[smem:$0x3FA9] =	sst s6  }
0xf: {  	[smem:$0x3FAA] =	sst s7  }
0x10: {  	[smem:$0x3FAB] =	sst s8  }
0x11: {  	[smem:$0x3FAC] =	sst s9;
	s0 =	simm.s32 @!p0 $0x0  }
0x12: {  	s1 =	sld [smem:$0x3F92];
	s0 =	simm.s32 @p0 $0x1  }
0x13: {  	[smem:$0x3FAD] =	sst s0;
	s0 =	simm.s32 @!p1 $0x0  }
0x14: {  	s2 =	sld [smem:$0x3F91];
	s0 =	simm.s32 @p1 $0x1  }
0x15: {  	[smem:$0x3FAE] =	sst s0;
	s0 =	simm.s32 @!p2 $0x0  }
0x16: {  	s3 =	sld [smem:$0x3FDB];
	s0 =	simm.s32 @p2 $0x1  }
0x17: {  	s4 =	simm.s32 $0x1BF5;
	[smem:$0x3FB0] =	sst s0  }
0x18: {  	s0 =	sld [smem:$0x3F93];
	_ =	swait.ge [sflag:s4], $0x0  }
0x19: {  	s7 =	sld [smem:$0x3F94]  }
0x1a: {  	s8 =	sadd.s32 $0xFFFFE003, lr  }
0x1b: {  	s9 =	sadd.s32 $0xFFFFFEF7, lr;
	s5 =	simm.s32 $0xFFFFFFFF;
	p2 =	slt.u32 s8, $0xFFFFF086  }
0x1c: {  	p1 =	slt.u32 s9, $0xF7A;
	s5 =	simm.s32 @!p2 $0x0  }
0x1d: {  	s5 =	simm.s32 @p1 $0x1;
	p0 =	seq.s32 s7, s2  }
0x1e: {  	s7 =	smul.u32 @!p0 $0xF7A, s2;
	p2 =	seq.s32 @!p0 s5, $0x0  }
0x1f: {  	s9 =	smul.u32 $0xF7A, s1;
	s8 =	simm.s32 @!p0 $0x1BF5;
	p2 =	por !p2, p0  }
0x20: {  	[sflag:s8] =	ssyncset.s32 @!p0 $0xFFFFF086;
	s6 =	sadd.s32 @!p0 s3, s7;
	s7 =	simm.s32 @!p0 $0x108  }
0x21: {  	s3 =	sadd.s32 s3, s9;
	s6 =	sadd.s32 @!p0 $0x88, s6;
	s7 =	simm.s32 @p2 $0x1082  }
0x22: {  	[simem:s7], [sflag:s8] =	dma.local @!p0 [hbm:s6], $0xF7A  }
0x23: {  	s9 =	sor.u32 $0xD0000000, s2;
	s6 =	simm.s32 $0x108;
	_ =	swait.ge @!p0 [sflag:s8], $0x0  }
0x24: {  	s3 =	sadd.s32 $0x88, s3;
	s6 =	simm.s32 @!p1 $0x1082;
	[sflag:s4] =	ssyncset.s32 $0xFFFFF086  }
0x25: {  	[simem:s6], [sflag:s4] =	dma.local [hbm:s3], $0xF7A  }
0x26: {  	[smem:$0x3F94] =	sst s1;
	(tag) =	ssettag s2;
	_ =	strace s9  }
0x27: {  	s1 =	sld [smem:$0x3FA4]  }
0x28: {  	s2 =	sld [smem:$0x3FA5]  }
0x29: {  	s4 =	sld [smem:$0x3FA7]  }
0x2a: {  	p0 =	seq.s32 s5, $0x0;
	s5 =	sld [smem:$0x3FA8]  }
0x2b: {  	s6 =	sld [smem:$0x3FA9]  }
0x2c: {  	s7 =	sld [smem:$0x3FAA]  }
0x2d: {  	s3 =	simm.s32 $0x108;
	s8 =	sld [smem:$0x3FAB]  }
0x2e: {  	s3 =	simm.s32 @!p0 $0x1082;
	s9 =	sld [smem:$0x3FAC]  }
0x2f: {  	lr =	sadd.s32 s0, s3;
	s0 =	sld [smem:$0x3FA3]  }
0x30: {  	s3 =	sld [smem:$0x3FA6]  }
0x31: {  	[smem:$0x3FAF] =	sst s10  }
0x32: {  	s10 =	sld [smem:$0x3FAD];
	_ =	sdelay $0x3  }
0x33: {  	p0 =	seq.s32 s10, $0x1;
	s10 =	sld [smem:$0x3FAF];
	_ =	sdelay $0x3  }
0x34: {  	[smem:$0x3FAF] =	sst s10  }
0x35: {  	s10 =	sld [smem:$0x3FAE];
	_ =	sdelay $0x3  }
0x36: {  	p1 =	seq.s32 s10, $0x1;
	s10 =	sld [smem:$0x3FAF];
	_ =	sdelay $0x3  }
0x37: {  	[smem:$0x3FAF] =	sst s10  }
0x38: {  	s10 =	sld [smem:$0x3FB0]  }
0x39: {  	_ = 	snop;
	(pc) =	sbr.ind lr, $3  }
0x3a: {  	_ = 	snop  }
0x3b: {  	_ = 	snop  }
0x3c: {  	p2 =	seq.s32 s10, $0x1;
	s10 =	sld [smem:$0x3FAF]  }
0x3d: {  	_ =	shalt  }
0x3e: {  	_ =	shalt  }
0x3f: {  	_ =	shalt  }
0x40: {  	_ =	shalt  }
0x41: {  	_ =	shalt  }
0x42: {  	_ =	shalt  }
0x43: {  	_ =	shalt  }
0x44: {  	_ =	shalt  }
0x45: {  	_ =	shalt  }
0x46: {  	_ =	shalt  }
0x47: {  	_ =	shalt  }
0x48: {  	_ =	shalt  }
0x49: {  	_ =	shalt  }
0x4a: {  	_ =	shalt  }
0x4b: {  	_ =	shalt  }
0x4c: {  	_ =	shalt  }
0x4d: {  	_ =	shalt  }
0x4e: {  	_ =	shalt  }
0x4f: {  	_ =	shalt  }
0x50: {  	_ =	shalt  }
0x51: {  	_ =	shalt  }
0x52: {  	_ =	shalt  }
0x53: {  	_ =	shalt  }
0x54: {  	_ =	shalt  }
0x55: {  	_ =	shalt  }
0x56: {  	_ =	shalt  }
0x57: {  	_ =	shalt  }
0x58: {  	_ =	shalt  }
0x59: {  	_ =	shalt  }
0x5a: {  	_ =	shalt  }
0x5b: {  	_ =	shalt  }
0x5c: {  	_ =	shalt  }
0x5d: {  	_ =	shalt  }
0x5e: {  	_ =	shalt  }
0x5f: {  	_ =	shalt  }
0x60: {  	_ =	shalt  }
0x61: {  	_ =	shalt  }
0x62: {  	_ =	shalt  }
0x63: {  	_ =	shalt  }
0x64: {  	_ =	shalt  }
0x65: {  	_ =	shalt  }
0x66: {  	_ =	shalt  }
0x67: {  	_ =	shalt  }
0x68: {  	_ =	shalt  }
0x69: {  	_ =	shalt  }
0x6a: {  	_ =	shalt  }
0x6b: {  	_ =	shalt  }
0x6c: {  	_ =	shalt  }
0x6d: {  	_ =	shalt  }
0x6e: {  	_ =	shalt  }
0x6f: {  	_ =	shalt  }
0x70: {  	_ =	shalt  }
0x71: {  	_ =	shalt  }
0x72: {  	_ =	shalt  }
0x73: {  	_ =	shalt  }
0x74: {  	_ =	shalt  }
0x75: {  	_ =	shalt  }
0x76: {  	_ =	shalt  }
0x77: {  	_ =	shalt  }
0x78: {  	_ =	shalt  }
0x79: {  	_ =	shalt  }
0x7a: {  	_ =	shalt  }
0x7b: {  	_ =	shalt  }
0x7c: {  	_ =	shalt  }
0x7d: {  	_ =	shalt  }
0x7e: {  	_ =	shalt  }
0x7f: {  	_ =	shalt  }
0x80: {  	_ =	shalt  }
0x81: {  	_ =	shalt  }
0x82: {  	_ =	shalt  }
0x83: {  	_ =	shalt  }
0x84: {  	_ =	shalt  }
0x85: {  	_ =	shalt  }
0x86: {  	_ =	shalt  }
0x87: {  	_ =	shalt  }
.Lfunc_end0:
.L_simem_size_0:
called_computation.2_lowered:
.L_overlay_start_0:
0x88: {  	s2 =	sld [smem:$0x3FD9]  }
0x89: {  	s3 =	sld [smem:$0x3FFE];
	_ =	sdelay $0x1  }
0x8a: {  	s1 =	srdreg.scid  }
0x8b: {  	s0 =	sand.u32 $0x1, s1  }
0x8c: {  	s17 =	sshll.u32 s0, $0xA;
	s2 =	sadd.s32 s3, s2  }
0x8d: {  	s2 =	sadd.s32 s2, s17  }
0x8e: {  	[smem:$0x3FBB] =	sst s2  }
0x8f: {  	_ = 	snop  }
0x90: {  	(tm) =	ssettm $0x1  }
0x91: {  	s18 =	sld [smem:$0x3FFB];
	_ =	sdelay $0x3  }
0x92: {  	_ =	strace s18  }
0x93: {  	s2 =	sld [smem:$0x3FFC];
	_ =	sdelay $0x3  }
0x94: {  	_ =	strace s2  }
0x95: {  	s2 =	sld [smem:$0x3FFD];
	_ =	sdelay $0x3  }
0x96: {  	_ =	strace s2  }
0x97: {  	_ =	strace $0x8FFFFFFF  }
0x98: {  	s19 =	sld [smem:$0x3FDB];
	_ =	sdelay $0x1  }
0x99: {  	s20 =	simm.s32 $_scs_section_size  }
0x9a: {  	s4 =	simm.s32 $_size__tile_overlayer_lowered;
	s5 =	simm.s32 $_tile_overlayer_lowered  }
0x9b: {  	s6 =	simm.s32 $0x1BFF;
	s21 =	sshll.u32 s5, $0x1;
	s3 =	sadd.s32 s20, s19  }
0x9c: {  	s22 =	simm.s32 $0x0;
	s4 =	sshll.u32 s4, $0x1;
	s5 =	sadd.s32 s21, s3  }
0x9d: {  	[timem:s22], [sflag:s6] =	dma.local [hbm:s5], s4  }
0x9e: {  	_ =	swait.ge [sflag:s6], s4  }
0x9f: {  	s4 =	ssub.s32 $0x0, s4;
	[sflag:s6] =	ssyncset.done $0x0  }
0xa0: {  	[sflag:s6] =	ssyncadd.s32 s4;
	_ =	sdelay $0x1  }
0xa1: {  	s23 =	simm.s32 $0x1B8B  }
0xa2: {  	_ =	swait.ge [sflag:s23], $0x1  }
0xa3: {  	[sflag:s23] =	ssyncset.done $0x0  }
0xa4: {  	[sflag:s23] =	ssyncadd.s32 $0xFFFFFFFF  }
0xa5: {  	s4 =	sld [smem:$0x0]  }
0xa6: {  	s5 =	sand.u32 $0xFFFFFFFE, s1  }
0xa7: {  	p0 =	sne.s32 s1, s5  }
0xa8: {  	s5 =	sshll.u32 @p0 s5, $0xE  }
0xa9: {  	s5 =	sadd.s32 @p0 $0x11B8D, s5;
	s6 =	sshll.u32 @p0 s4, $0x11  }
0xaa: {  	s5 =	sor.u32 @p0 s6, s5  }
0xab: {  	[sflag:s5] =	ssyncadd.remote.s32 @p0 $0x1;
	_ =	sdelay $0x1  }
0xac: {  	s5 =	simm.s32 @p0 $0x1B8D  }
0xad: {  	_ =	swait.eq @p0 [sflag:s5], $0x1  }
0xae: {  	[sflag:s5] =	ssyncadd.s32 @p0 $0xFFFFFFFF  }
0xaf: {  	s6 =	sshll.u32 @!p0 s1, $0xE  }
0xb0: {  	s6 =	sor.u32 @!p0 $0x4000, s6;
	s5 =	simm.s32 @!p0 $0x1B8D  }
0xb1: {  	s4 =	sshll.u32 @!p0 s4, $0x11;
	s6 =	sadd.s32 @!p0 $0x11B8D, s6;
	_ =	swait.eq @!p0 [sflag:s5], $0x1  }
0xb2: {  	s4 =	sor.u32 @!p0 s4, s6;
	[sflag:s5] =	ssyncadd.s32 @!p0 $0xFFFFFFFF  }
0xb3: {  	s25 =	simm.s32 $0x1B8E;
	s24 =	sld [smem:$0x3FFE];
	[sflag:s4] =	ssyncadd.remote.s32 @!p0 $0x1  }
0xb4: {  	s26 =	simm.s32 $execute0_lowered;
	[smem:$0x3FD2] =	sst s25  }
0xb5: {  	s5 =	sshll.u32 s26, $0x1;
	_ =	strace $0x8000004C;
	[dreg:$0x1] =	wrdreg $0xFFFFFFFF  }
0xb6: {  	s28 =	simm.s32 $_size_execute0_lowered;
	s3 =	sadd.s32 s3, s5;
	[dreg:$0x0] =	wrdreg $0x0  }
0xb7: {  	s5 =	sshll.u32 s28, $0x1;
	[dreg:$0x2] =	wrdreg s3  }
0xb8: {  	[dreg:$0x3] =	wrdreg s5  }
0xb9: {  	[dreg:$0x4] =	wrdreg $0xC0  }
0xba: {  	_ =	task [dreg:s22], $0x5FFFF  }
0xbb: {  	[dreg:$0x1] =	wrdreg $0xFFFFFFFF  }
0xbc: {  	[dreg:$0x0] =	wrdreg $0x60  }
0xbd: {  	[dreg:$0x2] =	wrdreg s24  }
0xbe: {  	[dreg:$0x3] =	wrdreg $0x28800  }
0xbf: {  	[dreg:$0x4] =	wrdreg $0xB  }
0xc0: {  	_ =	task.clear_ibuf [dreg:s22], $0x5FFFF;
	_ =	strace $0x9000004C  }
0xc1: {  	s29 =	simm.s32 $0xB;
	_ =	strace $0x8000004E  }
0xc2: {  	_ =	swait.ge [sflag:s29], $0x1  }
0xc3: {  	[sflag:s29] =	ssyncadd.s32 $0xFFFFFFFF  }
0xc4: {  	_ =	strace $0x9000004E  }
0xc5: {  	_ =	sfence  }
0xc6: {  	s30 =	sld [smem:$0x0];
	_ =	sdelay $0x2  }
0xc7: {  	s31 =	sshll.u32 s1, $0xD;
	s1 =	sshrl.u32 s1, $0x2  }
0xc8: {  	s4 =	sand.u32 $0x4000, s31;
	s1 =	sadd.s32 s1, s30  }
0xc9: {  	s0 =	sor.u32 s4, s0;
	s1 =	sshll.u32 s1, $0x11  }
0xca: {  	s0 =	sor.u32 s1, s0  }
0xcb: {  	s0 =	sadd.s32 $0x8F2B, s0  }
0xcc: {  	[sflag:s0] =	ssyncadd.remote.s32 $0x1  }
0xcd: {  	_ =	sfence.sel $0xFFFF  }
0xce: {  	[dreg:$0x0] =	wrdreg $0xFFFFFFFF;
	(pc) =	sbr.abs _section_cstart, $3  }
0xcf: {  	[dreg:$0x1] =	wrdreg $0xFFFFFFFF  }
0xd0: {  	_ =	task.clear_ibuf [dreg:s22], $0x2FFFF;
	_ =	strace $0x9FFFFFFF  }
0xd1: {  	(tm) =	ssettm $0x7FFFFFFF  }
tec
execute0_lowered:
.L_overlay_start_1:
0x0: {  	(tag) =	ssettag $0x1  }
0x1: {  	s3 =	rddreg [dreg:$0x0]  }
0x2: {  	s1 =	rddreg [dreg:$0x1]  }
0x3: {  	s0 =	rddreg [dreg:$0x2];
	s7 =	stileid.u32  }
0x4: {  	s5 =	srdreg.scid;
	s2 =	simm.s32 $0x0;
	s4 =	smul.u32 $0x28000, s7  }
0x5: {  	s12 =	simm.s32 $0x0;
	s5 =	sand.u32 $0x1, s5;
	s6 =	smul.u32 $0x2800, s7  }
0x6: {  	[smem:$0x7FF] =	sst s2;
	p0 =	sne.s32 s7, $0x0;
	s8 =	smul.u32 $0x1400, s5  }
0x7: {  	_ =	strace $0x8000004D;
	s26 =	smul.u32 $0x27100, s5;
	s28 =	ssub.s32 $0x2, s5  }
0x8: {  	s5 =	smul.u32 $0x14000, s5;
	s9 =	sadd.s32 s4, s3;
	s10 =	sshrl.u32 s28, $0x1  }
0x9: {  	s25 =	sadd.s32 s8, s6;
	s29 =	sadd.s32 s26, s3;
	s30 =	ssub.s32 s28, s10  }
0xa: {  	s31 =	sadd.s32 s5, s9;
	s8 =	sshrl.u32 @!p0 s1, $0x3;
	s9 =	simm.s32 $0x1  }
0xb: {  	s10 =	simm.s32 $0x80;
	s4 =	sshrl.u32 s25, $0x3;
	s5 =	smax.u32 s30, $0x1  }
0xc: {  	s6 =	sadd.s32 $0xA07600, s31;
	s11 =	sadd.s32 s4, s3;
	s3 =	sadd.s32 $0x25E00, s29  }
0xd: {  	s4 =	sadd.s32 $0x74000, s29;
	s7 =	sadd.s32 $0x1BE00, s11;
	s11 =	simm.s32 $0x50  }
.LBB2_1:
0xe: {  	s13 =	simm.s32 @!p0 $0x1C01  }
0xf: {  	[spmem:s8], [sflag:s13] =	dma.local @!p0 [hbm:s3], $0x27100  }
0x10: {  	s13 =	simm.s32 @!p0 $0x1  }
0x11: {  	_ =	swait.ge @!p0 [sflag:s13], $0x27100  }
0x12: {  	[sflag:s13] =	ssyncset.done @!p0 $0x0  }
0x13: {  	[sflag:s13] =	ssyncadd.s32 @!p0 $0xFFFD8F00  }
0x14: {  	s31 =	sadd.s32 $0x0, s7;
	[bflag:$0x0] =	sbarrier.arrive $0xFFFF  }
0x15: {  	[tilespmem:s2], [sflag:$0x1] =	stream.linear.gather [hbm4b:s31+s2], $0x50, $0x38;
	[tilespmem:$0x16100] =	vst v63  }
0x16: {  	_ =	swait.ge [sflag:s9], $0x50  }
0x17: {  	[sflag:s9] =	ssyncset.done $0x0  }
0x18: {  	[sflag:s9] =	ssyncadd.s32 $0xFFFFFFB0  }
0x19: {  	[tilespmem:s10], [sflag:$0x1] =	stream.linear.gather [hbm4b:s6+s2], $0x2800, $0x38;
	[tilespmem:$0x16100] =	vst v63  }
0x1a: {  	_ =	swait.ge [sflag:s9], $0x2800  }
0x1b: {  	[sflag:s9] =	ssyncset.done $0x0  }
0x1c: {  	[sflag:s9] =	ssyncadd.s32 $0xFFFFD800  }
0x1d: {  	[spmem:s1] =	stream.indirect.scatter.add.f32 [tilespmem:s10], [sflag:$0x1], $0x80, s2, s11, $0xb8;
	[tilespmem:$0x16100] =	vst v63  }
0x1e: {  	s14 =	simm.s32 $0xA;
	_ =	swait.ge [sflag:s9], $0x2800  }
0x1f: {  	s15 =	simm.s32 $0x14;
	s13 =	sadd.s32 $0x500, s6;
	[sflag:s9] =	ssyncset.done $0x0  }
.LBB2_2:
0x20: {  	s16 =	sadd.s32 s14, s7  }
0x21: {  	[sflag:s9] =	ssyncadd.s32 $0xFFFFD800;
	s14 =	smov.u32 s15;
	s17 =	sadd.s32 $0xA, s15  }
0x22: {  	[tilespmem:s2], [sflag:$0x1] =	stream.linear.gather [hbm4b:s16+s2], $0x50, $0x38;
	[tilespmem:$0x16100] =	vst v63  }
0x23: {  	p1 =	sne.s32 s15, $0x276;
	_ =	swait.ge [sflag:s9], $0x50  }
0x24: {  	[sflag:s9] =	ssyncset.done $0x0  }
0x25: {  	[sflag:s9] =	ssyncadd.s32 $0xFFFFFFB0  }
0x26: {  	[tilespmem:s10], [sflag:$0x1] =	stream.linear.gather [hbm4b:s13+s2], $0x2800, $0x38;
	[tilespmem:$0x16100] =	vst v63  }
0x27: {  	_ =	swait.ge [sflag:s9], $0x2800  }
.Ltmp0:
0x28: {  	[sflag:s9] =	ssyncset.done $0x0;
	(pc) =	sbr.rel @p1 .LBB2_2-.Ltmp0, $4  }
0x29: {  	[sflag:s9] =	ssyncadd.s32 $0xFFFFD800  }
0x2a: {  	[spmem:s1] =	stream.indirect.scatter.add.f32 [tilespmem:s10], [sflag:$0x1], $0x80, s2, s11, $0xb8;
	[tilespmem:$0x16100] =	vst v63  }
0x2b: {  	_ =	swait.ge [sflag:s9], $0x2800  }
0x2c: {  	s15 =	smov.u32 s17;
	s13 =	sadd.s32 $0x500, s13;
	[sflag:s9] =	ssyncset.done $0x0  }
0x2d: {  	s14 =	sadd.s32 s14, s7;
	[sflag:s9] =	ssyncadd.s32 $0xFFFFD800  }
0x2e: {  	[tilespmem:s2], [sflag:$0x1] =	stream.linear.gather [hbm4b:s14+s2], $0x50, $0x38;
	[tilespmem:$0x16100] =	vst v63  }
0x2f: {  	_ =	swait.ge [sflag:s9], $0x50  }
0x30: {  	[sflag:s9] =	ssyncset.done $0x0  }
0x31: {  	[sflag:s9] =	ssyncadd.s32 $0xFFFFFFB0  }
0x32: {  	[tilespmem:s10], [sflag:$0x1] =	stream.linear.gather [hbm4b:s13+s2], $0x2800, $0x38;
	[tilespmem:$0x16100] =	vst v63  }
0x33: {  	_ =	swait.ge [sflag:s9], $0x2800  }
0x34: {  	[sflag:s9] =	ssyncset.done $0x0  }
0x35: {  	[sflag:s9] =	ssyncadd.s32 $0xFFFFD800  }
0x36: {  	[spmem:s1] =	stream.indirect.scatter.add.f32 [tilespmem:s10], [sflag:$0x1], $0x80, s2, s11, $0xb8;
	[tilespmem:$0x16100] =	vst v63  }
0x37: {  	_ =	swait.ge [sflag:s9], $0x2800  }
0x38: {  	[sflag:s9] =	ssyncset.done $0x0  }
0x39: {  	s12 =	sadd.s32 $0x1, s12;
	[sflag:s9] =	ssyncadd.s32 $0xFFFFD800  }
0x3a: {  	p1 =	sne.s32 s12, s5;
	s13 =	simm.s32 @!p0 $0x1C01;
	[bflag:$0x0] =	sbarrier.arrive $0xFFFF  }
0x3b: {  	[hbm:s4], [sflag:s13] =	dma.local @!p0 [spmem:s8], $0x27100  }
.Ltmp1:
0x3c: {  	_ = 	snop;
	(pc) =	sbr.rel @p1 .LBB2_1-.Ltmp1, $4  }
0x3d: {  	s13 =	simm.s32 @!p0 $0x1  }
0x3e: {  	_ =	swait.ge @!p0 [sflag:s13], $0x27100  }
0x3f: {  	[sflag:s13] =	ssyncset.done @!p0 $0x0  }
0x40: {  	[sflag:s13] =	ssyncadd.s32 @!p0 $0xFFFD8F00  }
0x41: {  	_ =	sfence.sel $0x180000  }
0x42: {  	[bflag:$0x0] =	sbarrier.arrive $0xFFFF  }
0x43: {  	_ =	strace $0x9000004D  }
0x44: {  	s0 =	sadd.s32 @!p0 $0x100000, s0;
	[bflag:$0x2] =	sbarrier.arrive $0xFFFF  }
0x45: {  	[sflag:s0] =	ssyncadd.tile.s32 @!p0 $0x1;
	_ =	shalt  }
.Lfunc_end2:
_tile_overlayer_lowered:
.L_overlay_start_2:
0x46: {  	(tag) =	ssettag $0x2  }
0x47: {  	s0 =	rddreg [dreg:$0x0];
	s2 =	stileid.u32  }
0x48: {  	s1 =	rddreg [dreg:$0x1];
	p0 =	sne.s32 s2, $0x0  }
0x49: {  	s3 =	rddreg [dreg:$0x2];
	[bflag:$0x3] =	sbarrier.arrive $0xFFFF;
	s2 =	simm.s32 @!p0 $0x1C01  }
0x4a: {  	[timem:s3], [sflag:s2] =	dma.local @!p0 [hbm:s0], s1  }
0x4b: {  	s0 =	simm.s32 @!p0 $0x1  }
0x4c: {  	_ =	swait.ge @!p0 [sflag:s0], s1  }
0x4d: {  	s1 =	ssub.s32 @!p0 $0x0, s1;
	[sflag:s0] =	ssyncset.done @!p0 $0x0  }
0x4e: {  	[sflag:s0] =	ssyncadd.s32 @!p0 s1  }
0x4f: {  	[bflag:$0x3] =	sbarrier.arrive $0xFFFF  }
0x50: {  	_ =	shalt  }

// kernel: kernel.20.cloned.1.call-start
scs
__scs_entry_jumppad:
0x0: {  	(pc) =	sbr.rel $0x88, $3  }
0x1: {  	(tag) =	ssettag $0x0;
	lr =	simm.s32 $0x1  }
0x2: {  	[smem:$0x3F94] =	sst lr;
	_ =	strace $0xD0000000  }
0x3: {  	_ = 	snop  }
0x4: {  	_ = 	snop  }
0x5: {  	_ = 	snop  }
0x6: {  	_ = 	snop  }
0x7: {  	_ = 	snop  }
__scs_overlays_trampoline_lowered:
0x8: {  	[smem:$0x3FA3] =	sst s0  }
0x9: {  	[smem:$0x3FA4] =	sst s1  }
0xa: {  	[smem:$0x3FA5] =	sst s2  }
0xb: {  	[smem:$0x3FA6] =	sst s3  }
0xc: {  	[smem:$0x3FA7] =	sst s4  }
0xd: {  	[smem:$0x3FA8] =	sst s5  }
0xe: {  	[smem:$0x3FA9] =	sst s6  }
0xf: {  	[smem:$0x3FAA] =	sst s7  }
0x10: {  	[smem:$0x3FAB] =	sst s8  }
0x11: {  	[smem:$0x3FAC] =	sst s9;
	s0 =	simm.s32 @!p0 $0x0  }
0x12: {  	s1 =	sld [smem:$0x3F92];
	s0 =	simm.s32 @p0 $0x1  }
0x13: {  	[smem:$0x3FAD] =	sst s0;
	s0 =	simm.s32 @!p1 $0x0  }
0x14: {  	s2 =	sld [smem:$0x3F91];
	s0 =	simm.s32 @p1 $0x1  }
0x15: {  	[smem:$0x3FAE] =	sst s0;
	s0 =	simm.s32 @!p2 $0x0  }
0x16: {  	s3 =	sld [smem:$0x3FDB];
	s0 =	simm.s32 @p2 $0x1  }
0x17: {  	s4 =	simm.s32 $0x1BF5;
	[smem:$0x3FB0] =	sst s0  }
0x18: {  	s0 =	sld [smem:$0x3F93];
	_ =	swait.ge [sflag:s4], $0x0  }
0x19: {  	s7 =	sld [smem:$0x3F94]  }
0x1a: {  	s8 =	sadd.s32 $0xFFFFE003, lr  }
0x1b: {  	s9 =	sadd.s32 $0xFFFFFEF7, lr;
	s5 =	simm.s32 $0xFFFFFFFF;
	p2 =	slt.u32 s8, $0xFFFFF086  }
0x1c: {  	p1 =	slt.u32 s9, $0xF7A;
	s5 =	simm.s32 @!p2 $0x0  }
0x1d: {  	s5 =	simm.s32 @p1 $0x1;
	p0 =	seq.s32 s7, s2  }
0x1e: {  	s7 =	smul.u32 @!p0 $0xF7A, s2;
	p2 =	seq.s32 @!p0 s5, $0x0  }
0x1f: {  	s9 =	smul.u32 $0xF7A, s1;
	s8 =	simm.s32 @!p0 $0x1BF5;
	p2 =	por !p2, p0  }
0x20: {  	[sflag:s8] =	ssyncset.s32 @!p0 $0xFFFFF086;
	s6 =	sadd.s32 @!p0 s3, s7;
	s7 =	simm.s32 @!p0 $0x108  }
0x21: {  	s3 =	sadd.s32 s3, s9;
	s6 =	sadd.s32 @!p0 $0x88, s6;
	s7 =	simm.s32 @p2 $0x1082  }
0x22: {  	[simem:s7], [sflag:s8] =	dma.local @!p0 [hbm:s6], $0xF7A  }
0x23: {  	s9 =	sor.u32 $0xD0000000, s2;
	s6 =	simm.s32 $0x108;
	_ =	swait.ge @!p0 [sflag:s8], $0x0  }
0x24: {  	s3 =	sadd.s32 $0x88, s3;
	s6 =	simm.s32 @!p1 $0x1082;
	[sflag:s4] =	ssyncset.s32 $0xFFFFF086  }
0x25: {  	[simem:s6], [sflag:s4] =	dma.local [hbm:s3], $0xF7A  }
0x26: {  	[smem:$0x3F94] =	sst s1;
	(tag) =	ssettag s2;
	_ =	strace s9  }
0x27: {  	s1 =	sld [smem:$0x3FA4]  }
0x28: {  	s2 =	sld [smem:$0x3FA5]  }
0x29: {  	s4 =	sld [smem:$0x3FA7]  }
0x2a: {  	p0 =	seq.s32 s5, $0x0;
	s5 =	sld [smem:$0x3FA8]  }
0x2b: {  	s6 =	sld [smem:$0x3FA9]  }
0x2c: {  	s7 =	sld [smem:$0x3FAA]  }
0x2d: {  	s3 =	simm.s32 $0x108;
	s8 =	sld [smem:$0x3FAB]  }
0x2e: {  	s3 =	simm.s32 @!p0 $0x1082;
	s9 =	sld [smem:$0x3FAC]  }
0x2f: {  	lr =	sadd.s32 s0, s3;
	s0 =	sld [smem:$0x3FA3]  }
0x30: {  	s3 =	sld [smem:$0x3FA6]  }
0x31: {  	[smem:$0x3FAF] =	sst s10  }
0x32: {  	s10 =	sld [smem:$0x3FAD];
	_ =	sdelay $0x3  }
0x33: {  	p0 =	seq.s32 s10, $0x1;
	s10 =	sld [smem:$0x3FAF];
	_ =	sdelay $0x3  }
0x34: {  	[smem:$0x3FAF] =	sst s10  }
0x35: {  	s10 =	sld [smem:$0x3FAE];
	_ =	sdelay $0x3  }
0x36: {  	p1 =	seq.s32 s10, $0x1;
	s10 =	sld [smem:$0x3FAF];
	_ =	sdelay $0x3  }
0x37: {  	[smem:$0x3FAF] =	sst s10  }
0x38: {  	s10 =	sld [smem:$0x3FB0]  }
0x39: {  	_ = 	snop;
	(pc) =	sbr.ind lr, $3  }
0x3a: {  	_ = 	snop  }
0x3b: {  	_ = 	snop  }
0x3c: {  	p2 =	seq.s32 s10, $0x1;
	s10 =	sld [smem:$0x3FAF]  }
0x3d: {  	_ =	shalt  }
0x3e: {  	_ =	shalt  }
0x3f: {  	_ =	shalt  }
0x40: {  	_ =	shalt  }
0x41: {  	_ =	shalt  }
0x42: {  	_ =	shalt  }
0x43: {  	_ =	shalt  }
0x44: {  	_ =	shalt  }
0x45: {  	_ =	shalt  }
0x46: {  	_ =	shalt  }
0x47: {  	_ =	shalt  }
0x48: {  	_ =	shalt  }
0x49: {  	_ =	shalt  }
0x4a: {  	_ =	shalt  }
0x4b: {  	_ =	shalt  }
0x4c: {  	_ =	shalt  }
0x4d: {  	_ =	shalt  }
0x4e: {  	_ =	shalt  }
0x4f: {  	_ =	shalt  }
0x50: {  	_ =	shalt  }
0x51: {  	_ =	shalt  }
0x52: {  	_ =	shalt  }
0x53: {  	_ =	shalt  }
0x54: {  	_ =	shalt  }
0x55: {  	_ =	shalt  }
0x56: {  	_ =	shalt  }
0x57: {  	_ =	shalt  }
0x58: {  	_ =	shalt  }
0x59: {  	_ =	shalt  }
0x5a: {  	_ =	shalt  }
0x5b: {  	_ =	shalt  }
0x5c: {  	_ =	shalt  }
0x5d: {  	_ =	shalt  }
0x5e: {  	_ =	shalt  }
0x5f: {  	_ =	shalt  }
0x60: {  	_ =	shalt  }
0x61: {  	_ =	shalt  }
0x62: {  	_ =	shalt  }
0x63: {  	_ =	shalt  }
0x64: {  	_ =	shalt  }
0x65: {  	_ =	shalt  }
0x66: {  	_ =	shalt  }
0x67: {  	_ =	shalt  }
0x68: {  	_ =	shalt  }
0x69: {  	_ =	shalt  }
0x6a: {  	_ =	shalt  }
0x6b: {  	_ =	shalt  }
0x6c: {  	_ =	shalt  }
0x6d: {  	_ =	shalt  }
0x6e: {  	_ =	shalt  }
0x6f: {  	_ =	shalt  }
0x70: {  	_ =	shalt  }
0x71: {  	_ =	shalt  }
0x72: {  	_ =	shalt  }
0x73: {  	_ =	shalt  }
0x74: {  	_ =	shalt  }
0x75: {  	_ =	shalt  }
0x76: {  	_ =	shalt  }
0x77: {  	_ =	shalt  }
0x78: {  	_ =	shalt  }
0x79: {  	_ =	shalt  }
0x7a: {  	_ =	shalt  }
0x7b: {  	_ =	shalt  }
0x7c: {  	_ =	shalt  }
0x7d: {  	_ =	shalt  }
0x7e: {  	_ =	shalt  }
0x7f: {  	_ =	shalt  }
0x80: {  	_ =	shalt  }
0x81: {  	_ =	shalt  }
0x82: {  	_ =	shalt  }
0x83: {  	_ =	shalt  }
0x84: {  	_ =	shalt  }
0x85: {  	_ =	shalt  }
0x86: {  	_ =	shalt  }
0x87: {  	_ =	shalt  }
.Lfunc_end0:
.L_simem_size_0:
called_computation.3_lowered:
.L_overlay_start_0:
0x88: {  	s2 =	sld [smem:$0x3FD9]  }
0x89: {  	s3 =	sld [smem:$0x3FFE];
	_ =	sdelay $0x1  }
0x8a: {  	s1 =	srdreg.scid  }
0x8b: {  	s0 =	sand.u32 $0x1, s1  }
0x8c: {  	s17 =	sshll.u32 s0, $0xA;
	s2 =	sadd.s32 s3, s2  }
0x8d: {  	s2 =	sadd.s32 s2, s17  }
0x8e: {  	[smem:$0x3FBB] =	sst s2  }
0x8f: {  	_ = 	snop  }
0x90: {  	s18 =	sld [smem:$0x3FD0];
	(tm) =	ssettm $0x1  }
0x91: {  	s19 =	sld [smem:$0x3FFB];
	_ =	sdelay $0x3  }
0x92: {  	_ =	strace s19  }
0x93: {  	s2 =	sld [smem:$0x3FFC];
	_ =	sdelay $0x3  }
0x94: {  	_ =	strace s2  }
0x95: {  	s2 =	sld [smem:$0x3FFD];
	_ =	sdelay $0x3  }
0x96: {  	_ =	strace s2  }
0x97: {  	_ =	strace $0x8FFFFFFF  }
0x98: {  	s20 =	sld [smem:$0x3FDB];
	_ =	sdelay $0x1  }
0x99: {  	s4 =	simm.s32 $_scs_section_size  }
0x9a: {  	s5 =	simm.s32 $_size__tile_overlayer_lowered;
	s6 =	simm.s32 $_tile_overlayer_lowered  }
0x9b: {  	s7 =	simm.s32 $0x1BFF;
	s21 =	sshll.u32 s6, $0x1;
	s4 =	sadd.s32 s4, s20  }
0x9c: {  	s22 =	simm.s32 $0x0;
	s5 =	sshll.u32 s5, $0x1;
	s6 =	sadd.s32 s21, s4  }
0x9d: {  	[timem:s22], [sflag:s7] =	dma.local [hbm:s6], s5  }
0x9e: {  	_ =	swait.ge [sflag:s7], s5  }
0x9f: {  	s5 =	ssub.s32 $0x0, s5;
	[sflag:s7] =	ssyncset.done $0x0  }
0xa0: {  	[sflag:s7] =	ssyncadd.s32 s5;
	_ =	sdelay $0x1  }
0xa1: {  	s23 =	simm.s32 $0x1B8B  }
0xa2: {  	_ =	swait.ge [sflag:s23], $0x1  }
0xa3: {  	[sflag:s23] =	ssyncset.done $0x0  }
0xa4: {  	[sflag:s23] =	ssyncadd.s32 $0xFFFFFFFF  }
0xa5: {  	s5 =	sld [smem:$0x0]  }
0xa6: {  	s6 =	sand.u32 $0xFFFFFFFE, s1  }
0xa7: {  	p0 =	sne.s32 s1, s6  }
0xa8: {  	s6 =	sshll.u32 @p0 s6, $0xE  }
0xa9: {  	s6 =	sadd.s32 @p0 $0x11B8D, s6;
	s7 =	sshll.u32 @p0 s5, $0x11  }
0xaa: {  	s6 =	sor.u32 @p0 s7, s6  }
0xab: {  	[sflag:s6] =	ssyncadd.remote.s32 @p0 $0x1;
	_ =	sdelay $0x1  }
0xac: {  	s6 =	simm.s32 @p0 $0x1B8D  }
0xad: {  	_ =	swait.eq @p0 [sflag:s6], $0x1  }
0xae: {  	[sflag:s6] =	ssyncadd.s32 @p0 $0xFFFFFFFF  }
0xaf: {  	s7 =	sshll.u32 @!p0 s1, $0xE  }
0xb0: {  	s7 =	sor.u32 @!p0 $0x4000, s7;
	s6 =	simm.s32 @!p0 $0x1B8D  }
0xb1: {  	s5 =	sshll.u32 @!p0 s5, $0x11;
	s7 =	sadd.s32 @!p0 $0x11B8D, s7;
	_ =	swait.eq @!p0 [sflag:s6], $0x1  }
0xb2: {  	s5 =	sor.u32 @!p0 s5, s7;
	[sflag:s6] =	ssyncadd.s32 @!p0 $0xFFFFFFFF  }
0xb3: {  	s25 =	simm.s32 $0x1B8E;
	s24 =	sld [smem:$0x3FFE];
	[sflag:s5] =	ssyncadd.remote.s32 @!p0 $0x1  }
0xb4: {  	s26 =	simm.s32 $execute0_lowered;
	[smem:$0x3FD2] =	sst s25  }
0xb5: {  	s6 =	sshll.u32 s26, $0x1;
	_ =	strace $0x80000049;
	[dreg:$0x1] =	wrdreg $0xFFFFFFFF  }
0xb6: {  	s28 =	simm.s32 $_size_execute0_lowered;
	s4 =	sadd.s32 s4, s6;
	[dreg:$0x0] =	wrdreg $0x0  }
0xb7: {  	s6 =	sshll.u32 s28, $0x1;
	[dreg:$0x2] =	wrdreg s4  }
0xb8: {  	[dreg:$0x3] =	wrdreg s6  }
0xb9: {  	[dreg:$0x4] =	wrdreg $0xC0  }
0xba: {  	_ =	task [dreg:s22], $0x5FFFF  }
0xbb: {  	[dreg:$0x1] =	wrdreg $0xFFFFFFFF  }
0xbc: {  	[dreg:$0x0] =	wrdreg $0x60  }
0xbd: {  	[dreg:$0x2] =	wrdreg s18  }
0xbe: {  	[dreg:$0x3] =	wrdreg s24  }
0xbf: {  	[dreg:$0x4] =	wrdreg $0xA  }
0xc0: {  	_ =	task.clear_ibuf [dreg:s22], $0x5FFFF;
	_ =	strace $0x90000049  }
0xc1: {  	s29 =	simm.s32 $0xA;
	_ =	strace $0x8000004B  }
0xc2: {  	_ =	swait.ge [sflag:s29], $0x1  }
0xc3: {  	[sflag:s29] =	ssyncadd.s32 $0xFFFFFFFF  }
0xc4: {  	_ =	strace $0x9000004B  }
0xc5: {  	_ =	sfence  }
0xc6: {  	s30 =	sld [smem:$0x0];
	_ =	sdelay $0x2  }
0xc7: {  	s31 =	sshll.u32 s1, $0xD;
	s1 =	sshrl.u32 s1, $0x2  }
0xc8: {  	s4 =	sand.u32 $0x4000, s31;
	s1 =	sadd.s32 s1, s30  }
0xc9: {  	s0 =	sor.u32 s4, s0;
	s1 =	sshll.u32 s1, $0x11  }
0xca: {  	s0 =	sor.u32 s1, s0  }
0xcb: {  	s0 =	sadd.s32 $0x8F2B, s0  }
0xcc: {  	[sflag:s0] =	ssyncadd.remote.s32 $0x1  }
0xcd: {  	_ =	sfence.sel $0xFFFF  }
0xce: {  	[dreg:$0x0] =	wrdreg $0xFFFFFFFF;
	(pc) =	sbr.abs _section_cstart, $3  }
0xcf: {  	[dreg:$0x1] =	wrdreg $0xFFFFFFFF  }
0xd0: {  	_ =	task.clear_ibuf [dreg:s22], $0x2FFFF;
	_ =	strace $0x9FFFFFFF  }
0xd1: {  	(tm) =	ssettm $0x7FFFFFFF  }
tec
execute0_lowered:
.L_overlay_start_1:
0x0: {  	(tag) =	ssettag $0x1  }
0x1: {  	s2 =	rddreg [dreg:$0x0];
	s0 =	srdreg.scid  }
0x2: {  	s3 =	stileid.u32;
	s1 =	rddreg [dreg:$0x1]  }
0x3: {  	s5 =	simm.s32 $0x0;
	s28 =	simm.s32 $0xA730;
	s29 =	simm.s32 $0xBB30  }
0x4: {  	s30 =	simm.s32 $0xC030;
	s31 =	simm.s32 $0x1;
	s0 =	sand.u32 $0x1, s0  }
0x5: {  	s4 =	sshll.u32 s3, $0x1;
	[smem:$0x7FF] =	sst s5;
	s5 =	sadd.s32 $0x16600, s1  }
0x6: {  	s10 =	sadd.s32 $0x543600, s1;
	s20 =	smul.u32 $0x26200, s3;
	s7 =	sor.u32 s0, s4  }
0x7: {  	s6 =	sadd.s32 $0x20E00, s1;
	_ =	strace $0x8000004A;
	s8 =	smul.u32 $0x1310, s7  }
0x8: {  	s4 =	sadd.s32 $0x2C00, s1;
	s9 =	ssub.s32 $0x2, s0;
	s7 =	smul.u32 $0x98800, s7  }
0x9: {  	s0 =	smul.u32 $0x13100, s0;
	s11 =	sshrl.u32 s9, $0x1;
	s25 =	sadd.s32 s20, s10  }
0xa: {  	s9 =	ssub.s32 s9, s11;
	s8 =	sshrl.u32 s8, $0x3;
	s7 =	sshrl.u32 s7, $0x3  }
0xb: {  	s26 =	smax.u32 s9, $0x1;
	s9 =	simm.s32 $0x0;
	s8 =	sadd.s32 s8, s1  }
0xc: {  	s1 =	sadd.s32 $0x7A5600, s1;
	[dreg:$0xd] =	wrdreg s26;
	s12 =	sadd.s32 $0x539A00, s8  }
0xd: {  	s17 =	sadd.s32 $0x12C00, s7;
	s16 =	sadd.s32 $0x53E800, s8;
	[dreg:$0x5] =	wrdreg s12  }
0xe: {  	s19 =	sadd.s32 $0x12C08, s7;
	s8 =	sadd.s32 $0x52AE00, s8;
	[dreg:$0x6] =	wrdreg s16  }
0xf: {  	s26 =	simm.s32 $0x9330;
	s18 =	sadd.s32 s10, s17;
	[dreg:$0x7] =	wrdreg s8  }
0x10: {  	s21 =	sadd.s32 s10, s19;
	s22 =	sadd.s32 s1, s17;
	[dreg:$0x8] =	wrdreg s18  }
0x11: {  	s23 =	sadd.s32 s1, s19;
	s7 =	sadd.s32 s1, s7;
	[dreg:$0x9] =	wrdreg s21  }
0x12: {  	s1 =	sadd.s32 s20, s1;
	s19 =	simm.s32 $0x50;
	[dreg:$0xa] =	wrdreg s22  }
0x13: {  	s20 =	simm.s32 $0x3930;
	[dreg:$0xb] =	wrdreg s23;
	s24 =	sadd.s32 $0x12C0A, s7  }
0x14: {  	s1 =	sadd.s32 s0, s1;
	s0 =	sadd.s32 s0, s25;
	s16 =	simm.s32 $0x3  }
0x15: {  	s21 =	simm.s32 $0x4D30;
	s22 =	simm.s32 $0x6130;
	[dreg:$0xc] =	wrdreg s24  }
0x16: {  	s23 =	simm.s32 $0x7530;
	s25 =	simm.s32 $0x7F30;
	[dreg:$0x3] =	wrdreg s1  }
0x17: {  	s7 =	simm.s32 $0x10;
	s8 =	simm.s32 $0x2;
	[dreg:$0x4] =	wrdreg s0  }
0x18: {  	s24 =	simm.s32 $0x7A30;
	s1 =	simm.s32 $0x40;
	s0 =	simm.s32 $0x80  }
.LBB2_1:
0x19: {  	s3 =	simm.s32 $0x0;
	s10 =	rddreg [dreg:$0x5]  }
0x1a: {  	[tilespmem:s3], [sflag:$0x3] =	stream.linear.gather [hbm4b:s10+s3], $0x1310, $0x38;
	[tilespmem:$0xC530] =	vst v63  }
0x1b: {  	_ =	swait.ge [sflag:s16], $0x1310  }
0x1c: {  	[sflag:s16] =	ssyncset.done $0x0  }
0x1d: {  	s11 =	simm.s32 $0x1310;
	s17 =	rddreg [dreg:$0x6];
	[sflag:s16] =	ssyncadd.s32 $0xFFFFECF0  }
0x1e: {  	[tilespmem:s11], [sflag:$0x3] =	stream.linear.gather [hbm4b:s17+s3], $0x1310, $0x38;
	[tilespmem:$0xC530] =	vst v63  }
0x1f: {  	_ =	swait.ge [sflag:s16], $0x1310  }
0x20: {  	[sflag:s16] =	ssyncset.done $0x0  }
0x21: {  	s12 =	simm.s32 $0x2620;
	s18 =	rddreg [dreg:$0x7];
	[sflag:s16] =	ssyncadd.s32 $0xFFFFECF0  }
0x22: {  	[tilespmem:s12], [sflag:$0x3] =	stream.linear.gather [hbm4b:s18+s3], $0x1310, $0x38;
	[tilespmem:$0xC530] =	vst v63  }
0x23: {  	_ =	swait.ge [sflag:s16], $0x1310  }
0x24: {  	[sflag:s16] =	ssyncset.done $0x0  }
0x25: {  	[sflag:s16] =	ssyncadd.s32 $0xFFFFECF0  }
0x26: {  	[tilespmem:s20], [sflag:$0x1] =	stream.indirect.gather [hbm4b:s2+s19], $0x40, s3, s19, $0xb8;
	[tilespmem:$0xC530] =	vst v63  }
0x27: {  	_ = 	snop  }
0x28: {  	[tilespmem:s21], [sflag:$0x1] =	stream.indirect.gather [hbm4b:s4+s19], $0x40, s11, s19, $0xb8;
	[tilespmem:$0xC530] =	vst v63  }
0x29: {  	_ = 	snop  }
0x2a: {  	[tilespmem:s22], [sflag:$0x1] =	stream.indirect.gather [hbm4b:s5+s19], $0x40, s12, s19, $0xb8;
	[tilespmem:$0xC530] =	vst v63  }
0x2b: {  	_ = 	snop  }
0x2c: {  	[tilespmem:s23], [sflag:$0x1] =	stream.indirect.gather [hbm4b:s6+s19], $0x10, s3, s19, $0xb8;
	[tilespmem:$0xC530] =	vst v63  }
0x2d: {  	_ = 	snop  }
0x2e: {  	[tilespmem:s24], [sflag:$0x1] =	stream.indirect.gather [hbm4b:s6+s19], $0x10, s11, s19, $0xb8;
	[tilespmem:$0xC530] =	vst v63  }
0x2f: {  	s11 =	simm.s32 $0x50  }
0x30: {  	[tilespmem:s25], [sflag:$0x2] =	stream.indirect.gather [hbm4b:s2+s19], $0x40, s11, s19, $0xb8;
	[tilespmem:$0xC530] =	vst v63  }
0x31: {  	s13 =	simm.s32 $0x1360  }
0x32: {  	[tilespmem:s26], [sflag:$0x2] =	stream.indirect.gather [hbm4b:s4+s19], $0x40, s13, s19, $0xb8;
	[tilespmem:$0xC530] =	vst v63  }
0x33: {  	s14 =	simm.s32 $0x2670  }
0x34: {  	[tilespmem:s28], [sflag:$0x2] =	stream.indirect.gather [hbm4b:s5+s19], $0x40, s14, s19, $0xb8;
	[tilespmem:$0xC530] =	vst v63  }
0x35: {  	_ = 	snop  }
0x36: {  	[tilespmem:s29], [sflag:$0x2] =	stream.indirect.gather [hbm4b:s6+s19], $0x10, s11, s19, $0xb8;
	[tilespmem:$0xC530] =	vst v63  }
0x37: {  	_ = 	snop  }
0x38: {  	[tilespmem:s30], [sflag:$0x2] =	stream.indirect.gather [hbm4b:s6+s19], $0x10, s13, s19, $0xb8;
	[tilespmem:$0xC530] =	vst v63  }
0x39: {  	_ =	swait.ge [sflag:s31], $0x1400  }
0x3a: {  	[sflag:s31] =	ssyncset.done $0x0  }
0x3b: {  	[sflag:s31] =	ssyncadd.s32 $0xFFFFEC00  }
0x3c: {  	_ =	swait.ge [sflag:s31], $0x1400  }
0x3d: {  	[sflag:s31] =	ssyncset.done $0x0  }
0x3e: {  	[sflag:s31] =	ssyncadd.s32 $0xFFFFEC00  }
0x3f: {  	_ =	swait.ge [sflag:s31], $0x1400  }
0x40: {  	[sflag:s31] =	ssyncset.done $0x0  }
0x41: {  	[sflag:s31] =	ssyncadd.s32 $0xFFFFEC00  }
0x42: {  	_ =	swait.ge [sflag:s31], $0x500  }
0x43: {  	[sflag:s31] =	ssyncset.done $0x0  }
0x44: {  	[sflag:s31] =	ssyncadd.s32 $0xFFFFFB00  }
0x45: {  	_ =	swait.ge [sflag:s31], $0x500  }
0x46: {  	s15 =	rddreg [dreg:$0x4];
	[sflag:s31] =	ssyncset.done $0x0  }
0x47: {  	[sflag:s31] =	ssyncadd.s32 $0xFFFFFB00;
	s10 =	sadd.s32 $0x0, s15  }
0x48: {  	[hbm4b:s10+s1] =	stream.strided.scatter [tilespmem:s20], [sflag:$0x3], $0x1400, s0, s1, $0x38;
	[tilespmem:$0xC530] =	vst v63  }
0x49: {  	_ =	swait.ge [sflag:s16], $0x1400  }
0x4a: {  	[sflag:s16] =	ssyncset.done $0x0  }
0x4b: {  	s17 =	sadd.s32 $0x8, s10;
	[sflag:s16] =	ssyncadd.s32 $0xFFFFEC00  }
0x4c: {  	[hbm4b:s17+s1] =	stream.strided.scatter [tilespmem:s21], [sflag:$0x3], $0x1400, s0, s1, $0x38;
	[tilespmem:$0xC530] =	vst v63  }
0x4d: {  	_ =	swait.ge [sflag:s16], $0x1400  }
0x4e: {  	s18 =	rddreg [dreg:$0x3];
	[sflag:s16] =	ssyncset.done $0x0  }
0x4f: {  	[sflag:s16] =	ssyncadd.s32 $0xFFFFEC00;
	s11 =	sadd.s32 $0x0, s18  }
0x50: {  	[hbm4b:s11+s1] =	stream.strided.scatter [tilespmem:s22], [sflag:$0x3], $0x1400, s0, s1, $0x38;
	[tilespmem:$0xC530] =	vst v63  }
0x51: {  	_ =	swait.ge [sflag:s16], $0x1400  }
0x52: {  	[sflag:s16] =	ssyncset.done $0x0  }
0x53: {  	s3 =	sadd.s32 $0x8, s11;
	[sflag:s16] =	ssyncadd.s32 $0xFFFFEC00  }
0x54: {  	[hbm4b:s3+s7] =	stream.strided.scatter [tilespmem:s23], [sflag:$0x3], $0x500, s0, s7, $0x38;
	[tilespmem:$0xC530] =	vst v63  }
0x55: {  	_ =	swait.ge [sflag:s16], $0x500  }
0x56: {  	[sflag:s16] =	ssyncset.done $0x0  }
0x57: {  	s13 =	sadd.s32 $0xA, s11;
	[sflag:s16] =	ssyncadd.s32 $0xFFFFFB00  }
0x58: {  	[hbm4b:s13+s7] =	stream.strided.scatter [tilespmem:s24], [sflag:$0x3], $0x500, s0, s7, $0x38;
	[tilespmem:$0xC530] =	vst v63  }
0x59: {  	_ =	swait.ge [sflag:s16], $0x500  }
0x5a: {  	[sflag:s16] =	ssyncset.done $0x0  }
0x5b: {  	s13 =	simm.s32 $0xA0;
	[sflag:s16] =	ssyncadd.s32 $0xFFFFFB00  }
0x5c: {  	[tilespmem:s20], [sflag:$0x1] =	stream.indirect.gather [hbm4b:s2+s19], $0x40, s13, s19, $0xb8;
	[tilespmem:$0xC530] =	vst v63  }
0x5d: {  	s12 =	simm.s32 $0x13B0  }
0x5e: {  	[tilespmem:s21], [sflag:$0x1] =	stream.indirect.gather [hbm4b:s4+s19], $0x40, s12, s19, $0xb8;
	[tilespmem:$0xC530] =	vst v63  }
0x5f: {  	s14 =	simm.s32 $0x26C0  }
0x60: {  	[tilespmem:s22], [sflag:$0x1] =	stream.indirect.gather [hbm4b:s5+s19], $0x40, s14, s19, $0xb8;
	[tilespmem:$0xC530] =	vst v63  }
0x61: {  	_ = 	snop  }
0x62: {  	[tilespmem:s23], [sflag:$0x1] =	stream.indirect.gather [hbm4b:s6+s19], $0x10, s13, s19, $0xb8;
	[tilespmem:$0xC530] =	vst v63  }
0x63: {  	_ = 	snop  }
0x64: {  	[tilespmem:s24], [sflag:$0x1] =	stream.indirect.gather [hbm4b:s6+s19], $0x10, s12, s19, $0xb8;
	[tilespmem:$0xC530] =	vst v63  }
0x65: {  	_ =	swait.ge [sflag:s8], $0x1400  }
0x66: {  	[sflag:s8] =	ssyncset.done $0x0  }
0x67: {  	[sflag:s8] =	ssyncadd.s32 $0xFFFFEC00  }
0x68: {  	_ =	swait.ge [sflag:s8], $0x1400  }
0x69: {  	[sflag:s8] =	ssyncset.done $0x0  }
0x6a: {  	[sflag:s8] =	ssyncadd.s32 $0xFFFFEC00  }
0x6b: {  	_ =	swait.ge [sflag:s8], $0x1400  }
0x6c: {  	[sflag:s8] =	ssyncset.done $0x0  }
0x6d: {  	[sflag:s8] =	ssyncadd.s32 $0xFFFFEC00  }
0x6e: {  	_ =	swait.ge [sflag:s8], $0x500  }
0x6f: {  	[sflag:s8] =	ssyncset.done $0x0  }
0x70: {  	[sflag:s8] =	ssyncadd.s32 $0xFFFFFB00  }
0x71: {  	_ =	swait.ge [sflag:s8], $0x500  }
0x72: {  	[sflag:s8] =	ssyncset.done $0x0  }
0x73: {  	s14 =	sadd.s32 $0x500, s10;
	[sflag:s8] =	ssyncadd.s32 $0xFFFFFB00  }
0x74: {  	[hbm4b:s14+s1] =	stream.strided.scatter [tilespmem:s25], [sflag:$0x3], $0x1400, s0, s1, $0x38;
	[tilespmem:$0xC530] =	vst v63  }
0x75: {  	_ =	swait.ge [sflag:s16], $0x1400  }
0x76: {  	[sflag:s16] =	ssyncset.done $0x0  }
0x77: {  	s10 =	sadd.s32 $0x508, s10;
	[sflag:s16] =	ssyncadd.s32 $0xFFFFEC00  }
0x78: {  	[hbm4b:s10+s1] =	stream.strided.scatter [tilespmem:s26], [sflag:$0x3], $0x1400, s0, s1, $0x38;
	[tilespmem:$0xC530] =	vst v63  }
0x79: {  	_ =	swait.ge [sflag:s16], $0x1400  }
0x7a: {  	[sflag:s16] =	ssyncset.done $0x0  }
0x7b: {  	s15 =	sadd.s32 $0x500, s11;
	[sflag:s16] =	ssyncadd.s32 $0xFFFFEC00  }
0x7c: {  	[hbm4b:s15+s1] =	stream.strided.scatter [tilespmem:s28], [sflag:$0x3], $0x1400, s0, s1, $0x38;
	[tilespmem:$0xC530] =	vst v63  }
0x7d: {  	_ =	swait.ge [sflag:s16], $0x1400  }
0x7e: {  	[sflag:s16] =	ssyncset.done $0x0  }
0x7f: {  	s17 =	sadd.s32 $0x508, s11;
	[sflag:s16] =	ssyncadd.s32 $0xFFFFEC00  }
0x80: {  	[hbm4b:s17+s7] =	stream.strided.scatter [tilespmem:s29], [sflag:$0x3], $0x500, s0, s7, $0x38;
	[tilespmem:$0xC530] =	vst v63  }
0x81: {  	_ =	swait.ge [sflag:s16], $0x500  }
0x82: {  	[sflag:s16] =	ssyncset.done $0x0  }
0x83: {  	s18 =	sadd.s32 $0x50A, s11;
	[sflag:s16] =	ssyncadd.s32 $0xFFFFFB00  }
0x84: {  	[hbm4b:s18+s7] =	stream.strided.scatter [tilespmem:s30], [sflag:$0x3], $0x500, s0, s7, $0x38;
	[tilespmem:$0xC530] =	vst v63  }
0x85: {  	s11 =	simm.s32 $0x2760;
	s13 =	simm.s32 $0xA00;
	_ =	swait.ge [sflag:s16], $0x500  }
0x86: {  	s14 =	simm.s32 $0x1400;
	s10 =	simm.s32 $0x140;
	[sflag:s16] =	ssyncset.done $0x0  }
.LBB2_2:
0x87: {  	s15 =	sadd.s32 $0xFFFFFFB0, s10;
	[sflag:s16] =	ssyncadd.s32 $0xFFFFFB00;
	s12 =	sadd.s32 $0xA0, s12  }
0x88: {  	[tilespmem:s25], [sflag:$0x2] =	stream.indirect.gather [hbm4b:s2+s19], $0x40, s15, s19, $0xb8;
	[tilespmem:$0xC530] =	vst v63  }
0x89: {  	s18 =	sadd.s32 $0xFFFFFFB0, s12  }
0x8a: {  	[tilespmem:s26], [sflag:$0x2] =	stream.indirect.gather [hbm4b:s4+s19], $0x40, s18, s19, $0xb8;
	[tilespmem:$0xC530] =	vst v63  }
0x8b: {  	s3 =	sadd.s32 $0xFFFFFFB0, s11  }
0x8c: {  	[tilespmem:s28], [sflag:$0x2] =	stream.indirect.gather [hbm4b:s5+s19], $0x40, s3, s19, $0xb8;
	[tilespmem:$0xC530] =	vst v63  }
0x8d: {  	_ = 	snop  }
0x8e: {  	[tilespmem:s29], [sflag:$0x2] =	stream.indirect.gather [hbm4b:s6+s19], $0x10, s15, s19, $0xb8;
	[tilespmem:$0xC530] =	vst v63  }
0x8f: {  	_ = 	snop  }
0x90: {  	[tilespmem:s30], [sflag:$0x2] =	stream.indirect.gather [hbm4b:s6+s19], $0x10, s18, s19, $0xb8;
	[tilespmem:$0xC530] =	vst v63  }
0x91: {  	_ =	swait.ge [sflag:s31], $0x1400  }
0x92: {  	[sflag:s31] =	ssyncset.done $0x0  }
0x93: {  	[sflag:s31] =	ssyncadd.s32 $0xFFFFEC00  }
0x94: {  	_ =	swait.ge [sflag:s31], $0x1400  }
0x95: {  	[sflag:s31] =	ssyncset.done $0x0  }
0x96: {  	[sflag:s31] =	ssyncadd.s32 $0xFFFFEC00  }
0x97: {  	_ =	swait.ge [sflag:s31], $0x1400  }
0x98: {  	[sflag:s31] =	ssyncset.done $0x0  }
0x99: {  	[sflag:s31] =	ssyncadd.s32 $0xFFFFEC00  }
0x9a: {  	_ =	swait.ge [sflag:s31], $0x500  }
0x9b: {  	[sflag:s31] =	ssyncset.done $0x0  }
0x9c: {  	[sflag:s31] =	ssyncadd.s32 $0xFFFFFB00  }
0x9d: {  	_ =	swait.ge [sflag:s31], $0x500  }
0x9e: {  	s15 =	rddreg [dreg:$0x4];
	[sflag:s31] =	ssyncset.done $0x0  }
0x9f: {  	[sflag:s31] =	ssyncadd.s32 $0xFFFFFB00;
	s15 =	sadd.s32 s13, s15  }
0xa0: {  	[hbm4b:s15+s1] =	stream.strided.scatter [tilespmem:s20], [sflag:$0x3], $0x1400, s0, s1, $0x38;
	[tilespmem:$0xC530] =	vst v63  }
0xa1: {  	_ =	swait.ge [sflag:s16], $0x1400  }
0xa2: {  	[sflag:s16] =	ssyncset.done $0x0  }
0xa3: {  	s3 =	sadd.s32 $0x8, s15;
	[sflag:s16] =	ssyncadd.s32 $0xFFFFEC00  }
0xa4: {  	[hbm4b:s3+s1] =	stream.strided.scatter [tilespmem:s21], [sflag:$0x3], $0x1400, s0, s1, $0x38;
	[tilespmem:$0xC530] =	vst v63  }
0xa5: {  	_ =	swait.ge [sflag:s16], $0x1400  }
0xa6: {  	s18 =	rddreg [dreg:$0x3];
	[sflag:s16] =	ssyncset.done $0x0  }
0xa7: {  	[sflag:s16] =	ssyncadd.s32 $0xFFFFEC00;
	s18 =	sadd.s32 s13, s18  }
0xa8: {  	[hbm4b:s18+s1] =	stream.strided.scatter [tilespmem:s22], [sflag:$0x3], $0x1400, s0, s1, $0x38;
	[tilespmem:$0xC530] =	vst v63  }
0xa9: {  	_ =	swait.ge [sflag:s16], $0x1400  }
0xaa: {  	[sflag:s16] =	ssyncset.done $0x0  }
0xab: {  	s3 =	sadd.s32 $0x8, s18;
	[sflag:s16] =	ssyncadd.s32 $0xFFFFEC00  }
0xac: {  	[hbm4b:s3+s7] =	stream.strided.scatter [tilespmem:s23], [sflag:$0x3], $0x500, s0, s7, $0x38;
	[tilespmem:$0xC530] =	vst v63  }
0xad: {  	_ =	swait.ge [sflag:s16], $0x500  }
0xae: {  	s17 =	smov.u32 s14;
	[sflag:s16] =	ssyncset.done $0x0  }
0xaf: {  	s13 =	smov.u32 s17;
	s17 =	sadd.s32 $0xA, s18;
	[sflag:s16] =	ssyncadd.s32 $0xFFFFFB00  }
0xb0: {  	[hbm4b:s17+s7] =	stream.strided.scatter [tilespmem:s24], [sflag:$0x3], $0x500, s0, s7, $0x38;
	[tilespmem:$0xC530] =	vst v63  }
0xb1: {  	_ =	swait.ge [sflag:s16], $0x500  }
0xb2: {  	[sflag:s16] =	ssyncset.done $0x0  }
0xb3: {  	[sflag:s16] =	ssyncadd.s32 $0xFFFFFB00  }
0xb4: {  	[tilespmem:s20], [sflag:$0x1] =	stream.indirect.gather [hbm4b:s2+s19], $0x40, s10, s19, $0xb8;
	[tilespmem:$0xC530] =	vst v63  }
0xb5: {  	_ = 	snop  }
0xb6: {  	[tilespmem:s21], [sflag:$0x1] =	stream.indirect.gather [hbm4b:s4+s19], $0x40, s12, s19, $0xb8;
	[tilespmem:$0xC530] =	vst v63  }
0xb7: {  	_ = 	snop  }
0xb8: {  	[tilespmem:s22], [sflag:$0x1] =	stream.indirect.gather [hbm4b:s5+s19], $0x40, s11, s19, $0xb8;
	[tilespmem:$0xC530] =	vst v63  }
0xb9: {  	_ = 	snop  }
0xba: {  	[tilespmem:s23], [sflag:$0x1] =	stream.indirect.gather [hbm4b:s6+s19], $0x10, s10, s19, $0xb8;
	[tilespmem:$0xC530] =	vst v63  }
0xbb: {  	_ = 	snop  }
0xbc: {  	[tilespmem:s24], [sflag:$0x1] =	stream.indirect.gather [hbm4b:s6+s19], $0x10, s12, s19, $0xb8;
	[tilespmem:$0xC530] =	vst v63  }
0xbd: {  	_ =	swait.ge [sflag:s8], $0x1400  }
0xbe: {  	[sflag:s8] =	ssyncset.done $0x0  }
0xbf: {  	[sflag:s8] =	ssyncadd.s32 $0xFFFFEC00  }
0xc0: {  	_ =	swait.ge [sflag:s8], $0x1400  }
0xc1: {  	[sflag:s8] =	ssyncset.done $0x0  }
0xc2: {  	[sflag:s8] =	ssyncadd.s32 $0xFFFFEC00  }
0xc3: {  	_ =	swait.ge [sflag:s8], $0x1400  }
0xc4: {  	[sflag:s8] =	ssyncset.done $0x0  }
0xc5: {  	[sflag:s8] =	ssyncadd.s32 $0xFFFFEC00  }
0xc6: {  	_ =	swait.ge [sflag:s8], $0x500  }
0xc7: {  	[sflag:s8] =	ssyncset.done $0x0  }
0xc8: {  	[sflag:s8] =	ssyncadd.s32 $0xFFFFFB00  }
0xc9: {  	_ =	swait.ge [sflag:s8], $0x500  }
0xca: {  	[sflag:s8] =	ssyncset.done $0x0  }
0xcb: {  	s17 =	sadd.s32 $0x500, s15;
	[sflag:s8] =	ssyncadd.s32 $0xFFFFFB00  }
0xcc: {  	[hbm4b:s17+s1] =	stream.strided.scatter [tilespmem:s25], [sflag:$0x3], $0x1400, s0, s1, $0x38;
	[tilespmem:$0xC530] =	vst v63  }
0xcd: {  	_ =	swait.ge [sflag:s16], $0x1400  }
0xce: {  	[sflag:s16] =	ssyncset.done $0x0  }
0xcf: {  	s17 =	sadd.s32 $0x508, s15;
	[sflag:s16] =	ssyncadd.s32 $0xFFFFEC00  }
0xd0: {  	[hbm4b:s17+s1] =	stream.strided.scatter [tilespmem:s26], [sflag:$0x3], $0x1400, s0, s1, $0x38;
	[tilespmem:$0xC530] =	vst v63  }
0xd1: {  	_ =	swait.ge [sflag:s16], $0x1400  }
0xd2: {  	[sflag:s16] =	ssyncset.done $0x0  }
0xd3: {  	s15 =	sadd.s32 $0x500, s18;
	[sflag:s16] =	ssyncadd.s32 $0xFFFFEC00  }
0xd4: {  	[hbm4b:s15+s1] =	stream.strided.scatter [tilespmem:s28], [sflag:$0x3], $0x1400, s0, s1, $0x38;
	[tilespmem:$0xC530] =	vst v63  }
0xd5: {  	_ =	swait.ge [sflag:s16], $0x1400  }
0xd6: {  	[sflag:s16] =	ssyncset.done $0x0  }
0xd7: {  	s17 =	sadd.s32 $0x508, s18;
	[sflag:s16] =	ssyncadd.s32 $0xFFFFEC00  }
0xd8: {  	[hbm4b:s17+s7] =	stream.strided.scatter [tilespmem:s29], [sflag:$0x3], $0x500, s0, s7, $0x38;
	[tilespmem:$0xC530] =	vst v63  }
0xd9: {  	p0 =	sne.s32 s14, $0x12200;
	_ =	swait.ge [sflag:s16], $0x500  }
.Ltmp0:
0xda: {  	[sflag:s16] =	ssyncset.done $0x0;
	(pc) =	sbr.rel @p0 .LBB2_2-.Ltmp0, $4  }
0xdb: {  	s18 =	sadd.s32 $0x50A, s18;
	[sflag:s16] =	ssyncadd.s32 $0xFFFFFB00  }
0xdc: {  	[hbm4b:s18+s7] =	stream.strided.scatter [tilespmem:s30], [sflag:$0x3], $0x500, s0, s7, $0x38;
	[tilespmem:$0xC530] =	vst v63  }
0xdd: {  	s14 =	sadd.s32 $0xA00, s14;
	_ =	swait.ge [sflag:s16], $0x500  }
0xde: {  	s11 =	sadd.s32 $0xA0, s11;
	s10 =	sadd.s32 $0xA0, s10;
	[sflag:s16] =	ssyncset.done $0x0  }
0xdf: {  	s3 =	sadd.s32 $0xFFFFFFB0, s10;
	[sflag:s16] =	ssyncadd.s32 $0xFFFFFB00;
	s12 =	sadd.s32 $0xA0, s12  }
0xe0: {  	[tilespmem:s25], [sflag:$0x2] =	stream.indirect.gather [hbm4b:s2+s19], $0x40, s3, s19, $0xb8;
	[tilespmem:$0xC530] =	vst v63  }
0xe1: {  	s14 =	sadd.s32 $0xFFFFFFB0, s12  }
0xe2: {  	[tilespmem:s26], [sflag:$0x2] =	stream.indirect.gather [hbm4b:s4+s19], $0x40, s14, s19, $0xb8;
	[tilespmem:$0xC530] =	vst v63  }
0xe3: {  	s15 =	sadd.s32 $0xFFFFFFB0, s11  }
0xe4: {  	[tilespmem:s28], [sflag:$0x2] =	stream.indirect.gather [hbm4b:s5+s19], $0x40, s15, s19, $0xb8;
	[tilespmem:$0xC530] =	vst v63  }
0xe5: {  	_ = 	snop  }
0xe6: {  	[tilespmem:s29], [sflag:$0x2] =	stream.indirect.gather [hbm4b:s6+s19], $0x10, s3, s19, $0xb8;
	[tilespmem:$0xC530] =	vst v63  }
0xe7: {  	_ = 	snop  }
0xe8: {  	[tilespmem:s30], [sflag:$0x2] =	stream.indirect.gather [hbm4b:s6+s19], $0x10, s14, s19, $0xb8;
	[tilespmem:$0xC530] =	vst v63  }
0xe9: {  	_ =	swait.ge [sflag:s31], $0x1400  }
0xea: {  	[sflag:s31] =	ssyncset.done $0x0  }
0xeb: {  	[sflag:s31] =	ssyncadd.s32 $0xFFFFEC00  }
0xec: {  	_ =	swait.ge [sflag:s31], $0x1400  }
0xed: {  	[sflag:s31] =	ssyncset.done $0x0  }
0xee: {  	[sflag:s31] =	ssyncadd.s32 $0xFFFFEC00  }
0xef: {  	_ =	swait.ge [sflag:s31], $0x1400  }
0xf0: {  	[sflag:s31] =	ssyncset.done $0x0  }
0xf1: {  	[sflag:s31] =	ssyncadd.s32 $0xFFFFEC00  }
0xf2: {  	_ =	swait.ge [sflag:s31], $0x500  }
0xf3: {  	[sflag:s31] =	ssyncset.done $0x0  }
0xf4: {  	[sflag:s31] =	ssyncadd.s32 $0xFFFFFB00  }
0xf5: {  	_ =	swait.ge [sflag:s31], $0x500  }
0xf6: {  	s15 =	rddreg [dreg:$0x4];
	[sflag:s31] =	ssyncset.done $0x0  }
0xf7: {  	[sflag:s31] =	ssyncadd.s32 $0xFFFFFB00;
	s3 =	sadd.s32 s13, s15  }
0xf8: {  	[hbm4b:s3+s1] =	stream.strided.scatter [tilespmem:s20], [sflag:$0x3], $0x1400, s0, s1, $0x38;
	[tilespmem:$0xC530] =	vst v63  }
0xf9: {  	_ =	swait.ge [sflag:s16], $0x1400  }
0xfa: {  	[sflag:s16] =	ssyncset.done $0x0  }
0xfb: {  	s17 =	sadd.s32 $0x8, s3;
	[sflag:s16] =	ssyncadd.s32 $0xFFFFEC00  }
0xfc: {  	[hbm4b:s17+s1] =	stream.strided.scatter [tilespmem:s21], [sflag:$0x3], $0x1400, s0, s1, $0x38;
	[tilespmem:$0xC530] =	vst v63  }
0xfd: {  	_ =	swait.ge [sflag:s16], $0x1400  }
0xfe: {  	s18 =	rddreg [dreg:$0x3];
	[sflag:s16] =	ssyncset.done $0x0  }
0xff: {  	[sflag:s16] =	ssyncadd.s32 $0xFFFFEC00;
	s13 =	sadd.s32 s13, s18  }
0x100: {  	[hbm4b:s13+s1] =	stream.strided.scatter [tilespmem:s22], [sflag:$0x3], $0x1400, s0, s1, $0x38;
	[tilespmem:$0xC530] =	vst v63  }
0x101: {  	_ =	swait.ge [sflag:s16], $0x1400  }
0x102: {  	[sflag:s16] =	ssyncset.done $0x0  }
0x103: {  	s14 =	sadd.s32 $0x8, s13;
	[sflag:s16] =	ssyncadd.s32 $0xFFFFEC00  }
0x104: {  	[hbm4b:s14+s7] =	stream.strided.scatter [tilespmem:s23], [sflag:$0x3], $0x500, s0, s7, $0x38;
	[tilespmem:$0xC530] =	vst v63  }
0x105: {  	_ =	swait.ge [sflag:s16], $0x500  }
0x106: {  	[sflag:s16] =	ssyncset.done $0x0  }
0x107: {  	s15 =	sadd.s32 $0xA, s13;
	[sflag:s16] =	ssyncadd.s32 $0xFFFFFB00  }
0x108: {  	[hbm4b:s15+s7] =	stream.strided.scatter [tilespmem:s24], [sflag:$0x3], $0x500, s0, s7, $0x38;
	[tilespmem:$0xC530] =	vst v63  }
0x109: {  	_ =	swait.ge [sflag:s16], $0x500  }
0x10a: {  	[sflag:s16] =	ssyncset.done $0x0  }
0x10b: {  	[sflag:s16] =	ssyncadd.s32 $0xFFFFFB00  }
0x10c: {  	[tilespmem:s20], [sflag:$0x1] =	stream.indirect.gather [hbm4b:s2+s19], $0x40, s10, s19, $0xb8;
	[tilespmem:$0xC530] =	vst v63  }
0x10d: {  	_ = 	snop  }
0x10e: {  	[tilespmem:s21], [sflag:$0x1] =	stream.indirect.gather [hbm4b:s4+s19], $0x40, s12, s19, $0xb8;
	[tilespmem:$0xC530] =	vst v63  }
0x10f: {  	_ = 	snop  }
0x110: {  	[tilespmem:s22], [sflag:$0x1] =	stream.indirect.gather [hbm4b:s5+s19], $0x40, s11, s19, $0xb8;
	[tilespmem:$0xC530] =	vst v63  }
0x111: {  	_ = 	snop  }
0x112: {  	[tilespmem:s23], [sflag:$0x1] =	stream.indirect.gather [hbm4b:s6+s19], $0x10, s10, s19, $0xb8;
	[tilespmem:$0xC530] =	vst v63  }
0x113: {  	_ = 	snop  }
0x114: {  	[tilespmem:s24], [sflag:$0x1] =	stream.indirect.gather [hbm4b:s6+s19], $0x10, s12, s19, $0xb8;
	[tilespmem:$0xC530] =	vst v63  }
0x115: {  	_ =	swait.ge [sflag:s8], $0x1400  }
0x116: {  	[sflag:s8] =	ssyncset.done $0x0  }
0x117: {  	[sflag:s8] =	ssyncadd.s32 $0xFFFFEC00  }
0x118: {  	_ =	swait.ge [sflag:s8], $0x1400  }
0x119: {  	[sflag:s8] =	ssyncset.done $0x0  }
0x11a: {  	[sflag:s8] =	ssyncadd.s32 $0xFFFFEC00  }
0x11b: {  	_ =	swait.ge [sflag:s8], $0x1400  }
0x11c: {  	[sflag:s8] =	ssyncset.done $0x0  }
0x11d: {  	[sflag:s8] =	ssyncadd.s32 $0xFFFFEC00  }
0x11e: {  	_ =	swait.ge [sflag:s8], $0x500  }
0x11f: {  	[sflag:s8] =	ssyncset.done $0x0  }
0x120: {  	[sflag:s8] =	ssyncadd.s32 $0xFFFFFB00  }
0x121: {  	_ =	swait.ge [sflag:s8], $0x500  }
0x122: {  	[sflag:s8] =	ssyncset.done $0x0  }
0x123: {  	s17 =	sadd.s32 $0x500, s3;
	[sflag:s8] =	ssyncadd.s32 $0xFFFFFB00  }
0x124: {  	[hbm4b:s17+s1] =	stream.strided.scatter [tilespmem:s25], [sflag:$0x3], $0x1400, s0, s1, $0x38;
	[tilespmem:$0xC530] =	vst v63  }
0x125: {  	_ =	swait.ge [sflag:s16], $0x1400  }
0x126: {  	[sflag:s16] =	ssyncset.done $0x0  }
0x127: {  	s3 =	sadd.s32 $0x508, s3;
	[sflag:s16] =	ssyncadd.s32 $0xFFFFEC00  }
0x128: {  	[hbm4b:s3+s1] =	stream.strided.scatter [tilespmem:s26], [sflag:$0x3], $0x1400, s0, s1, $0x38;
	[tilespmem:$0xC530] =	vst v63  }
0x129: {  	_ =	swait.ge [sflag:s16], $0x1400  }
0x12a: {  	[sflag:s16] =	ssyncset.done $0x0  }
0x12b: {  	s18 =	sadd.s32 $0x500, s13;
	[sflag:s16] =	ssyncadd.s32 $0xFFFFEC00  }
0x12c: {  	[hbm4b:s18+s1] =	stream.strided.scatter [tilespmem:s28], [sflag:$0x3], $0x1400, s0, s1, $0x38;
	[tilespmem:$0xC530] =	vst v63  }
0x12d: {  	_ =	swait.ge [sflag:s16], $0x1400  }
0x12e: {  	[sflag:s16] =	ssyncset.done $0x0  }
0x12f: {  	s10 =	sadd.s32 $0x508, s13;
	[sflag:s16] =	ssyncadd.s32 $0xFFFFEC00  }
0x130: {  	[hbm4b:s10+s7] =	stream.strided.scatter [tilespmem:s29], [sflag:$0x3], $0x500, s0, s7, $0x38;
	[tilespmem:$0xC530] =	vst v63  }
0x131: {  	_ =	swait.ge [sflag:s16], $0x500  }
0x132: {  	[sflag:s16] =	ssyncset.done $0x0  }
0x133: {  	s11 =	sadd.s32 $0x50A, s13;
	[sflag:s16] =	ssyncadd.s32 $0xFFFFFB00  }
0x134: {  	[hbm4b:s11+s7] =	stream.strided.scatter [tilespmem:s30], [sflag:$0x3], $0x500, s0, s7, $0x38;
	[tilespmem:$0xC530] =	vst v63  }
0x135: {  	_ =	swait.ge [sflag:s16], $0x500  }
0x136: {  	[sflag:s16] =	ssyncset.done $0x0  }
0x137: {  	[sflag:s16] =	ssyncadd.s32 $0xFFFFFB00  }
0x138: {  	_ =	swait.ge [sflag:s31], $0x1400  }
0x139: {  	[sflag:s31] =	ssyncset.done $0x0  }
0x13a: {  	[sflag:s31] =	ssyncadd.s32 $0xFFFFEC00  }
0x13b: {  	_ =	swait.ge [sflag:s31], $0x1400  }
0x13c: {  	[sflag:s31] =	ssyncset.done $0x0  }
0x13d: {  	[sflag:s31] =	ssyncadd.s32 $0xFFFFEC00  }
0x13e: {  	_ =	swait.ge [sflag:s31], $0x1400  }
0x13f: {  	[sflag:s31] =	ssyncset.done $0x0  }
0x140: {  	[sflag:s31] =	ssyncadd.s32 $0xFFFFEC00  }
0x141: {  	_ =	swait.ge [sflag:s31], $0x500  }
0x142: {  	[sflag:s31] =	ssyncset.done $0x0  }
0x143: {  	[sflag:s31] =	ssyncadd.s32 $0xFFFFFB00  }
0x144: {  	_ =	swait.ge [sflag:s31], $0x500  }
0x145: {  	[sflag:s31] =	ssyncset.done $0x0  }
0x146: {  	s12 =	rddreg [dreg:$0x8];
	[sflag:s31] =	ssyncadd.s32 $0xFFFFFB00  }
0x147: {  	[hbm4b:s12+s1] =	stream.strided.scatter [tilespmem:s20], [sflag:$0x3], $0x1400, s0, s1, $0x38;
	[tilespmem:$0xC530] =	vst v63  }
0x148: {  	_ =	swait.ge [sflag:s16], $0x1400  }
0x149: {  	[sflag:s16] =	ssyncset.done $0x0  }
0x14a: {  	s13 =	rddreg [dreg:$0x9];
	[sflag:s16] =	ssyncadd.s32 $0xFFFFEC00  }
0x14b: {  	[hbm4b:s13+s1] =	stream.strided.scatter [tilespmem:s21], [sflag:$0x3], $0x1400, s0, s1, $0x38;
	[tilespmem:$0xC530] =	vst v63  }
0x14c: {  	_ =	swait.ge [sflag:s16], $0x1400  }
0x14d: {  	[sflag:s16] =	ssyncset.done $0x0  }
0x14e: {  	s14 =	rddreg [dreg:$0xa];
	[sflag:s16] =	ssyncadd.s32 $0xFFFFEC00  }
0x14f: {  	[hbm4b:s14+s1] =	stream.strided.scatter [tilespmem:s22], [sflag:$0x3], $0x1400, s0, s1, $0x38;
	[tilespmem:$0xC530] =	vst v63  }
0x150: {  	_ =	swait.ge [sflag:s16], $0x1400  }
0x151: {  	[sflag:s16] =	ssyncset.done $0x0  }
0x152: {  	s15 =	rddreg [dreg:$0xb];
	[sflag:s16] =	ssyncadd.s32 $0xFFFFEC00  }
0x153: {  	[hbm4b:s15+s7] =	stream.strided.scatter [tilespmem:s23], [sflag:$0x3], $0x500, s0, s7, $0x38;
	[tilespmem:$0xC530] =	vst v63  }
0x154: {  	_ =	swait.ge [sflag:s16], $0x500  }
0x155: {  	[sflag:s16] =	ssyncset.done $0x0  }
0x156: {  	s17 =	rddreg [dreg:$0xc];
	[sflag:s16] =	ssyncadd.s32 $0xFFFFFB00  }
0x157: {  	[hbm4b:s17+s7] =	stream.strided.scatter [tilespmem:s24], [sflag:$0x3], $0x500, s0, s7, $0x38;
	[tilespmem:$0xC530] =	vst v63  }
0x158: {  	_ =	swait.ge [sflag:s16], $0x500  }
0x159: {  	s9 =	sadd.s32 $0x1, s9;
	s18 =	rddreg [dreg:$0xd]  }
0x15a: {  	p0 =	sne.s32 s9, s18  }
.Ltmp1:
0x15b: {  	_ = 	snop;
	(pc) =	sbr.rel @p0 .LBB2_1-.Ltmp1, $3  }
0x15c: {  	_ =	sdelay $0x1  }
0x15d: {  	[sflag:s16] =	ssyncset.done $0x0  }
0x15e: {  	[sflag:s16] =	ssyncadd.s32 $0xFFFFFB00  }
0x15f: {  	_ =	sfence.sel $0x180000  }
0x160: {  	[bflag:$0x0] =	sbarrier.arrive $0xFFFF  }
0x161: {  	_ =	strace $0x9000004A  }
0x162: {  	s0 =	stileid.u32;
	[bflag:$0x2] =	sbarrier.arrive $0xFFFF  }
0x163: {  	p0 =	sne.s32 s0, $0x0;
	s0 =	rddreg [dreg:$0x2]  }
0x164: {  	s0 =	sadd.s32 @!p0 $0x100000, s0  }
0x165: {  	[sflag:s0] =	ssyncadd.tile.s32 @!p0 $0x1;
	_ =	shalt  }
.Lfunc_end2:
_tile_overlayer_lowered:
.L_overlay_start_2:
0x166: {  	(tag) =	ssettag $0x2  }
0x167: {  	s0 =	rddreg [dreg:$0x0];
	s2 =	stileid.u32  }
0x168: {  	s1 =	rddreg [dreg:$0x1];
	p0 =	sne.s32 s2, $0x0  }
0x169: {  	s3 =	rddreg [dreg:$0x2];
	[bflag:$0x3] =	sbarrier.arrive $0xFFFF;
	s2 =	simm.s32 @!p0 $0x1C03  }
0x16a: {  	[timem:s3], [sflag:s2] =	dma.local @!p0 [hbm:s0], s1  }
0x16b: {  	s0 =	simm.s32 @!p0 $0x3  }
0x16c: {  	_ =	swait.ge @!p0 [sflag:s0], s1  }
0x16d: {  	s1 =	ssub.s32 @!p0 $0x0, s1;
	[sflag:s0] =	ssyncset.done @!p0 $0x0  }
0x16e: {  	[sflag:s0] =	ssyncadd.s32 @!p0 s1  }
0x16f: {  	[bflag:$0x3] =	sbarrier.arrive $0xFFFF  }
0x170: {  	_ =	shalt  }

// kernel: kernel.23.cloned.1.call-start
scs
__scs_entry_jumppad:
0x0: {  	(pc) =	sbr.rel $0x88, $3  }
0x1: {  	(tag) =	ssettag $0x0;
	lr =	simm.s32 $0x1  }
0x2: {  	[smem:$0x3F94] =	sst lr;
	_ =	strace $0xD0000000  }
0x3: {  	_ = 	snop  }
0x4: {  	_ = 	snop  }
0x5: {  	_ = 	snop  }
0x6: {  	_ = 	snop  }
0x7: {  	_ = 	snop  }
__scs_overlays_trampoline_lowered:
0x8: {  	[smem:$0x3FA3] =	sst s0  }
0x9: {  	[smem:$0x3FA4] =	sst s1  }
0xa: {  	[smem:$0x3FA5] =	sst s2  }
0xb: {  	[smem:$0x3FA6] =	sst s3  }
0xc: {  	[smem:$0x3FA7] =	sst s4  }
0xd: {  	[smem:$0x3FA8] =	sst s5  }
0xe: {  	[smem:$0x3FA9] =	sst s6  }
0xf: {  	[smem:$0x3FAA] =	sst s7  }
0x10: {  	[smem:$0x3FAB] =	sst s8  }
0x11: {  	[smem:$0x3FAC] =	sst s9;
	s0 =	simm.s32 @!p0 $0x0  }
0x12: {  	s1 =	sld [smem:$0x3F92];
	s0 =	simm.s32 @p0 $0x1  }
0x13: {  	[smem:$0x3FAD] =	sst s0;
	s0 =	simm.s32 @!p1 $0x0  }
0x14: {  	s2 =	sld [smem:$0x3F91];
	s0 =	simm.s32 @p1 $0x1  }
0x15: {  	[smem:$0x3FAE] =	sst s0;
	s0 =	simm.s32 @!p2 $0x0  }
0x16: {  	s3 =	sld [smem:$0x3FDB];
	s0 =	simm.s32 @p2 $0x1  }
0x17: {  	s4 =	simm.s32 $0x1BF5;
	[smem:$0x3FB0] =	sst s0  }
0x18: {  	s0 =	sld [smem:$0x3F93];
	_ =	swait.ge [sflag:s4], $0x0  }
0x19: {  	s7 =	sld [smem:$0x3F94]  }
0x1a: {  	s8 =	sadd.s32 $0xFFFFE003, lr  }
0x1b: {  	s9 =	sadd.s32 $0xFFFFFEF7, lr;
	s5 =	simm.s32 $0xFFFFFFFF;
	p2 =	slt.u32 s8, $0xFFFFF086  }
0x1c: {  	p1 =	slt.u32 s9, $0xF7A;
	s5 =	simm.s32 @!p2 $0x0  }
0x1d: {  	s5 =	simm.s32 @p1 $0x1;
	p0 =	seq.s32 s7, s2  }
0x1e: {  	s7 =	smul.u32 @!p0 $0xF7A, s2;
	p2 =	seq.s32 @!p0 s5, $0x0  }
0x1f: {  	s9 =	smul.u32 $0xF7A, s1;
	s8 =	simm.s32 @!p0 $0x1BF5;
	p2 =	por !p2, p0  }
0x20: {  	[sflag:s8] =	ssyncset.s32 @!p0 $0xFFFFF086;
	s6 =	sadd.s32 @!p0 s3, s7;
	s7 =	simm.s32 @!p0 $0x108  }
0x21: {  	s3 =	sadd.s32 s3, s9;
	s6 =	sadd.s32 @!p0 $0x88, s6;
	s7 =	simm.s32 @p2 $0x1082  }
0x22: {  	[simem:s7], [sflag:s8] =	dma.local @!p0 [hbm:s6], $0xF7A  }
0x23: {  	s9 =	sor.u32 $0xD0000000, s2;
	s6 =	simm.s32 $0x108;
	_ =	swait.ge @!p0 [sflag:s8], $0x0  }
0x24: {  	s3 =	sadd.s32 $0x88, s3;
	s6 =	simm.s32 @!p1 $0x1082;
	[sflag:s4] =	ssyncset.s32 $0xFFFFF086  }
0x25: {  	[simem:s6], [sflag:s4] =	dma.local [hbm:s3], $0xF7A  }
0x26: {  	[smem:$0x3F94] =	sst s1;
	(tag) =	ssettag s2;
	_ =	strace s9  }
0x27: {  	s1 =	sld [smem:$0x3FA4]  }
0x28: {  	s2 =	sld [smem:$0x3FA5]  }
0x29: {  	s4 =	sld [smem:$0x3FA7]  }
0x2a: {  	p0 =	seq.s32 s5, $0x0;
	s5 =	sld [smem:$0x3FA8]  }
0x2b: {  	s6 =	sld [smem:$0x3FA9]  }
0x2c: {  	s7 =	sld [smem:$0x3FAA]  }
0x2d: {  	s3 =	simm.s32 $0x108;
	s8 =	sld [smem:$0x3FAB]  }
0x2e: {  	s3 =	simm.s32 @!p0 $0x1082;
	s9 =	sld [smem:$0x3FAC]  }
0x2f: {  	lr =	sadd.s32 s0, s3;
	s0 =	sld [smem:$0x3FA3]  }
0x30: {  	s3 =	sld [smem:$0x3FA6]  }
0x31: {  	[smem:$0x3FAF] =	sst s10  }
0x32: {  	s10 =	sld [smem:$0x3FAD];
	_ =	sdelay $0x3  }
0x33: {  	p0 =	seq.s32 s10, $0x1;
	s10 =	sld [smem:$0x3FAF];
	_ =	sdelay $0x3  }
0x34: {  	[smem:$0x3FAF] =	sst s10  }
0x35: {  	s10 =	sld [smem:$0x3FAE];
	_ =	sdelay $0x3  }
0x36: {  	p1 =	seq.s32 s10, $0x1;
	s10 =	sld [smem:$0x3FAF];
	_ =	sdelay $0x3  }
0x37: {  	[smem:$0x3FAF] =	sst s10  }
0x38: {  	s10 =	sld [smem:$0x3FB0]  }
0x39: {  	_ = 	snop;
	(pc) =	sbr.ind lr, $3  }
0x3a: {  	_ = 	snop  }
0x3b: {  	_ = 	snop  }
0x3c: {  	p2 =	seq.s32 s10, $0x1;
	s10 =	sld [smem:$0x3FAF]  }
0x3d: {  	_ =	shalt  }
0x3e: {  	_ =	shalt  }
0x3f: {  	_ =	shalt  }
0x40: {  	_ =	shalt  }
0x41: {  	_ =	shalt  }
0x42: {  	_ =	shalt  }
0x43: {  	_ =	shalt  }
0x44: {  	_ =	shalt  }
0x45: {  	_ =	shalt  }
0x46: {  	_ =	shalt  }
0x47: {  	_ =	shalt  }
0x48: {  	_ =	shalt  }
0x49: {  	_ =	shalt  }
0x4a: {  	_ =	shalt  }
0x4b: {  	_ =	shalt  }
0x4c: {  	_ =	shalt  }
0x4d: {  	_ =	shalt  }
0x4e: {  	_ =	shalt  }
0x4f: {  	_ =	shalt  }
0x50: {  	_ =	shalt  }
0x51: {  	_ =	shalt  }
0x52: {  	_ =	shalt  }
0x53: {  	_ =	shalt  }
0x54: {  	_ =	shalt  }
0x55: {  	_ =	shalt  }
0x56: {  	_ =	shalt  }
0x57: {  	_ =	shalt  }
0x58: {  	_ =	shalt  }
0x59: {  	_ =	shalt  }
0x5a: {  	_ =	shalt  }
0x5b: {  	_ =	shalt  }
0x5c: {  	_ =	shalt  }
0x5d: {  	_ =	shalt  }
0x5e: {  	_ =	shalt  }
0x5f: {  	_ =	shalt  }
0x60: {  	_ =	shalt  }
0x61: {  	_ =	shalt  }
0x62: {  	_ =	shalt  }
0x63: {  	_ =	shalt  }
0x64: {  	_ =	shalt  }
0x65: {  	_ =	shalt  }
0x66: {  	_ =	shalt  }
0x67: {  	_ =	shalt  }
0x68: {  	_ =	shalt  }
0x69: {  	_ =	shalt  }
0x6a: {  	_ =	shalt  }
0x6b: {  	_ =	shalt  }
0x6c: {  	_ =	shalt  }
0x6d: {  	_ =	shalt  }
0x6e: {  	_ =	shalt  }
0x6f: {  	_ =	shalt  }
0x70: {  	_ =	shalt  }
0x71: {  	_ =	shalt  }
0x72: {  	_ =	shalt  }
0x73: {  	_ =	shalt  }
0x74: {  	_ =	shalt  }
0x75: {  	_ =	shalt  }
0x76: {  	_ =	shalt  }
0x77: {  	_ =	shalt  }
0x78: {  	_ =	shalt  }
0x79: {  	_ =	shalt  }
0x7a: {  	_ =	shalt  }
0x7b: {  	_ =	shalt  }
0x7c: {  	_ =	shalt  }
0x7d: {  	_ =	shalt  }
0x7e: {  	_ =	shalt  }
0x7f: {  	_ =	shalt  }
0x80: {  	_ =	shalt  }
0x81: {  	_ =	shalt  }
0x82: {  	_ =	shalt  }
0x83: {  	_ =	shalt  }
0x84: {  	_ =	shalt  }
0x85: {  	_ =	shalt  }
0x86: {  	_ =	shalt  }
0x87: {  	_ =	shalt  }
.Lfunc_end0:
.L_simem_size_0:
called_computation.4_lowered:
.L_overlay_start_0:
0x88: {  	s2 =	sld [smem:$0x3FD9]  }
0x89: {  	s3 =	sld [smem:$0x3FFE];
	_ =	sdelay $0x1  }
0x8a: {  	s1 =	srdreg.scid  }
0x8b: {  	s0 =	sand.u32 $0x1, s1  }
0x8c: {  	s17 =	sshll.u32 s0, $0xA;
	s2 =	sadd.s32 s3, s2  }
0x8d: {  	s2 =	sadd.s32 s2, s17  }
0x8e: {  	[smem:$0x3FBB] =	sst s2  }
0x8f: {  	_ = 	snop  }
0x90: {  	(tm) =	ssettm $0x1  }
0x91: {  	s18 =	sld [smem:$0x3FFB];
	_ =	sdelay $0x3  }
0x92: {  	_ =	strace s18  }
0x93: {  	s2 =	sld [smem:$0x3FFC];
	_ =	sdelay $0x3  }
0x94: {  	_ =	strace s2  }
0x95: {  	s2 =	sld [smem:$0x3FFD];
	_ =	sdelay $0x3  }
0x96: {  	_ =	strace s2  }
0x97: {  	_ =	strace $0x8FFFFFFF  }
0x98: {  	s19 =	sld [smem:$0x3FDB];
	_ =	sdelay $0x1  }
0x99: {  	s20 =	simm.s32 $_scs_section_size  }
0x9a: {  	s4 =	simm.s32 $_size__tile_overlayer_lowered;
	s5 =	simm.s32 $_tile_overlayer_lowered  }
0x9b: {  	s6 =	simm.s32 $0x1BFF;
	s21 =	sshll.u32 s5, $0x1;
	s3 =	sadd.s32 s20, s19  }
0x9c: {  	s22 =	simm.s32 $0x0;
	s4 =	sshll.u32 s4, $0x1;
	s5 =	sadd.s32 s21, s3  }
0x9d: {  	[timem:s22], [sflag:s6] =	dma.local [hbm:s5], s4  }
0x9e: {  	_ =	swait.ge [sflag:s6], s4  }
0x9f: {  	s4 =	ssub.s32 $0x0, s4;
	[sflag:s6] =	ssyncset.done $0x0  }
0xa0: {  	[sflag:s6] =	ssyncadd.s32 s4;
	_ =	sdelay $0x1  }
0xa1: {  	s23 =	simm.s32 $0x1B8B  }
0xa2: {  	_ =	swait.ge [sflag:s23], $0x1  }
0xa3: {  	[sflag:s23] =	ssyncset.done $0x0  }
0xa4: {  	[sflag:s23] =	ssyncadd.s32 $0xFFFFFFFF  }
0xa5: {  	s4 =	sld [smem:$0x0]  }
0xa6: {  	s5 =	sand.u32 $0xFFFFFFFE, s1  }
0xa7: {  	p0 =	sne.s32 s1, s5  }
0xa8: {  	s5 =	sshll.u32 @p0 s5, $0xE  }
0xa9: {  	s5 =	sadd.s32 @p0 $0x11B8D, s5;
	s6 =	sshll.u32 @p0 s4, $0x11  }
0xaa: {  	s5 =	sor.u32 @p0 s6, s5  }
0xab: {  	[sflag:s5] =	ssyncadd.remote.s32 @p0 $0x1;
	_ =	sdelay $0x1  }
0xac: {  	s5 =	simm.s32 @p0 $0x1B8D  }
0xad: {  	_ =	swait.eq @p0 [sflag:s5], $0x1  }
0xae: {  	[sflag:s5] =	ssyncadd.s32 @p0 $0xFFFFFFFF  }
0xaf: {  	s6 =	sshll.u32 @!p0 s1, $0xE  }
0xb0: {  	s6 =	sor.u32 @!p0 $0x4000, s6;
	s5 =	simm.s32 @!p0 $0x1B8D  }
0xb1: {  	s4 =	sshll.u32 @!p0 s4, $0x11;
	s6 =	sadd.s32 @!p0 $0x11B8D, s6;
	_ =	swait.eq @!p0 [sflag:s5], $0x1  }
0xb2: {  	s4 =	sor.u32 @!p0 s4, s6;
	[sflag:s5] =	ssyncadd.s32 @!p0 $0xFFFFFFFF  }
0xb3: {  	s25 =	simm.s32 $0x1B8E;
	s24 =	sld [smem:$0x3FFE];
	[sflag:s4] =	ssyncadd.remote.s32 @!p0 $0x1  }
0xb4: {  	s26 =	simm.s32 $execute0_lowered;
	[smem:$0x3FD2] =	sst s25  }
0xb5: {  	s5 =	sshll.u32 s26, $0x1;
	_ =	strace $0x80000052;
	[dreg:$0x1] =	wrdreg $0xFFFFFFFF  }
0xb6: {  	s28 =	simm.s32 $_size_execute0_lowered;
	s3 =	sadd.s32 s3, s5;
	[dreg:$0x0] =	wrdreg $0x0  }
0xb7: {  	s5 =	sshll.u32 s28, $0x1;
	[dreg:$0x2] =	wrdreg s3  }
0xb8: {  	[dreg:$0x3] =	wrdreg s5  }
0xb9: {  	[dreg:$0x4] =	wrdreg $0xC0  }
0xba: {  	_ =	task [dreg:s22], $0x5FFFF  }
0xbb: {  	[dreg:$0x1] =	wrdreg $0xFFFFFFFF  }
0xbc: {  	[dreg:$0x0] =	wrdreg $0x60  }
0xbd: {  	[dreg:$0x2] =	wrdreg s24  }
0xbe: {  	[dreg:$0x3] =	wrdreg $0x28800  }
0xbf: {  	[dreg:$0x4] =	wrdreg $0xA  }
0xc0: {  	_ =	task.clear_ibuf [dreg:s22], $0x5FFFF;
	_ =	strace $0x90000052  }
0xc1: {  	s29 =	simm.s32 $0xA;
	_ =	strace $0x80000054  }
0xc2: {  	_ =	swait.ge [sflag:s29], $0x1  }
0xc3: {  	[sflag:s29] =	ssyncadd.s32 $0xFFFFFFFF  }
0xc4: {  	_ =	strace $0x90000054  }
0xc5: {  	_ =	sfence  }
0xc6: {  	s30 =	sld [smem:$0x0];
	_ =	sdelay $0x2  }
0xc7: {  	s31 =	sshll.u32 s1, $0xD;
	s1 =	sshrl.u32 s1, $0x2  }
0xc8: {  	s4 =	sand.u32 $0x4000, s31;
	s1 =	sadd.s32 s1, s30  }
0xc9: {  	s0 =	sor.u32 s4, s0;
	s1 =	sshll.u32 s1, $0x11  }
0xca: {  	s0 =	sor.u32 s1, s0  }
0xcb: {  	s0 =	sadd.s32 $0x8F2B, s0  }
0xcc: {  	[sflag:s0] =	ssyncadd.remote.s32 $0x1  }
0xcd: {  	_ =	sfence.sel $0xFFFF  }
0xce: {  	[dreg:$0x0] =	wrdreg $0xFFFFFFFF;
	(pc) =	sbr.abs _section_cstart, $3  }
0xcf: {  	[dreg:$0x1] =	wrdreg $0xFFFFFFFF  }
0xd0: {  	_ =	task.clear_ibuf [dreg:s22], $0x2FFFF;
	_ =	strace $0x9FFFFFFF  }
0xd1: {  	(tm) =	ssettm $0x7FFFFFFF  }
tec
execute0_lowered:
.L_overlay_start_1:
0x0: {  	(tag) =	ssettag $0x1  }
0x1: {  	s3 =	rddreg [dreg:$0x0]  }
0x2: {  	s1 =	rddreg [dreg:$0x1]  }
0x3: {  	s0 =	rddreg [dreg:$0x2];
	s7 =	stileid.u32  }
0x4: {  	s5 =	srdreg.scid;
	s2 =	simm.s32 $0x0;
	s4 =	smul.u32 $0x26200, s7  }
0x5: {  	s12 =	simm.s32 $0x0;
	s5 =	sand.u32 $0x1, s5;
	s6 =	smul.u32 $0x2620, s7  }
0x6: {  	[smem:$0x7FF] =	sst s2;
	p0 =	sne.s32 s7, $0x0;
	s8 =	smul.u32 $0x1310, s5  }
0x7: {  	_ =	strace $0x80000053;
	s26 =	smul.u32 $0x27100, s5;
	s28 =	ssub.s32 $0x2, s5  }
0x8: {  	s5 =	smul.u32 $0x13100, s5;
	s9 =	sadd.s32 s4, s3;
	s10 =	sshrl.u32 s28, $0x1  }
0x9: {  	s25 =	sadd.s32 s8, s6;
	s29 =	sadd.s32 s26, s3;
	s30 =	ssub.s32 s28, s10  }
0xa: {  	s31 =	sadd.s32 s5, s9;
	s8 =	sshrl.u32 @!p0 s1, $0x3;
	s9 =	simm.s32 $0x1  }
0xb: {  	s10 =	simm.s32 $0x80;
	s4 =	sshrl.u32 s25, $0x3;
	s5 =	smax.u32 s30, $0x1  }
0xc: {  	s6 =	sadd.s32 $0xCC200, s31;
	s11 =	sadd.s32 s4, s3;
	s3 =	sadd.s32 $0x74000, s29  }
0xd: {  	s4 =	sadd.s32 $0x1BE00, s29;
	s7 =	sadd.s32 $0x539A00, s11;
	s11 =	simm.s32 $0x50  }
.LBB2_1:
0xe: {  	s13 =	simm.s32 @!p0 $0x1C01  }
0xf: {  	[spmem:s8], [sflag:s13] =	dma.local @!p0 [hbm:s3], $0x27100  }
0x10: {  	s13 =	simm.s32 @!p0 $0x1  }
0x11: {  	_ =	swait.ge @!p0 [sflag:s13], $0x27100  }
0x12: {  	[sflag:s13] =	ssyncset.done @!p0 $0x0  }
0x13: {  	[sflag:s13] =	ssyncadd.s32 @!p0 $0xFFFD8F00  }
0x14: {  	s31 =	sadd.s32 $0x0, s7;
	[bflag:$0x0] =	sbarrier.arrive $0xFFFF  }
0x15: {  	[tilespmem:s2], [sflag:$0x1] =	stream.linear.gather [hbm4b:s31+s2], $0x50, $0x38;
	[tilespmem:$0x16100] =	vst v63  }
0x16: {  	_ =	swait.ge [sflag:s9], $0x50  }
0x17: {  	[sflag:s9] =	ssyncset.done $0x0  }
0x18: {  	[sflag:s9] =	ssyncadd.s32 $0xFFFFFFB0  }
0x19: {  	[tilespmem:s10], [sflag:$0x1] =	stream.linear.gather [hbm4b:s6+s2], $0x2800, $0x38;
	[tilespmem:$0x16100] =	vst v63  }
0x1a: {  	_ =	swait.ge [sflag:s9], $0x2800  }
0x1b: {  	[sflag:s9] =	ssyncset.done $0x0  }
0x1c: {  	[sflag:s9] =	ssyncadd.s32 $0xFFFFD800  }
0x1d: {  	[spmem:s1] =	stream.indirect.scatter.add.f32 [tilespmem:s10], [sflag:$0x1], $0x80, s2, s11, $0xb8;
	[tilespmem:$0x16100] =	vst v63  }
0x1e: {  	s14 =	simm.s32 $0xA;
	_ =	swait.ge [sflag:s9], $0x2800  }
0x1f: {  	s15 =	simm.s32 $0x14;
	s13 =	sadd.s32 $0x500, s6;
	[sflag:s9] =	ssyncset.done $0x0  }
.LBB2_2:
0x20: {  	s16 =	sadd.s32 s14, s7  }
0x21: {  	[sflag:s9] =	ssyncadd.s32 $0xFFFFD800;
	s14 =	smov.u32 s15;
	s17 =	sadd.s32 $0xA, s15  }
0x22: {  	[tilespmem:s2], [sflag:$0x1] =	stream.linear.gather [hbm4b:s16+s2], $0x50, $0x38;
	[tilespmem:$0x16100] =	vst v63  }
0x23: {  	p1 =	sne.s32 s15, $0x258;
	_ =	swait.ge [sflag:s9], $0x50  }
0x24: {  	[sflag:s9] =	ssyncset.done $0x0  }
0x25: {  	[sflag:s9] =	ssyncadd.s32 $0xFFFFFFB0  }
0x26: {  	[tilespmem:s10], [sflag:$0x1] =	stream.linear.gather [hbm4b:s13+s2], $0x2800, $0x38;
	[tilespmem:$0x16100] =	vst v63  }
0x27: {  	_ =	swait.ge [sflag:s9], $0x2800  }
.Ltmp0:
0x28: {  	[sflag:s9] =	ssyncset.done $0x0;
	(pc) =	sbr.rel @p1 .LBB2_2-.Ltmp0, $4  }
0x29: {  	[sflag:s9] =	ssyncadd.s32 $0xFFFFD800  }
0x2a: {  	[spmem:s1] =	stream.indirect.scatter.add.f32 [tilespmem:s10], [sflag:$0x1], $0x80, s2, s11, $0xb8;
	[tilespmem:$0x16100] =	vst v63  }
0x2b: {  	_ =	swait.ge [sflag:s9], $0x2800  }
0x2c: {  	s15 =	smov.u32 s17;
	s13 =	sadd.s32 $0x500, s13;
	[sflag:s9] =	ssyncset.done $0x0  }
0x2d: {  	s14 =	sadd.s32 s14, s7;
	[sflag:s9] =	ssyncadd.s32 $0xFFFFD800  }
0x2e: {  	[tilespmem:s2], [sflag:$0x1] =	stream.linear.gather [hbm4b:s14+s2], $0x50, $0x38;
	[tilespmem:$0x16100] =	vst v63  }
0x2f: {  	_ =	swait.ge [sflag:s9], $0x50  }
0x30: {  	[sflag:s9] =	ssyncset.done $0x0  }
0x31: {  	[sflag:s9] =	ssyncadd.s32 $0xFFFFFFB0  }
0x32: {  	[tilespmem:s10], [sflag:$0x1] =	stream.linear.gather [hbm4b:s13+s2], $0x2800, $0x38;
	[tilespmem:$0x16100] =	vst v63  }
0x33: {  	_ =	swait.ge [sflag:s9], $0x2800  }
0x34: {  	[sflag:s9] =	ssyncset.done $0x0  }
0x35: {  	[sflag:s9] =	ssyncadd.s32 $0xFFFFD800  }
0x36: {  	[spmem:s1] =	stream.indirect.scatter.add.f32 [tilespmem:s10], [sflag:$0x1], $0x80, s2, s11, $0xb8;
	[tilespmem:$0x16100] =	vst v63  }
0x37: {  	_ =	swait.ge [sflag:s9], $0x2800  }
0x38: {  	[sflag:s9] =	ssyncset.done $0x0  }
0x39: {  	s12 =	sadd.s32 $0x1, s12;
	[sflag:s9] =	ssyncadd.s32 $0xFFFFD800  }
0x3a: {  	p1 =	sne.s32 s12, s5;
	s13 =	simm.s32 @!p0 $0x1C01;
	[bflag:$0x0] =	sbarrier.arrive $0xFFFF  }
0x3b: {  	[hbm:s4], [sflag:s13] =	dma.local @!p0 [spmem:s8], $0x27100  }
.Ltmp1:
0x3c: {  	_ = 	snop;
	(pc) =	sbr.rel @p1 .LBB2_1-.Ltmp1, $4  }
0x3d: {  	s13 =	simm.s32 @!p0 $0x1  }
0x3e: {  	_ =	swait.ge @!p0 [sflag:s13], $0x27100  }
0x3f: {  	[sflag:s13] =	ssyncset.done @!p0 $0x0  }
0x40: {  	[sflag:s13] =	ssyncadd.s32 @!p0 $0xFFFD8F00  }
0x41: {  	_ =	sfence.sel $0x180000  }
0x42: {  	[bflag:$0x0] =	sbarrier.arrive $0xFFFF  }
0x43: {  	_ =	strace $0x90000053  }
0x44: {  	s0 =	sadd.s32 @!p0 $0x100000, s0;
	[bflag:$0x2] =	sbarrier.arrive $0xFFFF  }
0x45: {  	[sflag:s0] =	ssyncadd.tile.s32 @!p0 $0x1;
	_ =	shalt  }
.Lfunc_end2:
_tile_overlayer_lowered:
.L_overlay_start_2:
0x46: {  	(tag) =	ssettag $0x2  }
0x47: {  	s0 =	rddreg [dreg:$0x0];
	s2 =	stileid.u32  }
0x48: {  	s1 =	rddreg [dreg:$0x1];
	p0 =	sne.s32 s2, $0x0  }
0x49: {  	s3 =	rddreg [dreg:$0x2];
	[bflag:$0x3] =	sbarrier.arrive $0xFFFF;
	s2 =	simm.s32 @!p0 $0x1C01  }
0x4a: {  	[timem:s3], [sflag:s2] =	dma.local @!p0 [hbm:s0], s1  }
0x4b: {  	s0 =	simm.s32 @!p0 $0x1  }
0x4c: {  	_ =	swait.ge @!p0 [sflag:s0], s1  }
0x4d: {  	s1 =	ssub.s32 @!p0 $0x0, s1;
	[sflag:s0] =	ssyncset.done @!p0 $0x0  }
0x4e: {  	[sflag:s0] =	ssyncadd.s32 @!p0 s1  }
0x4f: {  	[bflag:$0x3] =	sbarrier.arrive $0xFFFF  }
0x50: {  	_ =	shalt  }

</sc_bundles>
